<compile_context>
chip_gen: v7x
topology: tpu7x:2x2x1
jax: 0.10.2.dev20260603
libtpu: 0.0.44.dev20260713+nightly
codegen_flags: <defaults>
</compile_context>

<pallas_src>
import functools

import jax
import jax.numpy as jnp
from jax import lax
from jax.experimental import pallas as pl
from jax.experimental.pallas import tpu as pltpu
from jax.experimental.pallas import tpu_sc as plsc

NGEOM = 200
BSIZE = 64
NVALS = 2000000
BGEOM = 40
NSWEEP = 4


def _dgT00(a, b):
    return lax.dot_general(a, b, (((0,), (0,)), ((), ())),
                           preferred_element_type=jnp.float32)


def _dg11(a, b):
    return lax.dot_general(a, b, (((1,), (1,)), ((), ())),
                           preferred_element_type=jnp.float32)


def _coeffs(app, aqq, apq):
    zero = apq == 0.0
    apq_s = jnp.where(zero, 1.0, apq)
    tau = (aqq - app) / (2.0 * apq_s)
    t = jnp.sign(tau) / (jnp.abs(tau) + jnp.sqrt(tau * tau + 1.0))
    t = jnp.where(tau == 0.0, 1.0, t)
    t = jnp.where(zero, 0.0, t)
    c = lax.rsqrt(t * t + 1.0)
    s = t * c
    c = jnp.where(zero, 1.0, c)
    s = jnp.where(zero, 0.0, s)
    return c, s, t


def _perm_rows(A):
    return jnp.concatenate([A[:, 0:1], A[:, 32:33], A[:, 1:31],
                            A[:, 33:64], A[:, 31:32]], axis=1)


def _perm_cols(A):
    return jnp.concatenate([A[:, :, 0:1], A[:, :, 32:33], A[:, :, 1:31],
                            A[:, :, 33:64], A[:, :, 31:32]], axis=2)


def _masks():
    ks = lax.broadcasted_iota(jnp.int32, (1, BSIZE, BSIZE), 1)
    js = lax.broadcasted_iota(jnp.int32, (1, BSIZE, BSIZE), 2)
    eye = ks == js
    off = js == ks + 32
    return eye, off


def _rot_perm_rows(A, c_s, s_s):
    T, Bt = A[:, 0:32, :], A[:, 32:64, :]
    up = c_s * T - s_s * Bt
    dn = s_s * T + c_s * Bt
    return jnp.concatenate([up[:, 0:1], dn[:, 0:1], up[:, 1:31],
                            dn[:, 1:32], up[:, 31:32]], axis=1)


def _rot_perm_cols(A, c_l, s_l):
    L, R = A[:, :, 0:32], A[:, :, 32:64]
    lf = c_l * L - s_l * R
    rt = s_l * L + c_l * R
    return jnp.concatenate([lf[:, :, 0:1], rt[:, :, 0:1], lf[:, :, 1:31],
                            rt[:, :, 1:32], lf[:, :, 31:32]], axis=2)


def _perm_lanes(d):
    return jnp.concatenate([d[:, :, 0:1], d[:, :, 32:33], d[:, :, 1:31],
                            d[:, :, 33:64], d[:, :, 31:32]], axis=2)


def _jacobi_step(offf, _, carry):
    A, U, d = carry
    ov_l = jnp.sum(offf * A, axis=1, keepdims=True)
    apq = ov_l[:, :, 32:64]
    app, aqq = d[:, :, 0:32], d[:, :, 32:64]
    c_l, s_l, t_l = _coeffs(app, aqq, apq)
    d_new = jnp.concatenate([app - t_l * apq, aqq + t_l * apq], axis=2)
    d = _perm_lanes(d_new)
    eye32 = (lax.broadcasted_iota(jnp.int32, (32, 32), 0) ==
             lax.broadcasted_iota(jnp.int32, (32, 32), 1)
             ).astype(jnp.float32)
    cs_list = []
    for b in range(BGEOM):
        CS = jnp.concatenate([c_l[b], s_l[b]], axis=0)
        CST = lax.dot_general(eye32, CS, (((1,), (1,)), ((), ())),
                              preferred_element_type=jnp.float32)
        cs_list.append(CST[None])
    CSs = jnp.concatenate(cs_list, axis=0)
    c_s, s_s = CSs[:, :, 0:1], CSs[:, :, 1:2]
    A = _rot_perm_rows(A, c_s, s_s)
    A = _rot_perm_cols(A, c_l, s_l)
    U = _rot_perm_rows(U, c_s, s_s)
    return A, U, d


def _dense_body(S_ref, G_ref, rho_ref, qn_ref, phiS_ref, occ_ref, H_ref,
                out_ref):
    S = S_ref[...]
    G = G_ref[...]
    rho_in = rho_ref[...]
    qn = qn_ref[...]
    phiS = phiS_ref[...]
    occ = occ_ref[...]
    H = H_ref[...]

    qbasis = rho_in * S
    GOP = jnp.sum(qbasis, axis=2, keepdims=True)
    dQ = qn - GOP

    ep_list, epl_list, fockp_list = [], [], []
    for b in range(BGEOM):
        ep_b = jnp.dot(G[b], dQ[b], preferred_element_type=jnp.float32)
        epl_b = lax.dot_general(dQ[b], G[b], (((0,), (1,)), ((), ())),
                                preferred_element_type=jnp.float32)
        ep_list.append(ep_b[None])
        epl_list.append(epl_b[None])
    ep = jnp.concatenate(ep_list, axis=0)
    ep_l = jnp.concatenate(epl_list, axis=0)

    couMat = -0.5 * S * (ep + ep_l)
    F = H + couMat
    for b in range(BGEOM):
        M1 = jnp.dot(F[b], phiS[b], preferred_element_type=jnp.float32)
        f1 = _dgT00(phiS[b], M1)
        f2 = _dgT00(M1, phiS[b])
        fockp_list.append((0.5 * (f1 + f2))[None])
    A = jnp.concatenate(fockp_list, axis=0)

    eye, off = _masks()
    eyef = jnp.where(eye, jnp.float32(1.0), jnp.float32(0.0))
    offf = jnp.where(off, jnp.float32(1.0), jnp.float32(0.0))
    U = jnp.broadcast_to(eyef, A.shape)
    d0 = jnp.sum(eyef * A, axis=1, keepdims=True)
    A, U, _ = lax.fori_loop(0, 63 * NSWEEP,
                            functools.partial(_jacobi_step, offf),
                            (A, U, d0))

    zf = jnp.zeros_like(A)
    Aeye = jnp.where(eye, A, zf)
    d_l = jnp.sum(Aeye, axis=1, keepdims=True)
    d_s = jnp.sum(Aeye, axis=2, keepdims=True)
    il = lax.broadcasted_iota(jnp.int32, A.shape, 2)
    isub = lax.broadcasted_iota(jnp.int32, A.shape, 1)
    less = jnp.where(d_l < d_s, jnp.float32(1.0), jnp.float32(0.0))
    tie = jnp.where((d_l == d_s) & (il < isub), jnp.float32(1.0),
                    jnp.float32(0.0))
    rank = jnp.sum(less + tie, axis=2, keepdims=True)
    P = jnp.where(rank == il.astype(jnp.float32), jnp.float32(1.0),
                  jnp.float32(0.0))

    orbf_list = []
    for b in range(BGEOM):
        phiV_b = _dg11(phiS[b], U[b])
        orb_b = jnp.dot(phiV_b, P[b], preferred_element_type=jnp.float32)
        orbf_list.append(orb_b[None])
    orb = jnp.concatenate(orbf_list, axis=0)
    orb_f = occ * orb
    rho_list = []
    for b in range(BGEOM):
        rho_list.append((2.0 * _dg11(orb_f[b], orb_f[b]))[None])
    rho = jnp.concatenate(rho_list, axis=0)

    e1 = jnp.sum(rho * H, axis=2, keepdims=True)
    e1 = jnp.sum(e1, axis=1, keepdims=True)
    e2 = 0.5 * jnp.sum(dQ * ep, axis=1, keepdims=True)
    out_ref[...] = jnp.broadcast_to(e1 + e2, (BGEOM, 1, 128))


def _mat_spec():
    return pl.BlockSpec((BGEOM, BSIZE, BSIZE), lambda g: (g, 0, 0))


def _dense_block(S, G, rho_in, qneutral, phiS, occ_mask, H):
    return pl.pallas_call(
        _dense_body,
        grid=(NGEOM // BGEOM,),
        in_specs=[_mat_spec(), _mat_spec(), _mat_spec(),
                  pl.BlockSpec((BGEOM, BSIZE, 1), lambda g: (g, 0, 0)),
                  _mat_spec(), _mat_spec(), _mat_spec()],
        out_specs=pl.BlockSpec((BGEOM, 1, 128), lambda g: (g, 0, 0)),
        out_shape=jax.ShapeDtypeStruct((NGEOM, 1, 128), jnp.float32),
    )(S, G, rho_in, qneutral, phiS, occ_mask, H)



def _sc_mesh():
    return plsc.VectorSubcoreMesh(core_axis_name="c", subcore_axis_name="s")


def _sc_wid():
    return lax.axis_index("s") * 2 + lax.axis_index("c")


def _sc_net_vals(net_base, x, idx_x):
    npad = 32 * 3200 - 100000
    xp = jnp.concatenate([x, jnp.broadcast_to(x[0:1], (npad,))]
                         ).reshape(32, 25, 128)
    ip = jnp.concatenate([idx_x, jnp.broadcast_to(idx_x[0:1], (npad,))]
                         ).reshape(32, 25, 128)

    @functools.partial(
        pl.kernel, mesh=_sc_mesh(),
        out_type=jax.ShapeDtypeStruct((NVALS,), jnp.float32),
        scratch_types=[pltpu.VMEM((80016,), jnp.float32),
                       pltpu.VMEM((25, 128), jnp.float32),
                       pltpu.VMEM((25, 128), jnp.int32)],
    )
    def k(base_hbm, x_hbm, idx_hbm, out_hbm, buf, xbuf, ibuf):
        wid = _sc_wid()

        @pl.when(wid < 25)
        def _():
            lo = wid * 80000
            pltpu.sync_copy(
                base_hbm.at[pl.ds(pl.multiple_of(lo, 8), 80000)],
                buf.at[pl.ds(0, 80000)])

            def piece(p, c0):
                pltpu.sync_copy(x_hbm.at[p], xbuf)
                pltpu.sync_copy(idx_hbm.at[p], ibuf)

                def inner(it, c1):
                    rr = it // 8
                    ii = it - rr * 8
                    iv = ibuf[rr, pl.ds(ii * 16, 16)]
                    xv = xbuf[rr, pl.ds(ii * 16, 16)]
                    loc = iv - lo
                    ok = (loc >= 0) & (loc < 80000)
                    loc2 = jnp.where(ok, loc, 80000)
                    plsc.store_scatter(buf, [loc2], xv)
                    return c1
                return lax.fori_loop(0, 200, inner, c0)
            lax.fori_loop(0, 32, piece, 0)
            pltpu.sync_copy(buf.at[pl.ds(0, 80000)],
                            out_hbm.at[pl.ds(pl.multiple_of(lo, 8),
                                             80000)])

    return k(net_base, xp, ip)


def _sc_rot(net_flat, gather_rot, rot_tensor):
    rt_flat = rot_tensor.reshape(1800000)

    @functools.partial(
        pl.kernel, mesh=_sc_mesh(),
        out_type=jax.ShapeDtypeStruct((604000,), jnp.float32),
        scratch_types=[pltpu.VMEM((24000,), jnp.int32),
                       pltpu.VMEM((36000,), jnp.float32),
                       pltpu.VMEM((3, 32, 128), jnp.int32),
                       pltpu.VMEM((3, 32, 128), jnp.float32),
                       pltpu.VMEM((12000,), jnp.float32),
                       pltpu.VMEM((16,), jnp.float32),
                       pltpu.SemaphoreType.DMA],
    )
    def k(nv_hbm, gr_hbm, rt_hbm, out_hbm, grbuf, rtbuf, idxb, valb, outb,
          sbuf, sem):
        wid = _sc_wid()
        iota = lax.iota(jnp.int32, 16)

        @pl.when(wid == 0)
        def _():
            sbuf[pl.ds(0, 16)] = jnp.where(iota == 1, 1.0, 0.0
                                           ).astype(jnp.float32)
            pltpu.sync_copy(sbuf, out_hbm.at[pl.ds(0, 16)])

        @pl.when(wid < 25)
        def _():
            pltpu.sync_copy(
                gr_hbm.at[pl.ds(pl.multiple_of(wid * 24000, 8), 24000)],
                grbuf)
            for hh in range(2):
                pltpu.sync_copy(
                    rt_hbm.at[pl.ds(
                        pl.multiple_of(wid * 72000 + hh * 36000, 8),
                        36000)],
                    rtbuf)

                def build(it, c):
                    r = it // 8
                    i = it - r * 8
                    mc = jnp.minimum(r * 128 + i * 16 + iota, 3999)
                    for kk in range(3):
                        g = plsc.load_gather(
                            grbuf, [hh * 12000 + 3 * mc + kk])
                        idxb[kk, r, pl.ds(i * 16, 16)] = g
                    return c
                lax.fori_loop(0, 256, build, 0)

                def fire(bb, c):
                    dmas = []
                    for kk in range(3):
                        for rr in range(4):
                            r = bb * 4 + rr
                            dmas.append(pltpu.async_copy(
                                nv_hbm.at[idxb.at[kk, r]],
                                valb.at[kk, r], sem))
                    for d in dmas:
                        d.wait()
                    return c
                lax.fori_loop(0, 8, fire, 0)

                def comp(it, c):
                    r = it // 8
                    i = it - r * 8
                    mc = jnp.minimum(r * 128 + i * 16 + iota, 3999)
                    pos = it * 16
                    vs = [valb[kk, r, pl.ds(i * 16, 16)]
                          for kk in range(3)]
                    for j in range(3):
                        acc = jnp.zeros((16,), jnp.float32)
                        for kk in range(3):
                            rt = plsc.load_gather(
                                rtbuf, [9 * mc + (3 * j + kk)])
                            acc = acc + rt * vs[kk]
                        outb[pl.ds(j * 4000 + pos, 16)] = acc
                    return c
                lax.fori_loop(0, 250, comp, 0)

                for j in range(3):
                    row = 1 + j * 50 + wid * 2 + hh
                    pltpu.sync_copy(
                        outb.at[pl.ds(j * 4000, 4000)],
                        out_hbm.at[pl.ds(pl.multiple_of(row * 4000, 8),
                                         4000)])

    return k(net_flat, gather_rot, rt_flat)


def _sc_hgather(rot_out, gather_oper):
    g2 = gather_oper.reshape(32, 200, 128)

    @functools.partial(
        pl.kernel, mesh=_sc_mesh(),
        out_type=jax.ShapeDtypeStruct((32, 200, 128), jnp.float32),
        scratch_types=[pltpu.VMEM((200, 128), jnp.int32),
                       pltpu.VMEM((200, 128), jnp.float32),
                       pltpu.SemaphoreType.DMA],
    )
    def k(rc_hbm, g_hbm, out_hbm, g2buf, hbuf, sem):
        wid = _sc_wid()
        pltpu.sync_copy(g_hbm.at[wid], g2buf)

        def fire(bb, c):
            dmas = []
            for rr in range(8):
                r = bb * 8 + rr
                dmas.append(pltpu.async_copy(
                    rc_hbm.at[g2buf.at[r]], hbuf.at[r], sem))
            for d in dmas:
                d.wait()
            return c
        lax.fori_loop(0, 25, fire, 0)
        pltpu.sync_copy(hbuf, out_hbm.at[wid])

    return k(rot_out, g2).reshape(NGEOM, BSIZE, BSIZE)


def _sc_erep(net_flat, gather_rep, seg_rep):
    grep_pad = jnp.pad(gather_rep, (0, 12000)).reshape(25, 160, 128)

    @functools.partial(
        pl.kernel, mesh=_sc_mesh(),
        out_type=jax.ShapeDtypeStruct((25, 2, 128), jnp.float32),
        scratch_types=[pltpu.VMEM((160, 128), jnp.int32),
                       pltpu.VMEM((160, 128), jnp.float32),
                       pltpu.VMEM((20000,), jnp.int32),
                       pltpu.VMEM((2, 128), jnp.float32),
                       pltpu.SemaphoreType.DMA],
    )
    def k(nv_hbm, gi_hbm, seg_hbm, out_hbm, idxb, valb, segbuf, acc, sem):
        wid = _sc_wid()

        @pl.when(wid < 25)
        def _():
            pltpu.sync_copy(gi_hbm.at[wid], idxb)
            pltpu.sync_copy(
                seg_hbm.at[pl.ds(pl.multiple_of(wid * 20000, 8), 20000)],
                segbuf)
            for rr in range(2):
                for t in range(8):
                    acc[rr, pl.ds(t * 16, 16)] = jnp.zeros((16,),
                                                           jnp.float32)

            def fire(bb, c):
                dmas = []
                for rr in range(8):
                    r = bb * 8 + rr
                    dmas.append(pltpu.async_copy(
                        nv_hbm.at[idxb.at[r]], valb.at[r], sem))
                for d in dmas:
                    d.wait()
                return c
            lax.fori_loop(0, 20, fire, 0)

            iota = lax.iota(jnp.int32, 16)

            def vreg(it, c):
                r = it // 8
                i = it - r * 8
                sv = segbuf[pl.ds(it * 16, 16)]
                vv = valb[r, pl.ds(i * 16, 16)]
                s0 = sv[0]
                s15 = sv[15]

                def seg_add(s, c2):
                    tot = jnp.sum(vv * (sv == s).astype(jnp.float32))
                    base = (s // 16) * 16
                    ar = base // 128
                    ao = base - ar * 128
                    av = acc[ar, pl.ds(ao, 16)]
                    acc[ar, pl.ds(ao, 16)] = av + jnp.where(
                        iota == s - base, tot, jnp.float32(0.0))
                    return c2
                lax.fori_loop(s0, s15 + 1, seg_add, 0)
                return c
            lax.fori_loop(0, 1250, vreg, 0)
            pltpu.sync_copy(acc, out_hbm.at[wid])

    return k(net_flat, grep_pad, seg_rep)


def kernel(x, net_base, rot_tensor, S, G, rho_in, qneutral, phiS, occ_mask,
           idx_x, gather_rot, gather_oper, gather_rep, seg_rep):
    net_vals = net_base.at[idx_x].set(x)
    vals = net_vals[gather_rot].reshape((-1, 3))[:, :, None]
    rot_out_temp = jnp.matmul(rot_tensor, vals)[:, :, 0]
    rot_out = jnp.concatenate(
        [jnp.array([0.0, 1.0], dtype=jnp.float32), rot_out_temp.ravel()])
    H = _sc_hgather(rot_out, gather_oper)
    e12 = _dense_block(S, G, rho_in, qneutral, phiS, occ_mask, H)
    Erep = jax.ops.segment_sum(net_vals[gather_rep], seg_rep,
                               num_segments=NGEOM)
    return e12[:, 0, 0] + Erep

# --- scband reference (transcript-rebuilt; emitter-appended) ---
"""Pipeline reference for scband-dftb-layer-4922032521597 (READ-ONLY COPY).

The authoritative reference and input builder live on the scoring server;
editing this copy changes nothing except your own understanding.
"""

import jax, jax.numpy as jnp
import numpy as np

NGEOM = 200
BSIZE = 64
NVALS = 2000000

def setup_inputs(seed: int = 0) -> dict:
    key = jax.random.key(seed)
    ks = jax.random.split(key, 14)
    return {
        "x": jax.random.normal(ks[0], (100000,), dtype=jnp.float32),
        "net_base": jax.random.normal(ks[1], (NVALS,), dtype=jnp.float32),
        "rot_tensor": jax.random.normal(ks[2], (200000, 3, 3), dtype=jnp.float32),
        "S": jax.random.normal(ks[3], (NGEOM, BSIZE, BSIZE), dtype=jnp.float32),
        "G": jax.random.normal(ks[4], (NGEOM, BSIZE, BSIZE), dtype=jnp.float32),
        "rho_in": jax.random.normal(ks[5], (NGEOM, BSIZE, BSIZE), dtype=jnp.float32),
        "qneutral": jax.random.normal(ks[6], (NGEOM, BSIZE, 1), dtype=jnp.float32),
        "phiS": jax.random.normal(ks[7], (NGEOM, BSIZE, BSIZE), dtype=jnp.float32) * 0.1,
        "occ_mask": jax.random.uniform(ks[8], (NGEOM, BSIZE, BSIZE), dtype=jnp.float32),
        "idx_x": jax.random.randint(ks[9], (100000,), 0, NVALS),
        "gather_rot": jax.random.randint(ks[10], (600000,), 0, NVALS),
        "gather_oper": jax.random.randint(ks[11], (NGEOM, BSIZE, BSIZE), 0, 600002),
        "gather_rep": jax.random.randint(ks[12], (500000,), 0, NVALS),
        "seg_rep": jnp.sort(jax.random.randint(ks[13], (500000,), 0, NGEOM)),
    }

def reference(x, net_base, rot_tensor, S, G, rho_in, qneutral, phiS, occ_mask,
              idx_x, gather_rot, gather_oper, gather_rep, seg_rep):
    # form_initial_layer: constants buffer with trainable values scattered in
    net_vals = net_base.at[idx_x].set(x)
    # rotation block: gather -> (-1, 3, 1), batched 3x3 matmul, flatten
    vals = net_vals[gather_rot].reshape((-1, 3))[:, :, None]
    rot_out_temp = jnp.matmul(rot_tensor, vals)[:, :, 0]
    rot_out = jnp.concatenate([jnp.array([0.0, 1.0], dtype=jnp.float32), rot_out_temp.ravel()])
    # operator gather into per-geometry basis matrices (H operator)
    H = rot_out[gather_oper]
    # charge fluctuation / Coulomb build
    qbasis = rho_in * S
    GOP = jnp.sum(qbasis, axis=2, keepdims=True)
    dQ = qneutral - GOP
    ep = jnp.matmul(G, dQ)
    couMat = -0.5 * S * (ep + jnp.transpose(ep, (0, 2, 1)))
    F = H + couMat
    # orthogonalized Fock and eigensolve (phiS given, as in feed['phiS'] path)
    fockp = jnp.matmul(jnp.transpose(phiS, (0, 2, 1)), jnp.matmul(F, phiS))
    fockp = 0.5 * (fockp + jnp.transpose(fockp, (0, 2, 1)))
    Eorb, temp2 = jnp.linalg.eigh(fockp)
    orb = jnp.matmul(phiS, temp2)
    orb_filled = occ_mask * orb
    rho = 2.0 * jnp.matmul(orb_filled, jnp.transpose(orb_filled, (0, 2, 1)))
    ener1 = jnp.sum(rho.reshape(rho.shape[0], -1) * H.reshape(H.shape[0], -1), axis=1)
    ener2 = 0.5 * jnp.matmul(jnp.transpose(dQ, (0, 2, 1)), jnp.matmul(G, dQ))
    ener2 = ener2.reshape(ener2.shape[0])
    # repulsive energy: gather + segment-sum per geometry
    Erep = jax.ops.segment_sum(net_vals[gather_rep], seg_rep, num_segments=NGEOM)
    Etot = ener1 + ener2 + Erep
    return Etot

if __name__ == "__main__":
    import jax
    _d = setup_inputs()
    print(jax.jit(kernel)(*tuple(_d.values())))

</pallas_src>

<mosaic_0001>
#map = affine_map<(d0, d1) -> (0)>
#map1 = affine_map<(d0, d1) -> (0, 0, 0)>
module attributes {stable_mosaic.version = 14 : i64} {
  func.func @k(%arg0: i32, %arg1: i32, %arg2: memref<600002xf32, #tpu.memory_space<hbm>>, %arg3: memref<32x200x128xi32, #tpu.memory_space<hbm>>, %arg4: memref<32x200x128xf32, #tpu.memory_space<hbm>>, %arg5: memref<200x128xi32, #tpu.memory_space<vmem>>, %arg6: memref<200x128xf32, #tpu.memory_space<vmem>>, %arg7: memref<!tpu.dma_semaphore, #tpu.memory_space<semaphore_mem>>) attributes {dimension_semantics = [#tpu.dimension_semantics<core_parallel>, #tpu.dimension_semantics<subcore_parallel>], iteration_bounds = array<i64: 2, 16>, scalar_prefetch = 0 : i64, scratch_operands = 3 : i64, tpu.core_type = #tpu.core_type<sc_vector_subcore>, window_params = [{transform_indices = #map}, {transform_indices = #map1}, {transform_indices = #map1}]} {
    %mul3A = arith.constant 2 : i32
    %mul3A_0 = arith.muli %arg1, %mul3A : i32
    %add3A = arith.addi %mul3A_0, %arg0 : i32
    "tpu.region"() ({
      %run_scoped3A = tpu.sem_alloc : memref<!tpu.dma_semaphore, #tpu.memory_space<semaphore_mem>>
      %dma_start3A = arith.constant 0 : i32
      %dma_start3A_6 = arith.constant 0 : i32
      %dma_start3A_7 = tpu.memref_slice %arg3[%add3A, %dma_start3A, %dma_start3A_6] : memref<32x200x128xi32, #tpu.memory_space<hbm>> -> memref<1x200x128xi32, #tpu.memory_space<hbm>>
      %dma_start3A_8 = tpu.memref_squeeze %dma_start3A_7 : memref<1x200x128xi32, #tpu.memory_space<hbm>> -> memref<200x128xi32, #tpu.memory_space<hbm>>
      %dma_start3A_9 = arith.constant 0 : i32
      %dma_start3A_10 = arith.constant 0 : i32
      %dma_start3A_11 = tpu.memref_slice %arg3[%add3A, %dma_start3A_9, %dma_start3A_10] : memref<32x200x128xi32, #tpu.memory_space<hbm>> -> memref<1x200x128xi32, #tpu.memory_space<hbm>>
      %dma_start3A_12 = tpu.memref_squeeze %dma_start3A_11 : memref<1x200x128xi32, #tpu.memory_space<hbm>> -> memref<200x128xi32, #tpu.memory_space<hbm>>
      tpu.enqueue_dma source(%dma_start3A_12 : memref<200x128xi32, #tpu.memory_space<hbm>>) target(%arg5 : memref<200x128xi32, #tpu.memory_space<vmem>>) target_semaphore(%run_scoped3A : memref<!tpu.dma_semaphore, #tpu.memory_space<semaphore_mem>>)
      %dma_wait3A = arith.constant 0 : i32
      %dma_wait3A_13 = arith.constant 0 : i32
      %dma_wait3A_14 = tpu.memref_slice %arg3[%add3A, %dma_wait3A, %dma_wait3A_13] : memref<32x200x128xi32, #tpu.memory_space<hbm>> -> memref<1x200x128xi32, #tpu.memory_space<hbm>>
      %dma_wait3A_15 = tpu.memref_squeeze %dma_wait3A_14 : memref<1x200x128xi32, #tpu.memory_space<hbm>> -> memref<200x128xi32, #tpu.memory_space<hbm>>
      %dma_wait3A_16 = arith.constant 0 : i32
      %dma_wait3A_17 = arith.constant 0 : i32
      %dma_wait3A_18 = tpu.memref_slice %arg3[%add3A, %dma_wait3A_16, %dma_wait3A_17] : memref<32x200x128xi32, #tpu.memory_space<hbm>> -> memref<1x200x128xi32, #tpu.memory_space<hbm>>
      %dma_wait3A_19 = tpu.memref_squeeze %dma_wait3A_18 : memref<1x200x128xi32, #tpu.memory_space<hbm>> -> memref<200x128xi32, #tpu.memory_space<hbm>>
      tpu.wait_dma2 semaphore(%run_scoped3A : memref<!tpu.dma_semaphore, #tpu.memory_space<semaphore_mem>>) src(%dma_wait3A_19 : memref<200x128xi32, #tpu.memory_space<hbm>>) dst(%arg5 : memref<200x128xi32, #tpu.memory_space<vmem>>)
      tpu.yield
    }) : () -> ()
    %scan3A = arith.constant 0 : i32
    %scan3A_1 = arith.constant 0 : i32
    %scan3A_2 = arith.constant 25 : i32
    %scan3A_3 = arith.addi %scan3A_1, %scan3A_2 : i32
    %scan3A_4 = arith.constant 1 : i32
    scf.for %scan3A_6 = %scan3A_1 to %scan3A_3 step %scan3A_4  : i32 {
      %mul3A_7 = arith.constant 8 : i32
      %mul3A_8 = arith.muli %scan3A_6, %mul3A_7 : i32
      %add3A_9 = arith.constant 0 : i32
      %add3A_10 = arith.addi %mul3A_8, %add3A_9 : i32
      %dma_start3A = arith.constant 0 : i32
      %dma_start3A_11 = tpu.memref_slice %arg6[%add3A_10, %dma_start3A] : memref<200x128xf32, #tpu.memory_space<vmem>> -> memref<1x128xf32, #tpu.memory_space<vmem>>
      %dma_start3A_12 = tpu.memref_squeeze %dma_start3A_11 : memref<1x128xf32, #tpu.memory_space<vmem>> -> memref<128xf32, #tpu.memory_space<vmem>>
      %dma_start3A_13 = arith.constant 0 : i32
      %dma_start3A_14 = tpu.memref_slice %arg5[%add3A_10, %dma_start3A_13] : memref<200x128xi32, #tpu.memory_space<vmem>> -> memref<1x128xi32, #tpu.memory_space<vmem>>
      %dma_start3A_15 = tpu.memref_squeeze %dma_start3A_14 : memref<1x128xi32, #tpu.memory_space<vmem>> -> memref<128xi32, #tpu.memory_space<vmem>>
      %dma_start3A_16 = arith.constant 0 : i32
      %dma_start3A_17 = tpu.memref_slice %arg2[%dma_start3A_16] : memref<600002xf32, #tpu.memory_space<hbm>> -> memref<600002xf32, #tpu.memory_space<hbm>>
      tpu.enqueue_indirect_dma source(%dma_start3A_17 : memref<600002xf32, #tpu.memory_space<hbm>>) target(%dma_start3A_12 : memref<128xf32, #tpu.memory_space<vmem>>) offsets(%dma_start3A_15 : memref<128xi32, #tpu.memory_space<vmem>>) semaphore(%arg7 : memref<!tpu.dma_semaphore, #tpu.memory_space<semaphore_mem>>)
      %mul3A_18 = arith.constant 8 : i32
      %mul3A_19 = arith.muli %scan3A_6, %mul3A_18 : i32
      %add3A_20 = arith.constant 1 : i32
      %add3A_21 = arith.addi %mul3A_19, %add3A_20 : i32
      %dma_start3A_22 = arith.constant 0 : i32
      %dma_start3A_23 = tpu.memref_slice %arg6[%add3A_21, %dma_start3A_22] : memref<200x128xf32, #tpu.memory_space<vmem>> -> memref<1x128xf32, #tpu.memory_space<vmem>>
      %dma_start3A_24 = tpu.memref_squeeze %dma_start3A_23 : memref<1x128xf32, #tpu.memory_space<vmem>> -> memref<128xf32, #tpu.memory_space<vmem>>
      %dma_start3A_25 = arith.constant 0 : i32
      %dma_start3A_26 = tpu.memref_slice %arg5[%add3A_21, %dma_start3A_25] : memref<200x128xi32, #tpu.memory_space<vmem>> -> memref<1x128xi32, #tpu.memory_space<vmem>>
      %dma_start3A_27 = tpu.memref_squeeze %dma_start3A_26 : memref<1x128xi32, #tpu.memory_space<vmem>> -> memref<128xi32, #tpu.memory_space<vmem>>
      %dma_start3A_28 = arith.constant 0 : i32
      %dma_start3A_29 = tpu.memref_slice %arg2[%dma_start3A_28] : memref<600002xf32, #tpu.memory_space<hbm>> -> memref<600002xf32, #tpu.memory_space<hbm>>
      tpu.enqueue_indirect_dma source(%dma_start3A_29 : memref<600002xf32, #tpu.memory_space<hbm>>) target(%dma_start3A_24 : memref<128xf32, #tpu.memory_space<vmem>>) offsets(%dma_start3A_27 : memref<128xi32, #tpu.memory_space<vmem>>) semaphore(%arg7 : memref<!tpu.dma_semaphore, #tpu.memory_space<semaphore_mem>>)
      %mul3A_30 = arith.constant 8 : i32
      %mul3A_31 = arith.muli %scan3A_6, %mul3A_30 : i32
      %add3A_32 = arith.constant 2 : i32
      %add3A_33 = arith.addi %mul3A_31, %add3A_32 : i32
      %dma_start3A_34 = arith.constant 0 : i32
      %dma_start3A_35 = tpu.memref_slice %arg6[%add3A_33, %dma_start3A_34] : memref<200x128xf32, #tpu.memory_space<vmem>> -> memref<1x128xf32, #tpu.memory_space<vmem>>
      %dma_start3A_36 = tpu.memref_squeeze %dma_start3A_35 : memref<1x128xf32, #tpu.memory_space<vmem>> -> memref<128xf32, #tpu.memory_space<vmem>>
      %dma_start3A_37 = arith.constant 0 : i32
      %dma_start3A_38 = tpu.memref_slice %arg5[%add3A_33, %dma_start3A_37] : memref<200x128xi32, #tpu.memory_space<vmem>> -> memref<1x128xi32, #tpu.memory_space<vmem>>
      %dma_start3A_39 = tpu.memref_squeeze %dma_start3A_38 : memref<1x128xi32, #tpu.memory_space<vmem>> -> memref<128xi32, #tpu.memory_space<vmem>>
      %dma_start3A_40 = arith.constant 0 : i32
      %dma_start3A_41 = tpu.memref_slice %arg2[%dma_start3A_40] : memref<600002xf32, #tpu.memory_space<hbm>> -> memref<600002xf32, #tpu.memory_space<hbm>>
      tpu.enqueue_indirect_dma source(%dma_start3A_41 : memref<600002xf32, #tpu.memory_space<hbm>>) target(%dma_start3A_36 : memref<128xf32, #tpu.memory_space<vmem>>) offsets(%dma_start3A_39 : memref<128xi32, #tpu.memory_space<vmem>>) semaphore(%arg7 : memref<!tpu.dma_semaphore, #tpu.memory_space<semaphore_mem>>)
      %mul3A_42 = arith.constant 8 : i32
      %mul3A_43 = arith.muli %scan3A_6, %mul3A_42 : i32
      %add3A_44 = arith.constant 3 : i32
      %add3A_45 = arith.addi %mul3A_43, %add3A_44 : i32
      %dma_start3A_46 = arith.constant 0 : i32
      %dma_start3A_47 = tpu.memref_slice %arg6[%add3A_45, %dma_start3A_46] : memref<200x128xf32, #tpu.memory_space<vmem>> -> memref<1x128xf32, #tpu.memory_space<vmem>>
      %dma_start3A_48 = tpu.memref_squeeze %dma_start3A_47 : memref<1x128xf32, #tpu.memory_space<vmem>> -> memref<128xf32, #tpu.memory_space<vmem>>
      %dma_start3A_49 = arith.constant 0 : i32
      %dma_start3A_50 = tpu.memref_slice %arg5[%add3A_45, %dma_start3A_49] : memref<200x128xi32, #tpu.memory_space<vmem>> -> memref<1x128xi32, #tpu.memory_space<vmem>>
      %dma_start3A_51 = tpu.memref_squeeze %dma_start3A_50 : memref<1x128xi32, #tpu.memory_space<vmem>> -> memref<128xi32, #tpu.memory_space<vmem>>
      %dma_start3A_52 = arith.constant 0 : i32
      %dma_start3A_53 = tpu.memref_slice %arg2[%dma_start3A_52] : memref<600002xf32, #tpu.memory_space<hbm>> -> memref<600002xf32, #tpu.memory_space<hbm>>
      tpu.enqueue_indirect_dma source(%dma_start3A_53 : memref<600002xf32, #tpu.memory_space<hbm>>) target(%dma_start3A_48 : memref<128xf32, #tpu.memory_space<vmem>>) offsets(%dma_start3A_51 : memref<128xi32, #tpu.memory_space<vmem>>) semaphore(%arg7 : memref<!tpu.dma_semaphore, #tpu.memory_space<semaphore_mem>>)
      %mul3A_54 = arith.constant 8 : i32
      %mul3A_55 = arith.muli %scan3A_6, %mul3A_54 : i32
      %add3A_56 = arith.constant 4 : i32
      %add3A_57 = arith.addi %mul3A_55, %add3A_56 : i32
      %dma_start3A_58 = arith.constant 0 : i32
      %dma_start3A_59 = tpu.memref_slice %arg6[%add3A_57, %dma_start3A_58] : memref<200x128xf32, #tpu.memory_space<vmem>> -> memref<1x128xf32, #tpu.memory_space<vmem>>
      %dma_start3A_60 = tpu.memref_squeeze %dma_start3A_59 : memref<1x128xf32, #tpu.memory_space<vmem>> -> memref<128xf32, #tpu.memory_space<vmem>>
      %dma_start3A_61 = arith.constant 0 : i32
      %dma_start3A_62 = tpu.memref_slice %arg5[%add3A_57, %dma_start3A_61] : memref<200x128xi32, #tpu.memory_space<vmem>> -> memref<1x128xi32, #tpu.memory_space<vmem>>
      %dma_start3A_63 = tpu.memref_squeeze %dma_start3A_62 : memref<1x128xi32, #tpu.memory_space<vmem>> -> memref<128xi32, #tpu.memory_space<vmem>>
      %dma_start3A_64 = arith.constant 0 : i32
      %dma_start3A_65 = tpu.memref_slice %arg2[%dma_start3A_64] : memref<600002xf32, #tpu.memory_space<hbm>> -> memref<600002xf32, #tpu.memory_space<hbm>>
      tpu.enqueue_indirect_dma source(%dma_start3A_65 : memref<600002xf32, #tpu.memory_space<hbm>>) target(%dma_start3A_60 : memref<128xf32, #tpu.memory_space<vmem>>) offsets(%dma_start3A_63 : memref<128xi32, #tpu.memory_space<vmem>>) semaphore(%arg7 : memref<!tpu.dma_semaphore, #tpu.memory_space<semaphore_mem>>)
      %mul3A_66 = arith.constant 8 : i32
      %mul3A_67 = arith.muli %scan3A_6, %mul3A_66 : i32
      %add3A_68 = arith.constant 5 : i32
      %add3A_69 = arith.addi %mul3A_67, %add3A_68 : i32
      %dma_start3A_70 = arith.constant 0 : i32
      %dma_start3A_71 = tpu.memref_slice %arg6[%add3A_69, %dma_start3A_70] : memref<200x128xf32, #tpu.memory_space<vmem>> -> memref<1x128xf32, #tpu.memory_space<vmem>>
      %dma_start3A_72 = tpu.memref_squeeze %dma_start3A_71 : memref<1x128xf32, #tpu.memory_space<vmem>> -> memref<128xf32, #tpu.memory_space<vmem>>
      %dma_start3A_73 = arith.constant 0 : i32
      %dma_start3A_74 = tpu.memref_slice %arg5[%add3A_69, %dma_start3A_73] : memref<200x128xi32, #tpu.memory_space<vmem>> -> memref<1x128xi32, #tpu.memory_space<vmem>>
      %dma_start3A_75 = tpu.memref_squeeze %dma_start3A_74 : memref<1x128xi32, #tpu.memory_space<vmem>> -> memref<128xi32, #tpu.memory_space<vmem>>
      %dma_start3A_76 = arith.constant 0 : i32
      %dma_start3A_77 = tpu.memref_slice %arg2[%dma_start3A_76] : memref<600002xf32, #tpu.memory_space<hbm>> -> memref<600002xf32, #tpu.memory_space<hbm>>
      tpu.enqueue_indirect_dma source(%dma_start3A_77 : memref<600002xf32, #tpu.memory_space<hbm>>) target(%dma_start3A_72 : memref<128xf32, #tpu.memory_space<vmem>>) offsets(%dma_start3A_75 : memref<128xi32, #tpu.memory_space<vmem>>) semaphore(%arg7 : memref<!tpu.dma_semaphore, #tpu.memory_space<semaphore_mem>>)
      %mul3A_78 = arith.constant 8 : i32
      %mul3A_79 = arith.muli %scan3A_6, %mul3A_78 : i32
      %add3A_80 = arith.constant 6 : i32
      %add3A_81 = arith.addi %mul3A_79, %add3A_80 : i32
      %dma_start3A_82 = arith.constant 0 : i32
      %dma_start3A_83 = tpu.memref_slice %arg6[%add3A_81, %dma_start3A_82] : memref<200x128xf32, #tpu.memory_space<vmem>> -> memref<1x128xf32, #tpu.memory_space<vmem>>
      %dma_start3A_84 = tpu.memref_squeeze %dma_start3A_83 : memref<1x128xf32, #tpu.memory_space<vmem>> -> memref<128xf32, #tpu.memory_space<vmem>>
      %dma_start3A_85 = arith.constant 0 : i32
      %dma_start3A_86 = tpu.memref_slice %arg5[%add3A_81, %dma_start3A_85] : memref<200x128xi32, #tpu.memory_space<vmem>> -> memref<1x128xi32, #tpu.memory_space<vmem>>
      %dma_start3A_87 = tpu.memref_squeeze %dma_start3A_86 : memref<1x128xi32, #tpu.memory_space<vmem>> -> memref<128xi32, #tpu.memory_space<vmem>>
      %dma_start3A_88 = arith.constant 0 : i32
      %dma_start3A_89 = tpu.memref_slice %arg2[%dma_start3A_88] : memref<600002xf32, #tpu.memory_space<hbm>> -> memref<600002xf32, #tpu.memory_space<hbm>>
      tpu.enqueue_indirect_dma source(%dma_start3A_89 : memref<600002xf32, #tpu.memory_space<hbm>>) target(%dma_start3A_84 : memref<128xf32, #tpu.memory_space<vmem>>) offsets(%dma_start3A_87 : memref<128xi32, #tpu.memory_space<vmem>>) semaphore(%arg7 : memref<!tpu.dma_semaphore, #tpu.memory_space<semaphore_mem>>)
      %mul3A_90 = arith.constant 8 : i32
      %mul3A_91 = arith.muli %scan3A_6, %mul3A_90 : i32
      %add3A_92 = arith.constant 7 : i32
      %add3A_93 = arith.addi %mul3A_91, %add3A_92 : i32
      %dma_start3A_94 = arith.constant 0 : i32
      %dma_start3A_95 = tpu.memref_slice %arg6[%add3A_93, %dma_start3A_94] : memref<200x128xf32, #tpu.memory_space<vmem>> -> memref<1x128xf32, #tpu.memory_space<vmem>>
      %dma_start3A_96 = tpu.memref_squeeze %dma_start3A_95 : memref<1x128xf32, #tpu.memory_space<vmem>> -> memref<128xf32, #tpu.memory_space<vmem>>
      %dma_start3A_97 = arith.constant 0 : i32
      %dma_start3A_98 = tpu.memref_slice %arg5[%add3A_93, %dma_start3A_97] : memref<200x128xi32, #tpu.memory_space<vmem>> -> memref<1x128xi32, #tpu.memory_space<vmem>>
      %dma_start3A_99 = tpu.memref_squeeze %dma_start3A_98 : memref<1x128xi32, #tpu.memory_space<vmem>> -> memref<128xi32, #tpu.memory_space<vmem>>
      %dma_start3A_100 = arith.constant 0 : i32
      %dma_start3A_101 = tpu.memref_slice %arg2[%dma_start3A_100] : memref<600002xf32, #tpu.memory_space<hbm>> -> memref<600002xf32, #tpu.memory_space<hbm>>
      tpu.enqueue_indirect_dma source(%dma_start3A_101 : memref<600002xf32, #tpu.memory_space<hbm>>) target(%dma_start3A_96 : memref<128xf32, #tpu.memory_space<vmem>>) offsets(%dma_start3A_99 : memref<128xi32, #tpu.memory_space<vmem>>) semaphore(%arg7 : memref<!tpu.dma_semaphore, #tpu.memory_space<semaphore_mem>>)
      %dma_wait3A = arith.constant 0 : i32
      %dma_wait3A_102 = tpu.memref_slice %arg6[%add3A_10, %dma_wait3A] : memref<200x128xf32, #tpu.memory_space<vmem>> -> memref<1x128xf32, #tpu.memory_space<vmem>>
      %dma_wait3A_103 = tpu.memref_squeeze %dma_wait3A_102 : memref<1x128xf32, #tpu.memory_space<vmem>> -> memref<128xf32, #tpu.memory_space<vmem>>
      %dma_wait3A_104 = arith.constant 0 : i32
      %dma_wait3A_105 = tpu.memref_slice %arg5[%add3A_10, %dma_wait3A_104] : memref<200x128xi32, #tpu.memory_space<vmem>> -> memref<1x128xi32, #tpu.memory_space<vmem>>
      %dma_wait3A_106 = tpu.memref_squeeze %dma_wait3A_105 : memref<1x128xi32, #tpu.memory_space<vmem>> -> memref<128xi32, #tpu.memory_space<vmem>>
      %dma_wait3A_107 = arith.constant 0 : i32
      %dma_wait3A_108 = tpu.memref_slice %arg2[%dma_wait3A_107] : memref<600002xf32, #tpu.memory_space<hbm>> -> memref<600002xf32, #tpu.memory_space<hbm>>
      tpu.wait_indirect_dma semaphore(%arg7 : memref<!tpu.dma_semaphore, #tpu.memory_space<semaphore_mem>>) src(%dma_wait3A_108 : memref<600002xf32, #tpu.memory_space<hbm>>) dst(%dma_wait3A_103 : memref<128xf32, #tpu.memory_space<vmem>>)
      %dma_wait3A_109 = arith.constant 0 : i32
      %dma_wait3A_110 = tpu.memref_slice %arg6[%add3A_21, %dma_wait3A_109] : memref<200x128xf32, #tpu.memory_space<vmem>> -> memref<1x128xf32, #tpu.memory_space<vmem>>
      %dma_wait3A_111 = tpu.memref_squeeze %dma_wait3A_110 : memref<1x128xf32, #tpu.memory_space<vmem>> -> memref<128xf32, #tpu.memory_space<vmem>>
      %dma_wait3A_112 = arith.constant 0 : i32
      %dma_wait3A_113 = tpu.memref_slice %arg5[%add3A_21, %dma_wait3A_112] : memref<200x128xi32, #tpu.memory_space<vmem>> -> memref<1x128xi32, #tpu.memory_space<vmem>>
      %dma_wait3A_114 = tpu.memref_squeeze %dma_wait3A_113 : memref<1x128xi32, #tpu.memory_space<vmem>> -> memref<128xi32, #tpu.memory_space<vmem>>
      %dma_wait3A_115 = arith.constant 0 : i32
      %dma_wait3A_116 = tpu.memref_slice %arg2[%dma_wait3A_115] : memref<600002xf32, #tpu.memory_space<hbm>> -> memref<600002xf32, #tpu.memory_space<hbm>>
      tpu.wait_indirect_dma semaphore(%arg7 : memref<!tpu.dma_semaphore, #tpu.memory_space<semaphore_mem>>) src(%dma_wait3A_116 : memref<600002xf32, #tpu.memory_space<hbm>>) dst(%dma_wait3A_111 : memref<128xf32, #tpu.memory_space<vmem>>)
      %dma_wait3A_117 = arith.constant 0 : i32
      %dma_wait3A_118 = tpu.memref_slice %arg6[%add3A_33, %dma_wait3A_117] : memref<200x128xf32, #tpu.memory_space<vmem>> -> memref<1x128xf32, #tpu.memory_space<vmem>>
      %dma_wait3A_119 = tpu.memref_squeeze %dma_wait3A_118 : memref<1x128xf32, #tpu.memory_space<vmem>> -> memref<128xf32, #tpu.memory_space<vmem>>
      %dma_wait3A_120 = arith.constant 0 : i32
      %dma_wait3A_121 = tpu.memref_slice %arg5[%add3A_33, %dma_wait3A_120] : memref<200x128xi32, #tpu.memory_space<vmem>> -> memref<1x128xi32, #tpu.memory_space<vmem>>
      %dma_wait3A_122 = tpu.memref_squeeze %dma_wait3A_121 : memref<1x128xi32, #tpu.memory_space<vmem>> -> memref<128xi32, #tpu.memory_space<vmem>>
      %dma_wait3A_123 = arith.constant 0 : i32
      %dma_wait3A_124 = tpu.memref_slice %arg2[%dma_wait3A_123] : memref<600002xf32, #tpu.memory_space<hbm>> -> memref<600002xf32, #tpu.memory_space<hbm>>
      tpu.wait_indirect_dma semaphore(%arg7 : memref<!tpu.dma_semaphore, #tpu.memory_space<semaphore_mem>>) src(%dma_wait3A_124 : memref<600002xf32, #tpu.memory_space<hbm>>) dst(%dma_wait3A_119 : memref<128xf32, #tpu.memory_space<vmem>>)
      %dma_wait3A_125 = arith.constant 0 : i32
      %dma_wait3A_126 = tpu.memref_slice %arg6[%add3A_45, %dma_wait3A_125] : memref<200x128xf32, #tpu.memory_space<vmem>> -> memref<1x128xf32, #tpu.memory_space<vmem>>
      %dma_wait3A_127 = tpu.memref_squeeze %dma_wait3A_126 : memref<1x128xf32, #tpu.memory_space<vmem>> -> memref<128xf32, #tpu.memory_space<vmem>>
      %dma_wait3A_128 = arith.constant 0 : i32
      %dma_wait3A_129 = tpu.memref_slice %arg5[%add3A_45, %dma_wait3A_128] : memref<200x128xi32, #tpu.memory_space<vmem>> -> memref<1x128xi32, #tpu.memory_space<vmem>>
      %dma_wait3A_130 = tpu.memref_squeeze %dma_wait3A_129 : memref<1x128xi32, #tpu.memory_space<vmem>> -> memref<128xi32, #tpu.memory_space<vmem>>
      %dma_wait3A_131 = arith.constant 0 : i32
      %dma_wait3A_132 = tpu.memref_slice %arg2[%dma_wait3A_131] : memref<600002xf32, #tpu.memory_space<hbm>> -> memref<600002xf32, #tpu.memory_space<hbm>>
      tpu.wait_indirect_dma semaphore(%arg7 : memref<!tpu.dma_semaphore, #tpu.memory_space<semaphore_mem>>) src(%dma_wait3A_132 : memref<600002xf32, #tpu.memory_space<hbm>>) dst(%dma_wait3A_127 : memref<128xf32, #tpu.memory_space<vmem>>)
      %dma_wait3A_133 = arith.constant 0 : i32
      %dma_wait3A_134 = tpu.memref_slice %arg6[%add3A_57, %dma_wait3A_133] : memref<200x128xf32, #tpu.memory_space<vmem>> -> memref<1x128xf32, #tpu.memory_space<vmem>>
      %dma_wait3A_135 = tpu.memref_squeeze %dma_wait3A_134 : memref<1x128xf32, #tpu.memory_space<vmem>> -> memref<128xf32, #tpu.memory_space<vmem>>
      %dma_wait3A_136 = arith.constant 0 : i32
      %dma_wait3A_137 = tpu.memref_slice %arg5[%add3A_57, %dma_wait3A_136] : memref<200x128xi32, #tpu.memory_space<vmem>> -> memref<1x128xi32, #tpu.memory_space<vmem>>
      %dma_wait3A_138 = tpu.memref_squeeze %dma_wait3A_137 : memref<1x128xi32, #tpu.memory_space<vmem>> -> memref<128xi32, #tpu.memory_space<vmem>>
      %dma_wait3A_139 = arith.constant 0 : i32
      %dma_wait3A_140 = tpu.memref_slice %arg2[%dma_wait3A_139] : memref<600002xf32, #tpu.memory_space<hbm>> -> memref<600002xf32, #tpu.memory_space<hbm>>
      tpu.wait_indirect_dma semaphore(%arg7 : memref<!tpu.dma_semaphore, #tpu.memory_space<semaphore_mem>>) src(%dma_wait3A_140 : memref<600002xf32, #tpu.memory_space<hbm>>) dst(%dma_wait3A_135 : memref<128xf32, #tpu.memory_space<vmem>>)
      %dma_wait3A_141 = arith.constant 0 : i32
      %dma_wait3A_142 = tpu.memref_slice %arg6[%add3A_69, %dma_wait3A_141] : memref<200x128xf32, #tpu.memory_space<vmem>> -> memref<1x128xf32, #tpu.memory_space<vmem>>
      %dma_wait3A_143 = tpu.memref_squeeze %dma_wait3A_142 : memref<1x128xf32, #tpu.memory_space<vmem>> -> memref<128xf32, #tpu.memory_space<vmem>>
      %dma_wait3A_144 = arith.constant 0 : i32
      %dma_wait3A_145 = tpu.memref_slice %arg5[%add3A_69, %dma_wait3A_144] : memref<200x128xi32, #tpu.memory_space<vmem>> -> memref<1x128xi32, #tpu.memory_space<vmem>>
      %dma_wait3A_146 = tpu.memref_squeeze %dma_wait3A_145 : memref<1x128xi32, #tpu.memory_space<vmem>> -> memref<128xi32, #tpu.memory_space<vmem>>
      %dma_wait3A_147 = arith.constant 0 : i32
      %dma_wait3A_148 = tpu.memref_slice %arg2[%dma_wait3A_147] : memref<600002xf32, #tpu.memory_space<hbm>> -> memref<600002xf32, #tpu.memory_space<hbm>>
      tpu.wait_indirect_dma semaphore(%arg7 : memref<!tpu.dma_semaphore, #tpu.memory_space<semaphore_mem>>) src(%dma_wait3A_148 : memref<600002xf32, #tpu.memory_space<hbm>>) dst(%dma_wait3A_143 : memref<128xf32, #tpu.memory_space<vmem>>)
      %dma_wait3A_149 = arith.constant 0 : i32
      %dma_wait3A_150 = tpu.memref_slice %arg6[%add3A_81, %dma_wait3A_149] : memref<200x128xf32, #tpu.memory_space<vmem>> -> memref<1x128xf32, #tpu.memory_space<vmem>>
      %dma_wait3A_151 = tpu.memref_squeeze %dma_wait3A_150 : memref<1x128xf32, #tpu.memory_space<vmem>> -> memref<128xf32, #tpu.memory_space<vmem>>
      %dma_wait3A_152 = arith.constant 0 : i32
      %dma_wait3A_153 = tpu.memref_slice %arg5[%add3A_81, %dma_wait3A_152] : memref<200x128xi32, #tpu.memory_space<vmem>> -> memref<1x128xi32, #tpu.memory_space<vmem>>
      %dma_wait3A_154 = tpu.memref_squeeze %dma_wait3A_153 : memref<1x128xi32, #tpu.memory_space<vmem>> -> memref<128xi32, #tpu.memory_space<vmem>>
      %dma_wait3A_155 = arith.constant 0 : i32
      %dma_wait3A_156 = tpu.memref_slice %arg2[%dma_wait3A_155] : memref<600002xf32, #tpu.memory_space<hbm>> -> memref<600002xf32, #tpu.memory_space<hbm>>
      tpu.wait_indirect_dma semaphore(%arg7 : memref<!tpu.dma_semaphore, #tpu.memory_space<semaphore_mem>>) src(%dma_wait3A_156 : memref<600002xf32, #tpu.memory_space<hbm>>) dst(%dma_wait3A_151 : memref<128xf32, #tpu.memory_space<vmem>>)
      %dma_wait3A_157 = arith.constant 0 : i32
      %dma_wait3A_158 = tpu.memref_slice %arg6[%add3A_93, %dma_wait3A_157] : memref<200x128xf32, #tpu.memory_space<vmem>> -> memref<1x128xf32, #tpu.memory_space<vmem>>
      %dma_wait3A_159 = tpu.memref_squeeze %dma_wait3A_158 : memref<1x128xf32, #tpu.memory_space<vmem>> -> memref<128xf32, #tpu.memory_space<vmem>>
      %dma_wait3A_160 = arith.constant 0 : i32
      %dma_wait3A_161 = tpu.memref_slice %arg5[%add3A_93, %dma_wait3A_160] : memref<200x128xi32, #tpu.memory_space<vmem>> -> memref<1x128xi32, #tpu.memory_space<vmem>>
      %dma_wait3A_162 = tpu.memref_squeeze %dma_wait3A_161 : memref<1x128xi32, #tpu.memory_space<vmem>> -> memref<128xi32, #tpu.memory_space<vmem>>
      %dma_wait3A_163 = arith.constant 0 : i32
      %dma_wait3A_164 = tpu.memref_slice %arg2[%dma_wait3A_163] : memref<600002xf32, #tpu.memory_space<hbm>> -> memref<600002xf32, #tpu.memory_space<hbm>>
      tpu.wait_indirect_dma semaphore(%arg7 : memref<!tpu.dma_semaphore, #tpu.memory_space<semaphore_mem>>) src(%dma_wait3A_164 : memref<600002xf32, #tpu.memory_space<hbm>>) dst(%dma_wait3A_159 : memref<128xf32, #tpu.memory_space<vmem>>)
    }
    %scan3A_5 = arith.constant 25 : i32
    "tpu.region"() ({
      %run_scoped3A = tpu.sem_alloc : memref<!tpu.dma_semaphore, #tpu.memory_space<semaphore_mem>>
      %dma_start3A = arith.constant 0 : i32
      %dma_start3A_6 = arith.constant 0 : i32
      %dma_start3A_7 = tpu.memref_slice %arg4[%add3A, %dma_start3A, %dma_start3A_6] : memref<32x200x128xf32, #tpu.memory_space<hbm>> -> memref<1x200x128xf32, #tpu.memory_space<hbm>>
      %dma_start3A_8 = tpu.memref_squeeze %dma_start3A_7 : memref<1x200x128xf32, #tpu.memory_space<hbm>> -> memref<200x128xf32, #tpu.memory_space<hbm>>
      %dma_start3A_9 = arith.constant 0 : i32
      %dma_start3A_10 = arith.constant 0 : i32
      %dma_start3A_11 = tpu.memref_slice %arg4[%add3A, %dma_start3A_9, %dma_start3A_10] : memref<32x200x128xf32, #tpu.memory_space<hbm>> -> memref<1x200x128xf32, #tpu.memory_space<hbm>>
      %dma_start3A_12 = tpu.memref_squeeze %dma_start3A_11 : memref<1x200x128xf32, #tpu.memory_space<hbm>> -> memref<200x128xf32, #tpu.memory_space<hbm>>
      tpu.enqueue_dma source(%arg6 : memref<200x128xf32, #tpu.memory_space<vmem>>) target(%dma_start3A_12 : memref<200x128xf32, #tpu.memory_space<hbm>>) target_semaphore(%run_scoped3A : memref<!tpu.dma_semaphore, #tpu.memory_space<semaphore_mem>>)
      %dma_wait3A = arith.constant 0 : i32
      %dma_wait3A_13 = arith.constant 0 : i32
      %dma_wait3A_14 = tpu.memref_slice %arg4[%add3A, %dma_wait3A, %dma_wait3A_13] : memref<32x200x128xf32, #tpu.memory_space<hbm>> -> memref<1x200x128xf32, #tpu.memory_space<hbm>>
      %dma_wait3A_15 = tpu.memref_squeeze %dma_wait3A_14 : memref<1x200x128xf32, #tpu.memory_space<hbm>> -> memref<200x128xf32, #tpu.memory_space<hbm>>
      %dma_wait3A_16 = arith.constant 0 : i32
      %dma_wait3A_17 = arith.constant 0 : i32
      %dma_wait3A_18 = tpu.memref_slice %arg4[%add3A, %dma_wait3A_16, %dma_wait3A_17] : memref<32x200x128xf32, #tpu.memory_space<hbm>> -> memref<1x200x128xf32, #tpu.memory_space<hbm>>
      %dma_wait3A_19 = tpu.memref_squeeze %dma_wait3A_18 : memref<1x200x128xf32, #tpu.memory_space<hbm>> -> memref<200x128xf32, #tpu.memory_space<hbm>>
      tpu.wait_dma2 semaphore(%run_scoped3A : memref<!tpu.dma_semaphore, #tpu.memory_space<semaphore_mem>>) src(%arg6 : memref<200x128xf32, #tpu.memory_space<vmem>>) dst(%dma_wait3A_19 : memref<200x128xf32, #tpu.memory_space<hbm>>)
      tpu.yield
    }) : () -> ()
    return
  }
}

module attributes {stable_mosaic.version = 14 : i64} {
  func.func @_dense_body(%arg0: i32, %arg1: memref<40x64x64xf32, #tpu.memory_space<vmem>>, %arg2: memref<40x64x64xf32, #tpu.memory_space<vmem>>, %arg3: memref<40x64x64xf32, #tpu.memory_space<vmem>>, %arg4: memref<40x64x1xf32, #tpu.memory_space<vmem>>, %arg5: memref<40x64x64xf32, #tpu.memory_space<vmem>>, %arg6: memref<40x64x64xf32, #tpu.memory_space<vmem>>, %arg7: memref<40x64x64xf32, #tpu.memory_space<vmem>>, %arg8: memref<40x1x128xf32, #tpu.memory_space<vmem>>) attributes {dimension_semantics = [#tpu.dimension_semantics<arbitrary>], iteration_bounds = array<i64: 5>, scalar_prefetch = 0 : i64, scratch_operands = 0 : i64, tpu.core_type = #tpu.core_type<tc>, window_params = [{transform_indices = @transform_0, window_bounds = array<i64: 40, 64, 64>}, {transform_indices = @transform_1, window_bounds = array<i64: 40, 64, 64>}, {transform_indices = @transform_2, window_bounds = array<i64: 40, 64, 64>}, {transform_indices = @transform_3, window_bounds = array<i64: 40, 64, 1>}, {transform_indices = @transform_4, window_bounds = array<i64: 40, 64, 64>}, {transform_indices = @transform_5, window_bounds = array<i64: 40, 64, 64>}, {transform_indices = @transform_6, window_bounds = array<i64: 40, 64, 64>}, {transform_indices = @transform_7, window_bounds = array<i64: 40, 1, 128>}]} {
    %get3A = arith.constant 0 : index
    %get3A_0 = arith.constant 0 : index
    %get3A_1 = arith.constant 0 : index
    %get3A_2 = vector.load %arg1[%get3A, %get3A_0, %get3A_1] : memref<40x64x64xf32, #tpu.memory_space<vmem>>, vector<40x64x64xf32>
    %get3A_3 = arith.constant 0 : index
    %get3A_4 = arith.constant 0 : index
    %get3A_5 = arith.constant 0 : index
    %get3A_6 = vector.load %arg2[%get3A_3, %get3A_4, %get3A_5] : memref<40x64x64xf32, #tpu.memory_space<vmem>>, vector<40x64x64xf32>
    %get3A_7 = arith.constant 0 : index
    %get3A_8 = arith.constant 0 : index
    %get3A_9 = arith.constant 0 : index
    %get3A_10 = vector.load %arg3[%get3A_7, %get3A_8, %get3A_9] : memref<40x64x64xf32, #tpu.memory_space<vmem>>, vector<40x64x64xf32>
    %get3A_11 = arith.constant 0 : index
    %get3A_12 = arith.constant 0 : index
    %get3A_13 = arith.constant 0 : index
    %get3A_14 = vector.load %arg4[%get3A_11, %get3A_12, %get3A_13] : memref<40x64x1xf32, #tpu.memory_space<vmem>>, vector<40x64x1xf32>
    %get3A_15 = arith.constant 0 : index
    %get3A_16 = arith.constant 0 : index
    %get3A_17 = arith.constant 0 : index
    %get3A_18 = vector.load %arg5[%get3A_15, %get3A_16, %get3A_17] : memref<40x64x64xf32, #tpu.memory_space<vmem>>, vector<40x64x64xf32>
    %get3A_19 = arith.constant 0 : index
    %get3A_20 = arith.constant 0 : index
    %get3A_21 = arith.constant 0 : index
    %get3A_22 = vector.load %arg6[%get3A_19, %get3A_20, %get3A_21] : memref<40x64x64xf32, #tpu.memory_space<vmem>>, vector<40x64x64xf32>
    %get3A_23 = arith.constant 0 : index
    %get3A_24 = arith.constant 0 : index
    %get3A_25 = arith.constant 0 : index
    %get3A_26 = vector.load %arg7[%get3A_23, %get3A_24, %get3A_25] : memref<40x64x64xf32, #tpu.memory_space<vmem>>, vector<40x64x64xf32>
    %mul3A = arith.mulf %get3A_10, %get3A_2 : vector<40x64x64xf32>
    %reduce_sum3A = arith.constant dense<0.000000e+00> : vector<40x64xf32>
    %reduce_sum3A_27 = vector.multi_reduction <add>, %mul3A, %reduce_sum3A [2] : vector<40x64x64xf32> to vector<40x64xf32>
    %broadcast_in_dim3A = vector.shape_cast %reduce_sum3A_27 : vector<40x64xf32> to vector<40x64x1xf32>
    %sub3A = arith.subf %get3A_14, %broadcast_in_dim3A : vector<40x64x1xf32>
    %slice3A = vector.extract_strided_slice %get3A_6 {offsets = [0, 0, 0], sizes = [1, 64, 64], strides = [1, 1, 1]} : vector<40x64x64xf32> to vector<1x64x64xf32>
    %squeeze3A = vector.shape_cast %slice3A : vector<1x64x64xf32> to vector<64x64xf32>
    %slice3A_28 = vector.extract_strided_slice %sub3A {offsets = [0, 0, 0], sizes = [1, 64, 1], strides = [1, 1, 1]} : vector<40x64x1xf32> to vector<1x64x1xf32>
    %squeeze3A_29 = vector.shape_cast %slice3A_28 : vector<1x64x1xf32> to vector<64x1xf32>
    %dot_general3A = arith.constant dense<0.000000e+00> : vector<64x1xf32>
    %dot_general3A_30 = tpu.matmul %squeeze3A, %squeeze3A_29, %dot_general3A {dimension_numbers = #tpu.dot_dimension_numbers<[1], [0], [0], [1], [0, 0, 1, 1], [], []>, transpose_lhs_hint = false} : vector<64x64xf32>, vector<64x1xf32>, vector<64x1xf32> -> vector<64x1xf32>
    %slice3A_31 = vector.extract_strided_slice %sub3A {offsets = [0, 0, 0], sizes = [1, 64, 1], strides = [1, 1, 1]} : vector<40x64x1xf32> to vector<1x64x1xf32>
    %squeeze3A_32 = vector.shape_cast %slice3A_31 : vector<1x64x1xf32> to vector<64x1xf32>
    %slice3A_33 = vector.extract_strided_slice %get3A_6 {offsets = [0, 0, 0], sizes = [1, 64, 64], strides = [1, 1, 1]} : vector<40x64x64xf32> to vector<1x64x64xf32>
    %squeeze3A_34 = vector.shape_cast %slice3A_33 : vector<1x64x64xf32> to vector<64x64xf32>
    %dot_general3A_35 = arith.constant dense<0.000000e+00> : vector<1x64xf32>
    %dot_general3A_36 = tpu.matmul %squeeze3A_32, %squeeze3A_34, %dot_general3A_35 {dimension_numbers = #tpu.dot_dimension_numbers<[0], [1], [1], [0], [0, 1, 1, 0], [], []>, transpose_lhs_hint = false} : vector<64x1xf32>, vector<64x64xf32>, vector<1x64xf32> -> vector<1x64xf32>
    %broadcast_in_dim3A_37 = vector.shape_cast %dot_general3A_30 : vector<64x1xf32> to vector<1x64x1xf32>
    %broadcast_in_dim3A_38 = vector.shape_cast %dot_general3A_36 : vector<1x64xf32> to vector<1x1x64xf32>
    %slice3A_39 = vector.extract_strided_slice %get3A_6 {offsets = [1, 0, 0], sizes = [1, 64, 64], strides = [1, 1, 1]} : vector<40x64x64xf32> to vector<1x64x64xf32>
    %squeeze3A_40 = vector.shape_cast %slice3A_39 : vector<1x64x64xf32> to vector<64x64xf32>
    %slice3A_41 = vector.extract_strided_slice %sub3A {offsets = [1, 0, 0], sizes = [1, 64, 1], strides = [1, 1, 1]} : vector<40x64x1xf32> to vector<1x64x1xf32>
    %squeeze3A_42 = vector.shape_cast %slice3A_41 : vector<1x64x1xf32> to vector<64x1xf32>
    %dot_general3A_43 = arith.constant dense<0.000000e+00> : vector<64x1xf32>
    %dot_general3A_44 = tpu.matmul %squeeze3A_40, %squeeze3A_42, %dot_general3A_43 {dimension_numbers = #tpu.dot_dimension_numbers<[1], [0], [0], [1], [0, 0, 1, 1], [], []>, transpose_lhs_hint = false} : vector<64x64xf32>, vector<64x1xf32>, vector<64x1xf32> -> vector<64x1xf32>
    %slice3A_45 = vector.extract_strided_slice %sub3A {offsets = [1, 0, 0], sizes = [1, 64, 1], strides = [1, 1, 1]} : vector<40x64x1xf32> to vector<1x64x1xf32>
    %squeeze3A_46 = vector.shape_cast %slice3A_45 : vector<1x64x1xf32> to vector<64x1xf32>
    %slice3A_47 = vector.extract_strided_slice %get3A_6 {offsets = [1, 0, 0], sizes = [1, 64, 64], strides = [1, 1, 1]} : vector<40x64x64xf32> to vector<1x64x64xf32>
    %squeeze3A_48 = vector.shape_cast %slice3A_47 : vector<1x64x64xf32> to vector<64x64xf32>
    %dot_general3A_49 = arith.constant dense<0.000000e+00> : vector<1x64xf32>
    %dot_general3A_50 = tpu.matmul %squeeze3A_46, %squeeze3A_48, %dot_general3A_49 {dimension_numbers = #tpu.dot_dimension_numbers<[0], [1], [1], [0], [0, 1, 1, 0], [], []>, transpose_lhs_hint = false} : vector<64x1xf32>, vector<64x64xf32>, vector<1x64xf32> -> vector<1x64xf32>
    %broadcast_in_dim3A_51 = vector.shape_cast %dot_general3A_44 : vector<64x1xf32> to vector<1x64x1xf32>
    %broadcast_in_dim3A_52 = vector.shape_cast %dot_general3A_50 : vector<1x64xf32> to vector<1x1x64xf32>
    %slice3A_53 = vector.extract_strided_slice %get3A_6 {offsets = [2, 0, 0], sizes = [1, 64, 64], strides = [1, 1, 1]} : vector<40x64x64xf32> to vector<1x64x64xf32>
    %squeeze3A_54 = vector.shape_cast %slice3A_53 : vector<1x64x64xf32> to vector<64x64xf32>
    %slice3A_55 = vector.extract_strided_slice %sub3A {offsets = [2, 0, 0], sizes = [1, 64, 1], strides = [1, 1, 1]} : vector<40x64x1xf32> to vector<1x64x1xf32>
    %squeeze3A_56 = vector.shape_cast %slice3A_55 : vector<1x64x1xf32> to vector<64x1xf32>
    %dot_general3A_57 = arith.constant dense<0.000000e+00> : vector<64x1xf32>
    %dot_general3A_58 = tpu.matmul %squeeze3A_54, %squeeze3A_56, %dot_general3A_57 {dimension_numbers = #tpu.dot_dimension_numbers<[1], [0], [0], [1], [0, 0, 1, 1], [], []>, transpose_lhs_hint = false} : vector<64x64xf32>, vector<64x1xf32>, vector<64x1xf32> -> vector<64x1xf32>
    %slice3A_59 = vector.extract_strided_slice %sub3A {offsets = [2, 0, 0], sizes = [1, 64, 1], strides = [1, 1, 1]} : vector<40x64x1xf32> to vector<1x64x1xf32>
    %squeeze3A_60 = vector.shape_cast %slice3A_59 : vector<1x64x1xf32> to vector<64x1xf32>
    %slice3A_61 = vector.extract_strided_slice %get3A_6 {offsets = [2, 0, 0], sizes = [1, 64, 64], strides = [1, 1, 1]} : vector<40x64x64xf32> to vector<1x64x64xf32>
    %squeeze3A_62 = vector.shape_cast %slice3A_61 : vector<1x64x64xf32> to vector<64x64xf32>
    %dot_general3A_63 = arith.constant dense<0.000000e+00> : vector<1x64xf32>
    %dot_general3A_64 = tpu.matmul %squeeze3A_60, %squeeze3A_62, %dot_general3A_63 {dimension_numbers = #tpu.dot_dimension_numbers<[0], [1], [1], [0], [0, 1, 1, 0], [], []>, transpose_lhs_hint = false} : vector<64x1xf32>, vector<64x64xf32>, vector<1x64xf32> -> vector<1x64xf32>
    %broadcast_in_dim3A_65 = vector.shape_cast %dot_general3A_58 : vector<64x1xf32> to vector<1x64x1xf32>
    %broadcast_in_dim3A_66 = vector.shape_cast %dot_general3A_64 : vector<1x64xf32> to vector<1x1x64xf32>
    %slice3A_67 = vector.extract_strided_slice %get3A_6 {offsets = [3, 0, 0], sizes = [1, 64, 64], strides = [1, 1, 1]} : vector<40x64x64xf32> to vector<1x64x64xf32>
    %squeeze3A_68 = vector.shape_cast %slice3A_67 : vector<1x64x64xf32> to vector<64x64xf32>
    %slice3A_69 = vector.extract_strided_slice %sub3A {offsets = [3, 0, 0], sizes = [1, 64, 1], strides = [1, 1, 1]} : vector<40x64x1xf32> to vector<1x64x1xf32>
    %squeeze3A_70 = vector.shape_cast %slice3A_69 : vector<1x64x1xf32> to vector<64x1xf32>
    %dot_general3A_71 = arith.constant dense<0.000000e+00> : vector<64x1xf32>
    %dot_general3A_72 = tpu.matmul %squeeze3A_68, %squeeze3A_70, %dot_general3A_71 {dimension_numbers = #tpu.dot_dimension_numbers<[1], [0], [0], [1], [0, 0, 1, 1], [], []>, transpose_lhs_hint = false} : vector<64x64xf32>, vector<64x1xf32>, vector<64x1xf32> -> vector<64x1xf32>
    %slice3A_73 = vector.extract_strided_slice %sub3A {offsets = [3, 0, 0], sizes = [1, 64, 1], strides = [1, 1, 1]} : vector<40x64x1xf32> to vector<1x64x1xf32>
    %squeeze3A_74 = vector.shape_cast %slice3A_73 : vector<1x64x1xf32> to vector<64x1xf32>
    %slice3A_75 = vector.extract_strided_slice %get3A_6 {offsets = [3, 0, 0], sizes = [1, 64, 64], strides = [1, 1, 1]} : vector<40x64x64xf32> to vector<1x64x64xf32>
    %squeeze3A_76 = vector.shape_cast %slice3A_75 : vector<1x64x64xf32> to vector<64x64xf32>
    %dot_general3A_77 = arith.constant dense<0.000000e+00> : vector<1x64xf32>
    %dot_general3A_78 = tpu.matmul %squeeze3A_74, %squeeze3A_76, %dot_general3A_77 {dimension_numbers = #tpu.dot_dimension_numbers<[0], [1], [1], [0], [0, 1, 1, 0], [], []>, transpose_lhs_hint = false} : vector<64x1xf32>, vector<64x64xf32>, vector<1x64xf32> -> vector<1x64xf32>
    %broadcast_in_dim3A_79 = vector.shape_cast %dot_general3A_72 : vector<64x1xf32> to vector<1x64x1xf32>
    %broadcast_in_dim3A_80 = vector.shape_cast %dot_general3A_78 : vector<1x64xf32> to vector<1x1x64xf32>
    %slice3A_81 = vector.extract_strided_slice %get3A_6 {offsets = [4, 0, 0], sizes = [1, 64, 64], strides = [1, 1, 1]} : vector<40x64x64xf32> to vector<1x64x64xf32>
    %squeeze3A_82 = vector.shape_cast %slice3A_81 : vector<1x64x64xf32> to vector<64x64xf32>
    %slice3A_83 = vector.extract_strided_slice %sub3A {offsets = [4, 0, 0], sizes = [1, 64, 1], strides = [1, 1, 1]} : vector<40x64x1xf32> to vector<1x64x1xf32>
    %squeeze3A_84 = vector.shape_cast %slice3A_83 : vector<1x64x1xf32> to vector<64x1xf32>
    %dot_general3A_85 = arith.constant dense<0.000000e+00> : vector<64x1xf32>
    %dot_general3A_86 = tpu.matmul %squeeze3A_82, %squeeze3A_84, %dot_general3A_85 {dimension_numbers = #tpu.dot_dimension_numbers<[1], [0], [0], [1], [0, 0, 1, 1], [], []>, transpose_lhs_hint = false} : vector<64x64xf32>, vector<64x1xf32>, vector<64x1xf32> -> vector<64x1xf32>
    %slice3A_87 = vector.extract_strided_slice %sub3A {offsets = [4, 0, 0], sizes = [1, 64, 1], strides = [1, 1, 1]} : vector<40x64x1xf32> to vector<1x64x1xf32>
    %squeeze3A_88 = vector.shape_cast %slice3A_87 : vector<1x64x1xf32> to vector<64x1xf32>
    %slice3A_89 = vector.extract_strided_slice %get3A_6 {offsets = [4, 0, 0], sizes = [1, 64, 64], strides = [1, 1, 1]} : vector<40x64x64xf32> to vector<1x64x64xf32>
    %squeeze3A_90 = vector.shape_cast %slice3A_89 : vector<1x64x64xf32> to vector<64x64xf32>
    %dot_general3A_91 = arith.constant dense<0.000000e+00> : vector<1x64xf32>
    %dot_general3A_92 = tpu.matmul %squeeze3A_88, %squeeze3A_90, %dot_general3A_91 {dimension_numbers = #tpu.dot_dimension_numbers<[0], [1], [1], [0], [0, 1, 1, 0], [], []>, transpose_lhs_hint = false} : vector<64x1xf32>, vector<64x64xf32>, vector<1x64xf32> -> vector<1x64xf32>
    %broadcast_in_dim3A_93 = vector.shape_cast %dot_general3A_86 : vector<64x1xf32> to vector<1x64x1xf32>
    %broadcast_in_dim3A_94 = vector.shape_cast %dot_general3A_92 : vector<1x64xf32> to vector<1x1x64xf32>
    %slice3A_95 = vector.extract_strided_slice %get3A_6 {offsets = [5, 0, 0], sizes = [1, 64, 64], strides = [1, 1, 1]} : vector<40x64x64xf32> to vector<1x64x64xf32>
    %squeeze3A_96 = vector.shape_cast %slice3A_95 : vector<1x64x64xf32> to vector<64x64xf32>
    %slice3A_97 = vector.extract_strided_slice %sub3A {offsets = [5, 0, 0], sizes = [1, 64, 1], strides = [1, 1, 1]} : vector<40x64x1xf32> to vector<1x64x1xf32>
    %squeeze3A_98 = vector.shape_cast %slice3A_97 : vector<1x64x1xf32> to vector<64x1xf32>
    %dot_general3A_99 = arith.constant dense<0.000000e+00> : vector<64x1xf32>
    %dot_general3A_100 = tpu.matmul %squeeze3A_96, %squeeze3A_98, %dot_general3A_99 {dimension_numbers = #tpu.dot_dimension_numbers<[1], [0], [0], [1], [0, 0, 1, 1], [], []>, transpose_lhs_hint = false} : vector<64x64xf32>, vector<64x1xf32>, vector<64x1xf32> -> vector<64x1xf32>
    %slice3A_101 = vector.extract_strided_slice %sub3A {offsets = [5, 0, 0], sizes = [1, 64, 1], strides = [1, 1, 1]} : vector<40x64x1xf32> to vector<1x64x1xf32>
    %squeeze3A_102 = vector.shape_cast %slice3A_101 : vector<1x64x1xf32> to vector<64x1xf32>
    %slice3A_103 = vector.extract_strided_slice %get3A_6 {offsets = [5, 0, 0], sizes = [1, 64, 64], strides = [1, 1, 1]} : vector<40x64x64xf32> to vector<1x64x64xf32>
    %squeeze3A_104 = vector.shape_cast %slice3A_103 : vector<1x64x64xf32> to vector<64x64xf32>
    %dot_general3A_105 = arith.constant dense<0.000000e+00> : vector<1x64xf32>
    %dot_general3A_106 = tpu.matmul %squeeze3A_102, %squeeze3A_104, %dot_general3A_105 {dimension_numbers = #tpu.dot_dimension_numbers<[0], [1], [1], [0], [0, 1, 1, 0], [], []>, transpose_lhs_hint = false} : vector<64x1xf32>, vector<64x64xf32>, vector<1x64xf32> -> vector<1x64xf32>
    %broadcast_in_dim3A_107 = vector.shape_cast %dot_general3A_100 : vector<64x1xf32> to vector<1x64x1xf32>
    %broadcast_in_dim3A_108 = vector.shape_cast %dot_general3A_106 : vector<1x64xf32> to vector<1x1x64xf32>
    %slice3A_109 = vector.extract_strided_slice %get3A_6 {offsets = [6, 0, 0], sizes = [1, 64, 64], strides = [1, 1, 1]} : vector<40x64x64xf32> to vector<1x64x64xf32>
    %squeeze3A_110 = vector.shape_cast %slice3A_109 : vector<1x64x64xf32> to vector<64x64xf32>
    %slice3A_111 = vector.extract_strided_slice %sub3A {offsets = [6, 0, 0], sizes = [1, 64, 1], strides = [1, 1, 1]} : vector<40x64x1xf32> to vector<1x64x1xf32>
    %squeeze3A_112 = vector.shape_cast %slice3A_111 : vector<1x64x1xf32> to vector<64x1xf32>
    %dot_general3A_113 = arith.constant dense<0.000000e+00> : vector<64x1xf32>
    %dot_general3A_114 = tpu.matmul %squeeze3A_110, %squeeze3A_112, %dot_general3A_113 {dimension_numbers = #tpu.dot_dimension_numbers<[1], [0], [0], [1], [0, 0, 1, 1], [], []>, transpose_lhs_hint = false} : vector<64x64xf32>, vector<64x1xf32>, vector<64x1xf32> -> vector<64x1xf32>
    %slice3A_115 = vector.extract_strided_slice %sub3A {offsets = [6, 0, 0], sizes = [1, 64, 1], strides = [1, 1, 1]} : vector<40x64x1xf32> to vector<1x64x1xf32>
    %squeeze3A_116 = vector.shape_cast %slice3A_115 : vector<1x64x1xf32> to vector<64x1xf32>
    %slice3A_117 = vector.extract_strided_slice %get3A_6 {offsets = [6, 0, 0], sizes = [1, 64, 64], strides = [1, 1, 1]} : vector<40x64x64xf32> to vector<1x64x64xf32>
    %squeeze3A_118 = vector.shape_cast %slice3A_117 : vector<1x64x64xf32> to vector<64x64xf32>
    %dot_general3A_119 = arith.constant dense<0.000000e+00> : vector<1x64xf32>
    %dot_general3A_120 = tpu.matmul %squeeze3A_116, %squeeze3A_118, %dot_general3A_119 {dimension_numbers = #tpu.dot_dimension_numbers<[0], [1], [1], [0], [0, 1, 1, 0], [], []>, transpose_lhs_hint = false} : vector<64x1xf32>, vector<64x64xf32>, vector<1x64xf32> -> vector<1x64xf32>
    %broadcast_in_dim3A_121 = vector.shape_cast %dot_general3A_114 : vector<64x1xf32> to vector<1x64x1xf32>
    %broadcast_in_dim3A_122 = vector.shape_cast %dot_general3A_120 : vector<1x64xf32> to vector<1x1x64xf32>
    %slice3A_123 = vector.extract_strided_slice %get3A_6 {offsets = [7, 0, 0], sizes = [1, 64, 64], strides = [1, 1, 1]} : vector<40x64x64xf32> to vector<1x64x64xf32>
    %squeeze3A_124 = vector.shape_cast %slice3A_123 : vector<1x64x64xf32> to vector<64x64xf32>
    %slice3A_125 = vector.extract_strided_slice %sub3A {offsets = [7, 0, 0], sizes = [1, 64, 1], strides = [1, 1, 1]} : vector<40x64x1xf32> to vector<1x64x1xf32>
    %squeeze3A_126 = vector.shape_cast %slice3A_125 : vector<1x64x1xf32> to vector<64x1xf32>
    %dot_general3A_127 = arith.constant dense<0.000000e+00> : vector<64x1xf32>
    %dot_general3A_128 = tpu.matmul %squeeze3A_124, %squeeze3A_126, %dot_general3A_127 {dimension_numbers = #tpu.dot_dimension_numbers<[1], [0], [0], [1], [0, 0, 1, 1], [], []>, transpose_lhs_hint = false} : vector<64x64xf32>, vector<64x1xf32>, vector<64x1xf32> -> vector<64x1xf32>
    %slice3A_129 = vector.extract_strided_slice %sub3A {offsets = [7, 0, 0], sizes = [1, 64, 1], strides = [1, 1, 1]} : vector<40x64x1xf32> to vector<1x64x1xf32>
    %squeeze3A_130 = vector.shape_cast %slice3A_129 : vector<1x64x1xf32> to vector<64x1xf32>
    %slice3A_131 = vector.extract_strided_slice %get3A_6 {offsets = [7, 0, 0], sizes = [1, 64, 64], strides = [1, 1, 1]} : vector<40x64x64xf32> to vector<1x64x64xf32>
    %squeeze3A_132 = vector.shape_cast %slice3A_131 : vector<1x64x64xf32> to vector<64x64xf32>
    %dot_general3A_133 = arith.constant dense<0.000000e+00> : vector<1x64xf32>
    %dot_general3A_134 = tpu.matmul %squeeze3A_130, %squeeze3A_132, %dot_general3A_133 {dimension_numbers = #tpu.dot_dimension_numbers<[0], [1], [1], [0], [0, 1, 1, 0], [], []>, transpose_lhs_hint = false} : vector<64x1xf32>, vector<64x64xf32>, vector<1x64xf32> -> vector<1x64xf32>
    %broadcast_in_dim3A_135 = vector.shape_cast %dot_general3A_128 : vector<64x1xf32> to vector<1x64x1xf32>
    %broadcast_in_dim3A_136 = vector.shape_cast %dot_general3A_134 : vector<1x64xf32> to vector<1x1x64xf32>
    %slice3A_137 = vector.extract_strided_slice %get3A_6 {offsets = [8, 0, 0], sizes = [1, 64, 64], strides = [1, 1, 1]} : vector<40x64x64xf32> to vector<1x64x64xf32>
    %squeeze3A_138 = vector.shape_cast %slice3A_137 : vector<1x64x64xf32> to vector<64x64xf32>
    %slice3A_139 = vector.extract_strided_slice %sub3A {offsets = [8, 0, 0], sizes = [1, 64, 1], strides = [1, 1, 1]} : vector<40x64x1xf32> to vector<1x64x1xf32>
    %squeeze3A_140 = vector.shape_cast %slice3A_139 : vector<1x64x1xf32> to vector<64x1xf32>
    %dot_general3A_141 = arith.constant dense<0.000000e+00> : vector<64x1xf32>
    %dot_general3A_142 = tpu.matmul %squeeze3A_138, %squeeze3A_140, %dot_general3A_141 {dimension_numbers = #tpu.dot_dimension_numbers<[1], [0], [0], [1], [0, 0, 1, 1], [], []>, transpose_lhs_hint = false} : vector<64x64xf32>, vector<64x1xf32>, vector<64x1xf32> -> vector<64x1xf32>
    %slice3A_143 = vector.extract_strided_slice %sub3A {offsets = [8, 0, 0], sizes = [1, 64, 1], strides = [1, 1, 1]} : vector<40x64x1xf32> to vector<1x64x1xf32>
    %squeeze3A_144 = vector.shape_cast %slice3A_143 : vector<1x64x1xf32> to vector<64x1xf32>
    %slice3A_145 = vector.extract_strided_slice %get3A_6 {offsets = [8, 0, 0], sizes = [1, 64, 64], strides = [1, 1, 1]} : vector<40x64x64xf32> to vector<1x64x64xf32>
    %squeeze3A_146 = vector.shape_cast %slice3A_145 : vector<1x64x64xf32> to vector<64x64xf32>
    %dot_general3A_147 = arith.constant dense<0.000000e+00> : vector<1x64xf32>
    %dot_general3A_148 = tpu.matmul %squeeze3A_144, %squeeze3A_146, %dot_general3A_147 {dimension_numbers = #tpu.dot_dimension_numbers<[0], [1], [1], [0], [0, 1, 1, 0], [], []>, transpose_lhs_hint = false} : vector<64x1xf32>, vector<64x64xf32>, vector<1x64xf32> -> vector<1x64xf32>
    %broadcast_in_dim3A_149 = vector.shape_cast %dot_general3A_142 : vector<64x1xf32> to vector<1x64x1xf32>
    %broadcast_in_dim3A_150 = vector.shape_cast %dot_general3A_148 : vector<1x64xf32> to vector<1x1x64xf32>
    %slice3A_151 = vector.extract_strided_slice %get3A_6 {offsets = [9, 0, 0], sizes = [1, 64, 64], strides = [1, 1, 1]} : vector<40x64x64xf32> to vector<1x64x64xf32>
    %squeeze3A_152 = vector.shape_cast %slice3A_151 : vector<1x64x64xf32> to vector<64x64xf32>
    %slice3A_153 = vector.extract_strided_slice %sub3A {offsets = [9, 0, 0], sizes = [1, 64, 1], strides = [1, 1, 1]} : vector<40x64x1xf32> to vector<1x64x1xf32>
    %squeeze3A_154 = vector.shape_cast %slice3A_153 : vector<1x64x1xf32> to vector<64x1xf32>
    %dot_general3A_155 = arith.constant dense<0.000000e+00> : vector<64x1xf32>
    %dot_general3A_156 = tpu.matmul %squeeze3A_152, %squeeze3A_154, %dot_general3A_155 {dimension_numbers = #tpu.dot_dimension_numbers<[1], [0], [0], [1], [0, 0, 1, 1], [], []>, transpose_lhs_hint = false} : vector<64x64xf32>, vector<64x1xf32>, vector<64x1xf32> -> vector<64x1xf32>
    %slice3A_157 = vector.extract_strided_slice %sub3A {offsets = [9, 0, 0], sizes = [1, 64, 1], strides = [1, 1, 1]} : vector<40x64x1xf32> to vector<1x64x1xf32>
    %squeeze3A_158 = vector.shape_cast %slice3A_157 : vector<1x64x1xf32> to vector<64x1xf32>
    %slice3A_159 = vector.extract_strided_slice %get3A_6 {offsets = [9, 0, 0], sizes = [1, 64, 64], strides = [1, 1, 1]} : vector<40x64x64xf32> to vector<1x64x64xf32>
    %squeeze3A_160 = vector.shape_cast %slice3A_159 : vector<1x64x64xf32> to vector<64x64xf32>
    %dot_general3A_161 = arith.constant dense<0.000000e+00> : vector<1x64xf32>
    %dot_general3A_162 = tpu.matmul %squeeze3A_158, %squeeze3A_160, %dot_general3A_161 {dimension_numbers = #tpu.dot_dimension_numbers<[0], [1], [1], [0], [0, 1, 1, 0], [], []>, transpose_lhs_hint = false} : vector<64x1xf32>, vector<64x64xf32>, vector<1x64xf32> -> vector<1x64xf32>
    %broadcast_in_dim3A_163 = vector.shape_cast %dot_general3A_156 : vector<64x1xf32> to vector<1x64x1xf32>
    %broadcast_in_dim3A_164 = vector.shape_cast %dot_general3A_162 : vector<1x64xf32> to vector<1x1x64xf32>
    %slice3A_165 = vector.extract_strided_slice %get3A_6 {offsets = [10, 0, 0], sizes = [1, 64, 64], strides = [1, 1, 1]} : vector<40x64x64xf32> to vector<1x64x64xf32>
    %squeeze3A_166 = vector.shape_cast %slice3A_165 : vector<1x64x64xf32> to vector<64x64xf32>
    %slice3A_167 = vector.extract_strided_slice %sub3A {offsets = [10, 0, 0], sizes = [1, 64, 1], strides = [1, 1, 1]} : vector<40x64x1xf32> to vector<1x64x1xf32>
    %squeeze3A_168 = vector.shape_cast %slice3A_167 : vector<1x64x1xf32> to vector<64x1xf32>
    %dot_general3A_169 = arith.constant dense<0.000000e+00> : vector<64x1xf32>
    %dot_general3A_170 = tpu.matmul %squeeze3A_166, %squeeze3A_168, %dot_general3A_169 {dimension_numbers = #tpu.dot_dimension_numbers<[1], [0], [0], [1], [0, 0, 1, 1], [], []>, transpose_lhs_hint = false} : vector<64x64xf32>, vector<64x1xf32>, vector<64x1xf32> -> vector<64x1xf32>
    %slice3A_171 = vector.extract_strided_slice %sub3A {offsets = [10, 0, 0], sizes = [1, 64, 1], strides = [1, 1, 1]} : vector<40x64x1xf32> to vector<1x64x1xf32>
    %squeeze3A_172 = vector.shape_cast %slice3A_171 : vector<1x64x1xf32> to vector<64x1xf32>
    %slice3A_173 = vector.extract_strided_slice %get3A_6 {offsets = [10, 0, 0], sizes = [1, 64, 64], strides = [1, 1, 1]} : vector<40x64x64xf32> to vector<1x64x64xf32>
    %squeeze3A_174 = vector.shape_cast %slice3A_173 : vector<1x64x64xf32> to vector<64x64xf32>
    %dot_general3A_175 = arith.constant dense<0.000000e+00> : vector<1x64xf32>
    %dot_general3A_176 = tpu.matmul %squeeze3A_172, %squeeze3A_174, %dot_general3A_175 {dimension_numbers = #tpu.dot_dimension_numbers<[0], [1], [1], [0], [0, 1, 1, 0], [], []>, transpose_lhs_hint = false} : vector<64x1xf32>, vector<64x64xf32>, vector<1x64xf32> -> vector<1x64xf32>
    %broadcast_in_dim3A_177 = vector.shape_cast %dot_general3A_170 : vector<64x1xf32> to vector<1x64x1xf32>
    %broadcast_in_dim3A_178 = vector.shape_cast %dot_general3A_176 : vector<1x64xf32> to vector<1x1x64xf32>
    %slice3A_179 = vector.extract_strided_slice %get3A_6 {offsets = [11, 0, 0], sizes = [1, 64, 64], strides = [1, 1, 1]} : vector<40x64x64xf32> to vector<1x64x64xf32>
    %squeeze3A_180 = vector.shape_cast %slice3A_179 : vector<1x64x64xf32> to vector<64x64xf32>
    %slice3A_181 = vector.extract_strided_slice %sub3A {offsets = [11, 0, 0], sizes = [1, 64, 1], strides = [1, 1, 1]} : vector<40x64x1xf32> to vector<1x64x1xf32>
    %squeeze3A_182 = vector.shape_cast %slice3A_181 : vector<1x64x1xf32> to vector<64x1xf32>
    %dot_general3A_183 = arith.constant dense<0.000000e+00> : vector<64x1xf32>
    %dot_general3A_184 = tpu.matmul %squeeze3A_180, %squeeze3A_182, %dot_general3A_183 {dimension_numbers = #tpu.dot_dimension_numbers<[1], [0], [0], [1], [0, 0, 1, 1], [], []>, transpose_lhs_hint = false} : vector<64x64xf32>, vector<64x1xf32>, vector<64x1xf32> -> vector<64x1xf32>
    %slice3A_185 = vector.extract_strided_slice %sub3A {offsets = [11, 0, 0], sizes = [1, 64, 1], strides = [1, 1, 1]} : vector<40x64x1xf32> to vector<1x64x1xf32>
    %squeeze3A_186 = vector.shape_cast %slice3A_185 : vector<1x64x1xf32> to vector<64x1xf32>
    %slice3A_187 = vector.extract_strided_slice %get3A_6 {offsets = [11, 0, 0], sizes = [1, 64, 64], strides = [1, 1, 1]} : vector<40x64x64xf32> to vector<1x64x64xf32>
    %squeeze3A_188 = vector.shape_cast %slice3A_187 : vector<1x64x64xf32> to vector<64x64xf32>
    %dot_general3A_189 = arith.constant dense<0.000000e+00> : vector<1x64xf32>
    %dot_general3A_190 = tpu.matmul %squeeze3A_186, %squeeze3A_188, %dot_general3A_189 {dimension_numbers = #tpu.dot_dimension_numbers<[0], [1], [1], [0], [0, 1, 1, 0], [], []>, transpose_lhs_hint = false} : vector<64x1xf32>, vector<64x64xf32>, vector<1x64xf32> -> vector<1x64xf32>
    %broadcast_in_dim3A_191 = vector.shape_cast %dot_general3A_184 : vector<64x1xf32> to vector<1x64x1xf32>
    %broadcast_in_dim3A_192 = vector.shape_cast %dot_general3A_190 : vector<1x64xf32> to vector<1x1x64xf32>
    %slice3A_193 = vector.extract_strided_slice %get3A_6 {offsets = [12, 0, 0], sizes = [1, 64, 64], strides = [1, 1, 1]} : vector<40x64x64xf32> to vector<1x64x64xf32>
    %squeeze3A_194 = vector.shape_cast %slice3A_193 : vector<1x64x64xf32> to vector<64x64xf32>
    %slice3A_195 = vector.extract_strided_slice %sub3A {offsets = [12, 0, 0], sizes = [1, 64, 1], strides = [1, 1, 1]} : vector<40x64x1xf32> to vector<1x64x1xf32>
    %squeeze3A_196 = vector.shape_cast %slice3A_195 : vector<1x64x1xf32> to vector<64x1xf32>
    %dot_general3A_197 = arith.constant dense<0.000000e+00> : vector<64x1xf32>
    %dot_general3A_198 = tpu.matmul %squeeze3A_194, %squeeze3A_196, %dot_general3A_197 {dimension_numbers = #tpu.dot_dimension_numbers<[1], [0], [0], [1], [0, 0, 1, 1], [], []>, transpose_lhs_hint = false} : vector<64x64xf32>, vector<64x1xf32>, vector<64x1xf32> -> vector<64x1xf32>
    %slice3A_199 = vector.extract_strided_slice %sub3A {offsets = [12, 0, 0], sizes = [1, 64, 1], strides = [1, 1, 1]} : vector<40x64x1xf32> to vector<1x64x1xf32>
    %squeeze3A_200 = vector.shape_cast %slice3A_199 : vector<1x64x1xf32> to vector<64x1xf32>
    %slice3A_201 = vector.extract_strided_slice %get3A_6 {offsets = [12, 0, 0], sizes = [1, 64, 64], strides = [1, 1, 1]} : vector<40x64x64xf32> to vector<1x64x64xf32>
    %squeeze3A_202 = vector.shape_cast %slice3A_201 : vector<1x64x64xf32> to vector<64x64xf32>
    %dot_general3A_203 = arith.constant dense<0.000000e+00> : vector<1x64xf32>
    %dot_general3A_204 = tpu.matmul %squeeze3A_200, %squeeze3A_202, %dot_general3A_203 {dimension_numbers = #tpu.dot_dimension_numbers<[0], [1], [1], [0], [0, 1, 1, 0], [], []>, transpose_lhs_hint = false} : vector<64x1xf32>, vector<64x64xf32>, vector<1x64xf32> -> vector<1x64xf32>
    %broadcast_in_dim3A_205 = vector.shape_cast %dot_general3A_198 : vector<64x1xf32> to vector<1x64x1xf32>
    %broadcast_in_dim3A_206 = vector.shape_cast %dot_general3A_204 : vector<1x64xf32> to vector<1x1x64xf32>
    %slice3A_207 = vector.extract_strided_slice %get3A_6 {offsets = [13, 0, 0], sizes = [1, 64, 64], strides = [1, 1, 1]} : vector<40x64x64xf32> to vector<1x64x64xf32>
    %squeeze3A_208 = vector.shape_cast %slice3A_207 : vector<1x64x64xf32> to vector<64x64xf32>
    %slice3A_209 = vector.extract_strided_slice %sub3A {offsets = [13, 0, 0], sizes = [1, 64, 1], strides = [1, 1, 1]} : vector<40x64x1xf32> to vector<1x64x1xf32>
    %squeeze3A_210 = vector.shape_cast %slice3A_209 : vector<1x64x1xf32> to vector<64x1xf32>
    %dot_general3A_211 = arith.constant dense<0.000000e+00> : vector<64x1xf32>
    %dot_general3A_212 = tpu.matmul %squeeze3A_208, %squeeze3A_210, %dot_general3A_211 {dimension_numbers = #tpu.dot_dimension_numbers<[1], [0], [0], [1], [0, 0, 1, 1], [], []>, transpose_lhs_hint = false} : vector<64x64xf32>, vector<64x1xf32>, vector<64x1xf32> -> vector<64x1xf32>
    %slice3A_213 = vector.extract_strided_slice %sub3A {offsets = [13, 0, 0], sizes = [1, 64, 1], strides = [1, 1, 1]} : vector<40x64x1xf32> to vector<1x64x1xf32>
    %squeeze3A_214 = vector.shape_cast %slice3A_213 : vector<1x64x1xf32> to vector<64x1xf32>
    %slice3A_215 = vector.extract_strided_slice %get3A_6 {offsets = [13, 0, 0], sizes = [1, 64, 64], strides = [1, 1, 1]} : vector<40x64x64xf32> to vector<1x64x64xf32>
    %squeeze3A_216 = vector.shape_cast %slice3A_215 : vector<1x64x64xf32> to vector<64x64xf32>
    %dot_general3A_217 = arith.constant dense<0.000000e+00> : vector<1x64xf32>
    %dot_general3A_218 = tpu.matmul %squeeze3A_214, %squeeze3A_216, %dot_general3A_217 {dimension_numbers = #tpu.dot_dimension_numbers<[0], [1], [1], [0], [0, 1, 1, 0], [], []>, transpose_lhs_hint = false} : vector<64x1xf32>, vector<64x64xf32>, vector<1x64xf32> -> vector<1x64xf32>
    %broadcast_in_dim3A_219 = vector.shape_cast %dot_general3A_212 : vector<64x1xf32> to vector<1x64x1xf32>
    %broadcast_in_dim3A_220 = vector.shape_cast %dot_general3A_218 : vector<1x64xf32> to vector<1x1x64xf32>
    %slice3A_221 = vector.extract_strided_slice %get3A_6 {offsets = [14, 0, 0], sizes = [1, 64, 64], strides = [1, 1, 1]} : vector<40x64x64xf32> to vector<1x64x64xf32>
    %squeeze3A_222 = vector.shape_cast %slice3A_221 : vector<1x64x64xf32> to vector<64x64xf32>
    %slice3A_223 = vector.extract_strided_slice %sub3A {offsets = [14, 0, 0], sizes = [1, 64, 1], strides = [1, 1, 1]} : vector<40x64x1xf32> to vector<1x64x1xf32>
    %squeeze3A_224 = vector.shape_cast %slice3A_223 : vector<1x64x1xf32> to vector<64x1xf32>
    %dot_general3A_225 = arith.constant dense<0.000000e+00> : vector<64x1xf32>
    %dot_general3A_226 = tpu.matmul %squeeze3A_222, %squeeze3A_224, %dot_general3A_225 {dimension_numbers = #tpu.dot_dimension_numbers<[1], [0], [0], [1], [0, 0, 1, 1], [], []>, transpose_lhs_hint = false} : vector<64x64xf32>, vector<64x1xf32>, vector<64x1xf32> -> vector<64x1xf32>
    %slice3A_227 = vector.extract_strided_slice %sub3A {offsets = [14, 0, 0], sizes = [1, 64, 1], strides = [1, 1, 1]} : vector<40x64x1xf32> to vector<1x64x1xf32>
    %squeeze3A_228 = vector.shape_cast %slice3A_227 : vector<1x64x1xf32> to vector<64x1xf32>
    %slice3A_229 = vector.extract_strided_slice %get3A_6 {offsets = [14, 0, 0], sizes = [1, 64, 64], strides = [1, 1, 1]} : vector<40x64x64xf32> to vector<1x64x64xf32>
    %squeeze3A_230 = vector.shape_cast %slice3A_229 : vector<1x64x64xf32> to vector<64x64xf32>
    %dot_general3A_231 = arith.constant dense<0.000000e+00> : vector<1x64xf32>
    %dot_general3A_232 = tpu.matmul %squeeze3A_228, %squeeze3A_230, %dot_general3A_231 {dimension_numbers = #tpu.dot_dimension_numbers<[0], [1], [1], [0], [0, 1, 1, 0], [], []>, transpose_lhs_hint = false} : vector<64x1xf32>, vector<64x64xf32>, vector<1x64xf32> -> vector<1x64xf32>
    %broadcast_in_dim3A_233 = vector.shape_cast %dot_general3A_226 : vector<64x1xf32> to vector<1x64x1xf32>
    %broadcast_in_dim3A_234 = vector.shape_cast %dot_general3A_232 : vector<1x64xf32> to vector<1x1x64xf32>
    %slice3A_235 = vector.extract_strided_slice %get3A_6 {offsets = [15, 0, 0], sizes = [1, 64, 64], strides = [1, 1, 1]} : vector<40x64x64xf32> to vector<1x64x64xf32>
    %squeeze3A_236 = vector.shape_cast %slice3A_235 : vector<1x64x64xf32> to vector<64x64xf32>
    %slice3A_237 = vector.extract_strided_slice %sub3A {offsets = [15, 0, 0], sizes = [1, 64, 1], strides = [1, 1, 1]} : vector<40x64x1xf32> to vector<1x64x1xf32>
    %squeeze3A_238 = vector.shape_cast %slice3A_237 : vector<1x64x1xf32> to vector<64x1xf32>
    %dot_general3A_239 = arith.constant dense<0.000000e+00> : vector<64x1xf32>
    %dot_general3A_240 = tpu.matmul %squeeze3A_236, %squeeze3A_238, %dot_general3A_239 {dimension_numbers = #tpu.dot_dimension_numbers<[1], [0], [0], [1], [0, 0, 1, 1], [], []>, transpose_lhs_hint = false} : vector<64x64xf32>, vector<64x1xf32>, vector<64x1xf32> -> vector<64x1xf32>
    %slice3A_241 = vector.extract_strided_slice %sub3A {offsets = [15, 0, 0], sizes = [1, 64, 1], strides = [1, 1, 1]} : vector<40x64x1xf32> to vector<1x64x1xf32>
    %squeeze3A_242 = vector.shape_cast %slice3A_241 : vector<1x64x1xf32> to vector<64x1xf32>
    %slice3A_243 = vector.extract_strided_slice %get3A_6 {offsets = [15, 0, 0], sizes = [1, 64, 64], strides = [1, 1, 1]} : vector<40x64x64xf32> to vector<1x64x64xf32>
    %squeeze3A_244 = vector.shape_cast %slice3A_243 : vector<1x64x64xf32> to vector<64x64xf32>
    %dot_general3A_245 = arith.constant dense<0.000000e+00> : vector<1x64xf32>
    %dot_general3A_246 = tpu.matmul %squeeze3A_242, %squeeze3A_244, %dot_general3A_245 {dimension_numbers = #tpu.dot_dimension_numbers<[0], [1], [1], [0], [0, 1, 1, 0], [], []>, transpose_lhs_hint = false} : vector<64x1xf32>, vector<64x64xf32>, vector<1x64xf32> -> vector<1x64xf32>
    %broadcast_in_dim3A_247 = vector.shape_cast %dot_general3A_240 : vector<64x1xf32> to vector<1x64x1xf32>
    %broadcast_in_dim3A_248 = vector.shape_cast %dot_general3A_246 : vector<1x64xf32> to vector<1x1x64xf32>
    %slice3A_249 = vector.extract_strided_slice %get3A_6 {offsets = [16, 0, 0], sizes = [1, 64, 64], strides = [1, 1, 1]} : vector<40x64x64xf32> to vector<1x64x64xf32>
    %squeeze3A_250 = vector.shape_cast %slice3A_249 : vector<1x64x64xf32> to vector<64x64xf32>
    %slice3A_251 = vector.extract_strided_slice %sub3A {offsets = [16, 0, 0], sizes = [1, 64, 1], strides = [1, 1, 1]} : vector<40x64x1xf32> to vector<1x64x1xf32>
    %squeeze3A_252 = vector.shape_cast %slice3A_251 : vector<1x64x1xf32> to vector<64x1xf32>
    %dot_general3A_253 = arith.constant dense<0.000000e+00> : vector<64x1xf32>
    %dot_general3A_254 = tpu.matmul %squeeze3A_250, %squeeze3A_252, %dot_general3A_253 {dimension_numbers = #tpu.dot_dimension_numbers<[1], [0], [0], [1], [0, 0, 1, 1], [], []>, transpose_lhs_hint = false} : vector<64x64xf32>, vector<64x1xf32>, vector<64x1xf32> -> vector<64x1xf32>
    %slice3A_255 = vector.extract_strided_slice %sub3A {offsets = [16, 0, 0], sizes = [1, 64, 1], strides = [1, 1, 1]} : vector<40x64x1xf32> to vector<1x64x1xf32>
    %squeeze3A_256 = vector.shape_cast %slice3A_255 : vector<1x64x1xf32> to vector<64x1xf32>
    %slice3A_257 = vector.extract_strided_slice %get3A_6 {offsets = [16, 0, 0], sizes = [1, 64, 64], strides = [1, 1, 1]} : vector<40x64x64xf32> to vector<1x64x64xf32>
    %squeeze3A_258 = vector.shape_cast %slice3A_257 : vector<1x64x64xf32> to vector<64x64xf32>
    %dot_general3A_259 = arith.constant dense<0.000000e+00> : vector<1x64xf32>
    %dot_general3A_260 = tpu.matmul %squeeze3A_256, %squeeze3A_258, %dot_general3A_259 {dimension_numbers = #tpu.dot_dimension_numbers<[0], [1], [1], [0], [0, 1, 1, 0], [], []>, transpose_lhs_hint = false} : vector<64x1xf32>, vector<64x64xf32>, vector<1x64xf32> -> vector<1x64xf32>
    %broadcast_in_dim3A_261 = vector.shape_cast %dot_general3A_254 : vector<64x1xf32> to vector<1x64x1xf32>
    %broadcast_in_dim3A_262 = vector.shape_cast %dot_general3A_260 : vector<1x64xf32> to vector<1x1x64xf32>
    %slice3A_263 = vector.extract_strided_slice %get3A_6 {offsets = [17, 0, 0], sizes = [1, 64, 64], strides = [1, 1, 1]} : vector<40x64x64xf32> to vector<1x64x64xf32>
    %squeeze3A_264 = vector.shape_cast %slice3A_263 : vector<1x64x64xf32> to vector<64x64xf32>
    %slice3A_265 = vector.extract_strided_slice %sub3A {offsets = [17, 0, 0], sizes = [1, 64, 1], strides = [1, 1, 1]} : vector<40x64x1xf32> to vector<1x64x1xf32>
    %squeeze3A_266 = vector.shape_cast %slice3A_265 : vector<1x64x1xf32> to vector<64x1xf32>
    %dot_general3A_267 = arith.constant dense<0.000000e+00> : vector<64x1xf32>
    %dot_general3A_268 = tpu.matmul %squeeze3A_264, %squeeze3A_266, %dot_general3A_267 {dimension_numbers = #tpu.dot_dimension_numbers<[1], [0], [0], [1], [0, 0, 1, 1], [], []>, transpose_lhs_hint = false} : vector<64x64xf32>, vector<64x1xf32>, vector<64x1xf32> -> vector<64x1xf32>
    %slice3A_269 = vector.extract_strided_slice %sub3A {offsets = [17, 0, 0], sizes = [1, 64, 1], strides = [1, 1, 1]} : vector<40x64x1xf32> to vector<1x64x1xf32>
    %squeeze3A_270 = vector.shape_cast %slice3A_269 : vector<1x64x1xf32> to vector<64x1xf32>
    %slice3A_271 = vector.extract_strided_slice %get3A_6 {offsets = [17, 0, 0], sizes = [1, 64, 64], strides = [1, 1, 1]} : vector<40x64x64xf32> to vector<1x64x64xf32>
    %squeeze3A_272 = vector.shape_cast %slice3A_271 : vector<1x64x64xf32> to vector<64x64xf32>
    %dot_general3A_273 = arith.constant dense<0.000000e+00> : vector<1x64xf32>
    %dot_general3A_274 = tpu.matmul %squeeze3A_270, %squeeze3A_272, %dot_general3A_273 {dimension_numbers = #tpu.dot_dimension_numbers<[0], [1], [1], [0], [0, 1, 1, 0], [], []>, transpose_lhs_hint = false} : vector<64x1xf32>, vector<64x64xf32>, vector<1x64xf32> -> vector<1x64xf32>
    %broadcast_in_dim3A_275 = vector.shape_cast %dot_general3A_268 : vector<64x1xf32> to vector<1x64x1xf32>
    %broadcast_in_dim3A_276 = vector.shape_cast %dot_general3A_274 : vector<1x64xf32> to vector<1x1x64xf32>
    %slice3A_277 = vector.extract_strided_slice %get3A_6 {offsets = [18, 0, 0], sizes = [1, 64, 64], strides = [1, 1, 1]} : vector<40x64x64xf32> to vector<1x64x64xf32>
    %squeeze3A_278 = vector.shape_cast %slice3A_277 : vector<1x64x64xf32> to vector<64x64xf32>
    %slice3A_279 = vector.extract_strided_slice %sub3A {offsets = [18, 0, 0], sizes = [1, 64, 1], strides = [1, 1, 1]} : vector<40x64x1xf32> to vector<1x64x1xf32>
    %squeeze3A_280 = vector.shape_cast %slice3A_279 : vector<1x64x1xf32> to vector<64x1xf32>
    %dot_general3A_281 = arith.constant dense<0.000000e+00> : vector<64x1xf32>
    %dot_general3A_282 = tpu.matmul %squeeze3A_278, %squeeze3A_280, %dot_general3A_281 {dimension_numbers = #tpu.dot_dimension_numbers<[1], [0], [0], [1], [0, 0, 1, 1], [], []>, transpose_lhs_hint = false} : vector<64x64xf32>, vector<64x1xf32>, vector<64x1xf32> -> vector<64x1xf32>
    %slice3A_283 = vector.extract_strided_slice %sub3A {offsets = [18, 0, 0], sizes = [1, 64, 1], strides = [1, 1, 1]} : vector<40x64x1xf32> to vector<1x64x1xf32>
    %squeeze3A_284 = vector.shape_cast %slice3A_283 : vector<1x64x1xf32> to vector<64x1xf32>
    %slice3A_285 = vector.extract_strided_slice %get3A_6 {offsets = [18, 0, 0], sizes = [1, 64, 64], strides = [1, 1, 1]} : vector<40x64x64xf32> to vector<1x64x64xf32>
    %squeeze3A_286 = vector.shape_cast %slice3A_285 : vector<1x64x64xf32> to vector<64x64xf32>
    %dot_general3A_287 = arith.constant dense<0.000000e+00> : vector<1x64xf32>
    %dot_general3A_288 = tpu.matmul %squeeze3A_284, %squeeze3A_286, %dot_general3A_287 {dimension_numbers = #tpu.dot_dimension_numbers<[0], [1], [1], [0], [0, 1, 1, 0], [], []>, transpose_lhs_hint = false} : vector<64x1xf32>, vector<64x64xf32>, vector<1x64xf32> -> vector<1x64xf32>
    %broadcast_in_dim3A_289 = vector.shape_cast %dot_general3A_282 : vector<64x1xf32> to vector<1x64x1xf32>
    %broadcast_in_dim3A_290 = vector.shape_cast %dot_general3A_288 : vector<1x64xf32> to vector<1x1x64xf32>
    %slice3A_291 = vector.extract_strided_slice %get3A_6 {offsets = [19, 0, 0], sizes = [1, 64, 64], strides = [1, 1, 1]} : vector<40x64x64xf32> to vector<1x64x64xf32>
    %squeeze3A_292 = vector.shape_cast %slice3A_291 : vector<1x64x64xf32> to vector<64x64xf32>
    %slice3A_293 = vector.extract_strided_slice %sub3A {offsets = [19, 0, 0], sizes = [1, 64, 1], strides = [1, 1, 1]} : vector<40x64x1xf32> to vector<1x64x1xf32>
    %squeeze3A_294 = vector.shape_cast %slice3A_293 : vector<1x64x1xf32> to vector<64x1xf32>
    %dot_general3A_295 = arith.constant dense<0.000000e+00> : vector<64x1xf32>
    %dot_general3A_296 = tpu.matmul %squeeze3A_292, %squeeze3A_294, %dot_general3A_295 {dimension_numbers = #tpu.dot_dimension_numbers<[1], [0], [0], [1], [0, 0, 1, 1], [], []>, transpose_lhs_hint = false} : vector<64x64xf32>, vector<64x1xf32>, vector<64x1xf32> -> vector<64x1xf32>
    %slice3A_297 = vector.extract_strided_slice %sub3A {offsets = [19, 0, 0], sizes = [1, 64, 1], strides = [1, 1, 1]} : vector<40x64x1xf32> to vector<1x64x1xf32>
    %squeeze3A_298 = vector.shape_cast %slice3A_297 : vector<1x64x1xf32> to vector<64x1xf32>
    %slice3A_299 = vector.extract_strided_slice %get3A_6 {offsets = [19, 0, 0], sizes = [1, 64, 64], strides = [1, 1, 1]} : vector<40x64x64xf32> to vector<1x64x64xf32>
    %squeeze3A_300 = vector.shape_cast %slice3A_299 : vector<1x64x64xf32> to vector<64x64xf32>
    %dot_general3A_301 = arith.constant dense<0.000000e+00> : vector<1x64xf32>
    %dot_general3A_302 = tpu.matmul %squeeze3A_298, %squeeze3A_300, %dot_general3A_301 {dimension_numbers = #tpu.dot_dimension_numbers<[0], [1], [1], [0], [0, 1, 1, 0], [], []>, transpose_lhs_hint = false} : vector<64x1xf32>, vector<64x64xf32>, vector<1x64xf32> -> vector<1x64xf32>
    %broadcast_in_dim3A_303 = vector.shape_cast %dot_general3A_296 : vector<64x1xf32> to vector<1x64x1xf32>
    %broadcast_in_dim3A_304 = vector.shape_cast %dot_general3A_302 : vector<1x64xf32> to vector<1x1x64xf32>
    %slice3A_305 = vector.extract_strided_slice %get3A_6 {offsets = [20, 0, 0], sizes = [1, 64, 64], strides = [1, 1, 1]} : vector<40x64x64xf32> to vector<1x64x64xf32>
    %squeeze3A_306 = vector.shape_cast %slice3A_305 : vector<1x64x64xf32> to vector<64x64xf32>
    %slice3A_307 = vector.extract_strided_slice %sub3A {offsets = [20, 0, 0], sizes = [1, 64, 1], strides = [1, 1, 1]} : vector<40x64x1xf32> to vector<1x64x1xf32>
    %squeeze3A_308 = vector.shape_cast %slice3A_307 : vector<1x64x1xf32> to vector<64x1xf32>
    %dot_general3A_309 = arith.constant dense<0.000000e+00> : vector<64x1xf32>
    %dot_general3A_310 = tpu.matmul %squeeze3A_306, %squeeze3A_308, %dot_general3A_309 {dimension_numbers = #tpu.dot_dimension_numbers<[1], [0], [0], [1], [0, 0, 1, 1], [], []>, transpose_lhs_hint = false} : vector<64x64xf32>, vector<64x1xf32>, vector<64x1xf32> -> vector<64x1xf32>
    %slice3A_311 = vector.extract_strided_slice %sub3A {offsets = [20, 0, 0], sizes = [1, 64, 1], strides = [1, 1, 1]} : vector<40x64x1xf32> to vector<1x64x1xf32>
    %squeeze3A_312 = vector.shape_cast %slice3A_311 : vector<1x64x1xf32> to vector<64x1xf32>
    %slice3A_313 = vector.extract_strided_slice %get3A_6 {offsets = [20, 0, 0], sizes = [1, 64, 64], strides = [1, 1, 1]} : vector<40x64x64xf32> to vector<1x64x64xf32>
    %squeeze3A_314 = vector.shape_cast %slice3A_313 : vector<1x64x64xf32> to vector<64x64xf32>
    %dot_general3A_315 = arith.constant dense<0.000000e+00> : vector<1x64xf32>
    %dot_general3A_316 = tpu.matmul %squeeze3A_312, %squeeze3A_314, %dot_general3A_315 {dimension_numbers = #tpu.dot_dimension_numbers<[0], [1], [1], [0], [0, 1, 1, 0], [], []>, transpose_lhs_hint = false} : vector<64x1xf32>, vector<64x64xf32>, vector<1x64xf32> -> vector<1x64xf32>
    %broadcast_in_dim3A_317 = vector.shape_cast %dot_general3A_310 : vector<64x1xf32> to vector<1x64x1xf32>
    %broadcast_in_dim3A_318 = vector.shape_cast %dot_general3A_316 : vector<1x64xf32> to vector<1x1x64xf32>
    %slice3A_319 = vector.extract_strided_slice %get3A_6 {offsets = [21, 0, 0], sizes = [1, 64, 64], strides = [1, 1, 1]} : vector<40x64x64xf32> to vector<1x64x64xf32>
    %squeeze3A_320 = vector.shape_cast %slice3A_319 : vector<1x64x64xf32> to vector<64x64xf32>
    %slice3A_321 = vector.extract_strided_slice %sub3A {offsets = [21, 0, 0], sizes = [1, 64, 1], strides = [1, 1, 1]} : vector<40x64x1xf32> to vector<1x64x1xf32>
    %squeeze3A_322 = vector.shape_cast %slice3A_321 : vector<1x64x1xf32> to vector<64x1xf32>
    %dot_general3A_323 = arith.constant dense<0.000000e+00> : vector<64x1xf32>
    %dot_general3A_324 = tpu.matmul %squeeze3A_320, %squeeze3A_322, %dot_general3A_323 {dimension_numbers = #tpu.dot_dimension_numbers<[1], [0], [0], [1], [0, 0, 1, 1], [], []>, transpose_lhs_hint = false} : vector<64x64xf32>, vector<64x1xf32>, vector<64x1xf32> -> vector<64x1xf32>
    %slice3A_325 = vector.extract_strided_slice %sub3A {offsets = [21, 0, 0], sizes = [1, 64, 1], strides = [1, 1, 1]} : vector<40x64x1xf32> to vector<1x64x1xf32>
    %squeeze3A_326 = vector.shape_cast %slice3A_325 : vector<1x64x1xf32> to vector<64x1xf32>
    %slice3A_327 = vector.extract_strided_slice %get3A_6 {offsets = [21, 0, 0], sizes = [1, 64, 64], strides = [1, 1, 1]} : vector<40x64x64xf32> to vector<1x64x64xf32>
    %squeeze3A_328 = vector.shape_cast %slice3A_327 : vector<1x64x64xf32> to vector<64x64xf32>
    %dot_general3A_329 = arith.constant dense<0.000000e+00> : vector<1x64xf32>
    %dot_general3A_330 = tpu.matmul %squeeze3A_326, %squeeze3A_328, %dot_general3A_329 {dimension_numbers = #tpu.dot_dimension_numbers<[0], [1], [1], [0], [0, 1, 1, 0], [], []>, transpose_lhs_hint = false} : vector<64x1xf32>, vector<64x64xf32>, vector<1x64xf32> -> vector<1x64xf32>
    %broadcast_in_dim3A_331 = vector.shape_cast %dot_general3A_324 : vector<64x1xf32> to vector<1x64x1xf32>
    %broadcast_in_dim3A_332 = vector.shape_cast %dot_general3A_330 : vector<1x64xf32> to vector<1x1x64xf32>
    %slice3A_333 = vector.extract_strided_slice %get3A_6 {offsets = [22, 0, 0], sizes = [1, 64, 64], strides = [1, 1, 1]} : vector<40x64x64xf32> to vector<1x64x64xf32>
    %squeeze3A_334 = vector.shape_cast %slice3A_333 : vector<1x64x64xf32> to vector<64x64xf32>
    %slice3A_335 = vector.extract_strided_slice %sub3A {offsets = [22, 0, 0], sizes = [1, 64, 1], strides = [1, 1, 1]} : vector<40x64x1xf32> to vector<1x64x1xf32>
    %squeeze3A_336 = vector.shape_cast %slice3A_335 : vector<1x64x1xf32> to vector<64x1xf32>
    %dot_general3A_337 = arith.constant dense<0.000000e+00> : vector<64x1xf32>
    %dot_general3A_338 = tpu.matmul %squeeze3A_334, %squeeze3A_336, %dot_general3A_337 {dimension_numbers = #tpu.dot_dimension_numbers<[1], [0], [0], [1], [0, 0, 1, 1], [], []>, transpose_lhs_hint = false} : vector<64x64xf32>, vector<64x1xf32>, vector<64x1xf32> -> vector<64x1xf32>
    %slice3A_339 = vector.extract_strided_slice %sub3A {offsets = [22, 0, 0], sizes = [1, 64, 1], strides = [1, 1, 1]} : vector<40x64x1xf32> to vector<1x64x1xf32>
    %squeeze3A_340 = vector.shape_cast %slice3A_339 : vector<1x64x1xf32> to vector<64x1xf32>
    %slice3A_341 = vector.extract_strided_slice %get3A_6 {offsets = [22, 0, 0], sizes = [1, 64, 64], strides = [1, 1, 1]} : vector<40x64x64xf32> to vector<1x64x64xf32>
    %squeeze3A_342 = vector.shape_cast %slice3A_341 : vector<1x64x64xf32> to vector<64x64xf32>
    %dot_general3A_343 = arith.constant dense<0.000000e+00> : vector<1x64xf32>
    %dot_general3A_344 = tpu.matmul %squeeze3A_340, %squeeze3A_342, %dot_general3A_343 {dimension_numbers = #tpu.dot_dimension_numbers<[0], [1], [1], [0], [0, 1, 1, 0], [], []>, transpose_lhs_hint = false} : vector<64x1xf32>, vector<64x64xf32>, vector<1x64xf32> -> vector<1x64xf32>
    %broadcast_in_dim3A_345 = vector.shape_cast %dot_general3A_338 : vector<64x1xf32> to vector<1x64x1xf32>
    %broadcast_in_dim3A_346 = vector.shape_cast %dot_general3A_344 : vector<1x64xf32> to vector<1x1x64xf32>
    %slice3A_347 = vector.extract_strided_slice %get3A_6 {offsets = [23, 0, 0], sizes = [1, 64, 64], strides = [1, 1, 1]} : vector<40x64x64xf32> to vector<1x64x64xf32>
    %squeeze3A_348 = vector.shape_cast %slice3A_347 : vector<1x64x64xf32> to vector<64x64xf32>
    %slice3A_349 = vector.extract_strided_slice %sub3A {offsets = [23, 0, 0], sizes = [1, 64, 1], strides = [1, 1, 1]} : vector<40x64x1xf32> to vector<1x64x1xf32>
    %squeeze3A_350 = vector.shape_cast %slice3A_349 : vector<1x64x1xf32> to vector<64x1xf32>
    %dot_general3A_351 = arith.constant dense<0.000000e+00> : vector<64x1xf32>
    %dot_general3A_352 = tpu.matmul %squeeze3A_348, %squeeze3A_350, %dot_general3A_351 {dimension_numbers = #tpu.dot_dimension_numbers<[1], [0], [0], [1], [0, 0, 1, 1], [], []>, transpose_lhs_hint = false} : vector<64x64xf32>, vector<64x1xf32>, vector<64x1xf32> -> vector<64x1xf32>
    %slice3A_353 = vector.extract_strided_slice %sub3A {offsets = [23, 0, 0], sizes = [1, 64, 1], strides = [1, 1, 1]} : vector<40x64x1xf32> to vector<1x64x1xf32>
    %squeeze3A_354 = vector.shape_cast %slice3A_353 : vector<1x64x1xf32> to vector<64x1xf32>
    %slice3A_355 = vector.extract_strided_slice %get3A_6 {offsets = [23, 0, 0], sizes = [1, 64, 64], strides = [1, 1, 1]} : vector<40x64x64xf32> to vector<1x64x64xf32>
    %squeeze3A_356 = vector.shape_cast %slice3A_355 : vector<1x64x64xf32> to vector<64x64xf32>
    %dot_general3A_357 = arith.constant dense<0.000000e+00> : vector<1x64xf32>
    %dot_general3A_358 = tpu.matmul %squeeze3A_354, %squeeze3A_356, %dot_general3A_357 {dimension_numbers = #tpu.dot_dimension_numbers<[0], [1], [1], [0], [0, 1, 1, 0], [], []>, transpose_lhs_hint = false} : vector<64x1xf32>, vector<64x64xf32>, vector<1x64xf32> -> vector<1x64xf32>
    %broadcast_in_dim3A_359 = vector.shape_cast %dot_general3A_352 : vector<64x1xf32> to vector<1x64x1xf32>
    %broadcast_in_dim3A_360 = vector.shape_cast %dot_general3A_358 : vector<1x64xf32> to vector<1x1x64xf32>
    %slice3A_361 = vector.extract_strided_slice %get3A_6 {offsets = [24, 0, 0], sizes = [1, 64, 64], strides = [1, 1, 1]} : vector<40x64x64xf32> to vector<1x64x64xf32>
    %squeeze3A_362 = vector.shape_cast %slice3A_361 : vector<1x64x64xf32> to vector<64x64xf32>
    %slice3A_363 = vector.extract_strided_slice %sub3A {offsets = [24, 0, 0], sizes = [1, 64, 1], strides = [1, 1, 1]} : vector<40x64x1xf32> to vector<1x64x1xf32>
    %squeeze3A_364 = vector.shape_cast %slice3A_363 : vector<1x64x1xf32> to vector<64x1xf32>
    %dot_general3A_365 = arith.constant dense<0.000000e+00> : vector<64x1xf32>
    %dot_general3A_366 = tpu.matmul %squeeze3A_362, %squeeze3A_364, %dot_general3A_365 {dimension_numbers = #tpu.dot_dimension_numbers<[1], [0], [0], [1], [0, 0, 1, 1], [], []>, transpose_lhs_hint = false} : vector<64x64xf32>, vector<64x1xf32>, vector<64x1xf32> -> vector<64x1xf32>
    %slice3A_367 = vector.extract_strided_slice %sub3A {offsets = [24, 0, 0], sizes = [1, 64, 1], strides = [1, 1, 1]} : vector<40x64x1xf32> to vector<1x64x1xf32>
    %squeeze3A_368 = vector.shape_cast %slice3A_367 : vector<1x64x1xf32> to vector<64x1xf32>
    %slice3A_369 = vector.extract_strided_slice %get3A_6 {offsets = [24, 0, 0], sizes = [1, 64, 64], strides = [1, 1, 1]} : vector<40x64x64xf32> to vector<1x64x64xf32>
    %squeeze3A_370 = vector.shape_cast %slice3A_369 : vector<1x64x64xf32> to vector<64x64xf32>
    %dot_general3A_371 = arith.constant dense<0.000000e+00> : vector<1x64xf32>
    %dot_general3A_372 = tpu.matmul %squeeze3A_368, %squeeze3A_370, %dot_general3A_371 {dimension_numbers = #tpu.dot_dimension_numbers<[0], [1], [1], [0], [0, 1, 1, 0], [], []>, transpose_lhs_hint = false} : vector<64x1xf32>, vector<64x64xf32>, vector<1x64xf32> -> vector<1x64xf32>
    %broadcast_in_dim3A_373 = vector.shape_cast %dot_general3A_366 : vector<64x1xf32> to vector<1x64x1xf32>
    %broadcast_in_dim3A_374 = vector.shape_cast %dot_general3A_372 : vector<1x64xf32> to vector<1x1x64xf32>
    %slice3A_375 = vector.extract_strided_slice %get3A_6 {offsets = [25, 0, 0], sizes = [1, 64, 64], strides = [1, 1, 1]} : vector<40x64x64xf32> to vector<1x64x64xf32>
    %squeeze3A_376 = vector.shape_cast %slice3A_375 : vector<1x64x64xf32> to vector<64x64xf32>
    %slice3A_377 = vector.extract_strided_slice %sub3A {offsets = [25, 0, 0], sizes = [1, 64, 1], strides = [1, 1, 1]} : vector<40x64x1xf32> to vector<1x64x1xf32>
    %squeeze3A_378 = vector.shape_cast %slice3A_377 : vector<1x64x1xf32> to vector<64x1xf32>
    %dot_general3A_379 = arith.constant dense<0.000000e+00> : vector<64x1xf32>
    %dot_general3A_380 = tpu.matmul %squeeze3A_376, %squeeze3A_378, %dot_general3A_379 {dimension_numbers = #tpu.dot_dimension_numbers<[1], [0], [0], [1], [0, 0, 1, 1], [], []>, transpose_lhs_hint = false} : vector<64x64xf32>, vector<64x1xf32>, vector<64x1xf32> -> vector<64x1xf32>
    %slice3A_381 = vector.extract_strided_slice %sub3A {offsets = [25, 0, 0], sizes = [1, 64, 1], strides = [1, 1, 1]} : vector<40x64x1xf32> to vector<1x64x1xf32>
    %squeeze3A_382 = vector.shape_cast %slice3A_381 : vector<1x64x1xf32> to vector<64x1xf32>
    %slice3A_383 = vector.extract_strided_slice %get3A_6 {offsets = [25, 0, 0], sizes = [1, 64, 64], strides = [1, 1, 1]} : vector<40x64x64xf32> to vector<1x64x64xf32>
    %squeeze3A_384 = vector.shape_cast %slice3A_383 : vector<1x64x64xf32> to vector<64x64xf32>
    %dot_general3A_385 = arith.constant dense<0.000000e+00> : vector<1x64xf32>
    %dot_general3A_386 = tpu.matmul %squeeze3A_382, %squeeze3A_384, %dot_general3A_385 {dimension_numbers = #tpu.dot_dimension_numbers<[0], [1], [1], [0], [0, 1, 1, 0], [], []>, transpose_lhs_hint = false} : vector<64x1xf32>, vector<64x64xf32>, vector<1x64xf32> -> vector<1x64xf32>
    %broadcast_in_dim3A_387 = vector.shape_cast %dot_general3A_380 : vector<64x1xf32> to vector<1x64x1xf32>
    %broadcast_in_dim3A_388 = vector.shape_cast %dot_general3A_386 : vector<1x64xf32> to vector<1x1x64xf32>
    %slice3A_389 = vector.extract_strided_slice %get3A_6 {offsets = [26, 0, 0], sizes = [1, 64, 64], strides = [1, 1, 1]} : vector<40x64x64xf32> to vector<1x64x64xf32>
    %squeeze3A_390 = vector.shape_cast %slice3A_389 : vector<1x64x64xf32> to vector<64x64xf32>
    %slice3A_391 = vector.extract_strided_slice %sub3A {offsets = [26, 0, 0], sizes = [1, 64, 1], strides = [1, 1, 1]} : vector<40x64x1xf32> to vector<1x64x1xf32>
    %squeeze3A_392 = vector.shape_cast %slice3A_391 : vector<1x64x1xf32> to vector<64x1xf32>
    %dot_general3A_393 = arith.constant dense<0.000000e+00> : vector<64x1xf32>
    %dot_general3A_394 = tpu.matmul %squeeze3A_390, %squeeze3A_392, %dot_general3A_393 {dimension_numbers = #tpu.dot_dimension_numbers<[1], [0], [0], [1], [0, 0, 1, 1], [], []>, transpose_lhs_hint = false} : vector<64x64xf32>, vector<64x1xf32>, vector<64x1xf32> -> vector<64x1xf32>
    %slice3A_395 = vector.extract_strided_slice %sub3A {offsets = [26, 0, 0], sizes = [1, 64, 1], strides = [1, 1, 1]} : vector<40x64x1xf32> to vector<1x64x1xf32>
    %squeeze3A_396 = vector.shape_cast %slice3A_395 : vector<1x64x1xf32> to vector<64x1xf32>
    %slice3A_397 = vector.extract_strided_slice %get3A_6 {offsets = [26, 0, 0], sizes = [1, 64, 64], strides = [1, 1, 1]} : vector<40x64x64xf32> to vector<1x64x64xf32>
    %squeeze3A_398 = vector.shape_cast %slice3A_397 : vector<1x64x64xf32> to vector<64x64xf32>
    %dot_general3A_399 = arith.constant dense<0.000000e+00> : vector<1x64xf32>
    %dot_general3A_400 = tpu.matmul %squeeze3A_396, %squeeze3A_398, %dot_general3A_399 {dimension_numbers = #tpu.dot_dimension_numbers<[0], [1], [1], [0], [0, 1, 1, 0], [], []>, transpose_lhs_hint = false} : vector<64x1xf32>, vector<64x64xf32>, vector<1x64xf32> -> vector<1x64xf32>
    %broadcast_in_dim3A_401 = vector.shape_cast %dot_general3A_394 : vector<64x1xf32> to vector<1x64x1xf32>
    %broadcast_in_dim3A_402 = vector.shape_cast %dot_general3A_400 : vector<1x64xf32> to vector<1x1x64xf32>
    %slice3A_403 = vector.extract_strided_slice %get3A_6 {offsets = [27, 0, 0], sizes = [1, 64, 64], strides = [1, 1, 1]} : vector<40x64x64xf32> to vector<1x64x64xf32>
    %squeeze3A_404 = vector.shape_cast %slice3A_403 : vector<1x64x64xf32> to vector<64x64xf32>
    %slice3A_405 = vector.extract_strided_slice %sub3A {offsets = [27, 0, 0], sizes = [1, 64, 1], strides = [1, 1, 1]} : vector<40x64x1xf32> to vector<1x64x1xf32>
    %squeeze3A_406 = vector.shape_cast %slice3A_405 : vector<1x64x1xf32> to vector<64x1xf32>
    %dot_general3A_407 = arith.constant dense<0.000000e+00> : vector<64x1xf32>
    %dot_general3A_408 = tpu.matmul %squeeze3A_404, %squeeze3A_406, %dot_general3A_407 {dimension_numbers = #tpu.dot_dimension_numbers<[1], [0], [0], [1], [0, 0, 1, 1], [], []>, transpose_lhs_hint = false} : vector<64x64xf32>, vector<64x1xf32>, vector<64x1xf32> -> vector<64x1xf32>
    %slice3A_409 = vector.extract_strided_slice %sub3A {offsets = [27, 0, 0], sizes = [1, 64, 1], strides = [1, 1, 1]} : vector<40x64x1xf32> to vector<1x64x1xf32>
    %squeeze3A_410 = vector.shape_cast %slice3A_409 : vector<1x64x1xf32> to vector<64x1xf32>
    %slice3A_411 = vector.extract_strided_slice %get3A_6 {offsets = [27, 0, 0], sizes = [1, 64, 64], strides = [1, 1, 1]} : vector<40x64x64xf32> to vector<1x64x64xf32>
    %squeeze3A_412 = vector.shape_cast %slice3A_411 : vector<1x64x64xf32> to vector<64x64xf32>
    %dot_general3A_413 = arith.constant dense<0.000000e+00> : vector<1x64xf32>
    %dot_general3A_414 = tpu.matmul %squeeze3A_410, %squeeze3A_412, %dot_general3A_413 {dimension_numbers = #tpu.dot_dimension_numbers<[0], [1], [1], [0], [0, 1, 1, 0], [], []>, transpose_lhs_hint = false} : vector<64x1xf32>, vector<64x64xf32>, vector<1x64xf32> -> vector<1x64xf32>
    %broadcast_in_dim3A_415 = vector.shape_cast %dot_general3A_408 : vector<64x1xf32> to vector<1x64x1xf32>
    %broadcast_in_dim3A_416 = vector.shape_cast %dot_general3A_414 : vector<1x64xf32> to vector<1x1x64xf32>
    %slice3A_417 = vector.extract_strided_slice %get3A_6 {offsets = [28, 0, 0], sizes = [1, 64, 64], strides = [1, 1, 1]} : vector<40x64x64xf32> to vector<1x64x64xf32>
    %squeeze3A_418 = vector.shape_cast %slice3A_417 : vector<1x64x64xf32> to vector<64x64xf32>
    %slice3A_419 = vector.extract_strided_slice %sub3A {offsets = [28, 0, 0], sizes = [1, 64, 1], strides = [1, 1, 1]} : vector<40x64x1xf32> to vector<1x64x1xf32>
    %squeeze3A_420 = vector.shape_cast %slice3A_419 : vector<1x64x1xf32> to vector<64x1xf32>
    %dot_general3A_421 = arith.constant dense<0.000000e+00> : vector<64x1xf32>
    %dot_general3A_422 = tpu.matmul %squeeze3A_418, %squeeze3A_420, %dot_general3A_421 {dimension_numbers = #tpu.dot_dimension_numbers<[1], [0], [0], [1], [0, 0, 1, 1], [], []>, transpose_lhs_hint = false} : vector<64x64xf32>, vector<64x1xf32>, vector<64x1xf32> -> vector<64x1xf32>
    %slice3A_423 = vector.extract_strided_slice %sub3A {offsets = [28, 0, 0], sizes = [1, 64, 1], strides = [1, 1, 1]} : vector<40x64x1xf32> to vector<1x64x1xf32>
    %squeeze3A_424 = vector.shape_cast %slice3A_423 : vector<1x64x1xf32> to vector<64x1xf32>
    %slice3A_425 = vector.extract_strided_slice %get3A_6 {offsets = [28, 0, 0], sizes = [1, 64, 64], strides = [1, 1, 1]} : vector<40x64x64xf32> to vector<1x64x64xf32>
    %squeeze3A_426 = vector.shape_cast %slice3A_425 : vector<1x64x64xf32> to vector<64x64xf32>
    %dot_general3A_427 = arith.constant dense<0.000000e+00> : vector<1x64xf32>
    %dot_general3A_428 = tpu.matmul %squeeze3A_424, %squeeze3A_426, %dot_general3A_427 {dimension_numbers = #tpu.dot_dimension_numbers<[0], [1], [1], [0], [0, 1, 1, 0], [], []>, transpose_lhs_hint = false} : vector<64x1xf32>, vector<64x64xf32>, vector<1x64xf32> -> vector<1x64xf32>
    %broadcast_in_dim3A_429 = vector.shape_cast %dot_general3A_422 : vector<64x1xf32> to vector<1x64x1xf32>
    %broadcast_in_dim3A_430 = vector.shape_cast %dot_general3A_428 : vector<1x64xf32> to vector<1x1x64xf32>
    %slice3A_431 = vector.extract_strided_slice %get3A_6 {offsets = [29, 0, 0], sizes = [1, 64, 64], strides = [1, 1, 1]} : vector<40x64x64xf32> to vector<1x64x64xf32>
    %squeeze3A_432 = vector.shape_cast %slice3A_431 : vector<1x64x64xf32> to vector<64x64xf32>
    %slice3A_433 = vector.extract_strided_slice %sub3A {offsets = [29, 0, 0], sizes = [1, 64, 1], strides = [1, 1, 1]} : vector<40x64x1xf32> to vector<1x64x1xf32>
    %squeeze3A_434 = vector.shape_cast %slice3A_433 : vector<1x64x1xf32> to vector<64x1xf32>
    %dot_general3A_435 = arith.constant dense<0.000000e+00> : vector<64x1xf32>
    %dot_general3A_436 = tpu.matmul %squeeze3A_432, %squeeze3A_434, %dot_general3A_435 {dimension_numbers = #tpu.dot_dimension_numbers<[1], [0], [0], [1], [0, 0, 1, 1], [], []>, transpose_lhs_hint = false} : vector<64x64xf32>, vector<64x1xf32>, vector<64x1xf32> -> vector<64x1xf32>
    %slice3A_437 = vector.extract_strided_slice %sub3A {offsets = [29, 0, 0], sizes = [1, 64, 1], strides = [1, 1, 1]} : vector<40x64x1xf32> to vector<1x64x1xf32>
    %squeeze3A_438 = vector.shape_cast %slice3A_437 : vector<1x64x1xf32> to vector<64x1xf32>
    %slice3A_439 = vector.extract_strided_slice %get3A_6 {offsets = [29, 0, 0], sizes = [1, 64, 64], strides = [1, 1, 1]} : vector<40x64x64xf32> to vector<1x64x64xf32>
    %squeeze3A_440 = vector.shape_cast %slice3A_439 : vector<1x64x64xf32> to vector<64x64xf32>
    %dot_general3A_441 = arith.constant dense<0.000000e+00> : vector<1x64xf32>
    %dot_general3A_442 = tpu.matmul %squeeze3A_438, %squeeze3A_440, %dot_general3A_441 {dimension_numbers = #tpu.dot_dimension_numbers<[0], [1], [1], [0], [0, 1, 1, 0], [], []>, transpose_lhs_hint = false} : vector<64x1xf32>, vector<64x64xf32>, vector<1x64xf32> -> vector<1x64xf32>
    %broadcast_in_dim3A_443 = vector.shape_cast %dot_general3A_436 : vector<64x1xf32> to vector<1x64x1xf32>
    %broadcast_in_dim3A_444 = vector.shape_cast %dot_general3A_442 : vector<1x64xf32> to vector<1x1x64xf32>
    %slice3A_445 = vector.extract_strided_slice %get3A_6 {offsets = [30, 0, 0], sizes = [1, 64, 64], strides = [1, 1, 1]} : vector<40x64x64xf32> to vector<1x64x64xf32>
    %squeeze3A_446 = vector.shape_cast %slice3A_445 : vector<1x64x64xf32> to vector<64x64xf32>
    %slice3A_447 = vector.extract_strided_slice %sub3A {offsets = [30, 0, 0], sizes = [1, 64, 1], strides = [1, 1, 1]} : vector<40x64x1xf32> to vector<1x64x1xf32>
    %squeeze3A_448 = vector.shape_cast %slice3A_447 : vector<1x64x1xf32> to vector<64x1xf32>
    %dot_general3A_449 = arith.constant dense<0.000000e+00> : vector<64x1xf32>
    %dot_general3A_450 = tpu.matmul %squeeze3A_446, %squeeze3A_448, %dot_general3A_449 {dimension_numbers = #tpu.dot_dimension_numbers<[1], [0], [0], [1], [0, 0, 1, 1], [], []>, transpose_lhs_hint = false} : vector<64x64xf32>, vector<64x1xf32>, vector<64x1xf32> -> vector<64x1xf32>
    %slice3A_451 = vector.extract_strided_slice %sub3A {offsets = [30, 0, 0], sizes = [1, 64, 1], strides = [1, 1, 1]} : vector<40x64x1xf32> to vector<1x64x1xf32>
    %squeeze3A_452 = vector.shape_cast %slice3A_451 : vector<1x64x1xf32> to vector<64x1xf32>
    %slice3A_453 = vector.extract_strided_slice %get3A_6 {offsets = [30, 0, 0], sizes = [1, 64, 64], strides = [1, 1, 1]} : vector<40x64x64xf32> to vector<1x64x64xf32>
    %squeeze3A_454 = vector.shape_cast %slice3A_453 : vector<1x64x64xf32> to vector<64x64xf32>
    %dot_general3A_455 = arith.constant dense<0.000000e+00> : vector<1x64xf32>
    %dot_general3A_456 = tpu.matmul %squeeze3A_452, %squeeze3A_454, %dot_general3A_455 {dimension_numbers = #tpu.dot_dimension_numbers<[0], [1], [1], [0], [0, 1, 1, 0], [], []>, transpose_lhs_hint = false} : vector<64x1xf32>, vector<64x64xf32>, vector<1x64xf32> -> vector<1x64xf32>
    %broadcast_in_dim3A_457 = vector.shape_cast %dot_general3A_450 : vector<64x1xf32> to vector<1x64x1xf32>
    %broadcast_in_dim3A_458 = vector.shape_cast %dot_general3A_456 : vector<1x64xf32> to vector<1x1x64xf32>
    %slice3A_459 = vector.extract_strided_slice %get3A_6 {offsets = [31, 0, 0], sizes = [1, 64, 64], strides = [1, 1, 1]} : vector<40x64x64xf32> to vector<1x64x64xf32>
    %squeeze3A_460 = vector.shape_cast %slice3A_459 : vector<1x64x64xf32> to vector<64x64xf32>
    %slice3A_461 = vector.extract_strided_slice %sub3A {offsets = [31, 0, 0], sizes = [1, 64, 1], strides = [1, 1, 1]} : vector<40x64x1xf32> to vector<1x64x1xf32>
    %squeeze3A_462 = vector.shape_cast %slice3A_461 : vector<1x64x1xf32> to vector<64x1xf32>
    %dot_general3A_463 = arith.constant dense<0.000000e+00> : vector<64x1xf32>
    %dot_general3A_464 = tpu.matmul %squeeze3A_460, %squeeze3A_462, %dot_general3A_463 {dimension_numbers = #tpu.dot_dimension_numbers<[1], [0], [0], [1], [0, 0, 1, 1], [], []>, transpose_lhs_hint = false} : vector<64x64xf32>, vector<64x1xf32>, vector<64x1xf32> -> vector<64x1xf32>
    %slice3A_465 = vector.extract_strided_slice %sub3A {offsets = [31, 0, 0], sizes = [1, 64, 1], strides = [1, 1, 1]} : vector<40x64x1xf32> to vector<1x64x1xf32>
    %squeeze3A_466 = vector.shape_cast %slice3A_465 : vector<1x64x1xf32> to vector<64x1xf32>
    %slice3A_467 = vector.extract_strided_slice %get3A_6 {offsets = [31, 0, 0], sizes = [1, 64, 64], strides = [1, 1, 1]} : vector<40x64x64xf32> to vector<1x64x64xf32>
    %squeeze3A_468 = vector.shape_cast %slice3A_467 : vector<1x64x64xf32> to vector<64x64xf32>
    %dot_general3A_469 = arith.constant dense<0.000000e+00> : vector<1x64xf32>
    %dot_general3A_470 = tpu.matmul %squeeze3A_466, %squeeze3A_468, %dot_general3A_469 {dimension_numbers = #tpu.dot_dimension_numbers<[0], [1], [1], [0], [0, 1, 1, 0], [], []>, transpose_lhs_hint = false} : vector<64x1xf32>, vector<64x64xf32>, vector<1x64xf32> -> vector<1x64xf32>
    %broadcast_in_dim3A_471 = vector.shape_cast %dot_general3A_464 : vector<64x1xf32> to vector<1x64x1xf32>
    %broadcast_in_dim3A_472 = vector.shape_cast %dot_general3A_470 : vector<1x64xf32> to vector<1x1x64xf32>
    %slice3A_473 = vector.extract_strided_slice %get3A_6 {offsets = [32, 0, 0], sizes = [1, 64, 64], strides = [1, 1, 1]} : vector<40x64x64xf32> to vector<1x64x64xf32>
    %squeeze3A_474 = vector.shape_cast %slice3A_473 : vector<1x64x64xf32> to vector<64x64xf32>
    %slice3A_475 = vector.extract_strided_slice %sub3A {offsets = [32, 0, 0], sizes = [1, 64, 1], strides = [1, 1, 1]} : vector<40x64x1xf32> to vector<1x64x1xf32>
    %squeeze3A_476 = vector.shape_cast %slice3A_475 : vector<1x64x1xf32> to vector<64x1xf32>
    %dot_general3A_477 = arith.constant dense<0.000000e+00> : vector<64x1xf32>
    %dot_general3A_478 = tpu.matmul %squeeze3A_474, %squeeze3A_476, %dot_general3A_477 {dimension_numbers = #tpu.dot_dimension_numbers<[1], [0], [0], [1], [0, 0, 1, 1], [], []>, transpose_lhs_hint = false} : vector<64x64xf32>, vector<64x1xf32>, vector<64x1xf32> -> vector<64x1xf32>
    %slice3A_479 = vector.extract_strided_slice %sub3A {offsets = [32, 0, 0], sizes = [1, 64, 1], strides = [1, 1, 1]} : vector<40x64x1xf32> to vector<1x64x1xf32>
    %squeeze3A_480 = vector.shape_cast %slice3A_479 : vector<1x64x1xf32> to vector<64x1xf32>
    %slice3A_481 = vector.extract_strided_slice %get3A_6 {offsets = [32, 0, 0], sizes = [1, 64, 64], strides = [1, 1, 1]} : vector<40x64x64xf32> to vector<1x64x64xf32>
    %squeeze3A_482 = vector.shape_cast %slice3A_481 : vector<1x64x64xf32> to vector<64x64xf32>
    %dot_general3A_483 = arith.constant dense<0.000000e+00> : vector<1x64xf32>
    %dot_general3A_484 = tpu.matmul %squeeze3A_480, %squeeze3A_482, %dot_general3A_483 {dimension_numbers = #tpu.dot_dimension_numbers<[0], [1], [1], [0], [0, 1, 1, 0], [], []>, transpose_lhs_hint = false} : vector<64x1xf32>, vector<64x64xf32>, vector<1x64xf32> -> vector<1x64xf32>
    %broadcast_in_dim3A_485 = vector.shape_cast %dot_general3A_478 : vector<64x1xf32> to vector<1x64x1xf32>
    %broadcast_in_dim3A_486 = vector.shape_cast %dot_general3A_484 : vector<1x64xf32> to vector<1x1x64xf32>
    %slice3A_487 = vector.extract_strided_slice %get3A_6 {offsets = [33, 0, 0], sizes = [1, 64, 64], strides = [1, 1, 1]} : vector<40x64x64xf32> to vector<1x64x64xf32>
    %squeeze3A_488 = vector.shape_cast %slice3A_487 : vector<1x64x64xf32> to vector<64x64xf32>
    %slice3A_489 = vector.extract_strided_slice %sub3A {offsets = [33, 0, 0], sizes = [1, 64, 1], strides = [1, 1, 1]} : vector<40x64x1xf32> to vector<1x64x1xf32>
    %squeeze3A_490 = vector.shape_cast %slice3A_489 : vector<1x64x1xf32> to vector<64x1xf32>
    %dot_general3A_491 = arith.constant dense<0.000000e+00> : vector<64x1xf32>
    %dot_general3A_492 = tpu.matmul %squeeze3A_488, %squeeze3A_490, %dot_general3A_491 {dimension_numbers = #tpu.dot_dimension_numbers<[1], [0], [0], [1], [0, 0, 1, 1], [], []>, transpose_lhs_hint = false} : vector<64x64xf32>, vector<64x1xf32>, vector<64x1xf32> -> vector<64x1xf32>
    %slice3A_493 = vector.extract_strided_slice %sub3A {offsets = [33, 0, 0], sizes = [1, 64, 1], strides = [1, 1, 1]} : vector<40x64x1xf32> to vector<1x64x1xf32>
    %squeeze3A_494 = vector.shape_cast %slice3A_493 : vector<1x64x1xf32> to vector<64x1xf32>
    %slice3A_495 = vector.extract_strided_slice %get3A_6 {offsets = [33, 0, 0], sizes = [1, 64, 64], strides = [1, 1, 1]} : vector<40x64x64xf32> to vector<1x64x64xf32>
    %squeeze3A_496 = vector.shape_cast %slice3A_495 : vector<1x64x64xf32> to vector<64x64xf32>
    %dot_general3A_497 = arith.constant dense<0.000000e+00> : vector<1x64xf32>
    %dot_general3A_498 = tpu.matmul %squeeze3A_494, %squeeze3A_496, %dot_general3A_497 {dimension_numbers = #tpu.dot_dimension_numbers<[0], [1], [1], [0], [0, 1, 1, 0], [], []>, transpose_lhs_hint = false} : vector<64x1xf32>, vector<64x64xf32>, vector<1x64xf32> -> vector<1x64xf32>
    %broadcast_in_dim3A_499 = vector.shape_cast %dot_general3A_492 : vector<64x1xf32> to vector<1x64x1xf32>
    %broadcast_in_dim3A_500 = vector.shape_cast %dot_general3A_498 : vector<1x64xf32> to vector<1x1x64xf32>
    %slice3A_501 = vector.extract_strided_slice %get3A_6 {offsets = [34, 0, 0], sizes = [1, 64, 64], strides = [1, 1, 1]} : vector<40x64x64xf32> to vector<1x64x64xf32>
    %squeeze3A_502 = vector.shape_cast %slice3A_501 : vector<1x64x64xf32> to vector<64x64xf32>
    %slice3A_503 = vector.extract_strided_slice %sub3A {offsets = [34, 0, 0], sizes = [1, 64, 1], strides = [1, 1, 1]} : vector<40x64x1xf32> to vector<1x64x1xf32>
    %squeeze3A_504 = vector.shape_cast %slice3A_503 : vector<1x64x1xf32> to vector<64x1xf32>
    %dot_general3A_505 = arith.constant dense<0.000000e+00> : vector<64x1xf32>
    %dot_general3A_506 = tpu.matmul %squeeze3A_502, %squeeze3A_504, %dot_general3A_505 {dimension_numbers = #tpu.dot_dimension_numbers<[1], [0], [0], [1], [0, 0, 1, 1], [], []>, transpose_lhs_hint = false} : vector<64x64xf32>, vector<64x1xf32>, vector<64x1xf32> -> vector<64x1xf32>
    %slice3A_507 = vector.extract_strided_slice %sub3A {offsets = [34, 0, 0], sizes = [1, 64, 1], strides = [1, 1, 1]} : vector<40x64x1xf32> to vector<1x64x1xf32>
    %squeeze3A_508 = vector.shape_cast %slice3A_507 : vector<1x64x1xf32> to vector<64x1xf32>
    %slice3A_509 = vector.extract_strided_slice %get3A_6 {offsets = [34, 0, 0], sizes = [1, 64, 64], strides = [1, 1, 1]} : vector<40x64x64xf32> to vector<1x64x64xf32>
    %squeeze3A_510 = vector.shape_cast %slice3A_509 : vector<1x64x64xf32> to vector<64x64xf32>
    %dot_general3A_511 = arith.constant dense<0.000000e+00> : vector<1x64xf32>
    %dot_general3A_512 = tpu.matmul %squeeze3A_508, %squeeze3A_510, %dot_general3A_511 {dimension_numbers = #tpu.dot_dimension_numbers<[0], [1], [1], [0], [0, 1, 1, 0], [], []>, transpose_lhs_hint = false} : vector<64x1xf32>, vector<64x64xf32>, vector<1x64xf32> -> vector<1x64xf32>
    %broadcast_in_dim3A_513 = vector.shape_cast %dot_general3A_506 : vector<64x1xf32> to vector<1x64x1xf32>
    %broadcast_in_dim3A_514 = vector.shape_cast %dot_general3A_512 : vector<1x64xf32> to vector<1x1x64xf32>
    %slice3A_515 = vector.extract_strided_slice %get3A_6 {offsets = [35, 0, 0], sizes = [1, 64, 64], strides = [1, 1, 1]} : vector<40x64x64xf32> to vector<1x64x64xf32>
    %squeeze3A_516 = vector.shape_cast %slice3A_515 : vector<1x64x64xf32> to vector<64x64xf32>
    %slice3A_517 = vector.extract_strided_slice %sub3A {offsets = [35, 0, 0], sizes = [1, 64, 1], strides = [1, 1, 1]} : vector<40x64x1xf32> to vector<1x64x1xf32>
    %squeeze3A_518 = vector.shape_cast %slice3A_517 : vector<1x64x1xf32> to vector<64x1xf32>
    %dot_general3A_519 = arith.constant dense<0.000000e+00> : vector<64x1xf32>
    %dot_general3A_520 = tpu.matmul %squeeze3A_516, %squeeze3A_518, %dot_general3A_519 {dimension_numbers = #tpu.dot_dimension_numbers<[1], [0], [0], [1], [0, 0, 1, 1], [], []>, transpose_lhs_hint = false} : vector<64x64xf32>, vector<64x1xf32>, vector<64x1xf32> -> vector<64x1xf32>
    %slice3A_521 = vector.extract_strided_slice %sub3A {offsets = [35, 0, 0], sizes = [1, 64, 1], strides = [1, 1, 1]} : vector<40x64x1xf32> to vector<1x64x1xf32>
    %squeeze3A_522 = vector.shape_cast %slice3A_521 : vector<1x64x1xf32> to vector<64x1xf32>
    %slice3A_523 = vector.extract_strided_slice %get3A_6 {offsets = [35, 0, 0], sizes = [1, 64, 64], strides = [1, 1, 1]} : vector<40x64x64xf32> to vector<1x64x64xf32>
    %squeeze3A_524 = vector.shape_cast %slice3A_523 : vector<1x64x64xf32> to vector<64x64xf32>
    %dot_general3A_525 = arith.constant dense<0.000000e+00> : vector<1x64xf32>
    %dot_general3A_526 = tpu.matmul %squeeze3A_522, %squeeze3A_524, %dot_general3A_525 {dimension_numbers = #tpu.dot_dimension_numbers<[0], [1], [1], [0], [0, 1, 1, 0], [], []>, transpose_lhs_hint = false} : vector<64x1xf32>, vector<64x64xf32>, vector<1x64xf32> -> vector<1x64xf32>
    %broadcast_in_dim3A_527 = vector.shape_cast %dot_general3A_520 : vector<64x1xf32> to vector<1x64x1xf32>
    %broadcast_in_dim3A_528 = vector.shape_cast %dot_general3A_526 : vector<1x64xf32> to vector<1x1x64xf32>
    %slice3A_529 = vector.extract_strided_slice %get3A_6 {offsets = [36, 0, 0], sizes = [1, 64, 64], strides = [1, 1, 1]} : vector<40x64x64xf32> to vector<1x64x64xf32>
    %squeeze3A_530 = vector.shape_cast %slice3A_529 : vector<1x64x64xf32> to vector<64x64xf32>
    %slice3A_531 = vector.extract_strided_slice %sub3A {offsets = [36, 0, 0], sizes = [1, 64, 1], strides = [1, 1, 1]} : vector<40x64x1xf32> to vector<1x64x1xf32>
    %squeeze3A_532 = vector.shape_cast %slice3A_531 : vector<1x64x1xf32> to vector<64x1xf32>
    %dot_general3A_533 = arith.constant dense<0.000000e+00> : vector<64x1xf32>
    %dot_general3A_534 = tpu.matmul %squeeze3A_530, %squeeze3A_532, %dot_general3A_533 {dimension_numbers = #tpu.dot_dimension_numbers<[1], [0], [0], [1], [0, 0, 1, 1], [], []>, transpose_lhs_hint = false} : vector<64x64xf32>, vector<64x1xf32>, vector<64x1xf32> -> vector<64x1xf32>
    %slice3A_535 = vector.extract_strided_slice %sub3A {offsets = [36, 0, 0], sizes = [1, 64, 1], strides = [1, 1, 1]} : vector<40x64x1xf32> to vector<1x64x1xf32>
    %squeeze3A_536 = vector.shape_cast %slice3A_535 : vector<1x64x1xf32> to vector<64x1xf32>
    %slice3A_537 = vector.extract_strided_slice %get3A_6 {offsets = [36, 0, 0], sizes = [1, 64, 64], strides = [1, 1, 1]} : vector<40x64x64xf32> to vector<1x64x64xf32>
    %squeeze3A_538 = vector.shape_cast %slice3A_537 : vector<1x64x64xf32> to vector<64x64xf32>
    %dot_general3A_539 = arith.constant dense<0.000000e+00> : vector<1x64xf32>
    %dot_general3A_540 = tpu.matmul %squeeze3A_536, %squeeze3A_538, %dot_general3A_539 {dimension_numbers = #tpu.dot_dimension_numbers<[0], [1], [1], [0], [0, 1, 1, 0], [], []>, transpose_lhs_hint = false} : vector<64x1xf32>, vector<64x64xf32>, vector<1x64xf32> -> vector<1x64xf32>
    %broadcast_in_dim3A_541 = vector.shape_cast %dot_general3A_534 : vector<64x1xf32> to vector<1x64x1xf32>
    %broadcast_in_dim3A_542 = vector.shape_cast %dot_general3A_540 : vector<1x64xf32> to vector<1x1x64xf32>
    %slice3A_543 = vector.extract_strided_slice %get3A_6 {offsets = [37, 0, 0], sizes = [1, 64, 64], strides = [1, 1, 1]} : vector<40x64x64xf32> to vector<1x64x64xf32>
    %squeeze3A_544 = vector.shape_cast %slice3A_543 : vector<1x64x64xf32> to vector<64x64xf32>
    %slice3A_545 = vector.extract_strided_slice %sub3A {offsets = [37, 0, 0], sizes = [1, 64, 1], strides = [1, 1, 1]} : vector<40x64x1xf32> to vector<1x64x1xf32>
    %squeeze3A_546 = vector.shape_cast %slice3A_545 : vector<1x64x1xf32> to vector<64x1xf32>
    %dot_general3A_547 = arith.constant dense<0.000000e+00> : vector<64x1xf32>
    %dot_general3A_548 = tpu.matmul %squeeze3A_544, %squeeze3A_546, %dot_general3A_547 {dimension_numbers = #tpu.dot_dimension_numbers<[1], [0], [0], [1], [0, 0, 1, 1], [], []>, transpose_lhs_hint = false} : vector<64x64xf32>, vector<64x1xf32>, vector<64x1xf32> -> vector<64x1xf32>
    %slice3A_549 = vector.extract_strided_slice %sub3A {offsets = [37, 0, 0], sizes = [1, 64, 1], strides = [1, 1, 1]} : vector<40x64x1xf32> to vector<1x64x1xf32>
    %squeeze3A_550 = vector.shape_cast %slice3A_549 : vector<1x64x1xf32> to vector<64x1xf32>
    %slice3A_551 = vector.extract_strided_slice %get3A_6 {offsets = [37, 0, 0], sizes = [1, 64, 64], strides = [1, 1, 1]} : vector<40x64x64xf32> to vector<1x64x64xf32>
    %squeeze3A_552 = vector.shape_cast %slice3A_551 : vector<1x64x64xf32> to vector<64x64xf32>
    %dot_general3A_553 = arith.constant dense<0.000000e+00> : vector<1x64xf32>
    %dot_general3A_554 = tpu.matmul %squeeze3A_550, %squeeze3A_552, %dot_general3A_553 {dimension_numbers = #tpu.dot_dimension_numbers<[0], [1], [1], [0], [0, 1, 1, 0], [], []>, transpose_lhs_hint = false} : vector<64x1xf32>, vector<64x64xf32>, vector<1x64xf32> -> vector<1x64xf32>
    %broadcast_in_dim3A_555 = vector.shape_cast %dot_general3A_548 : vector<64x1xf32> to vector<1x64x1xf32>
    %broadcast_in_dim3A_556 = vector.shape_cast %dot_general3A_554 : vector<1x64xf32> to vector<1x1x64xf32>
    %slice3A_557 = vector.extract_strided_slice %get3A_6 {offsets = [38, 0, 0], sizes = [1, 64, 64], strides = [1, 1, 1]} : vector<40x64x64xf32> to vector<1x64x64xf32>
    %squeeze3A_558 = vector.shape_cast %slice3A_557 : vector<1x64x64xf32> to vector<64x64xf32>
    %slice3A_559 = vector.extract_strided_slice %sub3A {offsets = [38, 0, 0], sizes = [1, 64, 1], strides = [1, 1, 1]} : vector<40x64x1xf32> to vector<1x64x1xf32>
    %squeeze3A_560 = vector.shape_cast %slice3A_559 : vector<1x64x1xf32> to vector<64x1xf32>
    %dot_general3A_561 = arith.constant dense<0.000000e+00> : vector<64x1xf32>
    %dot_general3A_562 = tpu.matmul %squeeze3A_558, %squeeze3A_560, %dot_general3A_561 {dimension_numbers = #tpu.dot_dimension_numbers<[1], [0], [0], [1], [0, 0, 1, 1], [], []>, transpose_lhs_hint = false} : vector<64x64xf32>, vector<64x1xf32>, vector<64x1xf32> -> vector<64x1xf32>
    %slice3A_563 = vector.extract_strided_slice %sub3A {offsets = [38, 0, 0], sizes = [1, 64, 1], strides = [1, 1, 1]} : vector<40x64x1xf32> to vector<1x64x1xf32>
    %squeeze3A_564 = vector.shape_cast %slice3A_563 : vector<1x64x1xf32> to vector<64x1xf32>
    %slice3A_565 = vector.extract_strided_slice %get3A_6 {offsets = [38, 0, 0], sizes = [1, 64, 64], strides = [1, 1, 1]} : vector<40x64x64xf32> to vector<1x64x64xf32>
    %squeeze3A_566 = vector.shape_cast %slice3A_565 : vector<1x64x64xf32> to vector<64x64xf32>
    %dot_general3A_567 = arith.constant dense<0.000000e+00> : vector<1x64xf32>
    %dot_general3A_568 = tpu.matmul %squeeze3A_564, %squeeze3A_566, %dot_general3A_567 {dimension_numbers = #tpu.dot_dimension_numbers<[0], [1], [1], [0], [0, 1, 1, 0], [], []>, transpose_lhs_hint = false} : vector<64x1xf32>, vector<64x64xf32>, vector<1x64xf32> -> vector<1x64xf32>
    %broadcast_in_dim3A_569 = vector.shape_cast %dot_general3A_562 : vector<64x1xf32> to vector<1x64x1xf32>
    %broadcast_in_dim3A_570 = vector.shape_cast %dot_general3A_568 : vector<1x64xf32> to vector<1x1x64xf32>
    %slice3A_571 = vector.extract_strided_slice %get3A_6 {offsets = [39, 0, 0], sizes = [1, 64, 64], strides = [1, 1, 1]} : vector<40x64x64xf32> to vector<1x64x64xf32>
    %squeeze3A_572 = vector.shape_cast %slice3A_571 : vector<1x64x64xf32> to vector<64x64xf32>
    %slice3A_573 = vector.extract_strided_slice %sub3A {offsets = [39, 0, 0], sizes = [1, 64, 1], strides = [1, 1, 1]} : vector<40x64x1xf32> to vector<1x64x1xf32>
    %squeeze3A_574 = vector.shape_cast %slice3A_573 : vector<1x64x1xf32> to vector<64x1xf32>
    %dot_general3A_575 = arith.constant dense<0.000000e+00> : vector<64x1xf32>
    %dot_general3A_576 = tpu.matmul %squeeze3A_572, %squeeze3A_574, %dot_general3A_575 {dimension_numbers = #tpu.dot_dimension_numbers<[1], [0], [0], [1], [0, 0, 1, 1], [], []>, transpose_lhs_hint = false} : vector<64x64xf32>, vector<64x1xf32>, vector<64x1xf32> -> vector<64x1xf32>
    %slice3A_577 = vector.extract_strided_slice %sub3A {offsets = [39, 0, 0], sizes = [1, 64, 1], strides = [1, 1, 1]} : vector<40x64x1xf32> to vector<1x64x1xf32>
    %squeeze3A_578 = vector.shape_cast %slice3A_577 : vector<1x64x1xf32> to vector<64x1xf32>
    %slice3A_579 = vector.extract_strided_slice %get3A_6 {offsets = [39, 0, 0], sizes = [1, 64, 64], strides = [1, 1, 1]} : vector<40x64x64xf32> to vector<1x64x64xf32>
    %squeeze3A_580 = vector.shape_cast %slice3A_579 : vector<1x64x64xf32> to vector<64x64xf32>
    %dot_general3A_581 = arith.constant dense<0.000000e+00> : vector<1x64xf32>
    %dot_general3A_582 = tpu.matmul %squeeze3A_578, %squeeze3A_580, %dot_general3A_581 {dimension_numbers = #tpu.dot_dimension_numbers<[0], [1], [1], [0], [0, 1, 1, 0], [], []>, transpose_lhs_hint = false} : vector<64x1xf32>, vector<64x64xf32>, vector<1x64xf32> -> vector<1x64xf32>
    %broadcast_in_dim3A_583 = vector.shape_cast %dot_general3A_576 : vector<64x1xf32> to vector<1x64x1xf32>
    %broadcast_in_dim3A_584 = vector.shape_cast %dot_general3A_582 : vector<1x64xf32> to vector<1x1x64xf32>
    %concatenate3A = tpu.concatenate %broadcast_in_dim3A_37, %broadcast_in_dim3A_51, %broadcast_in_dim3A_65, %broadcast_in_dim3A_79, %broadcast_in_dim3A_93, %broadcast_in_dim3A_107, %broadcast_in_dim3A_121, %broadcast_in_dim3A_135, %broadcast_in_dim3A_149, %broadcast_in_dim3A_163, %broadcast_in_dim3A_177, %broadcast_in_dim3A_191, %broadcast_in_dim3A_205, %broadcast_in_dim3A_219, %broadcast_in_dim3A_233, %broadcast_in_dim3A_247, %broadcast_in_dim3A_261, %broadcast_in_dim3A_275, %broadcast_in_dim3A_289, %broadcast_in_dim3A_303, %broadcast_in_dim3A_317, %broadcast_in_dim3A_331, %broadcast_in_dim3A_345, %broadcast_in_dim3A_359, %broadcast_in_dim3A_373, %broadcast_in_dim3A_387, %broadcast_in_dim3A_401, %broadcast_in_dim3A_415, %broadcast_in_dim3A_429, %broadcast_in_dim3A_443, %broadcast_in_dim3A_457, %broadcast_in_dim3A_471, %broadcast_in_dim3A_485, %broadcast_in_dim3A_499, %broadcast_in_dim3A_513, %broadcast_in_dim3A_527, %broadcast_in_dim3A_541, %broadcast_in_dim3A_555, %broadcast_in_dim3A_569, %broadcast_in_dim3A_583 in 0 : vector<1x64x1xf32>, vector<1x64x1xf32>, vector<1x64x1xf32>, vector<1x64x1xf32>, vector<1x64x1xf32>, vector<1x64x1xf32>, vector<1x64x1xf32>, vector<1x64x1xf32>, vector<1x64x1xf32>, vector<1x64x1xf32>, vector<1x64x1xf32>, vector<1x64x1xf32>, vector<1x64x1xf32>, vector<1x64x1xf32>, vector<1x64x1xf32>, vector<1x64x1xf32>, vector<1x64x1xf32>, vector<1x64x1xf32>, vector<1x64x1xf32>, vector<1x64x1xf32>, vector<1x64x1xf32>, vector<1x64x1xf32>, vector<1x64x1xf32>, vector<1x64x1xf32>, vector<1x64x1xf32>, vector<1x64x1xf32>, vector<1x64x1xf32>, vector<1x64x1xf32>, vector<1x64x1xf32>, vector<1x64x1xf32>, vector<1x64x1xf32>, vector<1x64x1xf32>, vector<1x64x1xf32>, vector<1x64x1xf32>, vector<1x64x1xf32>, vector<1x64x1xf32>, vector<1x64x1xf32>, vector<1x64x1xf32>, vector<1x64x1xf32>, vector<1x64x1xf32> -> vector<40x64x1xf32>
    %concatenate3A_585 = tpu.concatenate %broadcast_in_dim3A_38, %broadcast_in_dim3A_52, %broadcast_in_dim3A_66, %broadcast_in_dim3A_80, %broadcast_in_dim3A_94, %broadcast_in_dim3A_108, %broadcast_in_dim3A_122, %broadcast_in_dim3A_136, %broadcast_in_dim3A_150, %broadcast_in_dim3A_164, %broadcast_in_dim3A_178, %broadcast_in_dim3A_192, %broadcast_in_dim3A_206, %broadcast_in_dim3A_220, %broadcast_in_dim3A_234, %broadcast_in_dim3A_248, %broadcast_in_dim3A_262, %broadcast_in_dim3A_276, %broadcast_in_dim3A_290, %broadcast_in_dim3A_304, %broadcast_in_dim3A_318, %broadcast_in_dim3A_332, %broadcast_in_dim3A_346, %broadcast_in_dim3A_360, %broadcast_in_dim3A_374, %broadcast_in_dim3A_388, %broadcast_in_dim3A_402, %broadcast_in_dim3A_416, %broadcast_in_dim3A_430, %broadcast_in_dim3A_444, %broadcast_in_dim3A_458, %broadcast_in_dim3A_472, %broadcast_in_dim3A_486, %broadcast_in_dim3A_500, %broadcast_in_dim3A_514, %broadcast_in_dim3A_528, %broadcast_in_dim3A_542, %broadcast_in_dim3A_556, %broadcast_in_dim3A_570, %broadcast_in_dim3A_584 in 0 : vector<1x1x64xf32>, vector<1x1x64xf32>, vector<1x1x64xf32>, vector<1x1x64xf32>, vector<1x1x64xf32>, vector<1x1x64xf32>, vector<1x1x64xf32>, vector<1x1x64xf32>, vector<1x1x64xf32>, vector<1x1x64xf32>, vector<1x1x64xf32>, vector<1x1x64xf32>, vector<1x1x64xf32>, vector<1x1x64xf32>, vector<1x1x64xf32>, vector<1x1x64xf32>, vector<1x1x64xf32>, vector<1x1x64xf32>, vector<1x1x64xf32>, vector<1x1x64xf32>, vector<1x1x64xf32>, vector<1x1x64xf32>, vector<1x1x64xf32>, vector<1x1x64xf32>, vector<1x1x64xf32>, vector<1x1x64xf32>, vector<1x1x64xf32>, vector<1x1x64xf32>, vector<1x1x64xf32>, vector<1x1x64xf32>, vector<1x1x64xf32>, vector<1x1x64xf32>, vector<1x1x64xf32>, vector<1x1x64xf32>, vector<1x1x64xf32>, vector<1x1x64xf32>, vector<1x1x64xf32>, vector<1x1x64xf32>, vector<1x1x64xf32>, vector<1x1x64xf32> -> vector<40x1x64xf32>
    %mul3A_586 = arith.constant -5.000000e-01 : f32
    %mul3A_587 = vector.broadcast %mul3A_586 : f32 to vector<40x64x64xf32>
    %mul3A_588 = arith.mulf %mul3A_587, %get3A_2 : vector<40x64x64xf32>
    %add3A = vector.broadcast %concatenate3A : vector<40x64x1xf32> to vector<40x64x64xf32>
    %add3A_589 = vector.broadcast %concatenate3A_585 : vector<40x1x64xf32> to vector<40x64x64xf32>
    %add3A_590 = arith.addf %add3A, %add3A_589 : vector<40x64x64xf32>
    %mul3A_591 = arith.mulf %mul3A_588, %add3A_590 : vector<40x64x64xf32>
    %add3A_592 = arith.addf %get3A_26, %mul3A_591 : vector<40x64x64xf32>
    %slice3A_593 = vector.extract_strided_slice %add3A_592 {offsets = [0, 0, 0], sizes = [1, 64, 64], strides = [1, 1, 1]} : vector<40x64x64xf32> to vector<1x64x64xf32>
    %squeeze3A_594 = vector.shape_cast %slice3A_593 : vector<1x64x64xf32> to vector<64x64xf32>
    %slice3A_595 = vector.extract_strided_slice %get3A_18 {offsets = [0, 0, 0], sizes = [1, 64, 64], strides = [1, 1, 1]} : vector<40x64x64xf32> to vector<1x64x64xf32>
    %squeeze3A_596 = vector.shape_cast %slice3A_595 : vector<1x64x64xf32> to vector<64x64xf32>
    %dot_general3A_597 = arith.constant dense<0.000000e+00> : vector<64x64xf32>
    %dot_general3A_598 = tpu.matmul %squeeze3A_594, %squeeze3A_596, %dot_general3A_597 {dimension_numbers = #tpu.dot_dimension_numbers<[1], [0], [0], [1], [0, 0, 1, 1], [], []>, transpose_lhs_hint = false} : vector<64x64xf32>, vector<64x64xf32>, vector<64x64xf32> -> vector<64x64xf32>
    %slice3A_599 = vector.extract_strided_slice %get3A_18 {offsets = [0, 0, 0], sizes = [1, 64, 64], strides = [1, 1, 1]} : vector<40x64x64xf32> to vector<1x64x64xf32>
    %squeeze3A_600 = vector.shape_cast %slice3A_599 : vector<1x64x64xf32> to vector<64x64xf32>
    %dot_general3A_601 = arith.constant dense<0.000000e+00> : vector<64x64xf32>
    %dot_general3A_602 = tpu.matmul %squeeze3A_600, %dot_general3A_598, %dot_general3A_601 {dimension_numbers = #tpu.dot_dimension_numbers<[0], [0], [1], [1], [0, 1, 1, 1], [], []>, transpose_lhs_hint = false} : vector<64x64xf32>, vector<64x64xf32>, vector<64x64xf32> -> vector<64x64xf32>
    %slice3A_603 = vector.extract_strided_slice %get3A_18 {offsets = [0, 0, 0], sizes = [1, 64, 64], strides = [1, 1, 1]} : vector<40x64x64xf32> to vector<1x64x64xf32>
    %squeeze3A_604 = vector.shape_cast %slice3A_603 : vector<1x64x64xf32> to vector<64x64xf32>
    %dot_general3A_605 = arith.constant dense<0.000000e+00> : vector<64x64xf32>
    %dot_general3A_606 = tpu.matmul %dot_general3A_598, %squeeze3A_604, %dot_general3A_605 {dimension_numbers = #tpu.dot_dimension_numbers<[0], [0], [1], [1], [0, 1, 1, 1], [], []>, transpose_lhs_hint = false} : vector<64x64xf32>, vector<64x64xf32>, vector<64x64xf32> -> vector<64x64xf32>
    %add3A_607 = arith.addf %dot_general3A_602, %dot_general3A_606 : vector<64x64xf32>
    %mul3A_608 = arith.constant 5.000000e-01 : f32
    %mul3A_609 = vector.broadcast %mul3A_608 : f32 to vector<64x64xf32>
    %mul3A_610 = arith.mulf %mul3A_609, %add3A_607 : vector<64x64xf32>
    %broadcast_in_dim3A_611 = vector.shape_cast %mul3A_610 : vector<64x64xf32> to vector<1x64x64xf32>
    %slice3A_612 = vector.extract_strided_slice %add3A_592 {offsets = [1, 0, 0], sizes = [1, 64, 64], strides = [1, 1, 1]} : vector<40x64x64xf32> to vector<1x64x64xf32>
    %squeeze3A_613 = vector.shape_cast %slice3A_612 : vector<1x64x64xf32> to vector<64x64xf32>
    %slice3A_614 = vector.extract_strided_slice %get3A_18 {offsets = [1, 0, 0], sizes = [1, 64, 64], strides = [1, 1, 1]} : vector<40x64x64xf32> to vector<1x64x64xf32>
    %squeeze3A_615 = vector.shape_cast %slice3A_614 : vector<1x64x64xf32> to vector<64x64xf32>
    %dot_general3A_616 = arith.constant dense<0.000000e+00> : vector<64x64xf32>
    %dot_general3A_617 = tpu.matmul %squeeze3A_613, %squeeze3A_615, %dot_general3A_616 {dimension_numbers = #tpu.dot_dimension_numbers<[1], [0], [0], [1], [0, 0, 1, 1], [], []>, transpose_lhs_hint = false} : vector<64x64xf32>, vector<64x64xf32>, vector<64x64xf32> -> vector<64x64xf32>
    %slice3A_618 = vector.extract_strided_slice %get3A_18 {offsets = [1, 0, 0], sizes = [1, 64, 64], strides = [1, 1, 1]} : vector<40x64x64xf32> to vector<1x64x64xf32>
    %squeeze3A_619 = vector.shape_cast %slice3A_618 : vector<1x64x64xf32> to vector<64x64xf32>
    %dot_general3A_620 = arith.constant dense<0.000000e+00> : vector<64x64xf32>
    %dot_general3A_621 = tpu.matmul %squeeze3A_619, %dot_general3A_617, %dot_general3A_620 {dimension_numbers = #tpu.dot_dimension_numbers<[0], [0], [1], [1], [0, 1, 1, 1], [], []>, transpose_lhs_hint = false} : vector<64x64xf32>, vector<64x64xf32>, vector<64x64xf32> -> vector<64x64xf32>
    %slice3A_622 = vector.extract_strided_slice %get3A_18 {offsets = [1, 0, 0], sizes = [1, 64, 64], strides = [1, 1, 1]} : vector<40x64x64xf32> to vector<1x64x64xf32>
    %squeeze3A_623 = vector.shape_cast %slice3A_622 : vector<1x64x64xf32> to vector<64x64xf32>
    %dot_general3A_624 = arith.constant dense<0.000000e+00> : vector<64x64xf32>
    %dot_general3A_625 = tpu.matmul %dot_general3A_617, %squeeze3A_623, %dot_general3A_624 {dimension_numbers = #tpu.dot_dimension_numbers<[0], [0], [1], [1], [0, 1, 1, 1], [], []>, transpose_lhs_hint = false} : vector<64x64xf32>, vector<64x64xf32>, vector<64x64xf32> -> vector<64x64xf32>
    %add3A_626 = arith.addf %dot_general3A_621, %dot_general3A_625 : vector<64x64xf32>
    %mul3A_627 = arith.constant 5.000000e-01 : f32
    %mul3A_628 = vector.broadcast %mul3A_627 : f32 to vector<64x64xf32>
    %mul3A_629 = arith.mulf %mul3A_628, %add3A_626 : vector<64x64xf32>
    %broadcast_in_dim3A_630 = vector.shape_cast %mul3A_629 : vector<64x64xf32> to vector<1x64x64xf32>
    %slice3A_631 = vector.extract_strided_slice %add3A_592 {offsets = [2, 0, 0], sizes = [1, 64, 64], strides = [1, 1, 1]} : vector<40x64x64xf32> to vector<1x64x64xf32>
    %squeeze3A_632 = vector.shape_cast %slice3A_631 : vector<1x64x64xf32> to vector<64x64xf32>
    %slice3A_633 = vector.extract_strided_slice %get3A_18 {offsets = [2, 0, 0], sizes = [1, 64, 64], strides = [1, 1, 1]} : vector<40x64x64xf32> to vector<1x64x64xf32>
    %squeeze3A_634 = vector.shape_cast %slice3A_633 : vector<1x64x64xf32> to vector<64x64xf32>
    %dot_general3A_635 = arith.constant dense<0.000000e+00> : vector<64x64xf32>
    %dot_general3A_636 = tpu.matmul %squeeze3A_632, %squeeze3A_634, %dot_general3A_635 {dimension_numbers = #tpu.dot_dimension_numbers<[1], [0], [0], [1], [0, 0, 1, 1], [], []>, transpose_lhs_hint = false} : vector<64x64xf32>, vector<64x64xf32>, vector<64x64xf32> -> vector<64x64xf32>
    %slice3A_637 = vector.extract_strided_slice %get3A_18 {offsets = [2, 0, 0], sizes = [1, 64, 64], strides = [1, 1, 1]} : vector<40x64x64xf32> to vector<1x64x64xf32>
    %squeeze3A_638 = vector.shape_cast %slice3A_637 : vector<1x64x64xf32> to vector<64x64xf32>
    %dot_general3A_639 = arith.constant dense<0.000000e+00> : vector<64x64xf32>
    %dot_general3A_640 = tpu.matmul %squeeze3A_638, %dot_general3A_636, %dot_general3A_639 {dimension_numbers = #tpu.dot_dimension_numbers<[0], [0], [1], [1], [0, 1, 1, 1], [], []>, transpose_lhs_hint = false} : vector<64x64xf32>, vector<64x64xf32>, vector<64x64xf32> -> vector<64x64xf32>
    %slice3A_641 = vector.extract_strided_slice %get3A_18 {offsets = [2, 0, 0], sizes = [1, 64, 64], strides = [1, 1, 1]} : vector<40x64x64xf32> to vector<1x64x64xf32>
    %squeeze3A_642 = vector.shape_cast %slice3A_641 : vector<1x64x64xf32> to vector<64x64xf32>
    %dot_general3A_643 = arith.constant dense<0.000000e+00> : vector<64x64xf32>
    %dot_general3A_644 = tpu.matmul %dot_general3A_636, %squeeze3A_642, %dot_general3A_643 {dimension_numbers = #tpu.dot_dimension_numbers<[0], [0], [1], [1], [0, 1, 1, 1], [], []>, transpose_lhs_hint = false} : vector<64x64xf32>, vector<64x64xf32>, vector<64x64xf32> -> vector<64x64xf32>
    %add3A_645 = arith.addf %dot_general3A_640, %dot_general3A_644 : vector<64x64xf32>
    %mul3A_646 = arith.constant 5.000000e-01 : f32
    %mul3A_647 = vector.broadcast %mul3A_646 : f32 to vector<64x64xf32>
    %mul3A_648 = arith.mulf %mul3A_647, %add3A_645 : vector<64x64xf32>
    %broadcast_in_dim3A_649 = vector.shape_cast %mul3A_648 : vector<64x64xf32> to vector<1x64x64xf32>
    %slice3A_650 = vector.extract_strided_slice %add3A_592 {offsets = [3, 0, 0], sizes = [1, 64, 64], strides = [1, 1, 1]} : vector<40x64x64xf32> to vector<1x64x64xf32>
    %squeeze3A_651 = vector.shape_cast %slice3A_650 : vector<1x64x64xf32> to vector<64x64xf32>
    %slice3A_652 = vector.extract_strided_slice %get3A_18 {offsets = [3, 0, 0], sizes = [1, 64, 64], strides = [1, 1, 1]} : vector<40x64x64xf32> to vector<1x64x64xf32>
    %squeeze3A_653 = vector.shape_cast %slice3A_652 : vector<1x64x64xf32> to vector<64x64xf32>
    %dot_general3A_654 = arith.constant dense<0.000000e+00> : vector<64x64xf32>
    %dot_general3A_655 = tpu.matmul %squeeze3A_651, %squeeze3A_653, %dot_general3A_654 {dimension_numbers = #tpu.dot_dimension_numbers<[1], [0], [0], [1], [0, 0, 1, 1], [], []>, transpose_lhs_hint = false} : vector<64x64xf32>, vector<64x64xf32>, vector<64x64xf32> -> vector<64x64xf32>
    %slice3A_656 = vector.extract_strided_slice %get3A_18 {offsets = [3, 0, 0], sizes = [1, 64, 64], strides = [1, 1, 1]} : vector<40x64x64xf32> to vector<1x64x64xf32>
    %squeeze3A_657 = vector.shape_cast %slice3A_656 : vector<1x64x64xf32> to vector<64x64xf32>
    %dot_general3A_658 = arith.constant dense<0.000000e+00> : vector<64x64xf32>
    %dot_general3A_659 = tpu.matmul %squeeze3A_657, %dot_general3A_655, %dot_general3A_658 {dimension_numbers = #tpu.dot_dimension_numbers<[0], [0], [1], [1], [0, 1, 1, 1], [], []>, transpose_lhs_hint = false} : vector<64x64xf32>, vector<64x64xf32>, vector<64x64xf32> -> vector<64x64xf32>
    %slice3A_660 = vector.extract_strided_slice %get3A_18 {offsets = [3, 0, 0], sizes = [1, 64, 64], strides = [1, 1, 1]} : vector<40x64x64xf32> to vector<1x64x64xf32>
    %squeeze3A_661 = vector.shape_cast %slice3A_660 : vector<1x64x64xf32> to vector<64x64xf32>
    %dot_general3A_662 = arith.constant dense<0.000000e+00> : vector<64x64xf32>
    %dot_general3A_663 = tpu.matmul %dot_general3A_655, %squeeze3A_661, %dot_general3A_662 {dimension_numbers = #tpu.dot_dimension_numbers<[0], [0], [1], [1], [0, 1, 1, 1], [], []>, transpose_lhs_hint = false} : vector<64x64xf32>, vector<64x64xf32>, vector<64x64xf32> -> vector<64x64xf32>
    %add3A_664 = arith.addf %dot_general3A_659, %dot_general3A_663 : vector<64x64xf32>
    %mul3A_665 = arith.constant 5.000000e-01 : f32
    %mul3A_666 = vector.broadcast %mul3A_665 : f32 to vector<64x64xf32>
    %mul3A_667 = arith.mulf %mul3A_666, %add3A_664 : vector<64x64xf32>
    %broadcast_in_dim3A_668 = vector.shape_cast %mul3A_667 : vector<64x64xf32> to vector<1x64x64xf32>
    %slice3A_669 = vector.extract_strided_slice %add3A_592 {offsets = [4, 0, 0], sizes = [1, 64, 64], strides = [1, 1, 1]} : vector<40x64x64xf32> to vector<1x64x64xf32>
    %squeeze3A_670 = vector.shape_cast %slice3A_669 : vector<1x64x64xf32> to vector<64x64xf32>
    %slice3A_671 = vector.extract_strided_slice %get3A_18 {offsets = [4, 0, 0], sizes = [1, 64, 64], strides = [1, 1, 1]} : vector<40x64x64xf32> to vector<1x64x64xf32>
    %squeeze3A_672 = vector.shape_cast %slice3A_671 : vector<1x64x64xf32> to vector<64x64xf32>
    %dot_general3A_673 = arith.constant dense<0.000000e+00> : vector<64x64xf32>
    %dot_general3A_674 = tpu.matmul %squeeze3A_670, %squeeze3A_672, %dot_general3A_673 {dimension_numbers = #tpu.dot_dimension_numbers<[1], [0], [0], [1], [0, 0, 1, 1], [], []>, transpose_lhs_hint = false} : vector<64x64xf32>, vector<64x64xf32>, vector<64x64xf32> -> vector<64x64xf32>
    %slice3A_675 = vector.extract_strided_slice %get3A_18 {offsets = [4, 0, 0], sizes = [1, 64, 64], strides = [1, 1, 1]} : vector<40x64x64xf32> to vector<1x64x64xf32>
    %squeeze3A_676 = vector.shape_cast %slice3A_675 : vector<1x64x64xf32> to vector<64x64xf32>
    %dot_general3A_677 = arith.constant dense<0.000000e+00> : vector<64x64xf32>
    %dot_general3A_678 = tpu.matmul %squeeze3A_676, %dot_general3A_674, %dot_general3A_677 {dimension_numbers = #tpu.dot_dimension_numbers<[0], [0], [1], [1], [0, 1, 1, 1], [], []>, transpose_lhs_hint = false} : vector<64x64xf32>, vector<64x64xf32>, vector<64x64xf32> -> vector<64x64xf32>
    %slice3A_679 = vector.extract_strided_slice %get3A_18 {offsets = [4, 0, 0], sizes = [1, 64, 64], strides = [1, 1, 1]} : vector<40x64x64xf32> to vector<1x64x64xf32>
    %squeeze3A_680 = vector.shape_cast %slice3A_679 : vector<1x64x64xf32> to vector<64x64xf32>
    %dot_general3A_681 = arith.constant dense<0.000000e+00> : vector<64x64xf32>
    %dot_general3A_682 = tpu.matmul %dot_general3A_674, %squeeze3A_680, %dot_general3A_681 {dimension_numbers = #tpu.dot_dimension_numbers<[0], [0], [1], [1], [0, 1, 1, 1], [], []>, transpose_lhs_hint = false} : vector<64x64xf32>, vector<64x64xf32>, vector<64x64xf32> -> vector<64x64xf32>
    %add3A_683 = arith.addf %dot_general3A_678, %dot_general3A_682 : vector<64x64xf32>
    %mul3A_684 = arith.constant 5.000000e-01 : f32
    %mul3A_685 = vector.broadcast %mul3A_684 : f32 to vector<64x64xf32>
    %mul3A_686 = arith.mulf %mul3A_685, %add3A_683 : vector<64x64xf32>
    %broadcast_in_dim3A_687 = vector.shape_cast %mul3A_686 : vector<64x64xf32> to vector<1x64x64xf32>
    %slice3A_688 = vector.extract_strided_slice %add3A_592 {offsets = [5, 0, 0], sizes = [1, 64, 64], strides = [1, 1, 1]} : vector<40x64x64xf32> to vector<1x64x64xf32>
    %squeeze3A_689 = vector.shape_cast %slice3A_688 : vector<1x64x64xf32> to vector<64x64xf32>
    %slice3A_690 = vector.extract_strided_slice %get3A_18 {offsets = [5, 0, 0], sizes = [1, 64, 64], strides = [1, 1, 1]} : vector<40x64x64xf32> to vector<1x64x64xf32>
    %squeeze3A_691 = vector.shape_cast %slice3A_690 : vector<1x64x64xf32> to vector<64x64xf32>
    %dot_general3A_692 = arith.constant dense<0.000000e+00> : vector<64x64xf32>
    %dot_general3A_693 = tpu.matmul %squeeze3A_689, %squeeze3A_691, %dot_general3A_692 {dimension_numbers = #tpu.dot_dimension_numbers<[1], [0], [0], [1], [0, 0, 1, 1], [], []>, transpose_lhs_hint = false} : vector<64x64xf32>, vector<64x64xf32>, vector<64x64xf32> -> vector<64x64xf32>
    %slice3A_694 = vector.extract_strided_slice %get3A_18 {offsets = [5, 0, 0], sizes = [1, 64, 64], strides = [1, 1, 1]} : vector<40x64x64xf32> to vector<1x64x64xf32>
    %squeeze3A_695 = vector.shape_cast %slice3A_694 : vector<1x64x64xf32> to vector<64x64xf32>
    %dot_general3A_696 = arith.constant dense<0.000000e+00> : vector<64x64xf32>
    %dot_general3A_697 = tpu.matmul %squeeze3A_695, %dot_general3A_693, %dot_general3A_696 {dimension_numbers = #tpu.dot_dimension_numbers<[0], [0], [1], [1], [0, 1, 1, 1], [], []>, transpose_lhs_hint = false} : vector<64x64xf32>, vector<64x64xf32>, vector<64x64xf32> -> vector<64x64xf32>
    %slice3A_698 = vector.extract_strided_slice %get3A_18 {offsets = [5, 0, 0], sizes = [1, 64, 64], strides = [1, 1, 1]} : vector<40x64x64xf32> to vector<1x64x64xf32>
    %squeeze3A_699 = vector.shape_cast %slice3A_698 : vector<1x64x64xf32> to vector<64x64xf32>
    %dot_general3A_700 = arith.constant dense<0.000000e+00> : vector<64x64xf32>
    %dot_general3A_701 = tpu.matmul %dot_general3A_693, %squeeze3A_699, %dot_general3A_700 {dimension_numbers = #tpu.dot_dimension_numbers<[0], [0], [1], [1], [0, 1, 1, 1], [], []>, transpose_lhs_hint = false} : vector<64x64xf32>, vector<64x64xf32>, vector<64x64xf32> -> vector<64x64xf32>
    %add3A_702 = arith.addf %dot_general3A_697, %dot_general3A_701 : vector<64x64xf32>
    %mul3A_703 = arith.constant 5.000000e-01 : f32
    %mul3A_704 = vector.broadcast %mul3A_703 : f32 to vector<64x64xf32>
    %mul3A_705 = arith.mulf %mul3A_704, %add3A_702 : vector<64x64xf32>
    %broadcast_in_dim3A_706 = vector.shape_cast %mul3A_705 : vector<64x64xf32> to vector<1x64x64xf32>
    %slice3A_707 = vector.extract_strided_slice %add3A_592 {offsets = [6, 0, 0], sizes = [1, 64, 64], strides = [1, 1, 1]} : vector<40x64x64xf32> to vector<1x64x64xf32>
    %squeeze3A_708 = vector.shape_cast %slice3A_707 : vector<1x64x64xf32> to vector<64x64xf32>
    %slice3A_709 = vector.extract_strided_slice %get3A_18 {offsets = [6, 0, 0], sizes = [1, 64, 64], strides = [1, 1, 1]} : vector<40x64x64xf32> to vector<1x64x64xf32>
    %squeeze3A_710 = vector.shape_cast %slice3A_709 : vector<1x64x64xf32> to vector<64x64xf32>
    %dot_general3A_711 = arith.constant dense<0.000000e+00> : vector<64x64xf32>
    %dot_general3A_712 = tpu.matmul %squeeze3A_708, %squeeze3A_710, %dot_general3A_711 {dimension_numbers = #tpu.dot_dimension_numbers<[1], [0], [0], [1], [0, 0, 1, 1], [], []>, transpose_lhs_hint = false} : vector<64x64xf32>, vector<64x64xf32>, vector<64x64xf32> -> vector<64x64xf32>
    %slice3A_713 = vector.extract_strided_slice %get3A_18 {offsets = [6, 0, 0], sizes = [1, 64, 64], strides = [1, 1, 1]} : vector<40x64x64xf32> to vector<1x64x64xf32>
    %squeeze3A_714 = vector.shape_cast %slice3A_713 : vector<1x64x64xf32> to vector<64x64xf32>
    %dot_general3A_715 = arith.constant dense<0.000000e+00> : vector<64x64xf32>
    %dot_general3A_716 = tpu.matmul %squeeze3A_714, %dot_general3A_712, %dot_general3A_715 {dimension_numbers = #tpu.dot_dimension_numbers<[0], [0], [1], [1], [0, 1, 1, 1], [], []>, transpose_lhs_hint = false} : vector<64x64xf32>, vector<64x64xf32>, vector<64x64xf32> -> vector<64x64xf32>
    %slice3A_717 = vector.extract_strided_slice %get3A_18 {offsets = [6, 0, 0], sizes = [1, 64, 64], strides = [1, 1, 1]} : vector<40x64x64xf32> to vector<1x64x64xf32>
    %squeeze3A_718 = vector.shape_cast %slice3A_717 : vector<1x64x64xf32> to vector<64x64xf32>
    %dot_general3A_719 = arith.constant dense<0.000000e+00> : vector<64x64xf32>
    %dot_general3A_720 = tpu.matmul %dot_general3A_712, %squeeze3A_718, %dot_general3A_719 {dimension_numbers = #tpu.dot_dimension_numbers<[0], [0], [1], [1], [0, 1, 1, 1], [], []>, transpose_lhs_hint = false} : vector<64x64xf32>, vector<64x64xf32>, vector<64x64xf32> -> vector<64x64xf32>
    %add3A_721 = arith.addf %dot_general3A_716, %dot_general3A_720 : vector<64x64xf32>
    %mul3A_722 = arith.constant 5.000000e-01 : f32
    %mul3A_723 = vector.broadcast %mul3A_722 : f32 to vector<64x64xf32>
    %mul3A_724 = arith.mulf %mul3A_723, %add3A_721 : vector<64x64xf32>
    %broadcast_in_dim3A_725 = vector.shape_cast %mul3A_724 : vector<64x64xf32> to vector<1x64x64xf32>
    %slice3A_726 = vector.extract_strided_slice %add3A_592 {offsets = [7, 0, 0], sizes = [1, 64, 64], strides = [1, 1, 1]} : vector<40x64x64xf32> to vector<1x64x64xf32>
    %squeeze3A_727 = vector.shape_cast %slice3A_726 : vector<1x64x64xf32> to vector<64x64xf32>
    %slice3A_728 = vector.extract_strided_slice %get3A_18 {offsets = [7, 0, 0], sizes = [1, 64, 64], strides = [1, 1, 1]} : vector<40x64x64xf32> to vector<1x64x64xf32>
    %squeeze3A_729 = vector.shape_cast %slice3A_728 : vector<1x64x64xf32> to vector<64x64xf32>
    %dot_general3A_730 = arith.constant dense<0.000000e+00> : vector<64x64xf32>
    %dot_general3A_731 = tpu.matmul %squeeze3A_727, %squeeze3A_729, %dot_general3A_730 {dimension_numbers = #tpu.dot_dimension_numbers<[1], [0], [0], [1], [0, 0, 1, 1], [], []>, transpose_lhs_hint = false} : vector<64x64xf32>, vector<64x64xf32>, vector<64x64xf32> -> vector<64x64xf32>
    %slice3A_732 = vector.extract_strided_slice %get3A_18 {offsets = [7, 0, 0], sizes = [1, 64, 64], strides = [1, 1, 1]} : vector<40x64x64xf32> to vector<1x64x64xf32>
    %squeeze3A_733 = vector.shape_cast %slice3A_732 : vector<1x64x64xf32> to vector<64x64xf32>
    %dot_general3A_734 = arith.constant dense<0.000000e+00> : vector<64x64xf32>
    %dot_general3A_735 = tpu.matmul %squeeze3A_733, %dot_general3A_731, %dot_general3A_734 {dimension_numbers = #tpu.dot_dimension_numbers<[0], [0], [1], [1], [0, 1, 1, 1], [], []>, transpose_lhs_hint = false} : vector<64x64xf32>, vector<64x64xf32>, vector<64x64xf32> -> vector<64x64xf32>
    %slice3A_736 = vector.extract_strided_slice %get3A_18 {offsets = [7, 0, 0], sizes = [1, 64, 64], strides = [1, 1, 1]} : vector<40x64x64xf32> to vector<1x64x64xf32>
    %squeeze3A_737 = vector.shape_cast %slice3A_736 : vector<1x64x64xf32> to vector<64x64xf32>
    %dot_general3A_738 = arith.constant dense<0.000000e+00> : vector<64x64xf32>
    %dot_general3A_739 = tpu.matmul %dot_general3A_731, %squeeze3A_737, %dot_general3A_738 {dimension_numbers = #tpu.dot_dimension_numbers<[0], [0], [1], [1], [0, 1, 1, 1], [], []>, transpose_lhs_hint = false} : vector<64x64xf32>, vector<64x64xf32>, vector<64x64xf32> -> vector<64x64xf32>
    %add3A_740 = arith.addf %dot_general3A_735, %dot_general3A_739 : vector<64x64xf32>
    %mul3A_741 = arith.constant 5.000000e-01 : f32
    %mul3A_742 = vector.broadcast %mul3A_741 : f32 to vector<64x64xf32>
    %mul3A_743 = arith.mulf %mul3A_742, %add3A_740 : vector<64x64xf32>
    %broadcast_in_dim3A_744 = vector.shape_cast %mul3A_743 : vector<64x64xf32> to vector<1x64x64xf32>
    %slice3A_745 = vector.extract_strided_slice %add3A_592 {offsets = [8, 0, 0], sizes = [1, 64, 64], strides = [1, 1, 1]} : vector<40x64x64xf32> to vector<1x64x64xf32>
    %squeeze3A_746 = vector.shape_cast %slice3A_745 : vector<1x64x64xf32> to vector<64x64xf32>
    %slice3A_747 = vector.extract_strided_slice %get3A_18 {offsets = [8, 0, 0], sizes = [1, 64, 64], strides = [1, 1, 1]} : vector<40x64x64xf32> to vector<1x64x64xf32>
    %squeeze3A_748 = vector.shape_cast %slice3A_747 : vector<1x64x64xf32> to vector<64x64xf32>
    %dot_general3A_749 = arith.constant dense<0.000000e+00> : vector<64x64xf32>
    %dot_general3A_750 = tpu.matmul %squeeze3A_746, %squeeze3A_748, %dot_general3A_749 {dimension_numbers = #tpu.dot_dimension_numbers<[1], [0], [0], [1], [0, 0, 1, 1], [], []>, transpose_lhs_hint = false} : vector<64x64xf32>, vector<64x64xf32>, vector<64x64xf32> -> vector<64x64xf32>
    %slice3A_751 = vector.extract_strided_slice %get3A_18 {offsets = [8, 0, 0], sizes = [1, 64, 64], strides = [1, 1, 1]} : vector<40x64x64xf32> to vector<1x64x64xf32>
    %squeeze3A_752 = vector.shape_cast %slice3A_751 : vector<1x64x64xf32> to vector<64x64xf32>
    %dot_general3A_753 = arith.constant dense<0.000000e+00> : vector<64x64xf32>
    %dot_general3A_754 = tpu.matmul %squeeze3A_752, %dot_general3A_750, %dot_general3A_753 {dimension_numbers = #tpu.dot_dimension_numbers<[0], [0], [1], [1], [0, 1, 1, 1], [], []>, transpose_lhs_hint = false} : vector<64x64xf32>, vector<64x64xf32>, vector<64x64xf32> -> vector<64x64xf32>
    %slice3A_755 = vector.extract_strided_slice %get3A_18 {offsets = [8, 0, 0], sizes = [1, 64, 64], strides = [1, 1, 1]} : vector<40x64x64xf32> to vector<1x64x64xf32>
    %squeeze3A_756 = vector.shape_cast %slice3A_755 : vector<1x64x64xf32> to vector<64x64xf32>
    %dot_general3A_757 = arith.constant dense<0.000000e+00> : vector<64x64xf32>
    %dot_general3A_758 = tpu.matmul %dot_general3A_750, %squeeze3A_756, %dot_general3A_757 {dimension_numbers = #tpu.dot_dimension_numbers<[0], [0], [1], [1], [0, 1, 1, 1], [], []>, transpose_lhs_hint = false} : vector<64x64xf32>, vector<64x64xf32>, vector<64x64xf32> -> vector<64x64xf32>
    %add3A_759 = arith.addf %dot_general3A_754, %dot_general3A_758 : vector<64x64xf32>
    %mul3A_760 = arith.constant 5.000000e-01 : f32
    %mul3A_761 = vector.broadcast %mul3A_760 : f32 to vector<64x64xf32>
    %mul3A_762 = arith.mulf %mul3A_761, %add3A_759 : vector<64x64xf32>
    %broadcast_in_dim3A_763 = vector.shape_cast %mul3A_762 : vector<64x64xf32> to vector<1x64x64xf32>
    %slice3A_764 = vector.extract_strided_slice %add3A_592 {offsets = [9, 0, 0], sizes = [1, 64, 64], strides = [1, 1, 1]} : vector<40x64x64xf32> to vector<1x64x64xf32>
    %squeeze3A_765 = vector.shape_cast %slice3A_764 : vector<1x64x64xf32> to vector<64x64xf32>
    %slice3A_766 = vector.extract_strided_slice %get3A_18 {offsets = [9, 0, 0], sizes = [1, 64, 64], strides = [1, 1, 1]} : vector<40x64x64xf32> to vector<1x64x64xf32>
    %squeeze3A_767 = vector.shape_cast %slice3A_766 : vector<1x64x64xf32> to vector<64x64xf32>
    %dot_general3A_768 = arith.constant dense<0.000000e+00> : vector<64x64xf32>
    %dot_general3A_769 = tpu.matmul %squeeze3A_765, %squeeze3A_767, %dot_general3A_768 {dimension_numbers = #tpu.dot_dimension_numbers<[1], [0], [0], [1], [0, 0, 1, 1], [], []>, transpose_lhs_hint = false} : vector<64x64xf32>, vector<64x64xf32>, vector<64x64xf32> -> vector<64x64xf32>
    %slice3A_770 = vector.extract_strided_slice %get3A_18 {offsets = [9, 0, 0], sizes = [1, 64, 64], strides = [1, 1, 1]} : vector<40x64x64xf32> to vector<1x64x64xf32>
    %squeeze3A_771 = vector.shape_cast %slice3A_770 : vector<1x64x64xf32> to vector<64x64xf32>
    %dot_general3A_772 = arith.constant dense<0.000000e+00> : vector<64x64xf32>
    %dot_general3A_773 = tpu.matmul %squeeze3A_771, %dot_general3A_769, %dot_general3A_772 {dimension_numbers = #tpu.dot_dimension_numbers<[0], [0], [1], [1], [0, 1, 1, 1], [], []>, transpose_lhs_hint = false} : vector<64x64xf32>, vector<64x64xf32>, vector<64x64xf32> -> vector<64x64xf32>
    %slice3A_774 = vector.extract_strided_slice %get3A_18 {offsets = [9, 0, 0], sizes = [1, 64, 64], strides = [1, 1, 1]} : vector<40x64x64xf32> to vector<1x64x64xf32>
    %squeeze3A_775 = vector.shape_cast %slice3A_774 : vector<1x64x64xf32> to vector<64x64xf32>
    %dot_general3A_776 = arith.constant dense<0.000000e+00> : vector<64x64xf32>
    %dot_general3A_777 = tpu.matmul %dot_general3A_769, %squeeze3A_775, %dot_general3A_776 {dimension_numbers = #tpu.dot_dimension_numbers<[0], [0], [1], [1], [0, 1, 1, 1], [], []>, transpose_lhs_hint = false} : vector<64x64xf32>, vector<64x64xf32>, vector<64x64xf32> -> vector<64x64xf32>
    %add3A_778 = arith.addf %dot_general3A_773, %dot_general3A_777 : vector<64x64xf32>
    %mul3A_779 = arith.constant 5.000000e-01 : f32
    %mul3A_780 = vector.broadcast %mul3A_779 : f32 to vector<64x64xf32>
    %mul3A_781 = arith.mulf %mul3A_780, %add3A_778 : vector<64x64xf32>
    %broadcast_in_dim3A_782 = vector.shape_cast %mul3A_781 : vector<64x64xf32> to vector<1x64x64xf32>
    %slice3A_783 = vector.extract_strided_slice %add3A_592 {offsets = [10, 0, 0], sizes = [1, 64, 64], strides = [1, 1, 1]} : vector<40x64x64xf32> to vector<1x64x64xf32>
    %squeeze3A_784 = vector.shape_cast %slice3A_783 : vector<1x64x64xf32> to vector<64x64xf32>
    %slice3A_785 = vector.extract_strided_slice %get3A_18 {offsets = [10, 0, 0], sizes = [1, 64, 64], strides = [1, 1, 1]} : vector<40x64x64xf32> to vector<1x64x64xf32>
    %squeeze3A_786 = vector.shape_cast %slice3A_785 : vector<1x64x64xf32> to vector<64x64xf32>
    %dot_general3A_787 = arith.constant dense<0.000000e+00> : vector<64x64xf32>
    %dot_general3A_788 = tpu.matmul %squeeze3A_784, %squeeze3A_786, %dot_general3A_787 {dimension_numbers = #tpu.dot_dimension_numbers<[1], [0], [0], [1], [0, 0, 1, 1], [], []>, transpose_lhs_hint = false} : vector<64x64xf32>, vector<64x64xf32>, vector<64x64xf32> -> vector<64x64xf32>
    %slice3A_789 = vector.extract_strided_slice %get3A_18 {offsets = [10, 0, 0], sizes = [1, 64, 64], strides = [1, 1, 1]} : vector<40x64x64xf32> to vector<1x64x64xf32>
    %squeeze3A_790 = vector.shape_cast %slice3A_789 : vector<1x64x64xf32> to vector<64x64xf32>
    %dot_general3A_791 = arith.constant dense<0.000000e+00> : vector<64x64xf32>
    %dot_general3A_792 = tpu.matmul %squeeze3A_790, %dot_general3A_788, %dot_general3A_791 {dimension_numbers = #tpu.dot_dimension_numbers<[0], [0], [1], [1], [0, 1, 1, 1], [], []>, transpose_lhs_hint = false} : vector<64x64xf32>, vector<64x64xf32>, vector<64x64xf32> -> vector<64x64xf32>
    %slice3A_793 = vector.extract_strided_slice %get3A_18 {offsets = [10, 0, 0], sizes = [1, 64, 64], strides = [1, 1, 1]} : vector<40x64x64xf32> to vector<1x64x64xf32>
    %squeeze3A_794 = vector.shape_cast %slice3A_793 : vector<1x64x64xf32> to vector<64x64xf32>
    %dot_general3A_795 = arith.constant dense<0.000000e+00> : vector<64x64xf32>
    %dot_general3A_796 = tpu.matmul %dot_general3A_788, %squeeze3A_794, %dot_general3A_795 {dimension_numbers = #tpu.dot_dimension_numbers<[0], [0], [1], [1], [0, 1, 1, 1], [], []>, transpose_lhs_hint = false} : vector<64x64xf32>, vector<64x64xf32>, vector<64x64xf32> -> vector<64x64xf32>
    %add3A_797 = arith.addf %dot_general3A_792, %dot_general3A_796 : vector<64x64xf32>
    %mul3A_798 = arith.constant 5.000000e-01 : f32
    %mul3A_799 = vector.broadcast %mul3A_798 : f32 to vector<64x64xf32>
    %mul3A_800 = arith.mulf %mul3A_799, %add3A_797 : vector<64x64xf32>
    %broadcast_in_dim3A_801 = vector.shape_cast %mul3A_800 : vector<64x64xf32> to vector<1x64x64xf32>
    %slice3A_802 = vector.extract_strided_slice %add3A_592 {offsets = [11, 0, 0], sizes = [1, 64, 64], strides = [1, 1, 1]} : vector<40x64x64xf32> to vector<1x64x64xf32>
    %squeeze3A_803 = vector.shape_cast %slice3A_802 : vector<1x64x64xf32> to vector<64x64xf32>
    %slice3A_804 = vector.extract_strided_slice %get3A_18 {offsets = [11, 0, 0], sizes = [1, 64, 64], strides = [1, 1, 1]} : vector<40x64x64xf32> to vector<1x64x64xf32>
    %squeeze3A_805 = vector.shape_cast %slice3A_804 : vector<1x64x64xf32> to vector<64x64xf32>
    %dot_general3A_806 = arith.constant dense<0.000000e+00> : vector<64x64xf32>
    %dot_general3A_807 = tpu.matmul %squeeze3A_803, %squeeze3A_805, %dot_general3A_806 {dimension_numbers = #tpu.dot_dimension_numbers<[1], [0], [0], [1], [0, 0, 1, 1], [], []>, transpose_lhs_hint = false} : vector<64x64xf32>, vector<64x64xf32>, vector<64x64xf32> -> vector<64x64xf32>
    %slice3A_808 = vector.extract_strided_slice %get3A_18 {offsets = [11, 0, 0], sizes = [1, 64, 64], strides = [1, 1, 1]} : vector<40x64x64xf32> to vector<1x64x64xf32>
    %squeeze3A_809 = vector.shape_cast %slice3A_808 : vector<1x64x64xf32> to vector<64x64xf32>
    %dot_general3A_810 = arith.constant dense<0.000000e+00> : vector<64x64xf32>
    %dot_general3A_811 = tpu.matmul %squeeze3A_809, %dot_general3A_807, %dot_general3A_810 {dimension_numbers = #tpu.dot_dimension_numbers<[0], [0], [1], [1], [0, 1, 1, 1], [], []>, transpose_lhs_hint = false} : vector<64x64xf32>, vector<64x64xf32>, vector<64x64xf32> -> vector<64x64xf32>
    %slice3A_812 = vector.extract_strided_slice %get3A_18 {offsets = [11, 0, 0], sizes = [1, 64, 64], strides = [1, 1, 1]} : vector<40x64x64xf32> to vector<1x64x64xf32>
    %squeeze3A_813 = vector.shape_cast %slice3A_812 : vector<1x64x64xf32> to vector<64x64xf32>
    %dot_general3A_814 = arith.constant dense<0.000000e+00> : vector<64x64xf32>
    %dot_general3A_815 = tpu.matmul %dot_general3A_807, %squeeze3A_813, %dot_general3A_814 {dimension_numbers = #tpu.dot_dimension_numbers<[0], [0], [1], [1], [0, 1, 1, 1], [], []>, transpose_lhs_hint = false} : vector<64x64xf32>, vector<64x64xf32>, vector<64x64xf32> -> vector<64x64xf32>
    %add3A_816 = arith.addf %dot_general3A_811, %dot_general3A_815 : vector<64x64xf32>
    %mul3A_817 = arith.constant 5.000000e-01 : f32
    %mul3A_818 = vector.broadcast %mul3A_817 : f32 to vector<64x64xf32>
    %mul3A_819 = arith.mulf %mul3A_818, %add3A_816 : vector<64x64xf32>
    %broadcast_in_dim3A_820 = vector.shape_cast %mul3A_819 : vector<64x64xf32> to vector<1x64x64xf32>
    %slice3A_821 = vector.extract_strided_slice %add3A_592 {offsets = [12, 0, 0], sizes = [1, 64, 64], strides = [1, 1, 1]} : vector<40x64x64xf32> to vector<1x64x64xf32>
    %squeeze3A_822 = vector.shape_cast %slice3A_821 : vector<1x64x64xf32> to vector<64x64xf32>
    %slice3A_823 = vector.extract_strided_slice %get3A_18 {offsets = [12, 0, 0], sizes = [1, 64, 64], strides = [1, 1, 1]} : vector<40x64x64xf32> to vector<1x64x64xf32>
    %squeeze3A_824 = vector.shape_cast %slice3A_823 : vector<1x64x64xf32> to vector<64x64xf32>
    %dot_general3A_825 = arith.constant dense<0.000000e+00> : vector<64x64xf32>
    %dot_general3A_826 = tpu.matmul %squeeze3A_822, %squeeze3A_824, %dot_general3A_825 {dimension_numbers = #tpu.dot_dimension_numbers<[1], [0], [0], [1], [0, 0, 1, 1], [], []>, transpose_lhs_hint = false} : vector<64x64xf32>, vector<64x64xf32>, vector<64x64xf32> -> vector<64x64xf32>
    %slice3A_827 = vector.extract_strided_slice %get3A_18 {offsets = [12, 0, 0], sizes = [1, 64, 64], strides = [1, 1, 1]} : vector<40x64x64xf32> to vector<1x64x64xf32>
    %squeeze3A_828 = vector.shape_cast %slice3A_827 : vector<1x64x64xf32> to vector<64x64xf32>
    %dot_general3A_829 = arith.constant dense<0.000000e+00> : vector<64x64xf32>
    %dot_general3A_830 = tpu.matmul %squeeze3A_828, %dot_general3A_826, %dot_general3A_829 {dimension_numbers = #tpu.dot_dimension_numbers<[0], [0], [1], [1], [0, 1, 1, 1], [], []>, transpose_lhs_hint = false} : vector<64x64xf32>, vector<64x64xf32>, vector<64x64xf32> -> vector<64x64xf32>
    %slice3A_831 = vector.extract_strided_slice %get3A_18 {offsets = [12, 0, 0], sizes = [1, 64, 64], strides = [1, 1, 1]} : vector<40x64x64xf32> to vector<1x64x64xf32>
    %squeeze3A_832 = vector.shape_cast %slice3A_831 : vector<1x64x64xf32> to vector<64x64xf32>
    %dot_general3A_833 = arith.constant dense<0.000000e+00> : vector<64x64xf32>
    %dot_general3A_834 = tpu.matmul %dot_general3A_826, %squeeze3A_832, %dot_general3A_833 {dimension_numbers = #tpu.dot_dimension_numbers<[0], [0], [1], [1], [0, 1, 1, 1], [], []>, transpose_lhs_hint = false} : vector<64x64xf32>, vector<64x64xf32>, vector<64x64xf32> -> vector<64x64xf32>
    %add3A_835 = arith.addf %dot_general3A_830, %dot_general3A_834 : vector<64x64xf32>
    %mul3A_836 = arith.constant 5.000000e-01 : f32
    %mul3A_837 = vector.broadcast %mul3A_836 : f32 to vector<64x64xf32>
    %mul3A_838 = arith.mulf %mul3A_837, %add3A_835 : vector<64x64xf32>
    %broadcast_in_dim3A_839 = vector.shape_cast %mul3A_838 : vector<64x64xf32> to vector<1x64x64xf32>
    %slice3A_840 = vector.extract_strided_slice %add3A_592 {offsets = [13, 0, 0], sizes = [1, 64, 64], strides = [1, 1, 1]} : vector<40x64x64xf32> to vector<1x64x64xf32>
    %squeeze3A_841 = vector.shape_cast %slice3A_840 : vector<1x64x64xf32> to vector<64x64xf32>
    %slice3A_842 = vector.extract_strided_slice %get3A_18 {offsets = [13, 0, 0], sizes = [1, 64, 64], strides = [1, 1, 1]} : vector<40x64x64xf32> to vector<1x64x64xf32>
    %squeeze3A_843 = vector.shape_cast %slice3A_842 : vector<1x64x64xf32> to vector<64x64xf32>
    %dot_general3A_844 = arith.constant dense<0.000000e+00> : vector<64x64xf32>
    %dot_general3A_845 = tpu.matmul %squeeze3A_841, %squeeze3A_843, %dot_general3A_844 {dimension_numbers = #tpu.dot_dimension_numbers<[1], [0], [0], [1], [0, 0, 1, 1], [], []>, transpose_lhs_hint = false} : vector<64x64xf32>, vector<64x64xf32>, vector<64x64xf32> -> vector<64x64xf32>
    %slice3A_846 = vector.extract_strided_slice %get3A_18 {offsets = [13, 0, 0], sizes = [1, 64, 64], strides = [1, 1, 1]} : vector<40x64x64xf32> to vector<1x64x64xf32>
    %squeeze3A_847 = vector.shape_cast %slice3A_846 : vector<1x64x64xf32> to vector<64x64xf32>
    %dot_general3A_848 = arith.constant dense<0.000000e+00> : vector<64x64xf32>
    %dot_general3A_849 = tpu.matmul %squeeze3A_847, %dot_general3A_845, %dot_general3A_848 {dimension_numbers = #tpu.dot_dimension_numbers<[0], [0], [1], [1], [0, 1, 1, 1], [], []>, transpose_lhs_hint = false} : vector<64x64xf32>, vector<64x64xf32>, vector<64x64xf32> -> vector<64x64xf32>
    %slice3A_850 = vector.extract_strided_slice %get3A_18 {offsets = [13, 0, 0], sizes = [1, 64, 64], strides = [1, 1, 1]} : vector<40x64x64xf32> to vector<1x64x64xf32>
    %squeeze3A_851 = vector.shape_cast %slice3A_850 : vector<1x64x64xf32> to vector<64x64xf32>
    %dot_general3A_852 = arith.constant dense<0.000000e+00> : vector<64x64xf32>
    %dot_general3A_853 = tpu.matmul %dot_general3A_845, %squeeze3A_851, %dot_general3A_852 {dimension_numbers = #tpu.dot_dimension_numbers<[0], [0], [1], [1], [0, 1, 1, 1], [], []>, transpose_lhs_hint = false} : vector<64x64xf32>, vector<64x64xf32>, vector<64x64xf32> -> vector<64x64xf32>
    %add3A_854 = arith.addf %dot_general3A_849, %dot_general3A_853 : vector<64x64xf32>
    %mul3A_855 = arith.constant 5.000000e-01 : f32
    %mul3A_856 = vector.broadcast %mul3A_855 : f32 to vector<64x64xf32>
    %mul3A_857 = arith.mulf %mul3A_856, %add3A_854 : vector<64x64xf32>
    %broadcast_in_dim3A_858 = vector.shape_cast %mul3A_857 : vector<64x64xf32> to vector<1x64x64xf32>
    %slice3A_859 = vector.extract_strided_slice %add3A_592 {offsets = [14, 0, 0], sizes = [1, 64, 64], strides = [1, 1, 1]} : vector<40x64x64xf32> to vector<1x64x64xf32>
    %squeeze3A_860 = vector.shape_cast %slice3A_859 : vector<1x64x64xf32> to vector<64x64xf32>
    %slice3A_861 = vector.extract_strided_slice %get3A_18 {offsets = [14, 0, 0], sizes = [1, 64, 64], strides = [1, 1, 1]} : vector<40x64x64xf32> to vector<1x64x64xf32>
    %squeeze3A_862 = vector.shape_cast %slice3A_861 : vector<1x64x64xf32> to vector<64x64xf32>
    %dot_general3A_863 = arith.constant dense<0.000000e+00> : vector<64x64xf32>
    %dot_general3A_864 = tpu.matmul %squeeze3A_860, %squeeze3A_862, %dot_general3A_863 {dimension_numbers = #tpu.dot_dimension_numbers<[1], [0], [0], [1], [0, 0, 1, 1], [], []>, transpose_lhs_hint = false} : vector<64x64xf32>, vector<64x64xf32>, vector<64x64xf32> -> vector<64x64xf32>
    %slice3A_865 = vector.extract_strided_slice %get3A_18 {offsets = [14, 0, 0], sizes = [1, 64, 64], strides = [1, 1, 1]} : vector<40x64x64xf32> to vector<1x64x64xf32>
    %squeeze3A_866 = vector.shape_cast %slice3A_865 : vector<1x64x64xf32> to vector<64x64xf32>
    %dot_general3A_867 = arith.constant dense<0.000000e+00> : vector<64x64xf32>
    %dot_general3A_868 = tpu.matmul %squeeze3A_866, %dot_general3A_864, %dot_general3A_867 {dimension_numbers = #tpu.dot_dimension_numbers<[0], [0], [1], [1], [0, 1, 1, 1], [], []>, transpose_lhs_hint = false} : vector<64x64xf32>, vector<64x64xf32>, vector<64x64xf32> -> vector<64x64xf32>
    %slice3A_869 = vector.extract_strided_slice %get3A_18 {offsets = [14, 0, 0], sizes = [1, 64, 64], strides = [1, 1, 1]} : vector<40x64x64xf32> to vector<1x64x64xf32>
    %squeeze3A_870 = vector.shape_cast %slice3A_869 : vector<1x64x64xf32> to vector<64x64xf32>
    %dot_general3A_871 = arith.constant dense<0.000000e+00> : vector<64x64xf32>
    %dot_general3A_872 = tpu.matmul %dot_general3A_864, %squeeze3A_870, %dot_general3A_871 {dimension_numbers = #tpu.dot_dimension_numbers<[0], [0], [1], [1], [0, 1, 1, 1], [], []>, transpose_lhs_hint = false} : vector<64x64xf32>, vector<64x64xf32>, vector<64x64xf32> -> vector<64x64xf32>
    %add3A_873 = arith.addf %dot_general3A_868, %dot_general3A_872 : vector<64x64xf32>
    %mul3A_874 = arith.constant 5.000000e-01 : f32
    %mul3A_875 = vector.broadcast %mul3A_874 : f32 to vector<64x64xf32>
    %mul3A_876 = arith.mulf %mul3A_875, %add3A_873 : vector<64x64xf32>
    %broadcast_in_dim3A_877 = vector.shape_cast %mul3A_876 : vector<64x64xf32> to vector<1x64x64xf32>
    %slice3A_878 = vector.extract_strided_slice %add3A_592 {offsets = [15, 0, 0], sizes = [1, 64, 64], strides = [1, 1, 1]} : vector<40x64x64xf32> to vector<1x64x64xf32>
    %squeeze3A_879 = vector.shape_cast %slice3A_878 : vector<1x64x64xf32> to vector<64x64xf32>
    %slice3A_880 = vector.extract_strided_slice %get3A_18 {offsets = [15, 0, 0], sizes = [1, 64, 64], strides = [1, 1, 1]} : vector<40x64x64xf32> to vector<1x64x64xf32>
    %squeeze3A_881 = vector.shape_cast %slice3A_880 : vector<1x64x64xf32> to vector<64x64xf32>
    %dot_general3A_882 = arith.constant dense<0.000000e+00> : vector<64x64xf32>
    %dot_general3A_883 = tpu.matmul %squeeze3A_879, %squeeze3A_881, %dot_general3A_882 {dimension_numbers = #tpu.dot_dimension_numbers<[1], [0], [0], [1], [0, 0, 1, 1], [], []>, transpose_lhs_hint = false} : vector<64x64xf32>, vector<64x64xf32>, vector<64x64xf32> -> vector<64x64xf32>
    %slice3A_884 = vector.extract_strided_slice %get3A_18 {offsets = [15, 0, 0], sizes = [1, 64, 64], strides = [1, 1, 1]} : vector<40x64x64xf32> to vector<1x64x64xf32>
    %squeeze3A_885 = vector.shape_cast %slice3A_884 : vector<1x64x64xf32> to vector<64x64xf32>
    %dot_general3A_886 = arith.constant dense<0.000000e+00> : vector<64x64xf32>
    %dot_general3A_887 = tpu.matmul %squeeze3A_885, %dot_general3A_883, %dot_general3A_886 {dimension_numbers = #tpu.dot_dimension_numbers<[0], [0], [1], [1], [0, 1, 1, 1], [], []>, transpose_lhs_hint = false} : vector<64x64xf32>, vector<64x64xf32>, vector<64x64xf32> -> vector<64x64xf32>
    %slice3A_888 = vector.extract_strided_slice %get3A_18 {offsets = [15, 0, 0], sizes = [1, 64, 64], strides = [1, 1, 1]} : vector<40x64x64xf32> to vector<1x64x64xf32>
    %squeeze3A_889 = vector.shape_cast %slice3A_888 : vector<1x64x64xf32> to vector<64x64xf32>
    %dot_general3A_890 = arith.constant dense<0.000000e+00> : vector<64x64xf32>
    %dot_general3A_891 = tpu.matmul %dot_general3A_883, %squeeze3A_889, %dot_general3A_890 {dimension_numbers = #tpu.dot_dimension_numbers<[0], [0], [1], [1], [0, 1, 1, 1], [], []>, transpose_lhs_hint = false} : vector<64x64xf32>, vector<64x64xf32>, vector<64x64xf32> -> vector<64x64xf32>
    %add3A_892 = arith.addf %dot_general3A_887, %dot_general3A_891 : vector<64x64xf32>
    %mul3A_893 = arith.constant 5.000000e-01 : f32
    %mul3A_894 = vector.broadcast %mul3A_893 : f32 to vector<64x64xf32>
    %mul3A_895 = arith.mulf %mul3A_894, %add3A_892 : vector<64x64xf32>
    %broadcast_in_dim3A_896 = vector.shape_cast %mul3A_895 : vector<64x64xf32> to vector<1x64x64xf32>
    %slice3A_897 = vector.extract_strided_slice %add3A_592 {offsets = [16, 0, 0], sizes = [1, 64, 64], strides = [1, 1, 1]} : vector<40x64x64xf32> to vector<1x64x64xf32>
    %squeeze3A_898 = vector.shape_cast %slice3A_897 : vector<1x64x64xf32> to vector<64x64xf32>
    %slice3A_899 = vector.extract_strided_slice %get3A_18 {offsets = [16, 0, 0], sizes = [1, 64, 64], strides = [1, 1, 1]} : vector<40x64x64xf32> to vector<1x64x64xf32>
    %squeeze3A_900 = vector.shape_cast %slice3A_899 : vector<1x64x64xf32> to vector<64x64xf32>
    %dot_general3A_901 = arith.constant dense<0.000000e+00> : vector<64x64xf32>
    %dot_general3A_902 = tpu.matmul %squeeze3A_898, %squeeze3A_900, %dot_general3A_901 {dimension_numbers = #tpu.dot_dimension_numbers<[1], [0], [0], [1], [0, 0, 1, 1], [], []>, transpose_lhs_hint = false} : vector<64x64xf32>, vector<64x64xf32>, vector<64x64xf32> -> vector<64x64xf32>
    %slice3A_903 = vector.extract_strided_slice %get3A_18 {offsets = [16, 0, 0], sizes = [1, 64, 64], strides = [1, 1, 1]} : vector<40x64x64xf32> to vector<1x64x64xf32>
    %squeeze3A_904 = vector.shape_cast %slice3A_903 : vector<1x64x64xf32> to vector<64x64xf32>
    %dot_general3A_905 = arith.constant dense<0.000000e+00> : vector<64x64xf32>
    %dot_general3A_906 = tpu.matmul %squeeze3A_904, %dot_general3A_902, %dot_general3A_905 {dimension_numbers = #tpu.dot_dimension_numbers<[0], [0], [1], [1], [0, 1, 1, 1], [], []>, transpose_lhs_hint = false} : vector<64x64xf32>, vector<64x64xf32>, vector<64x64xf32> -> vector<64x64xf32>
    %slice3A_907 = vector.extract_strided_slice %get3A_18 {offsets = [16, 0, 0], sizes = [1, 64, 64], strides = [1, 1, 1]} : vector<40x64x64xf32> to vector<1x64x64xf32>
    %squeeze3A_908 = vector.shape_cast %slice3A_907 : vector<1x64x64xf32> to vector<64x64xf32>
    %dot_general3A_909 = arith.constant dense<0.000000e+00> : vector<64x64xf32>
    %dot_general3A_910 = tpu.matmul %dot_general3A_902, %squeeze3A_908, %dot_general3A_909 {dimension_numbers = #tpu.dot_dimension_numbers<[0], [0], [1], [1], [0, 1, 1, 1], [], []>, transpose_lhs_hint = false} : vector<64x64xf32>, vector<64x64xf32>, vector<64x64xf32> -> vector<64x64xf32>
    %add3A_911 = arith.addf %dot_general3A_906, %dot_general3A_910 : vector<64x64xf32>
    %mul3A_912 = arith.constant 5.000000e-01 : f32
    %mul3A_913 = vector.broadcast %mul3A_912 : f32 to vector<64x64xf32>
    %mul3A_914 = arith.mulf %mul3A_913, %add3A_911 : vector<64x64xf32>
    %broadcast_in_dim3A_915 = vector.shape_cast %mul3A_914 : vector<64x64xf32> to vector<1x64x64xf32>
    %slice3A_916 = vector.extract_strided_slice %add3A_592 {offsets = [17, 0, 0], sizes = [1, 64, 64], strides = [1, 1, 1]} : vector<40x64x64xf32> to vector<1x64x64xf32>
    %squeeze3A_917 = vector.shape_cast %slice3A_916 : vector<1x64x64xf32> to vector<64x64xf32>
    %slice3A_918 = vector.extract_strided_slice %get3A_18 {offsets = [17, 0, 0], sizes = [1, 64, 64], strides = [1, 1, 1]} : vector<40x64x64xf32> to vector<1x64x64xf32>
    %squeeze3A_919 = vector.shape_cast %slice3A_918 : vector<1x64x64xf32> to vector<64x64xf32>
    %dot_general3A_920 = arith.constant dense<0.000000e+00> : vector<64x64xf32>
    %dot_general3A_921 = tpu.matmul %squeeze3A_917, %squeeze3A_919, %dot_general3A_920 {dimension_numbers = #tpu.dot_dimension_numbers<[1], [0], [0], [1], [0, 0, 1, 1], [], []>, transpose_lhs_hint = false} : vector<64x64xf32>, vector<64x64xf32>, vector<64x64xf32> -> vector<64x64xf32>
    %slice3A_922 = vector.extract_strided_slice %get3A_18 {offsets = [17, 0, 0], sizes = [1, 64, 64], strides = [1, 1, 1]} : vector<40x64x64xf32> to vector<1x64x64xf32>
    %squeeze3A_923 = vector.shape_cast %slice3A_922 : vector<1x64x64xf32> to vector<64x64xf32>
    %dot_general3A_924 = arith.constant dense<0.000000e+00> : vector<64x64xf32>
    %dot_general3A_925 = tpu.matmul %squeeze3A_923, %dot_general3A_921, %dot_general3A_924 {dimension_numbers = #tpu.dot_dimension_numbers<[0], [0], [1], [1], [0, 1, 1, 1], [], []>, transpose_lhs_hint = false} : vector<64x64xf32>, vector<64x64xf32>, vector<64x64xf32> -> vector<64x64xf32>
    %slice3A_926 = vector.extract_strided_slice %get3A_18 {offsets = [17, 0, 0], sizes = [1, 64, 64], strides = [1, 1, 1]} : vector<40x64x64xf32> to vector<1x64x64xf32>
    %squeeze3A_927 = vector.shape_cast %slice3A_926 : vector<1x64x64xf32> to vector<64x64xf32>
    %dot_general3A_928 = arith.constant dense<0.000000e+00> : vector<64x64xf32>
    %dot_general3A_929 = tpu.matmul %dot_general3A_921, %squeeze3A_927, %dot_general3A_928 {dimension_numbers = #tpu.dot_dimension_numbers<[0], [0], [1], [1], [0, 1, 1, 1], [], []>, transpose_lhs_hint = false} : vector<64x64xf32>, vector<64x64xf32>, vector<64x64xf32> -> vector<64x64xf32>
    %add3A_930 = arith.addf %dot_general3A_925, %dot_general3A_929 : vector<64x64xf32>
    %mul3A_931 = arith.constant 5.000000e-01 : f32
    %mul3A_932 = vector.broadcast %mul3A_931 : f32 to vector<64x64xf32>
    %mul3A_933 = arith.mulf %mul3A_932, %add3A_930 : vector<64x64xf32>
    %broadcast_in_dim3A_934 = vector.shape_cast %mul3A_933 : vector<64x64xf32> to vector<1x64x64xf32>
    %slice3A_935 = vector.extract_strided_slice %add3A_592 {offsets = [18, 0, 0], sizes = [1, 64, 64], strides = [1, 1, 1]} : vector<40x64x64xf32> to vector<1x64x64xf32>
    %squeeze3A_936 = vector.shape_cast %slice3A_935 : vector<1x64x64xf32> to vector<64x64xf32>
    %slice3A_937 = vector.extract_strided_slice %get3A_18 {offsets = [18, 0, 0], sizes = [1, 64, 64], strides = [1, 1, 1]} : vector<40x64x64xf32> to vector<1x64x64xf32>
    %squeeze3A_938 = vector.shape_cast %slice3A_937 : vector<1x64x64xf32> to vector<64x64xf32>
    %dot_general3A_939 = arith.constant dense<0.000000e+00> : vector<64x64xf32>
    %dot_general3A_940 = tpu.matmul %squeeze3A_936, %squeeze3A_938, %dot_general3A_939 {dimension_numbers = #tpu.dot_dimension_numbers<[1], [0], [0], [1], [0, 0, 1, 1], [], []>, transpose_lhs_hint = false} : vector<64x64xf32>, vector<64x64xf32>, vector<64x64xf32> -> vector<64x64xf32>
    %slice3A_941 = vector.extract_strided_slice %get3A_18 {offsets = [18, 0, 0], sizes = [1, 64, 64], strides = [1, 1, 1]} : vector<40x64x64xf32> to vector<1x64x64xf32>
    %squeeze3A_942 = vector.shape_cast %slice3A_941 : vector<1x64x64xf32> to vector<64x64xf32>
    %dot_general3A_943 = arith.constant dense<0.000000e+00> : vector<64x64xf32>
    %dot_general3A_944 = tpu.matmul %squeeze3A_942, %dot_general3A_940, %dot_general3A_943 {dimension_numbers = #tpu.dot_dimension_numbers<[0], [0], [1], [1], [0, 1, 1, 1], [], []>, transpose_lhs_hint = false} : vector<64x64xf32>, vector<64x64xf32>, vector<64x64xf32> -> vector<64x64xf32>
    %slice3A_945 = vector.extract_strided_slice %get3A_18 {offsets = [18, 0, 0], sizes = [1, 64, 64], strides = [1, 1, 1]} : vector<40x64x64xf32> to vector<1x64x64xf32>
    %squeeze3A_946 = vector.shape_cast %slice3A_945 : vector<1x64x64xf32> to vector<64x64xf32>
    %dot_general3A_947 = arith.constant dense<0.000000e+00> : vector<64x64xf32>
    %dot_general3A_948 = tpu.matmul %dot_general3A_940, %squeeze3A_946, %dot_general3A_947 {dimension_numbers = #tpu.dot_dimension_numbers<[0], [0], [1], [1], [0, 1, 1, 1], [], []>, transpose_lhs_hint = false} : vector<64x64xf32>, vector<64x64xf32>, vector<64x64xf32> -> vector<64x64xf32>
    %add3A_949 = arith.addf %dot_general3A_944, %dot_general3A_948 : vector<64x64xf32>
    %mul3A_950 = arith.constant 5.000000e-01 : f32
    %mul3A_951 = vector.broadcast %mul3A_950 : f32 to vector<64x64xf32>
    %mul3A_952 = arith.mulf %mul3A_951, %add3A_949 : vector<64x64xf32>
    %broadcast_in_dim3A_953 = vector.shape_cast %mul3A_952 : vector<64x64xf32> to vector<1x64x64xf32>
    %slice3A_954 = vector.extract_strided_slice %add3A_592 {offsets = [19, 0, 0], sizes = [1, 64, 64], strides = [1, 1, 1]} : vector<40x64x64xf32> to vector<1x64x64xf32>
    %squeeze3A_955 = vector.shape_cast %slice3A_954 : vector<1x64x64xf32> to vector<64x64xf32>
    %slice3A_956 = vector.extract_strided_slice %get3A_18 {offsets = [19, 0, 0], sizes = [1, 64, 64], strides = [1, 1, 1]} : vector<40x64x64xf32> to vector<1x64x64xf32>
    %squeeze3A_957 = vector.shape_cast %slice3A_956 : vector<1x64x64xf32> to vector<64x64xf32>
    %dot_general3A_958 = arith.constant dense<0.000000e+00> : vector<64x64xf32>
    %dot_general3A_959 = tpu.matmul %squeeze3A_955, %squeeze3A_957, %dot_general3A_958 {dimension_numbers = #tpu.dot_dimension_numbers<[1], [0], [0], [1], [0, 0, 1, 1], [], []>, transpose_lhs_hint = false} : vector<64x64xf32>, vector<64x64xf32>, vector<64x64xf32> -> vector<64x64xf32>
    %slice3A_960 = vector.extract_strided_slice %get3A_18 {offsets = [19, 0, 0], sizes = [1, 64, 64], strides = [1, 1, 1]} : vector<40x64x64xf32> to vector<1x64x64xf32>
    %squeeze3A_961 = vector.shape_cast %slice3A_960 : vector<1x64x64xf32> to vector<64x64xf32>
    %dot_general3A_962 = arith.constant dense<0.000000e+00> : vector<64x64xf32>
    %dot_general3A_963 = tpu.matmul %squeeze3A_961, %dot_general3A_959, %dot_general3A_962 {dimension_numbers = #tpu.dot_dimension_numbers<[0], [0], [1], [1], [0, 1, 1, 1], [], []>, transpose_lhs_hint = false} : vector<64x64xf32>, vector<64x64xf32>, vector<64x64xf32> -> vector<64x64xf32>
    %slice3A_964 = vector.extract_strided_slice %get3A_18 {offsets = [19, 0, 0], sizes = [1, 64, 64], strides = [1, 1, 1]} : vector<40x64x64xf32> to vector<1x64x64xf32>
    %squeeze3A_965 = vector.shape_cast %slice3A_964 : vector<1x64x64xf32> to vector<64x64xf32>
    %dot_general3A_966 = arith.constant dense<0.000000e+00> : vector<64x64xf32>
    %dot_general3A_967 = tpu.matmul %dot_general3A_959, %squeeze3A_965, %dot_general3A_966 {dimension_numbers = #tpu.dot_dimension_numbers<[0], [0], [1], [1], [0, 1, 1, 1], [], []>, transpose_lhs_hint = false} : vector<64x64xf32>, vector<64x64xf32>, vector<64x64xf32> -> vector<64x64xf32>
    %add3A_968 = arith.addf %dot_general3A_963, %dot_general3A_967 : vector<64x64xf32>
    %mul3A_969 = arith.constant 5.000000e-01 : f32
    %mul3A_970 = vector.broadcast %mul3A_969 : f32 to vector<64x64xf32>
    %mul3A_971 = arith.mulf %mul3A_970, %add3A_968 : vector<64x64xf32>
    %broadcast_in_dim3A_972 = vector.shape_cast %mul3A_971 : vector<64x64xf32> to vector<1x64x64xf32>
    %slice3A_973 = vector.extract_strided_slice %add3A_592 {offsets = [20, 0, 0], sizes = [1, 64, 64], strides = [1, 1, 1]} : vector<40x64x64xf32> to vector<1x64x64xf32>
    %squeeze3A_974 = vector.shape_cast %slice3A_973 : vector<1x64x64xf32> to vector<64x64xf32>
    %slice3A_975 = vector.extract_strided_slice %get3A_18 {offsets = [20, 0, 0], sizes = [1, 64, 64], strides = [1, 1, 1]} : vector<40x64x64xf32> to vector<1x64x64xf32>
    %squeeze3A_976 = vector.shape_cast %slice3A_975 : vector<1x64x64xf32> to vector<64x64xf32>
    %dot_general3A_977 = arith.constant dense<0.000000e+00> : vector<64x64xf32>
    %dot_general3A_978 = tpu.matmul %squeeze3A_974, %squeeze3A_976, %dot_general3A_977 {dimension_numbers = #tpu.dot_dimension_numbers<[1], [0], [0], [1], [0, 0, 1, 1], [], []>, transpose_lhs_hint = false} : vector<64x64xf32>, vector<64x64xf32>, vector<64x64xf32> -> vector<64x64xf32>
    %slice3A_979 = vector.extract_strided_slice %get3A_18 {offsets = [20, 0, 0], sizes = [1, 64, 64], strides = [1, 1, 1]} : vector<40x64x64xf32> to vector<1x64x64xf32>
    %squeeze3A_980 = vector.shape_cast %slice3A_979 : vector<1x64x64xf32> to vector<64x64xf32>
    %dot_general3A_981 = arith.constant dense<0.000000e+00> : vector<64x64xf32>
    %dot_general3A_982 = tpu.matmul %squeeze3A_980, %dot_general3A_978, %dot_general3A_981 {dimension_numbers = #tpu.dot_dimension_numbers<[0], [0], [1], [1], [0, 1, 1, 1], [], []>, transpose_lhs_hint = false} : vector<64x64xf32>, vector<64x64xf32>, vector<64x64xf32> -> vector<64x64xf32>
    %slice3A_983 = vector.extract_strided_slice %get3A_18 {offsets = [20, 0, 0], sizes = [1, 64, 64], strides = [1, 1, 1]} : vector<40x64x64xf32> to vector<1x64x64xf32>
    %squeeze3A_984 = vector.shape_cast %slice3A_983 : vector<1x64x64xf32> to vector<64x64xf32>
    %dot_general3A_985 = arith.constant dense<0.000000e+00> : vector<64x64xf32>
    %dot_general3A_986 = tpu.matmul %dot_general3A_978, %squeeze3A_984, %dot_general3A_985 {dimension_numbers = #tpu.dot_dimension_numbers<[0], [0], [1], [1], [0, 1, 1, 1], [], []>, transpose_lhs_hint = false} : vector<64x64xf32>, vector<64x64xf32>, vector<64x64xf32> -> vector<64x64xf32>
    %add3A_987 = arith.addf %dot_general3A_982, %dot_general3A_986 : vector<64x64xf32>
    %mul3A_988 = arith.constant 5.000000e-01 : f32
    %mul3A_989 = vector.broadcast %mul3A_988 : f32 to vector<64x64xf32>
    %mul3A_990 = arith.mulf %mul3A_989, %add3A_987 : vector<64x64xf32>
    %broadcast_in_dim3A_991 = vector.shape_cast %mul3A_990 : vector<64x64xf32> to vector<1x64x64xf32>
    %slice3A_992 = vector.extract_strided_slice %add3A_592 {offsets = [21, 0, 0], sizes = [1, 64, 64], strides = [1, 1, 1]} : vector<40x64x64xf32> to vector<1x64x64xf32>
    %squeeze3A_993 = vector.shape_cast %slice3A_992 : vector<1x64x64xf32> to vector<64x64xf32>
    %slice3A_994 = vector.extract_strided_slice %get3A_18 {offsets = [21, 0, 0], sizes = [1, 64, 64], strides = [1, 1, 1]} : vector<40x64x64xf32> to vector<1x64x64xf32>
    %squeeze3A_995 = vector.shape_cast %slice3A_994 : vector<1x64x64xf32> to vector<64x64xf32>
    %dot_general3A_996 = arith.constant dense<0.000000e+00> : vector<64x64xf32>
    %dot_general3A_997 = tpu.matmul %squeeze3A_993, %squeeze3A_995, %dot_general3A_996 {dimension_numbers = #tpu.dot_dimension_numbers<[1], [0], [0], [1], [0, 0, 1, 1], [], []>, transpose_lhs_hint = false} : vector<64x64xf32>, vector<64x64xf32>, vector<64x64xf32> -> vector<64x64xf32>
    %slice3A_998 = vector.extract_strided_slice %get3A_18 {offsets = [21, 0, 0], sizes = [1, 64, 64], strides = [1, 1, 1]} : vector<40x64x64xf32> to vector<1x64x64xf32>
    %squeeze3A_999 = vector.shape_cast %slice3A_998 : vector<1x64x64xf32> to vector<64x64xf32>
    %dot_general3A_1000 = arith.constant dense<0.000000e+00> : vector<64x64xf32>
    %dot_general3A_1001 = tpu.matmul %squeeze3A_999, %dot_general3A_997, %dot_general3A_1000 {dimension_numbers = #tpu.dot_dimension_numbers<[0], [0], [1], [1], [0, 1, 1, 1], [], []>, transpose_lhs_hint = false} : vector<64x64xf32>, vector<64x64xf32>, vector<64x64xf32> -> vector<64x64xf32>
    %slice3A_1002 = vector.extract_strided_slice %get3A_18 {offsets = [21, 0, 0], sizes = [1, 64, 64], strides = [1, 1, 1]} : vector<40x64x64xf32> to vector<1x64x64xf32>
    %squeeze3A_1003 = vector.shape_cast %slice3A_1002 : vector<1x64x64xf32> to vector<64x64xf32>
    %dot_general3A_1004 = arith.constant dense<0.000000e+00> : vector<64x64xf32>
    %dot_general3A_1005 = tpu.matmul %dot_general3A_997, %squeeze3A_1003, %dot_general3A_1004 {dimension_numbers = #tpu.dot_dimension_numbers<[0], [0], [1], [1], [0, 1, 1, 1], [], []>, transpose_lhs_hint = false} : vector<64x64xf32>, vector<64x64xf32>, vector<64x64xf32> -> vector<64x64xf32>
    %add3A_1006 = arith.addf %dot_general3A_1001, %dot_general3A_1005 : vector<64x64xf32>
    %mul3A_1007 = arith.constant 5.000000e-01 : f32
    %mul3A_1008 = vector.broadcast %mul3A_1007 : f32 to vector<64x64xf32>
    %mul3A_1009 = arith.mulf %mul3A_1008, %add3A_1006 : vector<64x64xf32>
    %broadcast_in_dim3A_1010 = vector.shape_cast %mul3A_1009 : vector<64x64xf32> to vector<1x64x64xf32>
    %slice3A_1011 = vector.extract_strided_slice %add3A_592 {offsets = [22, 0, 0], sizes = [1, 64, 64], strides = [1, 1, 1]} : vector<40x64x64xf32> to vector<1x64x64xf32>
    %squeeze3A_1012 = vector.shape_cast %slice3A_1011 : vector<1x64x64xf32> to vector<64x64xf32>
    %slice3A_1013 = vector.extract_strided_slice %get3A_18 {offsets = [22, 0, 0], sizes = [1, 64, 64], strides = [1, 1, 1]} : vector<40x64x64xf32> to vector<1x64x64xf32>
    %squeeze3A_1014 = vector.shape_cast %slice3A_1013 : vector<1x64x64xf32> to vector<64x64xf32>
    %dot_general3A_1015 = arith.constant dense<0.000000e+00> : vector<64x64xf32>
    %dot_general3A_1016 = tpu.matmul %squeeze3A_1012, %squeeze3A_1014, %dot_general3A_1015 {dimension_numbers = #tpu.dot_dimension_numbers<[1], [0], [0], [1], [0, 0, 1, 1], [], []>, transpose_lhs_hint = false} : vector<64x64xf32>, vector<64x64xf32>, vector<64x64xf32> -> vector<64x64xf32>
    %slice3A_1017 = vector.extract_strided_slice %get3A_18 {offsets = [22, 0, 0], sizes = [1, 64, 64], strides = [1, 1, 1]} : vector<40x64x64xf32> to vector<1x64x64xf32>
    %squeeze3A_1018 = vector.shape_cast %slice3A_1017 : vector<1x64x64xf32> to vector<64x64xf32>
    %dot_general3A_1019 = arith.constant dense<0.000000e+00> : vector<64x64xf32>
    %dot_general3A_1020 = tpu.matmul %squeeze3A_1018, %dot_general3A_1016, %dot_general3A_1019 {dimension_numbers = #tpu.dot_dimension_numbers<[0], [0], [1], [1], [0, 1, 1, 1], [], []>, transpose_lhs_hint = false} : vector<64x64xf32>, vector<64x64xf32>, vector<64x64xf32> -> vector<64x64xf32>
    %slice3A_1021 = vector.extract_strided_slice %get3A_18 {offsets = [22, 0, 0], sizes = [1, 64, 64], strides = [1, 1, 1]} : vector<40x64x64xf32> to vector<1x64x64xf32>
    %squeeze3A_1022 = vector.shape_cast %slice3A_1021 : vector<1x64x64xf32> to vector<64x64xf32>
    %dot_general3A_1023 = arith.constant dense<0.000000e+00> : vector<64x64xf32>
    %dot_general3A_1024 = tpu.matmul %dot_general3A_1016, %squeeze3A_1022, %dot_general3A_1023 {dimension_numbers = #tpu.dot_dimension_numbers<[0], [0], [1], [1], [0, 1, 1, 1], [], []>, transpose_lhs_hint = false} : vector<64x64xf32>, vector<64x64xf32>, vector<64x64xf32> -> vector<64x64xf32>
    %add3A_1025 = arith.addf %dot_general3A_1020, %dot_general3A_1024 : vector<64x64xf32>
    %mul3A_1026 = arith.constant 5.000000e-01 : f32
    %mul3A_1027 = vector.broadcast %mul3A_1026 : f32 to vector<64x64xf32>
    %mul3A_1028 = arith.mulf %mul3A_1027, %add3A_1025 : vector<64x64xf32>
    %broadcast_in_dim3A_1029 = vector.shape_cast %mul3A_1028 : vector<64x64xf32> to vector<1x64x64xf32>
    %slice3A_1030 = vector.extract_strided_slice %add3A_592 {offsets = [23, 0, 0], sizes = [1, 64, 64], strides = [1, 1, 1]} : vector<40x64x64xf32> to vector<1x64x64xf32>
    %squeeze3A_1031 = vector.shape_cast %slice3A_1030 : vector<1x64x64xf32> to vector<64x64xf32>
    %slice3A_1032 = vector.extract_strided_slice %get3A_18 {offsets = [23, 0, 0], sizes = [1, 64, 64], strides = [1, 1, 1]} : vector<40x64x64xf32> to vector<1x64x64xf32>
    %squeeze3A_1033 = vector.shape_cast %slice3A_1032 : vector<1x64x64xf32> to vector<64x64xf32>
    %dot_general3A_1034 = arith.constant dense<0.000000e+00> : vector<64x64xf32>
    %dot_general3A_1035 = tpu.matmul %squeeze3A_1031, %squeeze3A_1033, %dot_general3A_1034 {dimension_numbers = #tpu.dot_dimension_numbers<[1], [0], [0], [1], [0, 0, 1, 1], [], []>, transpose_lhs_hint = false} : vector<64x64xf32>, vector<64x64xf32>, vector<64x64xf32> -> vector<64x64xf32>
    %slice3A_1036 = vector.extract_strided_slice %get3A_18 {offsets = [23, 0, 0], sizes = [1, 64, 64], strides = [1, 1, 1]} : vector<40x64x64xf32> to vector<1x64x64xf32>
    %squeeze3A_1037 = vector.shape_cast %slice3A_1036 : vector<1x64x64xf32> to vector<64x64xf32>
    %dot_general3A_1038 = arith.constant dense<0.000000e+00> : vector<64x64xf32>
    %dot_general3A_1039 = tpu.matmul %squeeze3A_1037, %dot_general3A_1035, %dot_general3A_1038 {dimension_numbers = #tpu.dot_dimension_numbers<[0], [0], [1], [1], [0, 1, 1, 1], [], []>, transpose_lhs_hint = false} : vector<64x64xf32>, vector<64x64xf32>, vector<64x64xf32> -> vector<64x64xf32>
    %slice3A_1040 = vector.extract_strided_slice %get3A_18 {offsets = [23, 0, 0], sizes = [1, 64, 64], strides = [1, 1, 1]} : vector<40x64x64xf32> to vector<1x64x64xf32>
    %squeeze3A_1041 = vector.shape_cast %slice3A_1040 : vector<1x64x64xf32> to vector<64x64xf32>
    %dot_general3A_1042 = arith.constant dense<0.000000e+00> : vector<64x64xf32>
    %dot_general3A_1043 = tpu.matmul %dot_general3A_1035, %squeeze3A_1041, %dot_general3A_1042 {dimension_numbers = #tpu.dot_dimension_numbers<[0], [0], [1], [1], [0, 1, 1, 1], [], []>, transpose_lhs_hint = false} : vector<64x64xf32>, vector<64x64xf32>, vector<64x64xf32> -> vector<64x64xf32>
    %add3A_1044 = arith.addf %dot_general3A_1039, %dot_general3A_1043 : vector<64x64xf32>
    %mul3A_1045 = arith.constant 5.000000e-01 : f32
    %mul3A_1046 = vector.broadcast %mul3A_1045 : f32 to vector<64x64xf32>
    %mul3A_1047 = arith.mulf %mul3A_1046, %add3A_1044 : vector<64x64xf32>
    %broadcast_in_dim3A_1048 = vector.shape_cast %mul3A_1047 : vector<64x64xf32> to vector<1x64x64xf32>
    %slice3A_1049 = vector.extract_strided_slice %add3A_592 {offsets = [24, 0, 0], sizes = [1, 64, 64], strides = [1, 1, 1]} : vector<40x64x64xf32> to vector<1x64x64xf32>
    %squeeze3A_1050 = vector.shape_cast %slice3A_1049 : vector<1x64x64xf32> to vector<64x64xf32>
    %slice3A_1051 = vector.extract_strided_slice %get3A_18 {offsets = [24, 0, 0], sizes = [1, 64, 64], strides = [1, 1, 1]} : vector<40x64x64xf32> to vector<1x64x64xf32>
    %squeeze3A_1052 = vector.shape_cast %slice3A_1051 : vector<1x64x64xf32> to vector<64x64xf32>
    %dot_general3A_1053 = arith.constant dense<0.000000e+00> : vector<64x64xf32>
    %dot_general3A_1054 = tpu.matmul %squeeze3A_1050, %squeeze3A_1052, %dot_general3A_1053 {dimension_numbers = #tpu.dot_dimension_numbers<[1], [0], [0], [1], [0, 0, 1, 1], [], []>, transpose_lhs_hint = false} : vector<64x64xf32>, vector<64x64xf32>, vector<64x64xf32> -> vector<64x64xf32>
    %slice3A_1055 = vector.extract_strided_slice %get3A_18 {offsets = [24, 0, 0], sizes = [1, 64, 64], strides = [1, 1, 1]} : vector<40x64x64xf32> to vector<1x64x64xf32>
    %squeeze3A_1056 = vector.shape_cast %slice3A_1055 : vector<1x64x64xf32> to vector<64x64xf32>
    %dot_general3A_1057 = arith.constant dense<0.000000e+00> : vector<64x64xf32>
    %dot_general3A_1058 = tpu.matmul %squeeze3A_1056, %dot_general3A_1054, %dot_general3A_1057 {dimension_numbers = #tpu.dot_dimension_numbers<[0], [0], [1], [1], [0, 1, 1, 1], [], []>, transpose_lhs_hint = false} : vector<64x64xf32>, vector<64x64xf32>, vector<64x64xf32> -> vector<64x64xf32>
    %slice3A_1059 = vector.extract_strided_slice %get3A_18 {offsets = [24, 0, 0], sizes = [1, 64, 64], strides = [1, 1, 1]} : vector<40x64x64xf32> to vector<1x64x64xf32>
    %squeeze3A_1060 = vector.shape_cast %slice3A_1059 : vector<1x64x64xf32> to vector<64x64xf32>
    %dot_general3A_1061 = arith.constant dense<0.000000e+00> : vector<64x64xf32>
    %dot_general3A_1062 = tpu.matmul %dot_general3A_1054, %squeeze3A_1060, %dot_general3A_1061 {dimension_numbers = #tpu.dot_dimension_numbers<[0], [0], [1], [1], [0, 1, 1, 1], [], []>, transpose_lhs_hint = false} : vector<64x64xf32>, vector<64x64xf32>, vector<64x64xf32> -> vector<64x64xf32>
    %add3A_1063 = arith.addf %dot_general3A_1058, %dot_general3A_1062 : vector<64x64xf32>
    %mul3A_1064 = arith.constant 5.000000e-01 : f32
    %mul3A_1065 = vector.broadcast %mul3A_1064 : f32 to vector<64x64xf32>
    %mul3A_1066 = arith.mulf %mul3A_1065, %add3A_1063 : vector<64x64xf32>
    %broadcast_in_dim3A_1067 = vector.shape_cast %mul3A_1066 : vector<64x64xf32> to vector<1x64x64xf32>
    %slice3A_1068 = vector.extract_strided_slice %add3A_592 {offsets = [25, 0, 0], sizes = [1, 64, 64], strides = [1, 1, 1]} : vector<40x64x64xf32> to vector<1x64x64xf32>
    %squeeze3A_1069 = vector.shape_cast %slice3A_1068 : vector<1x64x64xf32> to vector<64x64xf32>
    %slice3A_1070 = vector.extract_strided_slice %get3A_18 {offsets = [25, 0, 0], sizes = [1, 64, 64], strides = [1, 1, 1]} : vector<40x64x64xf32> to vector<1x64x64xf32>
    %squeeze3A_1071 = vector.shape_cast %slice3A_1070 : vector<1x64x64xf32> to vector<64x64xf32>
    %dot_general3A_1072 = arith.constant dense<0.000000e+00> : vector<64x64xf32>
    %dot_general3A_1073 = tpu.matmul %squeeze3A_1069, %squeeze3A_1071, %dot_general3A_1072 {dimension_numbers = #tpu.dot_dimension_numbers<[1], [0], [0], [1], [0, 0, 1, 1], [], []>, transpose_lhs_hint = false} : vector<64x64xf32>, vector<64x64xf32>, vector<64x64xf32> -> vector<64x64xf32>
    %slice3A_1074 = vector.extract_strided_slice %get3A_18 {offsets = [25, 0, 0], sizes = [1, 64, 64], strides = [1, 1, 1]} : vector<40x64x64xf32> to vector<1x64x64xf32>
    %squeeze3A_1075 = vector.shape_cast %slice3A_1074 : vector<1x64x64xf32> to vector<64x64xf32>
    %dot_general3A_1076 = arith.constant dense<0.000000e+00> : vector<64x64xf32>
    %dot_general3A_1077 = tpu.matmul %squeeze3A_1075, %dot_general3A_1073, %dot_general3A_1076 {dimension_numbers = #tpu.dot_dimension_numbers<[0], [0], [1], [1], [0, 1, 1, 1], [], []>, transpose_lhs_hint = false} : vector<64x64xf32>, vector<64x64xf32>, vector<64x64xf32> -> vector<64x64xf32>
    %slice3A_1078 = vector.extract_strided_slice %get3A_18 {offsets = [25, 0, 0], sizes = [1, 64, 64], strides = [1, 1, 1]} : vector<40x64x64xf32> to vector<1x64x64xf32>
    %squeeze3A_1079 = vector.shape_cast %slice3A_1078 : vector<1x64x64xf32> to vector<64x64xf32>
    %dot_general3A_1080 = arith.constant dense<0.000000e+00> : vector<64x64xf32>
    %dot_general3A_1081 = tpu.matmul %dot_general3A_1073, %squeeze3A_1079, %dot_general3A_1080 {dimension_numbers = #tpu.dot_dimension_numbers<[0], [0], [1], [1], [0, 1, 1, 1], [], []>, transpose_lhs_hint = false} : vector<64x64xf32>, vector<64x64xf32>, vector<64x64xf32> -> vector<64x64xf32>
    %add3A_1082 = arith.addf %dot_general3A_1077, %dot_general3A_1081 : vector<64x64xf32>
    %mul3A_1083 = arith.constant 5.000000e-01 : f32
    %mul3A_1084 = vector.broadcast %mul3A_1083 : f32 to vector<64x64xf32>
    %mul3A_1085 = arith.mulf %mul3A_1084, %add3A_1082 : vector<64x64xf32>
    %broadcast_in_dim3A_1086 = vector.shape_cast %mul3A_1085 : vector<64x64xf32> to vector<1x64x64xf32>
    %slice3A_1087 = vector.extract_strided_slice %add3A_592 {offsets = [26, 0, 0], sizes = [1, 64, 64], strides = [1, 1, 1]} : vector<40x64x64xf32> to vector<1x64x64xf32>
    %squeeze3A_1088 = vector.shape_cast %slice3A_1087 : vector<1x64x64xf32> to vector<64x64xf32>
    %slice3A_1089 = vector.extract_strided_slice %get3A_18 {offsets = [26, 0, 0], sizes = [1, 64, 64], strides = [1, 1, 1]} : vector<40x64x64xf32> to vector<1x64x64xf32>
    %squeeze3A_1090 = vector.shape_cast %slice3A_1089 : vector<1x64x64xf32> to vector<64x64xf32>
    %dot_general3A_1091 = arith.constant dense<0.000000e+00> : vector<64x64xf32>
    %dot_general3A_1092 = tpu.matmul %squeeze3A_1088, %squeeze3A_1090, %dot_general3A_1091 {dimension_numbers = #tpu.dot_dimension_numbers<[1], [0], [0], [1], [0, 0, 1, 1], [], []>, transpose_lhs_hint = false} : vector<64x64xf32>, vector<64x64xf32>, vector<64x64xf32> -> vector<64x64xf32>
    %slice3A_1093 = vector.extract_strided_slice %get3A_18 {offsets = [26, 0, 0], sizes = [1, 64, 64], strides = [1, 1, 1]} : vector<40x64x64xf32> to vector<1x64x64xf32>
    %squeeze3A_1094 = vector.shape_cast %slice3A_1093 : vector<1x64x64xf32> to vector<64x64xf32>
    %dot_general3A_1095 = arith.constant dense<0.000000e+00> : vector<64x64xf32>
    %dot_general3A_1096 = tpu.matmul %squeeze3A_1094, %dot_general3A_1092, %dot_general3A_1095 {dimension_numbers = #tpu.dot_dimension_numbers<[0], [0], [1], [1], [0, 1, 1, 1], [], []>, transpose_lhs_hint = false} : vector<64x64xf32>, vector<64x64xf32>, vector<64x64xf32> -> vector<64x64xf32>
    %slice3A_1097 = vector.extract_strided_slice %get3A_18 {offsets = [26, 0, 0], sizes = [1, 64, 64], strides = [1, 1, 1]} : vector<40x64x64xf32> to vector<1x64x64xf32>
    %squeeze3A_1098 = vector.shape_cast %slice3A_1097 : vector<1x64x64xf32> to vector<64x64xf32>
    %dot_general3A_1099 = arith.constant dense<0.000000e+00> : vector<64x64xf32>
    %dot_general3A_1100 = tpu.matmul %dot_general3A_1092, %squeeze3A_1098, %dot_general3A_1099 {dimension_numbers = #tpu.dot_dimension_numbers<[0], [0], [1], [1], [0, 1, 1, 1], [], []>, transpose_lhs_hint = false} : vector<64x64xf32>, vector<64x64xf32>, vector<64x64xf32> -> vector<64x64xf32>
    %add3A_1101 = arith.addf %dot_general3A_1096, %dot_general3A_1100 : vector<64x64xf32>
    %mul3A_1102 = arith.constant 5.000000e-01 : f32
    %mul3A_1103 = vector.broadcast %mul3A_1102 : f32 to vector<64x64xf32>
    %mul3A_1104 = arith.mulf %mul3A_1103, %add3A_1101 : vector<64x64xf32>
    %broadcast_in_dim3A_1105 = vector.shape_cast %mul3A_1104 : vector<64x64xf32> to vector<1x64x64xf32>
    %slice3A_1106 = vector.extract_strided_slice %add3A_592 {offsets = [27, 0, 0], sizes = [1, 64, 64], strides = [1, 1, 1]} : vector<40x64x64xf32> to vector<1x64x64xf32>
    %squeeze3A_1107 = vector.shape_cast %slice3A_1106 : vector<1x64x64xf32> to vector<64x64xf32>
    %slice3A_1108 = vector.extract_strided_slice %get3A_18 {offsets = [27, 0, 0], sizes = [1, 64, 64], strides = [1, 1, 1]} : vector<40x64x64xf32> to vector<1x64x64xf32>
    %squeeze3A_1109 = vector.shape_cast %slice3A_1108 : vector<1x64x64xf32> to vector<64x64xf32>
    %dot_general3A_1110 = arith.constant dense<0.000000e+00> : vector<64x64xf32>
    %dot_general3A_1111 = tpu.matmul %squeeze3A_1107, %squeeze3A_1109, %dot_general3A_1110 {dimension_numbers = #tpu.dot_dimension_numbers<[1], [0], [0], [1], [0, 0, 1, 1], [], []>, transpose_lhs_hint = false} : vector<64x64xf32>, vector<64x64xf32>, vector<64x64xf32> -> vector<64x64xf32>
    %slice3A_1112 = vector.extract_strided_slice %get3A_18 {offsets = [27, 0, 0], sizes = [1, 64, 64], strides = [1, 1, 1]} : vector<40x64x64xf32> to vector<1x64x64xf32>
    %squeeze3A_1113 = vector.shape_cast %slice3A_1112 : vector<1x64x64xf32> to vector<64x64xf32>
    %dot_general3A_1114 = arith.constant dense<0.000000e+00> : vector<64x64xf32>
    %dot_general3A_1115 = tpu.matmul %squeeze3A_1113, %dot_general3A_1111, %dot_general3A_1114 {dimension_numbers = #tpu.dot_dimension_numbers<[0], [0], [1], [1], [0, 1, 1, 1], [], []>, transpose_lhs_hint = false} : vector<64x64xf32>, vector<64x64xf32>, vector<64x64xf32> -> vector<64x64xf32>
    %slice3A_1116 = vector.extract_strided_slice %get3A_18 {offsets = [27, 0, 0], sizes = [1, 64, 64], strides = [1, 1, 1]} : vector<40x64x64xf32> to vector<1x64x64xf32>
    %squeeze3A_1117 = vector.shape_cast %slice3A_1116 : vector<1x64x64xf32> to vector<64x64xf32>
    %dot_general3A_1118 = arith.constant dense<0.000000e+00> : vector<64x64xf32>
    %dot_general3A_1119 = tpu.matmul %dot_general3A_1111, %squeeze3A_1117, %dot_general3A_1118 {dimension_numbers = #tpu.dot_dimension_numbers<[0], [0], [1], [1], [0, 1, 1, 1], [], []>, transpose_lhs_hint = false} : vector<64x64xf32>, vector<64x64xf32>, vector<64x64xf32> -> vector<64x64xf32>
    %add3A_1120 = arith.addf %dot_general3A_1115, %dot_general3A_1119 : vector<64x64xf32>
    %mul3A_1121 = arith.constant 5.000000e-01 : f32
    %mul3A_1122 = vector.broadcast %mul3A_1121 : f32 to vector<64x64xf32>
    %mul3A_1123 = arith.mulf %mul3A_1122, %add3A_1120 : vector<64x64xf32>
    %broadcast_in_dim3A_1124 = vector.shape_cast %mul3A_1123 : vector<64x64xf32> to vector<1x64x64xf32>
    %slice3A_1125 = vector.extract_strided_slice %add3A_592 {offsets = [28, 0, 0], sizes = [1, 64, 64], strides = [1, 1, 1]} : vector<40x64x64xf32> to vector<1x64x64xf32>
    %squeeze3A_1126 = vector.shape_cast %slice3A_1125 : vector<1x64x64xf32> to vector<64x64xf32>
    %slice3A_1127 = vector.extract_strided_slice %get3A_18 {offsets = [28, 0, 0], sizes = [1, 64, 64], strides = [1, 1, 1]} : vector<40x64x64xf32> to vector<1x64x64xf32>
    %squeeze3A_1128 = vector.shape_cast %slice3A_1127 : vector<1x64x64xf32> to vector<64x64xf32>
    %dot_general3A_1129 = arith.constant dense<0.000000e+00> : vector<64x64xf32>
    %dot_general3A_1130 = tpu.matmul %squeeze3A_1126, %squeeze3A_1128, %dot_general3A_1129 {dimension_numbers = #tpu.dot_dimension_numbers<[1], [0], [0], [1], [0, 0, 1, 1], [], []>, transpose_lhs_hint = false} : vector<64x64xf32>, vector<64x64xf32>, vector<64x64xf32> -> vector<64x64xf32>
    %slice3A_1131 = vector.extract_strided_slice %get3A_18 {offsets = [28, 0, 0], sizes = [1, 64, 64], strides = [1, 1, 1]} : vector<40x64x64xf32> to vector<1x64x64xf32>
    %squeeze3A_1132 = vector.shape_cast %slice3A_1131 : vector<1x64x64xf32> to vector<64x64xf32>
    %dot_general3A_1133 = arith.constant dense<0.000000e+00> : vector<64x64xf32>
    %dot_general3A_1134 = tpu.matmul %squeeze3A_1132, %dot_general3A_1130, %dot_general3A_1133 {dimension_numbers = #tpu.dot_dimension_numbers<[0], [0], [1], [1], [0, 1, 1, 1], [], []>, transpose_lhs_hint = false} : vector<64x64xf32>, vector<64x64xf32>, vector<64x64xf32> -> vector<64x64xf32>
    %slice3A_1135 = vector.extract_strided_slice %get3A_18 {offsets = [28, 0, 0], sizes = [1, 64, 64], strides = [1, 1, 1]} : vector<40x64x64xf32> to vector<1x64x64xf32>
    %squeeze3A_1136 = vector.shape_cast %slice3A_1135 : vector<1x64x64xf32> to vector<64x64xf32>
    %dot_general3A_1137 = arith.constant dense<0.000000e+00> : vector<64x64xf32>
    %dot_general3A_1138 = tpu.matmul %dot_general3A_1130, %squeeze3A_1136, %dot_general3A_1137 {dimension_numbers = #tpu.dot_dimension_numbers<[0], [0], [1], [1], [0, 1, 1, 1], [], []>, transpose_lhs_hint = false} : vector<64x64xf32>, vector<64x64xf32>, vector<64x64xf32> -> vector<64x64xf32>
    %add3A_1139 = arith.addf %dot_general3A_1134, %dot_general3A_1138 : vector<64x64xf32>
    %mul3A_1140 = arith.constant 5.000000e-01 : f32
    %mul3A_1141 = vector.broadcast %mul3A_1140 : f32 to vector<64x64xf32>
    %mul3A_1142 = arith.mulf %mul3A_1141, %add3A_1139 : vector<64x64xf32>
    %broadcast_in_dim3A_1143 = vector.shape_cast %mul3A_1142 : vector<64x64xf32> to vector<1x64x64xf32>
    %slice3A_1144 = vector.extract_strided_slice %add3A_592 {offsets = [29, 0, 0], sizes = [1, 64, 64], strides = [1, 1, 1]} : vector<40x64x64xf32> to vector<1x64x64xf32>
    %squeeze3A_1145 = vector.shape_cast %slice3A_1144 : vector<1x64x64xf32> to vector<64x64xf32>
    %slice3A_1146 = vector.extract_strided_slice %get3A_18 {offsets = [29, 0, 0], sizes = [1, 64, 64], strides = [1, 1, 1]} : vector<40x64x64xf32> to vector<1x64x64xf32>
    %squeeze3A_1147 = vector.shape_cast %slice3A_1146 : vector<1x64x64xf32> to vector<64x64xf32>
    %dot_general3A_1148 = arith.constant dense<0.000000e+00> : vector<64x64xf32>
    %dot_general3A_1149 = tpu.matmul %squeeze3A_1145, %squeeze3A_1147, %dot_general3A_1148 {dimension_numbers = #tpu.dot_dimension_numbers<[1], [0], [0], [1], [0, 0, 1, 1], [], []>, transpose_lhs_hint = false} : vector<64x64xf32>, vector<64x64xf32>, vector<64x64xf32> -> vector<64x64xf32>
    %slice3A_1150 = vector.extract_strided_slice %get3A_18 {offsets = [29, 0, 0], sizes = [1, 64, 64], strides = [1, 1, 1]} : vector<40x64x64xf32> to vector<1x64x64xf32>
    %squeeze3A_1151 = vector.shape_cast %slice3A_1150 : vector<1x64x64xf32> to vector<64x64xf32>
    %dot_general3A_1152 = arith.constant dense<0.000000e+00> : vector<64x64xf32>
    %dot_general3A_1153 = tpu.matmul %squeeze3A_1151, %dot_general3A_1149, %dot_general3A_1152 {dimension_numbers = #tpu.dot_dimension_numbers<[0], [0], [1], [1], [0, 1, 1, 1], [], []>, transpose_lhs_hint = false} : vector<64x64xf32>, vector<64x64xf32>, vector<64x64xf32> -> vector<64x64xf32>
    %slice3A_1154 = vector.extract_strided_slice %get3A_18 {offsets = [29, 0, 0], sizes = [1, 64, 64], strides = [1, 1, 1]} : vector<40x64x64xf32> to vector<1x64x64xf32>
    %squeeze3A_1155 = vector.shape_cast %slice3A_1154 : vector<1x64x64xf32> to vector<64x64xf32>
    %dot_general3A_1156 = arith.constant dense<0.000000e+00> : vector<64x64xf32>
    %dot_general3A_1157 = tpu.matmul %dot_general3A_1149, %squeeze3A_1155, %dot_general3A_1156 {dimension_numbers = #tpu.dot_dimension_numbers<[0], [0], [1], [1], [0, 1, 1, 1], [], []>, transpose_lhs_hint = false} : vector<64x64xf32>, vector<64x64xf32>, vector<64x64xf32> -> vector<64x64xf32>
    %add3A_1158 = arith.addf %dot_general3A_1153, %dot_general3A_1157 : vector<64x64xf32>
    %mul3A_1159 = arith.constant 5.000000e-01 : f32
    %mul3A_1160 = vector.broadcast %mul3A_1159 : f32 to vector<64x64xf32>
    %mul3A_1161 = arith.mulf %mul3A_1160, %add3A_1158 : vector<64x64xf32>
    %broadcast_in_dim3A_1162 = vector.shape_cast %mul3A_1161 : vector<64x64xf32> to vector<1x64x64xf32>
    %slice3A_1163 = vector.extract_strided_slice %add3A_592 {offsets = [30, 0, 0], sizes = [1, 64, 64], strides = [1, 1, 1]} : vector<40x64x64xf32> to vector<1x64x64xf32>
    %squeeze3A_1164 = vector.shape_cast %slice3A_1163 : vector<1x64x64xf32> to vector<64x64xf32>
    %slice3A_1165 = vector.extract_strided_slice %get3A_18 {offsets = [30, 0, 0], sizes = [1, 64, 64], strides = [1, 1, 1]} : vector<40x64x64xf32> to vector<1x64x64xf32>
    %squeeze3A_1166 = vector.shape_cast %slice3A_1165 : vector<1x64x64xf32> to vector<64x64xf32>
    %dot_general3A_1167 = arith.constant dense<0.000000e+00> : vector<64x64xf32>
    %dot_general3A_1168 = tpu.matmul %squeeze3A_1164, %squeeze3A_1166, %dot_general3A_1167 {dimension_numbers = #tpu.dot_dimension_numbers<[1], [0], [0], [1], [0, 0, 1, 1], [], []>, transpose_lhs_hint = false} : vector<64x64xf32>, vector<64x64xf32>, vector<64x64xf32> -> vector<64x64xf32>
    %slice3A_1169 = vector.extract_strided_slice %get3A_18 {offsets = [30, 0, 0], sizes = [1, 64, 64], strides = [1, 1, 1]} : vector<40x64x64xf32> to vector<1x64x64xf32>
    %squeeze3A_1170 = vector.shape_cast %slice3A_1169 : vector<1x64x64xf32> to vector<64x64xf32>
    %dot_general3A_1171 = arith.constant dense<0.000000e+00> : vector<64x64xf32>
    %dot_general3A_1172 = tpu.matmul %squeeze3A_1170, %dot_general3A_1168, %dot_general3A_1171 {dimension_numbers = #tpu.dot_dimension_numbers<[0], [0], [1], [1], [0, 1, 1, 1], [], []>, transpose_lhs_hint = false} : vector<64x64xf32>, vector<64x64xf32>, vector<64x64xf32> -> vector<64x64xf32>
    %slice3A_1173 = vector.extract_strided_slice %get3A_18 {offsets = [30, 0, 0], sizes = [1, 64, 64], strides = [1, 1, 1]} : vector<40x64x64xf32> to vector<1x64x64xf32>
    %squeeze3A_1174 = vector.shape_cast %slice3A_1173 : vector<1x64x64xf32> to vector<64x64xf32>
    %dot_general3A_1175 = arith.constant dense<0.000000e+00> : vector<64x64xf32>
    %dot_general3A_1176 = tpu.matmul %dot_general3A_1168, %squeeze3A_1174, %dot_general3A_1175 {dimension_numbers = #tpu.dot_dimension_numbers<[0], [0], [1], [1], [0, 1, 1, 1], [], []>, transpose_lhs_hint = false} : vector<64x64xf32>, vector<64x64xf32>, vector<64x64xf32> -> vector<64x64xf32>
    %add3A_1177 = arith.addf %dot_general3A_1172, %dot_general3A_1176 : vector<64x64xf32>
    %mul3A_1178 = arith.constant 5.000000e-01 : f32
    %mul3A_1179 = vector.broadcast %mul3A_1178 : f32 to vector<64x64xf32>
    %mul3A_1180 = arith.mulf %mul3A_1179, %add3A_1177 : vector<64x64xf32>
    %broadcast_in_dim3A_1181 = vector.shape_cast %mul3A_1180 : vector<64x64xf32> to vector<1x64x64xf32>
    %slice3A_1182 = vector.extract_strided_slice %add3A_592 {offsets = [31, 0, 0], sizes = [1, 64, 64], strides = [1, 1, 1]} : vector<40x64x64xf32> to vector<1x64x64xf32>
    %squeeze3A_1183 = vector.shape_cast %slice3A_1182 : vector<1x64x64xf32> to vector<64x64xf32>
    %slice3A_1184 = vector.extract_strided_slice %get3A_18 {offsets = [31, 0, 0], sizes = [1, 64, 64], strides = [1, 1, 1]} : vector<40x64x64xf32> to vector<1x64x64xf32>
    %squeeze3A_1185 = vector.shape_cast %slice3A_1184 : vector<1x64x64xf32> to vector<64x64xf32>
    %dot_general3A_1186 = arith.constant dense<0.000000e+00> : vector<64x64xf32>
    %dot_general3A_1187 = tpu.matmul %squeeze3A_1183, %squeeze3A_1185, %dot_general3A_1186 {dimension_numbers = #tpu.dot_dimension_numbers<[1], [0], [0], [1], [0, 0, 1, 1], [], []>, transpose_lhs_hint = false} : vector<64x64xf32>, vector<64x64xf32>, vector<64x64xf32> -> vector<64x64xf32>
    %slice3A_1188 = vector.extract_strided_slice %get3A_18 {offsets = [31, 0, 0], sizes = [1, 64, 64], strides = [1, 1, 1]} : vector<40x64x64xf32> to vector<1x64x64xf32>
    %squeeze3A_1189 = vector.shape_cast %slice3A_1188 : vector<1x64x64xf32> to vector<64x64xf32>
    %dot_general3A_1190 = arith.constant dense<0.000000e+00> : vector<64x64xf32>
    %dot_general3A_1191 = tpu.matmul %squeeze3A_1189, %dot_general3A_1187, %dot_general3A_1190 {dimension_numbers = #tpu.dot_dimension_numbers<[0], [0], [1], [1], [0, 1, 1, 1], [], []>, transpose_lhs_hint = false} : vector<64x64xf32>, vector<64x64xf32>, vector<64x64xf32> -> vector<64x64xf32>
    %slice3A_1192 = vector.extract_strided_slice %get3A_18 {offsets = [31, 0, 0], sizes = [1, 64, 64], strides = [1, 1, 1]} : vector<40x64x64xf32> to vector<1x64x64xf32>
    %squeeze3A_1193 = vector.shape_cast %slice3A_1192 : vector<1x64x64xf32> to vector<64x64xf32>
    %dot_general3A_1194 = arith.constant dense<0.000000e+00> : vector<64x64xf32>
    %dot_general3A_1195 = tpu.matmul %dot_general3A_1187, %squeeze3A_1193, %dot_general3A_1194 {dimension_numbers = #tpu.dot_dimension_numbers<[0], [0], [1], [1], [0, 1, 1, 1], [], []>, transpose_lhs_hint = false} : vector<64x64xf32>, vector<64x64xf32>, vector<64x64xf32> -> vector<64x64xf32>
    %add3A_1196 = arith.addf %dot_general3A_1191, %dot_general3A_1195 : vector<64x64xf32>
    %mul3A_1197 = arith.constant 5.000000e-01 : f32
    %mul3A_1198 = vector.broadcast %mul3A_1197 : f32 to vector<64x64xf32>
    %mul3A_1199 = arith.mulf %mul3A_1198, %add3A_1196 : vector<64x64xf32>
    %broadcast_in_dim3A_1200 = vector.shape_cast %mul3A_1199 : vector<64x64xf32> to vector<1x64x64xf32>
    %slice3A_1201 = vector.extract_strided_slice %add3A_592 {offsets = [32, 0, 0], sizes = [1, 64, 64], strides = [1, 1, 1]} : vector<40x64x64xf32> to vector<1x64x64xf32>
    %squeeze3A_1202 = vector.shape_cast %slice3A_1201 : vector<1x64x64xf32> to vector<64x64xf32>
    %slice3A_1203 = vector.extract_strided_slice %get3A_18 {offsets = [32, 0, 0], sizes = [1, 64, 64], strides = [1, 1, 1]} : vector<40x64x64xf32> to vector<1x64x64xf32>
    %squeeze3A_1204 = vector.shape_cast %slice3A_1203 : vector<1x64x64xf32> to vector<64x64xf32>
    %dot_general3A_1205 = arith.constant dense<0.000000e+00> : vector<64x64xf32>
    %dot_general3A_1206 = tpu.matmul %squeeze3A_1202, %squeeze3A_1204, %dot_general3A_1205 {dimension_numbers = #tpu.dot_dimension_numbers<[1], [0], [0], [1], [0, 0, 1, 1], [], []>, transpose_lhs_hint = false} : vector<64x64xf32>, vector<64x64xf32>, vector<64x64xf32> -> vector<64x64xf32>
    %slice3A_1207 = vector.extract_strided_slice %get3A_18 {offsets = [32, 0, 0], sizes = [1, 64, 64], strides = [1, 1, 1]} : vector<40x64x64xf32> to vector<1x64x64xf32>
    %squeeze3A_1208 = vector.shape_cast %slice3A_1207 : vector<1x64x64xf32> to vector<64x64xf32>
    %dot_general3A_1209 = arith.constant dense<0.000000e+00> : vector<64x64xf32>
    %dot_general3A_1210 = tpu.matmul %squeeze3A_1208, %dot_general3A_1206, %dot_general3A_1209 {dimension_numbers = #tpu.dot_dimension_numbers<[0], [0], [1], [1], [0, 1, 1, 1], [], []>, transpose_lhs_hint = false} : vector<64x64xf32>, vector<64x64xf32>, vector<64x64xf32> -> vector<64x64xf32>
    %slice3A_1211 = vector.extract_strided_slice %get3A_18 {offsets = [32, 0, 0], sizes = [1, 64, 64], strides = [1, 1, 1]} : vector<40x64x64xf32> to vector<1x64x64xf32>
    %squeeze3A_1212 = vector.shape_cast %slice3A_1211 : vector<1x64x64xf32> to vector<64x64xf32>
    %dot_general3A_1213 = arith.constant dense<0.000000e+00> : vector<64x64xf32>
    %dot_general3A_1214 = tpu.matmul %dot_general3A_1206, %squeeze3A_1212, %dot_general3A_1213 {dimension_numbers = #tpu.dot_dimension_numbers<[0], [0], [1], [1], [0, 1, 1, 1], [], []>, transpose_lhs_hint = false} : vector<64x64xf32>, vector<64x64xf32>, vector<64x64xf32> -> vector<64x64xf32>
    %add3A_1215 = arith.addf %dot_general3A_1210, %dot_general3A_1214 : vector<64x64xf32>
    %mul3A_1216 = arith.constant 5.000000e-01 : f32
    %mul3A_1217 = vector.broadcast %mul3A_1216 : f32 to vector<64x64xf32>
    %mul3A_1218 = arith.mulf %mul3A_1217, %add3A_1215 : vector<64x64xf32>
    %broadcast_in_dim3A_1219 = vector.shape_cast %mul3A_1218 : vector<64x64xf32> to vector<1x64x64xf32>
    %slice3A_1220 = vector.extract_strided_slice %add3A_592 {offsets = [33, 0, 0], sizes = [1, 64, 64], strides = [1, 1, 1]} : vector<40x64x64xf32> to vector<1x64x64xf32>
    %squeeze3A_1221 = vector.shape_cast %slice3A_1220 : vector<1x64x64xf32> to vector<64x64xf32>
    %slice3A_1222 = vector.extract_strided_slice %get3A_18 {offsets = [33, 0, 0], sizes = [1, 64, 64], strides = [1, 1, 1]} : vector<40x64x64xf32> to vector<1x64x64xf32>
    %squeeze3A_1223 = vector.shape_cast %slice3A_1222 : vector<1x64x64xf32> to vector<64x64xf32>
    %dot_general3A_1224 = arith.constant dense<0.000000e+00> : vector<64x64xf32>
    %dot_general3A_1225 = tpu.matmul %squeeze3A_1221, %squeeze3A_1223, %dot_general3A_1224 {dimension_numbers = #tpu.dot_dimension_numbers<[1], [0], [0], [1], [0, 0, 1, 1], [], []>, transpose_lhs_hint = false} : vector<64x64xf32>, vector<64x64xf32>, vector<64x64xf32> -> vector<64x64xf32>
    %slice3A_1226 = vector.extract_strided_slice %get3A_18 {offsets = [33, 0, 0], sizes = [1, 64, 64], strides = [1, 1, 1]} : vector<40x64x64xf32> to vector<1x64x64xf32>
    %squeeze3A_1227 = vector.shape_cast %slice3A_1226 : vector<1x64x64xf32> to vector<64x64xf32>
    %dot_general3A_1228 = arith.constant dense<0.000000e+00> : vector<64x64xf32>
    %dot_general3A_1229 = tpu.matmul %squeeze3A_1227, %dot_general3A_1225, %dot_general3A_1228 {dimension_numbers = #tpu.dot_dimension_numbers<[0], [0], [1], [1], [0, 1, 1, 1], [], []>, transpose_lhs_hint = false} : vector<64x64xf32>, vector<64x64xf32>, vector<64x64xf32> -> vector<64x64xf32>
    %slice3A_1230 = vector.extract_strided_slice %get3A_18 {offsets = [33, 0, 0], sizes = [1, 64, 64], strides = [1, 1, 1]} : vector<40x64x64xf32> to vector<1x64x64xf32>
    %squeeze3A_1231 = vector.shape_cast %slice3A_1230 : vector<1x64x64xf32> to vector<64x64xf32>
    %dot_general3A_1232 = arith.constant dense<0.000000e+00> : vector<64x64xf32>
    %dot_general3A_1233 = tpu.matmul %dot_general3A_1225, %squeeze3A_1231, %dot_general3A_1232 {dimension_numbers = #tpu.dot_dimension_numbers<[0], [0], [1], [1], [0, 1, 1, 1], [], []>, transpose_lhs_hint = false} : vector<64x64xf32>, vector<64x64xf32>, vector<64x64xf32> -> vector<64x64xf32>
    %add3A_1234 = arith.addf %dot_general3A_1229, %dot_general3A_1233 : vector<64x64xf32>
    %mul3A_1235 = arith.constant 5.000000e-01 : f32
    %mul3A_1236 = vector.broadcast %mul3A_1235 : f32 to vector<64x64xf32>
    %mul3A_1237 = arith.mulf %mul3A_1236, %add3A_1234 : vector<64x64xf32>
    %broadcast_in_dim3A_1238 = vector.shape_cast %mul3A_1237 : vector<64x64xf32> to vector<1x64x64xf32>
    %slice3A_1239 = vector.extract_strided_slice %add3A_592 {offsets = [34, 0, 0], sizes = [1, 64, 64], strides = [1, 1, 1]} : vector<40x64x64xf32> to vector<1x64x64xf32>
    %squeeze3A_1240 = vector.shape_cast %slice3A_1239 : vector<1x64x64xf32> to vector<64x64xf32>
    %slice3A_1241 = vector.extract_strided_slice %get3A_18 {offsets = [34, 0, 0], sizes = [1, 64, 64], strides = [1, 1, 1]} : vector<40x64x64xf32> to vector<1x64x64xf32>
    %squeeze3A_1242 = vector.shape_cast %slice3A_1241 : vector<1x64x64xf32> to vector<64x64xf32>
    %dot_general3A_1243 = arith.constant dense<0.000000e+00> : vector<64x64xf32>
    %dot_general3A_1244 = tpu.matmul %squeeze3A_1240, %squeeze3A_1242, %dot_general3A_1243 {dimension_numbers = #tpu.dot_dimension_numbers<[1], [0], [0], [1], [0, 0, 1, 1], [], []>, transpose_lhs_hint = false} : vector<64x64xf32>, vector<64x64xf32>, vector<64x64xf32> -> vector<64x64xf32>
    %slice3A_1245 = vector.extract_strided_slice %get3A_18 {offsets = [34, 0, 0], sizes = [1, 64, 64], strides = [1, 1, 1]} : vector<40x64x64xf32> to vector<1x64x64xf32>
    %squeeze3A_1246 = vector.shape_cast %slice3A_1245 : vector<1x64x64xf32> to vector<64x64xf32>
    %dot_general3A_1247 = arith.constant dense<0.000000e+00> : vector<64x64xf32>
    %dot_general3A_1248 = tpu.matmul %squeeze3A_1246, %dot_general3A_1244, %dot_general3A_1247 {dimension_numbers = #tpu.dot_dimension_numbers<[0], [0], [1], [1], [0, 1, 1, 1], [], []>, transpose_lhs_hint = false} : vector<64x64xf32>, vector<64x64xf32>, vector<64x64xf32> -> vector<64x64xf32>
    %slice3A_1249 = vector.extract_strided_slice %get3A_18 {offsets = [34, 0, 0], sizes = [1, 64, 64], strides = [1, 1, 1]} : vector<40x64x64xf32> to vector<1x64x64xf32>
    %squeeze3A_1250 = vector.shape_cast %slice3A_1249 : vector<1x64x64xf32> to vector<64x64xf32>
    %dot_general3A_1251 = arith.constant dense<0.000000e+00> : vector<64x64xf32>
    %dot_general3A_1252 = tpu.matmul %dot_general3A_1244, %squeeze3A_1250, %dot_general3A_1251 {dimension_numbers = #tpu.dot_dimension_numbers<[0], [0], [1], [1], [0, 1, 1, 1], [], []>, transpose_lhs_hint = false} : vector<64x64xf32>, vector<64x64xf32>, vector<64x64xf32> -> vector<64x64xf32>
    %add3A_1253 = arith.addf %dot_general3A_1248, %dot_general3A_1252 : vector<64x64xf32>
    %mul3A_1254 = arith.constant 5.000000e-01 : f32
    %mul3A_1255 = vector.broadcast %mul3A_1254 : f32 to vector<64x64xf32>
    %mul3A_1256 = arith.mulf %mul3A_1255, %add3A_1253 : vector<64x64xf32>
    %broadcast_in_dim3A_1257 = vector.shape_cast %mul3A_1256 : vector<64x64xf32> to vector<1x64x64xf32>
    %slice3A_1258 = vector.extract_strided_slice %add3A_592 {offsets = [35, 0, 0], sizes = [1, 64, 64], strides = [1, 1, 1]} : vector<40x64x64xf32> to vector<1x64x64xf32>
    %squeeze3A_1259 = vector.shape_cast %slice3A_1258 : vector<1x64x64xf32> to vector<64x64xf32>
    %slice3A_1260 = vector.extract_strided_slice %get3A_18 {offsets = [35, 0, 0], sizes = [1, 64, 64], strides = [1, 1, 1]} : vector<40x64x64xf32> to vector<1x64x64xf32>
    %squeeze3A_1261 = vector.shape_cast %slice3A_1260 : vector<1x64x64xf32> to vector<64x64xf32>
    %dot_general3A_1262 = arith.constant dense<0.000000e+00> : vector<64x64xf32>
    %dot_general3A_1263 = tpu.matmul %squeeze3A_1259, %squeeze3A_1261, %dot_general3A_1262 {dimension_numbers = #tpu.dot_dimension_numbers<[1], [0], [0], [1], [0, 0, 1, 1], [], []>, transpose_lhs_hint = false} : vector<64x64xf32>, vector<64x64xf32>, vector<64x64xf32> -> vector<64x64xf32>
    %slice3A_1264 = vector.extract_strided_slice %get3A_18 {offsets = [35, 0, 0], sizes = [1, 64, 64], strides = [1, 1, 1]} : vector<40x64x64xf32> to vector<1x64x64xf32>
    %squeeze3A_1265 = vector.shape_cast %slice3A_1264 : vector<1x64x64xf32> to vector<64x64xf32>
    %dot_general3A_1266 = arith.constant dense<0.000000e+00> : vector<64x64xf32>
    %dot_general3A_1267 = tpu.matmul %squeeze3A_1265, %dot_general3A_1263, %dot_general3A_1266 {dimension_numbers = #tpu.dot_dimension_numbers<[0], [0], [1], [1], [0, 1, 1, 1], [], []>, transpose_lhs_hint = false} : vector<64x64xf32>, vector<64x64xf32>, vector<64x64xf32> -> vector<64x64xf32>
    %slice3A_1268 = vector.extract_strided_slice %get3A_18 {offsets = [35, 0, 0], sizes = [1, 64, 64], strides = [1, 1, 1]} : vector<40x64x64xf32> to vector<1x64x64xf32>
    %squeeze3A_1269 = vector.shape_cast %slice3A_1268 : vector<1x64x64xf32> to vector<64x64xf32>
    %dot_general3A_1270 = arith.constant dense<0.000000e+00> : vector<64x64xf32>
    %dot_general3A_1271 = tpu.matmul %dot_general3A_1263, %squeeze3A_1269, %dot_general3A_1270 {dimension_numbers = #tpu.dot_dimension_numbers<[0], [0], [1], [1], [0, 1, 1, 1], [], []>, transpose_lhs_hint = false} : vector<64x64xf32>, vector<64x64xf32>, vector<64x64xf32> -> vector<64x64xf32>
    %add3A_1272 = arith.addf %dot_general3A_1267, %dot_general3A_1271 : vector<64x64xf32>
    %mul3A_1273 = arith.constant 5.000000e-01 : f32
    %mul3A_1274 = vector.broadcast %mul3A_1273 : f32 to vector<64x64xf32>
    %mul3A_1275 = arith.mulf %mul3A_1274, %add3A_1272 : vector<64x64xf32>
    %broadcast_in_dim3A_1276 = vector.shape_cast %mul3A_1275 : vector<64x64xf32> to vector<1x64x64xf32>
    %slice3A_1277 = vector.extract_strided_slice %add3A_592 {offsets = [36, 0, 0], sizes = [1, 64, 64], strides = [1, 1, 1]} : vector<40x64x64xf32> to vector<1x64x64xf32>
    %squeeze3A_1278 = vector.shape_cast %slice3A_1277 : vector<1x64x64xf32> to vector<64x64xf32>
    %slice3A_1279 = vector.extract_strided_slice %get3A_18 {offsets = [36, 0, 0], sizes = [1, 64, 64], strides = [1, 1, 1]} : vector<40x64x64xf32> to vector<1x64x64xf32>
    %squeeze3A_1280 = vector.shape_cast %slice3A_1279 : vector<1x64x64xf32> to vector<64x64xf32>
    %dot_general3A_1281 = arith.constant dense<0.000000e+00> : vector<64x64xf32>
    %dot_general3A_1282 = tpu.matmul %squeeze3A_1278, %squeeze3A_1280, %dot_general3A_1281 {dimension_numbers = #tpu.dot_dimension_numbers<[1], [0], [0], [1], [0, 0, 1, 1], [], []>, transpose_lhs_hint = false} : vector<64x64xf32>, vector<64x64xf32>, vector<64x64xf32> -> vector<64x64xf32>
    %slice3A_1283 = vector.extract_strided_slice %get3A_18 {offsets = [36, 0, 0], sizes = [1, 64, 64], strides = [1, 1, 1]} : vector<40x64x64xf32> to vector<1x64x64xf32>
    %squeeze3A_1284 = vector.shape_cast %slice3A_1283 : vector<1x64x64xf32> to vector<64x64xf32>
    %dot_general3A_1285 = arith.constant dense<0.000000e+00> : vector<64x64xf32>
    %dot_general3A_1286 = tpu.matmul %squeeze3A_1284, %dot_general3A_1282, %dot_general3A_1285 {dimension_numbers = #tpu.dot_dimension_numbers<[0], [0], [1], [1], [0, 1, 1, 1], [], []>, transpose_lhs_hint = false} : vector<64x64xf32>, vector<64x64xf32>, vector<64x64xf32> -> vector<64x64xf32>
    %slice3A_1287 = vector.extract_strided_slice %get3A_18 {offsets = [36, 0, 0], sizes = [1, 64, 64], strides = [1, 1, 1]} : vector<40x64x64xf32> to vector<1x64x64xf32>
    %squeeze3A_1288 = vector.shape_cast %slice3A_1287 : vector<1x64x64xf32> to vector<64x64xf32>
    %dot_general3A_1289 = arith.constant dense<0.000000e+00> : vector<64x64xf32>
    %dot_general3A_1290 = tpu.matmul %dot_general3A_1282, %squeeze3A_1288, %dot_general3A_1289 {dimension_numbers = #tpu.dot_dimension_numbers<[0], [0], [1], [1], [0, 1, 1, 1], [], []>, transpose_lhs_hint = false} : vector<64x64xf32>, vector<64x64xf32>, vector<64x64xf32> -> vector<64x64xf32>
    %add3A_1291 = arith.addf %dot_general3A_1286, %dot_general3A_1290 : vector<64x64xf32>
    %mul3A_1292 = arith.constant 5.000000e-01 : f32
    %mul3A_1293 = vector.broadcast %mul3A_1292 : f32 to vector<64x64xf32>
    %mul3A_1294 = arith.mulf %mul3A_1293, %add3A_1291 : vector<64x64xf32>
    %broadcast_in_dim3A_1295 = vector.shape_cast %mul3A_1294 : vector<64x64xf32> to vector<1x64x64xf32>
    %slice3A_1296 = vector.extract_strided_slice %add3A_592 {offsets = [37, 0, 0], sizes = [1, 64, 64], strides = [1, 1, 1]} : vector<40x64x64xf32> to vector<1x64x64xf32>
    %squeeze3A_1297 = vector.shape_cast %slice3A_1296 : vector<1x64x64xf32> to vector<64x64xf32>
    %slice3A_1298 = vector.extract_strided_slice %get3A_18 {offsets = [37, 0, 0], sizes = [1, 64, 64], strides = [1, 1, 1]} : vector<40x64x64xf32> to vector<1x64x64xf32>
    %squeeze3A_1299 = vector.shape_cast %slice3A_1298 : vector<1x64x64xf32> to vector<64x64xf32>
    %dot_general3A_1300 = arith.constant dense<0.000000e+00> : vector<64x64xf32>
    %dot_general3A_1301 = tpu.matmul %squeeze3A_1297, %squeeze3A_1299, %dot_general3A_1300 {dimension_numbers = #tpu.dot_dimension_numbers<[1], [0], [0], [1], [0, 0, 1, 1], [], []>, transpose_lhs_hint = false} : vector<64x64xf32>, vector<64x64xf32>, vector<64x64xf32> -> vector<64x64xf32>
    %slice3A_1302 = vector.extract_strided_slice %get3A_18 {offsets = [37, 0, 0], sizes = [1, 64, 64], strides = [1, 1, 1]} : vector<40x64x64xf32> to vector<1x64x64xf32>
    %squeeze3A_1303 = vector.shape_cast %slice3A_1302 : vector<1x64x64xf32> to vector<64x64xf32>
    %dot_general3A_1304 = arith.constant dense<0.000000e+00> : vector<64x64xf32>
    %dot_general3A_1305 = tpu.matmul %squeeze3A_1303, %dot_general3A_1301, %dot_general3A_1304 {dimension_numbers = #tpu.dot_dimension_numbers<[0], [0], [1], [1], [0, 1, 1, 1], [], []>, transpose_lhs_hint = false} : vector<64x64xf32>, vector<64x64xf32>, vector<64x64xf32> -> vector<64x64xf32>
    %slice3A_1306 = vector.extract_strided_slice %get3A_18 {offsets = [37, 0, 0], sizes = [1, 64, 64], strides = [1, 1, 1]} : vector<40x64x64xf32> to vector<1x64x64xf32>
    %squeeze3A_1307 = vector.shape_cast %slice3A_1306 : vector<1x64x64xf32> to vector<64x64xf32>
    %dot_general3A_1308 = arith.constant dense<0.000000e+00> : vector<64x64xf32>
    %dot_general3A_1309 = tpu.matmul %dot_general3A_1301, %squeeze3A_1307, %dot_general3A_1308 {dimension_numbers = #tpu.dot_dimension_numbers<[0], [0], [1], [1], [0, 1, 1, 1], [], []>, transpose_lhs_hint = false} : vector<64x64xf32>, vector<64x64xf32>, vector<64x64xf32> -> vector<64x64xf32>
    %add3A_1310 = arith.addf %dot_general3A_1305, %dot_general3A_1309 : vector<64x64xf32>
    %mul3A_1311 = arith.constant 5.000000e-01 : f32
    %mul3A_1312 = vector.broadcast %mul3A_1311 : f32 to vector<64x64xf32>
    %mul3A_1313 = arith.mulf %mul3A_1312, %add3A_1310 : vector<64x64xf32>
    %broadcast_in_dim3A_1314 = vector.shape_cast %mul3A_1313 : vector<64x64xf32> to vector<1x64x64xf32>
    %slice3A_1315 = vector.extract_strided_slice %add3A_592 {offsets = [38, 0, 0], sizes = [1, 64, 64], strides = [1, 1, 1]} : vector<40x64x64xf32> to vector<1x64x64xf32>
    %squeeze3A_1316 = vector.shape_cast %slice3A_1315 : vector<1x64x64xf32> to vector<64x64xf32>
    %slice3A_1317 = vector.extract_strided_slice %get3A_18 {offsets = [38, 0, 0], sizes = [1, 64, 64], strides = [1, 1, 1]} : vector<40x64x64xf32> to vector<1x64x64xf32>
    %squeeze3A_1318 = vector.shape_cast %slice3A_1317 : vector<1x64x64xf32> to vector<64x64xf32>
    %dot_general3A_1319 = arith.constant dense<0.000000e+00> : vector<64x64xf32>
    %dot_general3A_1320 = tpu.matmul %squeeze3A_1316, %squeeze3A_1318, %dot_general3A_1319 {dimension_numbers = #tpu.dot_dimension_numbers<[1], [0], [0], [1], [0, 0, 1, 1], [], []>, transpose_lhs_hint = false} : vector<64x64xf32>, vector<64x64xf32>, vector<64x64xf32> -> vector<64x64xf32>
    %slice3A_1321 = vector.extract_strided_slice %get3A_18 {offsets = [38, 0, 0], sizes = [1, 64, 64], strides = [1, 1, 1]} : vector<40x64x64xf32> to vector<1x64x64xf32>
    %squeeze3A_1322 = vector.shape_cast %slice3A_1321 : vector<1x64x64xf32> to vector<64x64xf32>
    %dot_general3A_1323 = arith.constant dense<0.000000e+00> : vector<64x64xf32>
    %dot_general3A_1324 = tpu.matmul %squeeze3A_1322, %dot_general3A_1320, %dot_general3A_1323 {dimension_numbers = #tpu.dot_dimension_numbers<[0], [0], [1], [1], [0, 1, 1, 1], [], []>, transpose_lhs_hint = false} : vector<64x64xf32>, vector<64x64xf32>, vector<64x64xf32> -> vector<64x64xf32>
    %slice3A_1325 = vector.extract_strided_slice %get3A_18 {offsets = [38, 0, 0], sizes = [1, 64, 64], strides = [1, 1, 1]} : vector<40x64x64xf32> to vector<1x64x64xf32>
    %squeeze3A_1326 = vector.shape_cast %slice3A_1325 : vector<1x64x64xf32> to vector<64x64xf32>
    %dot_general3A_1327 = arith.constant dense<0.000000e+00> : vector<64x64xf32>
    %dot_general3A_1328 = tpu.matmul %dot_general3A_1320, %squeeze3A_1326, %dot_general3A_1327 {dimension_numbers = #tpu.dot_dimension_numbers<[0], [0], [1], [1], [0, 1, 1, 1], [], []>, transpose_lhs_hint = false} : vector<64x64xf32>, vector<64x64xf32>, vector<64x64xf32> -> vector<64x64xf32>
    %add3A_1329 = arith.addf %dot_general3A_1324, %dot_general3A_1328 : vector<64x64xf32>
    %mul3A_1330 = arith.constant 5.000000e-01 : f32
    %mul3A_1331 = vector.broadcast %mul3A_1330 : f32 to vector<64x64xf32>
    %mul3A_1332 = arith.mulf %mul3A_1331, %add3A_1329 : vector<64x64xf32>
    %broadcast_in_dim3A_1333 = vector.shape_cast %mul3A_1332 : vector<64x64xf32> to vector<1x64x64xf32>
    %slice3A_1334 = vector.extract_strided_slice %add3A_592 {offsets = [39, 0, 0], sizes = [1, 64, 64], strides = [1, 1, 1]} : vector<40x64x64xf32> to vector<1x64x64xf32>
    %squeeze3A_1335 = vector.shape_cast %slice3A_1334 : vector<1x64x64xf32> to vector<64x64xf32>
    %slice3A_1336 = vector.extract_strided_slice %get3A_18 {offsets = [39, 0, 0], sizes = [1, 64, 64], strides = [1, 1, 1]} : vector<40x64x64xf32> to vector<1x64x64xf32>
    %squeeze3A_1337 = vector.shape_cast %slice3A_1336 : vector<1x64x64xf32> to vector<64x64xf32>
    %dot_general3A_1338 = arith.constant dense<0.000000e+00> : vector<64x64xf32>
    %dot_general3A_1339 = tpu.matmul %squeeze3A_1335, %squeeze3A_1337, %dot_general3A_1338 {dimension_numbers = #tpu.dot_dimension_numbers<[1], [0], [0], [1], [0, 0, 1, 1], [], []>, transpose_lhs_hint = false} : vector<64x64xf32>, vector<64x64xf32>, vector<64x64xf32> -> vector<64x64xf32>
    %slice3A_1340 = vector.extract_strided_slice %get3A_18 {offsets = [39, 0, 0], sizes = [1, 64, 64], strides = [1, 1, 1]} : vector<40x64x64xf32> to vector<1x64x64xf32>
    %squeeze3A_1341 = vector.shape_cast %slice3A_1340 : vector<1x64x64xf32> to vector<64x64xf32>
    %dot_general3A_1342 = arith.constant dense<0.000000e+00> : vector<64x64xf32>
    %dot_general3A_1343 = tpu.matmul %squeeze3A_1341, %dot_general3A_1339, %dot_general3A_1342 {dimension_numbers = #tpu.dot_dimension_numbers<[0], [0], [1], [1], [0, 1, 1, 1], [], []>, transpose_lhs_hint = false} : vector<64x64xf32>, vector<64x64xf32>, vector<64x64xf32> -> vector<64x64xf32>
    %slice3A_1344 = vector.extract_strided_slice %get3A_18 {offsets = [39, 0, 0], sizes = [1, 64, 64], strides = [1, 1, 1]} : vector<40x64x64xf32> to vector<1x64x64xf32>
    %squeeze3A_1345 = vector.shape_cast %slice3A_1344 : vector<1x64x64xf32> to vector<64x64xf32>
    %dot_general3A_1346 = arith.constant dense<0.000000e+00> : vector<64x64xf32>
    %dot_general3A_1347 = tpu.matmul %dot_general3A_1339, %squeeze3A_1345, %dot_general3A_1346 {dimension_numbers = #tpu.dot_dimension_numbers<[0], [0], [1], [1], [0, 1, 1, 1], [], []>, transpose_lhs_hint = false} : vector<64x64xf32>, vector<64x64xf32>, vector<64x64xf32> -> vector<64x64xf32>
    %add3A_1348 = arith.addf %dot_general3A_1343, %dot_general3A_1347 : vector<64x64xf32>
    %mul3A_1349 = arith.constant 5.000000e-01 : f32
    %mul3A_1350 = vector.broadcast %mul3A_1349 : f32 to vector<64x64xf32>
    %mul3A_1351 = arith.mulf %mul3A_1350, %add3A_1348 : vector<64x64xf32>
    %broadcast_in_dim3A_1352 = vector.shape_cast %mul3A_1351 : vector<64x64xf32> to vector<1x64x64xf32>
    %concatenate3A_1353 = tpu.concatenate %broadcast_in_dim3A_611, %broadcast_in_dim3A_630, %broadcast_in_dim3A_649, %broadcast_in_dim3A_668, %broadcast_in_dim3A_687, %broadcast_in_dim3A_706, %broadcast_in_dim3A_725, %broadcast_in_dim3A_744, %broadcast_in_dim3A_763, %broadcast_in_dim3A_782, %broadcast_in_dim3A_801, %broadcast_in_dim3A_820, %broadcast_in_dim3A_839, %broadcast_in_dim3A_858, %broadcast_in_dim3A_877, %broadcast_in_dim3A_896, %broadcast_in_dim3A_915, %broadcast_in_dim3A_934, %broadcast_in_dim3A_953, %broadcast_in_dim3A_972, %broadcast_in_dim3A_991, %broadcast_in_dim3A_1010, %broadcast_in_dim3A_1029, %broadcast_in_dim3A_1048, %broadcast_in_dim3A_1067, %broadcast_in_dim3A_1086, %broadcast_in_dim3A_1105, %broadcast_in_dim3A_1124, %broadcast_in_dim3A_1143, %broadcast_in_dim3A_1162, %broadcast_in_dim3A_1181, %broadcast_in_dim3A_1200, %broadcast_in_dim3A_1219, %broadcast_in_dim3A_1238, %broadcast_in_dim3A_1257, %broadcast_in_dim3A_1276, %broadcast_in_dim3A_1295, %broadcast_in_dim3A_1314, %broadcast_in_dim3A_1333, %broadcast_in_dim3A_1352 in 0 : vector<1x64x64xf32>, vector<1x64x64xf32>, vector<1x64x64xf32>, vector<1x64x64xf32>, vector<1x64x64xf32>, vector<1x64x64xf32>, vector<1x64x64xf32>, vector<1x64x64xf32>, vector<1x64x64xf32>, vector<1x64x64xf32>, vector<1x64x64xf32>, vector<1x64x64xf32>, vector<1x64x64xf32>, vector<1x64x64xf32>, vector<1x64x64xf32>, vector<1x64x64xf32>, vector<1x64x64xf32>, vector<1x64x64xf32>, vector<1x64x64xf32>, vector<1x64x64xf32>, vector<1x64x64xf32>, vector<1x64x64xf32>, vector<1x64x64xf32>, vector<1x64x64xf32>, vector<1x64x64xf32>, vector<1x64x64xf32>, vector<1x64x64xf32>, vector<1x64x64xf32>, vector<1x64x64xf32>, vector<1x64x64xf32>, vector<1x64x64xf32>, vector<1x64x64xf32>, vector<1x64x64xf32>, vector<1x64x64xf32>, vector<1x64x64xf32>, vector<1x64x64xf32>, vector<1x64x64xf32>, vector<1x64x64xf32>, vector<1x64x64xf32>, vector<1x64x64xf32> -> vector<40x64x64xf32>
    %iota3A = tpu.iota {dimensions = array<i32: 1>} : vector<1x64x64xi32>
    %iota3A_1354 = tpu.iota {dimensions = array<i32: 2>} : vector<1x64x64xi32>
    %eq3A = arith.cmpi eq, %iota3A, %iota3A_1354 : vector<1x64x64xi32>
    %add3A_1355 = arith.constant 32 : i32
    %add3A_1356 = vector.broadcast %add3A_1355 : i32 to vector<1x64x64xi32>
    %add3A_1357 = arith.addi %iota3A, %add3A_1356 : vector<1x64x64xi32>
    %eq3A_1358 = arith.cmpi eq, %iota3A_1354, %add3A_1357 : vector<1x64x64xi32>
    %jit3A = arith.constant 1.000000e+00 : f32
    %jit3A_1359 = arith.constant 0.000000e+00 : f32
    %broadcast_in_dim3A_1360 = vector.broadcast %jit3A : f32 to vector<1x64x64xf32>
    %broadcast_in_dim3A_1361 = vector.broadcast %jit3A_1359 : f32 to vector<1x64x64xf32>
    %select_n3A = arith.select %eq3A, %broadcast_in_dim3A_1360, %broadcast_in_dim3A_1361 : vector<1x64x64xi1>, vector<1x64x64xf32>
    %jit3A_1362 = arith.constant 1.000000e+00 : f32
    %jit3A_1363 = arith.constant 0.000000e+00 : f32
    %broadcast_in_dim3A_1364 = vector.broadcast %jit3A_1362 : f32 to vector<1x64x64xf32>
    %broadcast_in_dim3A_1365 = vector.broadcast %jit3A_1363 : f32 to vector<1x64x64xf32>
    %select_n3A_1366 = arith.select %eq3A_1358, %broadcast_in_dim3A_1364, %broadcast_in_dim3A_1365 : vector<1x64x64xi1>, vector<1x64x64xf32>
    %broadcast_in_dim3A_1367 = vector.shape_cast %select_n3A : vector<1x64x64xf32> to vector<1x64x64xf32>
    %broadcast_in_dim3A_1368 = vector.broadcast %broadcast_in_dim3A_1367 : vector<1x64x64xf32> to vector<40x64x64xf32>
    %mul3A_1369 = vector.broadcast %select_n3A : vector<1x64x64xf32> to vector<40x64x64xf32>
    %mul3A_1370 = arith.mulf %mul3A_1369, %concatenate3A_1353 : vector<40x64x64xf32>
    %reduce_sum3A_1371 = arith.constant dense<0.000000e+00> : vector<40x64xf32>
    %reduce_sum3A_1372 = vector.multi_reduction <add>, %mul3A_1370, %reduce_sum3A_1371 [1] : vector<40x64x64xf32> to vector<40x64xf32>
    %broadcast_in_dim3A_1373 = vector.shape_cast %reduce_sum3A_1372 : vector<40x64xf32> to vector<40x1x64xf32>
    %scan3A = arith.constant 0 : i32
    %scan3A_1374 = arith.constant 252 : i32
    %scan3A_1375 = arith.addi %scan3A, %scan3A_1374 : i32
    %scan3A_1376 = arith.constant 1 : i32
    %scan3A_1377:3 = scf.for %scan3A_2281 = %scan3A to %scan3A_1375 step %scan3A_1376 iter_args(%scan3A_2282 = %concatenate3A_1353, %scan3A_2283 = %broadcast_in_dim3A_1368, %scan3A_2284 = %broadcast_in_dim3A_1373) -> (vector<40x64x64xf32>, vector<40x64x64xf32>, vector<40x1x64xf32>)  : i32 {
      %mul3A_2285 = vector.broadcast %select_n3A_1366 : vector<1x64x64xf32> to vector<40x64x64xf32>
      %mul3A_2286 = arith.mulf %mul3A_2285, %scan3A_2282 : vector<40x64x64xf32>
      %reduce_sum3A_2287 = arith.constant dense<0.000000e+00> : vector<40x64xf32>
      %reduce_sum3A_2288 = vector.multi_reduction <add>, %mul3A_2286, %reduce_sum3A_2287 [1] : vector<40x64x64xf32> to vector<40x64xf32>
      %broadcast_in_dim3A_2289 = vector.shape_cast %reduce_sum3A_2288 : vector<40x64xf32> to vector<40x1x64xf32>
      %slice3A_2290 = vector.extract_strided_slice %broadcast_in_dim3A_2289 {offsets = [0, 0, 32], sizes = [40, 1, 32], strides = [1, 1, 1]} : vector<40x1x64xf32> to vector<40x1x32xf32>
      %slice3A_2291 = vector.extract_strided_slice %scan3A_2284 {offsets = [0, 0, 0], sizes = [40, 1, 32], strides = [1, 1, 1]} : vector<40x1x64xf32> to vector<40x1x32xf32>
      %slice3A_2292 = vector.extract_strided_slice %scan3A_2284 {offsets = [0, 0, 32], sizes = [40, 1, 32], strides = [1, 1, 1]} : vector<40x1x64xf32> to vector<40x1x32xf32>
      %eq3A_2293 = arith.constant 0.000000e+00 : f32
      %eq3A_2294 = vector.broadcast %eq3A_2293 : f32 to vector<40x1x32xf32>
      %eq3A_2295 = arith.cmpf oeq, %slice3A_2290, %eq3A_2294 : vector<40x1x32xf32>
      %jit3A_2296 = arith.constant 1.000000e+00 : f32
      %broadcast_in_dim3A_2297 = vector.broadcast %jit3A_2296 : f32 to vector<40x1x32xf32>
      %select_n3A_2298 = arith.select %eq3A_2295, %broadcast_in_dim3A_2297, %slice3A_2290 : vector<40x1x32xi1>, vector<40x1x32xf32>
      %sub3A_2299 = arith.subf %slice3A_2292, %slice3A_2291 : vector<40x1x32xf32>
      %mul3A_2300 = arith.constant 2.000000e+00 : f32
      %mul3A_2301 = vector.broadcast %mul3A_2300 : f32 to vector<40x1x32xf32>
      %mul3A_2302 = arith.mulf %mul3A_2301, %select_n3A_2298 : vector<40x1x32xf32>
      %div3A = arith.divf %sub3A_2299, %mul3A_2302 : vector<40x1x32xf32>
      %sign3A = tpu.bitcast %div3A : vector<40x1x32xf32> -> vector<40x1x32xi32>
      %sign3A_2303 = arith.constant -2147483648 : i32
      %sign3A_2304 = vector.broadcast %sign3A_2303 : i32 to vector<40x1x32xi32>
      %sign3A_2305 = arith.andi %sign3A, %sign3A_2304 : vector<40x1x32xi32>
      %sign3A_2306 = arith.constant 1065353216 : i32
      %sign3A_2307 = vector.broadcast %sign3A_2306 : i32 to vector<40x1x32xi32>
      %sign3A_2308 = arith.ori %sign3A_2307, %sign3A_2305 : vector<40x1x32xi32>
      %sign3A_2309 = tpu.bitcast %sign3A_2308 : vector<40x1x32xi32> -> vector<40x1x32xf32>
      %sign3A_2310 = math.absf %div3A : vector<40x1x32xf32>
      %sign3A_2311 = arith.constant 0.000000e+00 : f32
      %sign3A_2312 = vector.broadcast %sign3A_2311 : f32 to vector<40x1x32xf32>
      %sign3A_2313 = arith.cmpf ogt, %sign3A_2310, %sign3A_2312 : vector<40x1x32xf32>
      %sign3A_2314 = arith.select %sign3A_2313, %sign3A_2309, %div3A : vector<40x1x32xi1>, vector<40x1x32xf32>
      %abs3A = math.absf %div3A : vector<40x1x32xf32>
      %mul3A_2315 = arith.mulf %div3A, %div3A : vector<40x1x32xf32>
      %add3A_2316 = arith.constant 1.000000e+00 : f32
      %add3A_2317 = vector.broadcast %add3A_2316 : f32 to vector<40x1x32xf32>
      %add3A_2318 = arith.addf %mul3A_2315, %add3A_2317 : vector<40x1x32xf32>
      %sqrt3A = math.sqrt %add3A_2318 : vector<40x1x32xf32>
      %add3A_2319 = arith.addf %abs3A, %sqrt3A : vector<40x1x32xf32>
      %div3A_2320 = arith.divf %sign3A_2314, %add3A_2319 : vector<40x1x32xf32>
      %eq3A_2321 = arith.constant 0.000000e+00 : f32
      %eq3A_2322 = vector.broadcast %eq3A_2321 : f32 to vector<40x1x32xf32>
      %eq3A_2323 = arith.cmpf oeq, %div3A, %eq3A_2322 : vector<40x1x32xf32>
      %jit3A_2324 = arith.constant 1.000000e+00 : f32
      %broadcast_in_dim3A_2325 = vector.broadcast %jit3A_2324 : f32 to vector<40x1x32xf32>
      %select_n3A_2326 = arith.select %eq3A_2323, %broadcast_in_dim3A_2325, %div3A_2320 : vector<40x1x32xi1>, vector<40x1x32xf32>
      %jit3A_2327 = arith.constant 0.000000e+00 : f32
      %broadcast_in_dim3A_2328 = vector.broadcast %jit3A_2327 : f32 to vector<40x1x32xf32>
      %select_n3A_2329 = arith.select %eq3A_2295, %broadcast_in_dim3A_2328, %select_n3A_2326 : vector<40x1x32xi1>, vector<40x1x32xf32>
      %mul3A_2330 = arith.mulf %select_n3A_2329, %select_n3A_2329 : vector<40x1x32xf32>
      %add3A_2331 = arith.constant 1.000000e+00 : f32
      %add3A_2332 = vector.broadcast %add3A_2331 : f32 to vector<40x1x32xf32>
      %add3A_2333 = arith.addf %mul3A_2330, %add3A_2332 : vector<40x1x32xf32>
      %rsqrt3A = math.rsqrt %add3A_2333 : vector<40x1x32xf32>
      %mul3A_2334 = arith.mulf %select_n3A_2329, %rsqrt3A : vector<40x1x32xf32>
      %jit3A_2335 = arith.constant 1.000000e+00 : f32
      %broadcast_in_dim3A_2336 = vector.broadcast %jit3A_2335 : f32 to vector<40x1x32xf32>
      %select_n3A_2337 = arith.select %eq3A_2295, %broadcast_in_dim3A_2336, %rsqrt3A : vector<40x1x32xi1>, vector<40x1x32xf32>
      %jit3A_2338 = arith.constant 0.000000e+00 : f32
      %broadcast_in_dim3A_2339 = vector.broadcast %jit3A_2338 : f32 to vector<40x1x32xf32>
      %select_n3A_2340 = arith.select %eq3A_2295, %broadcast_in_dim3A_2339, %mul3A_2334 : vector<40x1x32xi1>, vector<40x1x32xf32>
      %mul3A_2341 = arith.mulf %select_n3A_2329, %slice3A_2290 : vector<40x1x32xf32>
      %sub3A_2342 = arith.subf %slice3A_2291, %mul3A_2341 : vector<40x1x32xf32>
      %mul3A_2343 = arith.mulf %select_n3A_2329, %slice3A_2290 : vector<40x1x32xf32>
      %add3A_2344 = arith.addf %slice3A_2292, %mul3A_2343 : vector<40x1x32xf32>
      %concatenate3A_2345 = tpu.concatenate %sub3A_2342, %add3A_2344 in 2 : vector<40x1x32xf32>, vector<40x1x32xf32> -> vector<40x1x64xf32>
      %slice3A_2346 = vector.extract_strided_slice %concatenate3A_2345 {offsets = [0, 0, 0], sizes = [40, 1, 1], strides = [1, 1, 1]} : vector<40x1x64xf32> to vector<40x1x1xf32>
      %slice3A_2347 = vector.extract_strided_slice %concatenate3A_2345 {offsets = [0, 0, 32], sizes = [40, 1, 1], strides = [1, 1, 1]} : vector<40x1x64xf32> to vector<40x1x1xf32>
      %slice3A_2348 = vector.extract_strided_slice %concatenate3A_2345 {offsets = [0, 0, 1], sizes = [40, 1, 30], strides = [1, 1, 1]} : vector<40x1x64xf32> to vector<40x1x30xf32>
      %slice3A_2349 = vector.extract_strided_slice %concatenate3A_2345 {offsets = [0, 0, 33], sizes = [40, 1, 31], strides = [1, 1, 1]} : vector<40x1x64xf32> to vector<40x1x31xf32>
      %slice3A_2350 = vector.extract_strided_slice %concatenate3A_2345 {offsets = [0, 0, 31], sizes = [40, 1, 1], strides = [1, 1, 1]} : vector<40x1x64xf32> to vector<40x1x1xf32>
      %concatenate3A_2351 = tpu.concatenate %slice3A_2346, %slice3A_2347, %slice3A_2348, %slice3A_2349, %slice3A_2350 in 2 : vector<40x1x1xf32>, vector<40x1x1xf32>, vector<40x1x30xf32>, vector<40x1x31xf32>, vector<40x1x1xf32> -> vector<40x1x64xf32>
      %iota3A_2352 = tpu.iota {dimensions = array<i32: 0>} : vector<32x32xi32>
      %iota3A_2353 = tpu.iota {dimensions = array<i32: 1>} : vector<32x32xi32>
      %eq3A_2354 = arith.cmpi eq, %iota3A_2352, %iota3A_2353 : vector<32x32xi32>
      %convert_element_type3A_2355 = arith.extui %eq3A_2354 : vector<32x32xi1> to vector<32x32xi32>
      %convert_element_type3A_2356 = arith.sitofp %convert_element_type3A_2355 : vector<32x32xi32> to vector<32x32xf32>
      %slice3A_2357 = vector.extract_strided_slice %select_n3A_2337 {offsets = [0, 0, 0], sizes = [1, 1, 32], strides = [1, 1, 1]} : vector<40x1x32xf32> to vector<1x1x32xf32>
      %squeeze3A_2358 = vector.shape_cast %slice3A_2357 : vector<1x1x32xf32> to vector<1x32xf32>
      %slice3A_2359 = vector.extract_strided_slice %select_n3A_2340 {offsets = [0, 0, 0], sizes = [1, 1, 32], strides = [1, 1, 1]} : vector<40x1x32xf32> to vector<1x1x32xf32>
      %squeeze3A_2360 = vector.shape_cast %slice3A_2359 : vector<1x1x32xf32> to vector<1x32xf32>
      %concatenate3A_2361 = tpu.concatenate %squeeze3A_2358, %squeeze3A_2360 in 0 : vector<1x32xf32>, vector<1x32xf32> -> vector<2x32xf32>
      %dot_general3A_2362 = arith.constant dense<0.000000e+00> : vector<32x2xf32>
      %dot_general3A_2363 = tpu.matmul %convert_element_type3A_2356, %concatenate3A_2361, %dot_general3A_2362 {dimension_numbers = #tpu.dot_dimension_numbers<[1], [1], [0], [0], [0, 0, 1, 0], [], []>, transpose_lhs_hint = false} : vector<32x32xf32>, vector<2x32xf32>, vector<32x2xf32> -> vector<32x2xf32>
      %broadcast_in_dim3A_2364 = vector.shape_cast %dot_general3A_2363 : vector<32x2xf32> to vector<1x32x2xf32>
      %slice3A_2365 = vector.extract_strided_slice %select_n3A_2337 {offsets = [1, 0, 0], sizes = [1, 1, 32], strides = [1, 1, 1]} : vector<40x1x32xf32> to vector<1x1x32xf32>
      %squeeze3A_2366 = vector.shape_cast %slice3A_2365 : vector<1x1x32xf32> to vector<1x32xf32>
      %slice3A_2367 = vector.extract_strided_slice %select_n3A_2340 {offsets = [1, 0, 0], sizes = [1, 1, 32], strides = [1, 1, 1]} : vector<40x1x32xf32> to vector<1x1x32xf32>
      %squeeze3A_2368 = vector.shape_cast %slice3A_2367 : vector<1x1x32xf32> to vector<1x32xf32>
      %concatenate3A_2369 = tpu.concatenate %squeeze3A_2366, %squeeze3A_2368 in 0 : vector<1x32xf32>, vector<1x32xf32> -> vector<2x32xf32>
      %dot_general3A_2370 = arith.constant dense<0.000000e+00> : vector<32x2xf32>
      %dot_general3A_2371 = tpu.matmul %convert_element_type3A_2356, %concatenate3A_2369, %dot_general3A_2370 {dimension_numbers = #tpu.dot_dimension_numbers<[1], [1], [0], [0], [0, 0, 1, 0], [], []>, transpose_lhs_hint = false} : vector<32x32xf32>, vector<2x32xf32>, vector<32x2xf32> -> vector<32x2xf32>
      %broadcast_in_dim3A_2372 = vector.shape_cast %dot_general3A_2371 : vector<32x2xf32> to vector<1x32x2xf32>
      %slice3A_2373 = vector.extract_strided_slice %select_n3A_2337 {offsets = [2, 0, 0], sizes = [1, 1, 32], strides = [1, 1, 1]} : vector<40x1x32xf32> to vector<1x1x32xf32>
      %squeeze3A_2374 = vector.shape_cast %slice3A_2373 : vector<1x1x32xf32> to vector<1x32xf32>
      %slice3A_2375 = vector.extract_strided_slice %select_n3A_2340 {offsets = [2, 0, 0], sizes = [1, 1, 32], strides = [1, 1, 1]} : vector<40x1x32xf32> to vector<1x1x32xf32>
      %squeeze3A_2376 = vector.shape_cast %slice3A_2375 : vector<1x1x32xf32> to vector<1x32xf32>
      %concatenate3A_2377 = tpu.concatenate %squeeze3A_2374, %squeeze3A_2376 in 0 : vector<1x32xf32>, vector<1x32xf32> -> vector<2x32xf32>
      %dot_general3A_2378 = arith.constant dense<0.000000e+00> : vector<32x2xf32>
      %dot_general3A_2379 = tpu.matmul %convert_element_type3A_2356, %concatenate3A_2377, %dot_general3A_2378 {dimension_numbers = #tpu.dot_dimension_numbers<[1], [1], [0], [0], [0, 0, 1, 0], [], []>, transpose_lhs_hint = false} : vector<32x32xf32>, vector<2x32xf32>, vector<32x2xf32> -> vector<32x2xf32>
      %broadcast_in_dim3A_2380 = vector.shape_cast %dot_general3A_2379 : vector<32x2xf32> to vector<1x32x2xf32>
      %slice3A_2381 = vector.extract_strided_slice %select_n3A_2337 {offsets = [3, 0, 0], sizes = [1, 1, 32], strides = [1, 1, 1]} : vector<40x1x32xf32> to vector<1x1x32xf32>
      %squeeze3A_2382 = vector.shape_cast %slice3A_2381 : vector<1x1x32xf32> to vector<1x32xf32>
      %slice3A_2383 = vector.extract_strided_slice %select_n3A_2340 {offsets = [3, 0, 0], sizes = [1, 1, 32], strides = [1, 1, 1]} : vector<40x1x32xf32> to vector<1x1x32xf32>
      %squeeze3A_2384 = vector.shape_cast %slice3A_2383 : vector<1x1x32xf32> to vector<1x32xf32>
      %concatenate3A_2385 = tpu.concatenate %squeeze3A_2382, %squeeze3A_2384 in 0 : vector<1x32xf32>, vector<1x32xf32> -> vector<2x32xf32>
      %dot_general3A_2386 = arith.constant dense<0.000000e+00> : vector<32x2xf32>
      %dot_general3A_2387 = tpu.matmul %convert_element_type3A_2356, %concatenate3A_2385, %dot_general3A_2386 {dimension_numbers = #tpu.dot_dimension_numbers<[1], [1], [0], [0], [0, 0, 1, 0], [], []>, transpose_lhs_hint = false} : vector<32x32xf32>, vector<2x32xf32>, vector<32x2xf32> -> vector<32x2xf32>
      %broadcast_in_dim3A_2388 = vector.shape_cast %dot_general3A_2387 : vector<32x2xf32> to vector<1x32x2xf32>
      %slice3A_2389 = vector.extract_strided_slice %select_n3A_2337 {offsets = [4, 0, 0], sizes = [1, 1, 32], strides = [1, 1, 1]} : vector<40x1x32xf32> to vector<1x1x32xf32>
      %squeeze3A_2390 = vector.shape_cast %slice3A_2389 : vector<1x1x32xf32> to vector<1x32xf32>
      %slice3A_2391 = vector.extract_strided_slice %select_n3A_2340 {offsets = [4, 0, 0], sizes = [1, 1, 32], strides = [1, 1, 1]} : vector<40x1x32xf32> to vector<1x1x32xf32>
      %squeeze3A_2392 = vector.shape_cast %slice3A_2391 : vector<1x1x32xf32> to vector<1x32xf32>
      %concatenate3A_2393 = tpu.concatenate %squeeze3A_2390, %squeeze3A_2392 in 0 : vector<1x32xf32>, vector<1x32xf32> -> vector<2x32xf32>
      %dot_general3A_2394 = arith.constant dense<0.000000e+00> : vector<32x2xf32>
      %dot_general3A_2395 = tpu.matmul %convert_element_type3A_2356, %concatenate3A_2393, %dot_general3A_2394 {dimension_numbers = #tpu.dot_dimension_numbers<[1], [1], [0], [0], [0, 0, 1, 0], [], []>, transpose_lhs_hint = false} : vector<32x32xf32>, vector<2x32xf32>, vector<32x2xf32> -> vector<32x2xf32>
      %broadcast_in_dim3A_2396 = vector.shape_cast %dot_general3A_2395 : vector<32x2xf32> to vector<1x32x2xf32>
      %slice3A_2397 = vector.extract_strided_slice %select_n3A_2337 {offsets = [5, 0, 0], sizes = [1, 1, 32], strides = [1, 1, 1]} : vector<40x1x32xf32> to vector<1x1x32xf32>
      %squeeze3A_2398 = vector.shape_cast %slice3A_2397 : vector<1x1x32xf32> to vector<1x32xf32>
      %slice3A_2399 = vector.extract_strided_slice %select_n3A_2340 {offsets = [5, 0, 0], sizes = [1, 1, 32], strides = [1, 1, 1]} : vector<40x1x32xf32> to vector<1x1x32xf32>
      %squeeze3A_2400 = vector.shape_cast %slice3A_2399 : vector<1x1x32xf32> to vector<1x32xf32>
      %concatenate3A_2401 = tpu.concatenate %squeeze3A_2398, %squeeze3A_2400 in 0 : vector<1x32xf32>, vector<1x32xf32> -> vector<2x32xf32>
      %dot_general3A_2402 = arith.constant dense<0.000000e+00> : vector<32x2xf32>
      %dot_general3A_2403 = tpu.matmul %convert_element_type3A_2356, %concatenate3A_2401, %dot_general3A_2402 {dimension_numbers = #tpu.dot_dimension_numbers<[1], [1], [0], [0], [0, 0, 1, 0], [], []>, transpose_lhs_hint = false} : vector<32x32xf32>, vector<2x32xf32>, vector<32x2xf32> -> vector<32x2xf32>
      %broadcast_in_dim3A_2404 = vector.shape_cast %dot_general3A_2403 : vector<32x2xf32> to vector<1x32x2xf32>
      %slice3A_2405 = vector.extract_strided_slice %select_n3A_2337 {offsets = [6, 0, 0], sizes = [1, 1, 32], strides = [1, 1, 1]} : vector<40x1x32xf32> to vector<1x1x32xf32>
      %squeeze3A_2406 = vector.shape_cast %slice3A_2405 : vector<1x1x32xf32> to vector<1x32xf32>
      %slice3A_2407 = vector.extract_strided_slice %select_n3A_2340 {offsets = [6, 0, 0], sizes = [1, 1, 32], strides = [1, 1, 1]} : vector<40x1x32xf32> to vector<1x1x32xf32>
      %squeeze3A_2408 = vector.shape_cast %slice3A_2407 : vector<1x1x32xf32> to vector<1x32xf32>
      %concatenate3A_2409 = tpu.concatenate %squeeze3A_2406, %squeeze3A_2408 in 0 : vector<1x32xf32>, vector<1x32xf32> -> vector<2x32xf32>
      %dot_general3A_2410 = arith.constant dense<0.000000e+00> : vector<32x2xf32>
      %dot_general3A_2411 = tpu.matmul %convert_element_type3A_2356, %concatenate3A_2409, %dot_general3A_2410 {dimension_numbers = #tpu.dot_dimension_numbers<[1], [1], [0], [0], [0, 0, 1, 0], [], []>, transpose_lhs_hint = false} : vector<32x32xf32>, vector<2x32xf32>, vector<32x2xf32> -> vector<32x2xf32>
      %broadcast_in_dim3A_2412 = vector.shape_cast %dot_general3A_2411 : vector<32x2xf32> to vector<1x32x2xf32>
      %slice3A_2413 = vector.extract_strided_slice %select_n3A_2337 {offsets = [7, 0, 0], sizes = [1, 1, 32], strides = [1, 1, 1]} : vector<40x1x32xf32> to vector<1x1x32xf32>
      %squeeze3A_2414 = vector.shape_cast %slice3A_2413 : vector<1x1x32xf32> to vector<1x32xf32>
      %slice3A_2415 = vector.extract_strided_slice %select_n3A_2340 {offsets = [7, 0, 0], sizes = [1, 1, 32], strides = [1, 1, 1]} : vector<40x1x32xf32> to vector<1x1x32xf32>
      %squeeze3A_2416 = vector.shape_cast %slice3A_2415 : vector<1x1x32xf32> to vector<1x32xf32>
      %concatenate3A_2417 = tpu.concatenate %squeeze3A_2414, %squeeze3A_2416 in 0 : vector<1x32xf32>, vector<1x32xf32> -> vector<2x32xf32>
      %dot_general3A_2418 = arith.constant dense<0.000000e+00> : vector<32x2xf32>
      %dot_general3A_2419 = tpu.matmul %convert_element_type3A_2356, %concatenate3A_2417, %dot_general3A_2418 {dimension_numbers = #tpu.dot_dimension_numbers<[1], [1], [0], [0], [0, 0, 1, 0], [], []>, transpose_lhs_hint = false} : vector<32x32xf32>, vector<2x32xf32>, vector<32x2xf32> -> vector<32x2xf32>
      %broadcast_in_dim3A_2420 = vector.shape_cast %dot_general3A_2419 : vector<32x2xf32> to vector<1x32x2xf32>
      %slice3A_2421 = vector.extract_strided_slice %select_n3A_2337 {offsets = [8, 0, 0], sizes = [1, 1, 32], strides = [1, 1, 1]} : vector<40x1x32xf32> to vector<1x1x32xf32>
      %squeeze3A_2422 = vector.shape_cast %slice3A_2421 : vector<1x1x32xf32> to vector<1x32xf32>
      %slice3A_2423 = vector.extract_strided_slice %select_n3A_2340 {offsets = [8, 0, 0], sizes = [1, 1, 32], strides = [1, 1, 1]} : vector<40x1x32xf32> to vector<1x1x32xf32>
      %squeeze3A_2424 = vector.shape_cast %slice3A_2423 : vector<1x1x32xf32> to vector<1x32xf32>
      %concatenate3A_2425 = tpu.concatenate %squeeze3A_2422, %squeeze3A_2424 in 0 : vector<1x32xf32>, vector<1x32xf32> -> vector<2x32xf32>
      %dot_general3A_2426 = arith.constant dense<0.000000e+00> : vector<32x2xf32>
      %dot_general3A_2427 = tpu.matmul %convert_element_type3A_2356, %concatenate3A_2425, %dot_general3A_2426 {dimension_numbers = #tpu.dot_dimension_numbers<[1], [1], [0], [0], [0, 0, 1, 0], [], []>, transpose_lhs_hint = false} : vector<32x32xf32>, vector<2x32xf32>, vector<32x2xf32> -> vector<32x2xf32>
      %broadcast_in_dim3A_2428 = vector.shape_cast %dot_general3A_2427 : vector<32x2xf32> to vector<1x32x2xf32>
      %slice3A_2429 = vector.extract_strided_slice %select_n3A_2337 {offsets = [9, 0, 0], sizes = [1, 1, 32], strides = [1, 1, 1]} : vector<40x1x32xf32> to vector<1x1x32xf32>
      %squeeze3A_2430 = vector.shape_cast %slice3A_2429 : vector<1x1x32xf32> to vector<1x32xf32>
      %slice3A_2431 = vector.extract_strided_slice %select_n3A_2340 {offsets = [9, 0, 0], sizes = [1, 1, 32], strides = [1, 1, 1]} : vector<40x1x32xf32> to vector<1x1x32xf32>
      %squeeze3A_2432 = vector.shape_cast %slice3A_2431 : vector<1x1x32xf32> to vector<1x32xf32>
      %concatenate3A_2433 = tpu.concatenate %squeeze3A_2430, %squeeze3A_2432 in 0 : vector<1x32xf32>, vector<1x32xf32> -> vector<2x32xf32>
      %dot_general3A_2434 = arith.constant dense<0.000000e+00> : vector<32x2xf32>
      %dot_general3A_2435 = tpu.matmul %convert_element_type3A_2356, %concatenate3A_2433, %dot_general3A_2434 {dimension_numbers = #tpu.dot_dimension_numbers<[1], [1], [0], [0], [0, 0, 1, 0], [], []>, transpose_lhs_hint = false} : vector<32x32xf32>, vector<2x32xf32>, vector<32x2xf32> -> vector<32x2xf32>
      %broadcast_in_dim3A_2436 = vector.shape_cast %dot_general3A_2435 : vector<32x2xf32> to vector<1x32x2xf32>
      %slice3A_2437 = vector.extract_strided_slice %select_n3A_2337 {offsets = [10, 0, 0], sizes = [1, 1, 32], strides = [1, 1, 1]} : vector<40x1x32xf32> to vector<1x1x32xf32>
      %squeeze3A_2438 = vector.shape_cast %slice3A_2437 : vector<1x1x32xf32> to vector<1x32xf32>
      %slice3A_2439 = vector.extract_strided_slice %select_n3A_2340 {offsets = [10, 0, 0], sizes = [1, 1, 32], strides = [1, 1, 1]} : vector<40x1x32xf32> to vector<1x1x32xf32>
      %squeeze3A_2440 = vector.shape_cast %slice3A_2439 : vector<1x1x32xf32> to vector<1x32xf32>
      %concatenate3A_2441 = tpu.concatenate %squeeze3A_2438, %squeeze3A_2440 in 0 : vector<1x32xf32>, vector<1x32xf32> -> vector<2x32xf32>
      %dot_general3A_2442 = arith.constant dense<0.000000e+00> : vector<32x2xf32>
      %dot_general3A_2443 = tpu.matmul %convert_element_type3A_2356, %concatenate3A_2441, %dot_general3A_2442 {dimension_numbers = #tpu.dot_dimension_numbers<[1], [1], [0], [0], [0, 0, 1, 0], [], []>, transpose_lhs_hint = false} : vector<32x32xf32>, vector<2x32xf32>, vector<32x2xf32> -> vector<32x2xf32>
      %broadcast_in_dim3A_2444 = vector.shape_cast %dot_general3A_2443 : vector<32x2xf32> to vector<1x32x2xf32>
      %slice3A_2445 = vector.extract_strided_slice %select_n3A_2337 {offsets = [11, 0, 0], sizes = [1, 1, 32], strides = [1, 1, 1]} : vector<40x1x32xf32> to vector<1x1x32xf32>
      %squeeze3A_2446 = vector.shape_cast %slice3A_2445 : vector<1x1x32xf32> to vector<1x32xf32>
      %slice3A_2447 = vector.extract_strided_slice %select_n3A_2340 {offsets = [11, 0, 0], sizes = [1, 1, 32], strides = [1, 1, 1]} : vector<40x1x32xf32> to vector<1x1x32xf32>
      %squeeze3A_2448 = vector.shape_cast %slice3A_2447 : vector<1x1x32xf32> to vector<1x32xf32>
      %concatenate3A_2449 = tpu.concatenate %squeeze3A_2446, %squeeze3A_2448 in 0 : vector<1x32xf32>, vector<1x32xf32> -> vector<2x32xf32>
      %dot_general3A_2450 = arith.constant dense<0.000000e+00> : vector<32x2xf32>
      %dot_general3A_2451 = tpu.matmul %convert_element_type3A_2356, %concatenate3A_2449, %dot_general3A_2450 {dimension_numbers = #tpu.dot_dimension_numbers<[1], [1], [0], [0], [0, 0, 1, 0], [], []>, transpose_lhs_hint = false} : vector<32x32xf32>, vector<2x32xf32>, vector<32x2xf32> -> vector<32x2xf32>
      %broadcast_in_dim3A_2452 = vector.shape_cast %dot_general3A_2451 : vector<32x2xf32> to vector<1x32x2xf32>
      %slice3A_2453 = vector.extract_strided_slice %select_n3A_2337 {offsets = [12, 0, 0], sizes = [1, 1, 32], strides = [1, 1, 1]} : vector<40x1x32xf32> to vector<1x1x32xf32>
      %squeeze3A_2454 = vector.shape_cast %slice3A_2453 : vector<1x1x32xf32> to vector<1x32xf32>
      %slice3A_2455 = vector.extract_strided_slice %select_n3A_2340 {offsets = [12, 0, 0], sizes = [1, 1, 32], strides = [1, 1, 1]} : vector<40x1x32xf32> to vector<1x1x32xf32>
      %squeeze3A_2456 = vector.shape_cast %slice3A_2455 : vector<1x1x32xf32> to vector<1x32xf32>
      %concatenate3A_2457 = tpu.concatenate %squeeze3A_2454, %squeeze3A_2456 in 0 : vector<1x32xf32>, vector<1x32xf32> -> vector<2x32xf32>
      %dot_general3A_2458 = arith.constant dense<0.000000e+00> : vector<32x2xf32>
      %dot_general3A_2459 = tpu.matmul %convert_element_type3A_2356, %concatenate3A_2457, %dot_general3A_2458 {dimension_numbers = #tpu.dot_dimension_numbers<[1], [1], [0], [0], [0, 0, 1, 0], [], []>, transpose_lhs_hint = false} : vector<32x32xf32>, vector<2x32xf32>, vector<32x2xf32> -> vector<32x2xf32>
      %broadcast_in_dim3A_2460 = vector.shape_cast %dot_general3A_2459 : vector<32x2xf32> to vector<1x32x2xf32>
      %slice3A_2461 = vector.extract_strided_slice %select_n3A_2337 {offsets = [13, 0, 0], sizes = [1, 1, 32], strides = [1, 1, 1]} : vector<40x1x32xf32> to vector<1x1x32xf32>
      %squeeze3A_2462 = vector.shape_cast %slice3A_2461 : vector<1x1x32xf32> to vector<1x32xf32>
      %slice3A_2463 = vector.extract_strided_slice %select_n3A_2340 {offsets = [13, 0, 0], sizes = [1, 1, 32], strides = [1, 1, 1]} : vector<40x1x32xf32> to vector<1x1x32xf32>
      %squeeze3A_2464 = vector.shape_cast %slice3A_2463 : vector<1x1x32xf32> to vector<1x32xf32>
      %concatenate3A_2465 = tpu.concatenate %squeeze3A_2462, %squeeze3A_2464 in 0 : vector<1x32xf32>, vector<1x32xf32> -> vector<2x32xf32>
      %dot_general3A_2466 = arith.constant dense<0.000000e+00> : vector<32x2xf32>
      %dot_general3A_2467 = tpu.matmul %convert_element_type3A_2356, %concatenate3A_2465, %dot_general3A_2466 {dimension_numbers = #tpu.dot_dimension_numbers<[1], [1], [0], [0], [0, 0, 1, 0], [], []>, transpose_lhs_hint = false} : vector<32x32xf32>, vector<2x32xf32>, vector<32x2xf32> -> vector<32x2xf32>
      %broadcast_in_dim3A_2468 = vector.shape_cast %dot_general3A_2467 : vector<32x2xf32> to vector<1x32x2xf32>
      %slice3A_2469 = vector.extract_strided_slice %select_n3A_2337 {offsets = [14, 0, 0], sizes = [1, 1, 32], strides = [1, 1, 1]} : vector<40x1x32xf32> to vector<1x1x32xf32>
      %squeeze3A_2470 = vector.shape_cast %slice3A_2469 : vector<1x1x32xf32> to vector<1x32xf32>
      %slice3A_2471 = vector.extract_strided_slice %select_n3A_2340 {offsets = [14, 0, 0], sizes = [1, 1, 32], strides = [1, 1, 1]} : vector<40x1x32xf32> to vector<1x1x32xf32>
      %squeeze3A_2472 = vector.shape_cast %slice3A_2471 : vector<1x1x32xf32> to vector<1x32xf32>
      %concatenate3A_2473 = tpu.concatenate %squeeze3A_2470, %squeeze3A_2472 in 0 : vector<1x32xf32>, vector<1x32xf32> -> vector<2x32xf32>
      %dot_general3A_2474 = arith.constant dense<0.000000e+00> : vector<32x2xf32>
      %dot_general3A_2475 = tpu.matmul %convert_element_type3A_2356, %concatenate3A_2473, %dot_general3A_2474 {dimension_numbers = #tpu.dot_dimension_numbers<[1], [1], [0], [0], [0, 0, 1, 0], [], []>, transpose_lhs_hint = false} : vector<32x32xf32>, vector<2x32xf32>, vector<32x2xf32> -> vector<32x2xf32>
      %broadcast_in_dim3A_2476 = vector.shape_cast %dot_general3A_2475 : vector<32x2xf32> to vector<1x32x2xf32>
      %slice3A_2477 = vector.extract_strided_slice %select_n3A_2337 {offsets = [15, 0, 0], sizes = [1, 1, 32], strides = [1, 1, 1]} : vector<40x1x32xf32> to vector<1x1x32xf32>
      %squeeze3A_2478 = vector.shape_cast %slice3A_2477 : vector<1x1x32xf32> to vector<1x32xf32>
      %slice3A_2479 = vector.extract_strided_slice %select_n3A_2340 {offsets = [15, 0, 0], sizes = [1, 1, 32], strides = [1, 1, 1]} : vector<40x1x32xf32> to vector<1x1x32xf32>
      %squeeze3A_2480 = vector.shape_cast %slice3A_2479 : vector<1x1x32xf32> to vector<1x32xf32>
      %concatenate3A_2481 = tpu.concatenate %squeeze3A_2478, %squeeze3A_2480 in 0 : vector<1x32xf32>, vector<1x32xf32> -> vector<2x32xf32>
      %dot_general3A_2482 = arith.constant dense<0.000000e+00> : vector<32x2xf32>
      %dot_general3A_2483 = tpu.matmul %convert_element_type3A_2356, %concatenate3A_2481, %dot_general3A_2482 {dimension_numbers = #tpu.dot_dimension_numbers<[1], [1], [0], [0], [0, 0, 1, 0], [], []>, transpose_lhs_hint = false} : vector<32x32xf32>, vector<2x32xf32>, vector<32x2xf32> -> vector<32x2xf32>
      %broadcast_in_dim3A_2484 = vector.shape_cast %dot_general3A_2483 : vector<32x2xf32> to vector<1x32x2xf32>
      %slice3A_2485 = vector.extract_strided_slice %select_n3A_2337 {offsets = [16, 0, 0], sizes = [1, 1, 32], strides = [1, 1, 1]} : vector<40x1x32xf32> to vector<1x1x32xf32>
      %squeeze3A_2486 = vector.shape_cast %slice3A_2485 : vector<1x1x32xf32> to vector<1x32xf32>
      %slice3A_2487 = vector.extract_strided_slice %select_n3A_2340 {offsets = [16, 0, 0], sizes = [1, 1, 32], strides = [1, 1, 1]} : vector<40x1x32xf32> to vector<1x1x32xf32>
      %squeeze3A_2488 = vector.shape_cast %slice3A_2487 : vector<1x1x32xf32> to vector<1x32xf32>
      %concatenate3A_2489 = tpu.concatenate %squeeze3A_2486, %squeeze3A_2488 in 0 : vector<1x32xf32>, vector<1x32xf32> -> vector<2x32xf32>
      %dot_general3A_2490 = arith.constant dense<0.000000e+00> : vector<32x2xf32>
      %dot_general3A_2491 = tpu.matmul %convert_element_type3A_2356, %concatenate3A_2489, %dot_general3A_2490 {dimension_numbers = #tpu.dot_dimension_numbers<[1], [1], [0], [0], [0, 0, 1, 0], [], []>, transpose_lhs_hint = false} : vector<32x32xf32>, vector<2x32xf32>, vector<32x2xf32> -> vector<32x2xf32>
      %broadcast_in_dim3A_2492 = vector.shape_cast %dot_general3A_2491 : vector<32x2xf32> to vector<1x32x2xf32>
      %slice3A_2493 = vector.extract_strided_slice %select_n3A_2337 {offsets = [17, 0, 0], sizes = [1, 1, 32], strides = [1, 1, 1]} : vector<40x1x32xf32> to vector<1x1x32xf32>
      %squeeze3A_2494 = vector.shape_cast %slice3A_2493 : vector<1x1x32xf32> to vector<1x32xf32>
      %slice3A_2495 = vector.extract_strided_slice %select_n3A_2340 {offsets = [17, 0, 0], sizes = [1, 1, 32], strides = [1, 1, 1]} : vector<40x1x32xf32> to vector<1x1x32xf32>
      %squeeze3A_2496 = vector.shape_cast %slice3A_2495 : vector<1x1x32xf32> to vector<1x32xf32>
      %concatenate3A_2497 = tpu.concatenate %squeeze3A_2494, %squeeze3A_2496 in 0 : vector<1x32xf32>, vector<1x32xf32> -> vector<2x32xf32>
      %dot_general3A_2498 = arith.constant dense<0.000000e+00> : vector<32x2xf32>
      %dot_general3A_2499 = tpu.matmul %convert_element_type3A_2356, %concatenate3A_2497, %dot_general3A_2498 {dimension_numbers = #tpu.dot_dimension_numbers<[1], [1], [0], [0], [0, 0, 1, 0], [], []>, transpose_lhs_hint = false} : vector<32x32xf32>, vector<2x32xf32>, vector<32x2xf32> -> vector<32x2xf32>
      %broadcast_in_dim3A_2500 = vector.shape_cast %dot_general3A_2499 : vector<32x2xf32> to vector<1x32x2xf32>
      %slice3A_2501 = vector.extract_strided_slice %select_n3A_2337 {offsets = [18, 0, 0], sizes = [1, 1, 32], strides = [1, 1, 1]} : vector<40x1x32xf32> to vector<1x1x32xf32>
      %squeeze3A_2502 = vector.shape_cast %slice3A_2501 : vector<1x1x32xf32> to vector<1x32xf32>
      %slice3A_2503 = vector.extract_strided_slice %select_n3A_2340 {offsets = [18, 0, 0], sizes = [1, 1, 32], strides = [1, 1, 1]} : vector<40x1x32xf32> to vector<1x1x32xf32>
      %squeeze3A_2504 = vector.shape_cast %slice3A_2503 : vector<1x1x32xf32> to vector<1x32xf32>
      %concatenate3A_2505 = tpu.concatenate %squeeze3A_2502, %squeeze3A_2504 in 0 : vector<1x32xf32>, vector<1x32xf32> -> vector<2x32xf32>
      %dot_general3A_2506 = arith.constant dense<0.000000e+00> : vector<32x2xf32>
      %dot_general3A_2507 = tpu.matmul %convert_element_type3A_2356, %concatenate3A_2505, %dot_general3A_2506 {dimension_numbers = #tpu.dot_dimension_numbers<[1], [1], [0], [0], [0, 0, 1, 0], [], []>, transpose_lhs_hint = false} : vector<32x32xf32>, vector<2x32xf32>, vector<32x2xf32> -> vector<32x2xf32>
      %broadcast_in_dim3A_2508 = vector.shape_cast %dot_general3A_2507 : vector<32x2xf32> to vector<1x32x2xf32>
      %slice3A_2509 = vector.extract_strided_slice %select_n3A_2337 {offsets = [19, 0, 0], sizes = [1, 1, 32], strides = [1, 1, 1]} : vector<40x1x32xf32> to vector<1x1x32xf32>
      %squeeze3A_2510 = vector.shape_cast %slice3A_2509 : vector<1x1x32xf32> to vector<1x32xf32>
      %slice3A_2511 = vector.extract_strided_slice %select_n3A_2340 {offsets = [19, 0, 0], sizes = [1, 1, 32], strides = [1, 1, 1]} : vector<40x1x32xf32> to vector<1x1x32xf32>
      %squeeze3A_2512 = vector.shape_cast %slice3A_2511 : vector<1x1x32xf32> to vector<1x32xf32>
      %concatenate3A_2513 = tpu.concatenate %squeeze3A_2510, %squeeze3A_2512 in 0 : vector<1x32xf32>, vector<1x32xf32> -> vector<2x32xf32>
      %dot_general3A_2514 = arith.constant dense<0.000000e+00> : vector<32x2xf32>
      %dot_general3A_2515 = tpu.matmul %convert_element_type3A_2356, %concatenate3A_2513, %dot_general3A_2514 {dimension_numbers = #tpu.dot_dimension_numbers<[1], [1], [0], [0], [0, 0, 1, 0], [], []>, transpose_lhs_hint = false} : vector<32x32xf32>, vector<2x32xf32>, vector<32x2xf32> -> vector<32x2xf32>
      %broadcast_in_dim3A_2516 = vector.shape_cast %dot_general3A_2515 : vector<32x2xf32> to vector<1x32x2xf32>
      %slice3A_2517 = vector.extract_strided_slice %select_n3A_2337 {offsets = [20, 0, 0], sizes = [1, 1, 32], strides = [1, 1, 1]} : vector<40x1x32xf32> to vector<1x1x32xf32>
      %squeeze3A_2518 = vector.shape_cast %slice3A_2517 : vector<1x1x32xf32> to vector<1x32xf32>
      %slice3A_2519 = vector.extract_strided_slice %select_n3A_2340 {offsets = [20, 0, 0], sizes = [1, 1, 32], strides = [1, 1, 1]} : vector<40x1x32xf32> to vector<1x1x32xf32>
      %squeeze3A_2520 = vector.shape_cast %slice3A_2519 : vector<1x1x32xf32> to vector<1x32xf32>
      %concatenate3A_2521 = tpu.concatenate %squeeze3A_2518, %squeeze3A_2520 in 0 : vector<1x32xf32>, vector<1x32xf32> -> vector<2x32xf32>
      %dot_general3A_2522 = arith.constant dense<0.000000e+00> : vector<32x2xf32>
      %dot_general3A_2523 = tpu.matmul %convert_element_type3A_2356, %concatenate3A_2521, %dot_general3A_2522 {dimension_numbers = #tpu.dot_dimension_numbers<[1], [1], [0], [0], [0, 0, 1, 0], [], []>, transpose_lhs_hint = false} : vector<32x32xf32>, vector<2x32xf32>, vector<32x2xf32> -> vector<32x2xf32>
      %broadcast_in_dim3A_2524 = vector.shape_cast %dot_general3A_2523 : vector<32x2xf32> to vector<1x32x2xf32>
      %slice3A_2525 = vector.extract_strided_slice %select_n3A_2337 {offsets = [21, 0, 0], sizes = [1, 1, 32], strides = [1, 1, 1]} : vector<40x1x32xf32> to vector<1x1x32xf32>
      %squeeze3A_2526 = vector.shape_cast %slice3A_2525 : vector<1x1x32xf32> to vector<1x32xf32>
      %slice3A_2527 = vector.extract_strided_slice %select_n3A_2340 {offsets = [21, 0, 0], sizes = [1, 1, 32], strides = [1, 1, 1]} : vector<40x1x32xf32> to vector<1x1x32xf32>
      %squeeze3A_2528 = vector.shape_cast %slice3A_2527 : vector<1x1x32xf32> to vector<1x32xf32>
      %concatenate3A_2529 = tpu.concatenate %squeeze3A_2526, %squeeze3A_2528 in 0 : vector<1x32xf32>, vector<1x32xf32> -> vector<2x32xf32>
      %dot_general3A_2530 = arith.constant dense<0.000000e+00> : vector<32x2xf32>
      %dot_general3A_2531 = tpu.matmul %convert_element_type3A_2356, %concatenate3A_2529, %dot_general3A_2530 {dimension_numbers = #tpu.dot_dimension_numbers<[1], [1], [0], [0], [0, 0, 1, 0], [], []>, transpose_lhs_hint = false} : vector<32x32xf32>, vector<2x32xf32>, vector<32x2xf32> -> vector<32x2xf32>
      %broadcast_in_dim3A_2532 = vector.shape_cast %dot_general3A_2531 : vector<32x2xf32> to vector<1x32x2xf32>
      %slice3A_2533 = vector.extract_strided_slice %select_n3A_2337 {offsets = [22, 0, 0], sizes = [1, 1, 32], strides = [1, 1, 1]} : vector<40x1x32xf32> to vector<1x1x32xf32>
      %squeeze3A_2534 = vector.shape_cast %slice3A_2533 : vector<1x1x32xf32> to vector<1x32xf32>
      %slice3A_2535 = vector.extract_strided_slice %select_n3A_2340 {offsets = [22, 0, 0], sizes = [1, 1, 32], strides = [1, 1, 1]} : vector<40x1x32xf32> to vector<1x1x32xf32>
      %squeeze3A_2536 = vector.shape_cast %slice3A_2535 : vector<1x1x32xf32> to vector<1x32xf32>
      %concatenate3A_2537 = tpu.concatenate %squeeze3A_2534, %squeeze3A_2536 in 0 : vector<1x32xf32>, vector<1x32xf32> -> vector<2x32xf32>
      %dot_general3A_2538 = arith.constant dense<0.000000e+00> : vector<32x2xf32>
      %dot_general3A_2539 = tpu.matmul %convert_element_type3A_2356, %concatenate3A_2537, %dot_general3A_2538 {dimension_numbers = #tpu.dot_dimension_numbers<[1], [1], [0], [0], [0, 0, 1, 0], [], []>, transpose_lhs_hint = false} : vector<32x32xf32>, vector<2x32xf32>, vector<32x2xf32> -> vector<32x2xf32>
      %broadcast_in_dim3A_2540 = vector.shape_cast %dot_general3A_2539 : vector<32x2xf32> to vector<1x32x2xf32>
      %slice3A_2541 = vector.extract_strided_slice %select_n3A_2337 {offsets = [23, 0, 0], sizes = [1, 1, 32], strides = [1, 1, 1]} : vector<40x1x32xf32> to vector<1x1x32xf32>
      %squeeze3A_2542 = vector.shape_cast %slice3A_2541 : vector<1x1x32xf32> to vector<1x32xf32>
      %slice3A_2543 = vector.extract_strided_slice %select_n3A_2340 {offsets = [23, 0, 0], sizes = [1, 1, 32], strides = [1, 1, 1]} : vector<40x1x32xf32> to vector<1x1x32xf32>
      %squeeze3A_2544 = vector.shape_cast %slice3A_2543 : vector<1x1x32xf32> to vector<1x32xf32>
      %concatenate3A_2545 = tpu.concatenate %squeeze3A_2542, %squeeze3A_2544 in 0 : vector<1x32xf32>, vector<1x32xf32> -> vector<2x32xf32>
      %dot_general3A_2546 = arith.constant dense<0.000000e+00> : vector<32x2xf32>
      %dot_general3A_2547 = tpu.matmul %convert_element_type3A_2356, %concatenate3A_2545, %dot_general3A_2546 {dimension_numbers = #tpu.dot_dimension_numbers<[1], [1], [0], [0], [0, 0, 1, 0], [], []>, transpose_lhs_hint = false} : vector<32x32xf32>, vector<2x32xf32>, vector<32x2xf32> -> vector<32x2xf32>
      %broadcast_in_dim3A_2548 = vector.shape_cast %dot_general3A_2547 : vector<32x2xf32> to vector<1x32x2xf32>
      %slice3A_2549 = vector.extract_strided_slice %select_n3A_2337 {offsets = [24, 0, 0], sizes = [1, 1, 32], strides = [1, 1, 1]} : vector<40x1x32xf32> to vector<1x1x32xf32>
      %squeeze3A_2550 = vector.shape_cast %slice3A_2549 : vector<1x1x32xf32> to vector<1x32xf32>
      %slice3A_2551 = vector.extract_strided_slice %select_n3A_2340 {offsets = [24, 0, 0], sizes = [1, 1, 32], strides = [1, 1, 1]} : vector<40x1x32xf32> to vector<1x1x32xf32>
      %squeeze3A_2552 = vector.shape_cast %slice3A_2551 : vector<1x1x32xf32> to vector<1x32xf32>
      %concatenate3A_2553 = tpu.concatenate %squeeze3A_2550, %squeeze3A_2552 in 0 : vector<1x32xf32>, vector<1x32xf32> -> vector<2x32xf32>
      %dot_general3A_2554 = arith.constant dense<0.000000e+00> : vector<32x2xf32>
      %dot_general3A_2555 = tpu.matmul %convert_element_type3A_2356, %concatenate3A_2553, %dot_general3A_2554 {dimension_numbers = #tpu.dot_dimension_numbers<[1], [1], [0], [0], [0, 0, 1, 0], [], []>, transpose_lhs_hint = false} : vector<32x32xf32>, vector<2x32xf32>, vector<32x2xf32> -> vector<32x2xf32>
      %broadcast_in_dim3A_2556 = vector.shape_cast %dot_general3A_2555 : vector<32x2xf32> to vector<1x32x2xf32>
      %slice3A_2557 = vector.extract_strided_slice %select_n3A_2337 {offsets = [25, 0, 0], sizes = [1, 1, 32], strides = [1, 1, 1]} : vector<40x1x32xf32> to vector<1x1x32xf32>
      %squeeze3A_2558 = vector.shape_cast %slice3A_2557 : vector<1x1x32xf32> to vector<1x32xf32>
      %slice3A_2559 = vector.extract_strided_slice %select_n3A_2340 {offsets = [25, 0, 0], sizes = [1, 1, 32], strides = [1, 1, 1]} : vector<40x1x32xf32> to vector<1x1x32xf32>
      %squeeze3A_2560 = vector.shape_cast %slice3A_2559 : vector<1x1x32xf32> to vector<1x32xf32>
      %concatenate3A_2561 = tpu.concatenate %squeeze3A_2558, %squeeze3A_2560 in 0 : vector<1x32xf32>, vector<1x32xf32> -> vector<2x32xf32>
      %dot_general3A_2562 = arith.constant dense<0.000000e+00> : vector<32x2xf32>
      %dot_general3A_2563 = tpu.matmul %convert_element_type3A_2356, %concatenate3A_2561, %dot_general3A_2562 {dimension_numbers = #tpu.dot_dimension_numbers<[1], [1], [0], [0], [0, 0, 1, 0], [], []>, transpose_lhs_hint = false} : vector<32x32xf32>, vector<2x32xf32>, vector<32x2xf32> -> vector<32x2xf32>
      %broadcast_in_dim3A_2564 = vector.shape_cast %dot_general3A_2563 : vector<32x2xf32> to vector<1x32x2xf32>
      %slice3A_2565 = vector.extract_strided_slice %select_n3A_2337 {offsets = [26, 0, 0], sizes = [1, 1, 32], strides = [1, 1, 1]} : vector<40x1x32xf32> to vector<1x1x32xf32>
      %squeeze3A_2566 = vector.shape_cast %slice3A_2565 : vector<1x1x32xf32> to vector<1x32xf32>
      %slice3A_2567 = vector.extract_strided_slice %select_n3A_2340 {offsets = [26, 0, 0], sizes = [1, 1, 32], strides = [1, 1, 1]} : vector<40x1x32xf32> to vector<1x1x32xf32>
      %squeeze3A_2568 = vector.shape_cast %slice3A_2567 : vector<1x1x32xf32> to vector<1x32xf32>
      %concatenate3A_2569 = tpu.concatenate %squeeze3A_2566, %squeeze3A_2568 in 0 : vector<1x32xf32>, vector<1x32xf32> -> vector<2x32xf32>
      %dot_general3A_2570 = arith.constant dense<0.000000e+00> : vector<32x2xf32>
      %dot_general3A_2571 = tpu.matmul %convert_element_type3A_2356, %concatenate3A_2569, %dot_general3A_2570 {dimension_numbers = #tpu.dot_dimension_numbers<[1], [1], [0], [0], [0, 0, 1, 0], [], []>, transpose_lhs_hint = false} : vector<32x32xf32>, vector<2x32xf32>, vector<32x2xf32> -> vector<32x2xf32>
      %broadcast_in_dim3A_2572 = vector.shape_cast %dot_general3A_2571 : vector<32x2xf32> to vector<1x32x2xf32>
      %slice3A_2573 = vector.extract_strided_slice %select_n3A_2337 {offsets = [27, 0, 0], sizes = [1, 1, 32], strides = [1, 1, 1]} : vector<40x1x32xf32> to vector<1x1x32xf32>
      %squeeze3A_2574 = vector.shape_cast %slice3A_2573 : vector<1x1x32xf32> to vector<1x32xf32>
      %slice3A_2575 = vector.extract_strided_slice %select_n3A_2340 {offsets = [27, 0, 0], sizes = [1, 1, 32], strides = [1, 1, 1]} : vector<40x1x32xf32> to vector<1x1x32xf32>
      %squeeze3A_2576 = vector.shape_cast %slice3A_2575 : vector<1x1x32xf32> to vector<1x32xf32>
      %concatenate3A_2577 = tpu.concatenate %squeeze3A_2574, %squeeze3A_2576 in 0 : vector<1x32xf32>, vector<1x32xf32> -> vector<2x32xf32>
      %dot_general3A_2578 = arith.constant dense<0.000000e+00> : vector<32x2xf32>
      %dot_general3A_2579 = tpu.matmul %convert_element_type3A_2356, %concatenate3A_2577, %dot_general3A_2578 {dimension_numbers = #tpu.dot_dimension_numbers<[1], [1], [0], [0], [0, 0, 1, 0], [], []>, transpose_lhs_hint = false} : vector<32x32xf32>, vector<2x32xf32>, vector<32x2xf32> -> vector<32x2xf32>
      %broadcast_in_dim3A_2580 = vector.shape_cast %dot_general3A_2579 : vector<32x2xf32> to vector<1x32x2xf32>
      %slice3A_2581 = vector.extract_strided_slice %select_n3A_2337 {offsets = [28, 0, 0], sizes = [1, 1, 32], strides = [1, 1, 1]} : vector<40x1x32xf32> to vector<1x1x32xf32>
      %squeeze3A_2582 = vector.shape_cast %slice3A_2581 : vector<1x1x32xf32> to vector<1x32xf32>
      %slice3A_2583 = vector.extract_strided_slice %select_n3A_2340 {offsets = [28, 0, 0], sizes = [1, 1, 32], strides = [1, 1, 1]} : vector<40x1x32xf32> to vector<1x1x32xf32>
      %squeeze3A_2584 = vector.shape_cast %slice3A_2583 : vector<1x1x32xf32> to vector<1x32xf32>
      %concatenate3A_2585 = tpu.concatenate %squeeze3A_2582, %squeeze3A_2584 in 0 : vector<1x32xf32>, vector<1x32xf32> -> vector<2x32xf32>
      %dot_general3A_2586 = arith.constant dense<0.000000e+00> : vector<32x2xf32>
      %dot_general3A_2587 = tpu.matmul %convert_element_type3A_2356, %concatenate3A_2585, %dot_general3A_2586 {dimension_numbers = #tpu.dot_dimension_numbers<[1], [1], [0], [0], [0, 0, 1, 0], [], []>, transpose_lhs_hint = false} : vector<32x32xf32>, vector<2x32xf32>, vector<32x2xf32> -> vector<32x2xf32>
      %broadcast_in_dim3A_2588 = vector.shape_cast %dot_general3A_2587 : vector<32x2xf32> to vector<1x32x2xf32>
      %slice3A_2589 = vector.extract_strided_slice %select_n3A_2337 {offsets = [29, 0, 0], sizes = [1, 1, 32], strides = [1, 1, 1]} : vector<40x1x32xf32> to vector<1x1x32xf32>
      %squeeze3A_2590 = vector.shape_cast %slice3A_2589 : vector<1x1x32xf32> to vector<1x32xf32>
      %slice3A_2591 = vector.extract_strided_slice %select_n3A_2340 {offsets = [29, 0, 0], sizes = [1, 1, 32], strides = [1, 1, 1]} : vector<40x1x32xf32> to vector<1x1x32xf32>
      %squeeze3A_2592 = vector.shape_cast %slice3A_2591 : vector<1x1x32xf32> to vector<1x32xf32>
      %concatenate3A_2593 = tpu.concatenate %squeeze3A_2590, %squeeze3A_2592 in 0 : vector<1x32xf32>, vector<1x32xf32> -> vector<2x32xf32>
      %dot_general3A_2594 = arith.constant dense<0.000000e+00> : vector<32x2xf32>
      %dot_general3A_2595 = tpu.matmul %convert_element_type3A_2356, %concatenate3A_2593, %dot_general3A_2594 {dimension_numbers = #tpu.dot_dimension_numbers<[1], [1], [0], [0], [0, 0, 1, 0], [], []>, transpose_lhs_hint = false} : vector<32x32xf32>, vector<2x32xf32>, vector<32x2xf32> -> vector<32x2xf32>
      %broadcast_in_dim3A_2596 = vector.shape_cast %dot_general3A_2595 : vector<32x2xf32> to vector<1x32x2xf32>
      %slice3A_2597 = vector.extract_strided_slice %select_n3A_2337 {offsets = [30, 0, 0], sizes = [1, 1, 32], strides = [1, 1, 1]} : vector<40x1x32xf32> to vector<1x1x32xf32>
      %squeeze3A_2598 = vector.shape_cast %slice3A_2597 : vector<1x1x32xf32> to vector<1x32xf32>
      %slice3A_2599 = vector.extract_strided_slice %select_n3A_2340 {offsets = [30, 0, 0], sizes = [1, 1, 32], strides = [1, 1, 1]} : vector<40x1x32xf32> to vector<1x1x32xf32>
      %squeeze3A_2600 = vector.shape_cast %slice3A_2599 : vector<1x1x32xf32> to vector<1x32xf32>
      %concatenate3A_2601 = tpu.concatenate %squeeze3A_2598, %squeeze3A_2600 in 0 : vector<1x32xf32>, vector<1x32xf32> -> vector<2x32xf32>
      %dot_general3A_2602 = arith.constant dense<0.000000e+00> : vector<32x2xf32>
      %dot_general3A_2603 = tpu.matmul %convert_element_type3A_2356, %concatenate3A_2601, %dot_general3A_2602 {dimension_numbers = #tpu.dot_dimension_numbers<[1], [1], [0], [0], [0, 0, 1, 0], [], []>, transpose_lhs_hint = false} : vector<32x32xf32>, vector<2x32xf32>, vector<32x2xf32> -> vector<32x2xf32>
      %broadcast_in_dim3A_2604 = vector.shape_cast %dot_general3A_2603 : vector<32x2xf32> to vector<1x32x2xf32>
      %slice3A_2605 = vector.extract_strided_slice %select_n3A_2337 {offsets = [31, 0, 0], sizes = [1, 1, 32], strides = [1, 1, 1]} : vector<40x1x32xf32> to vector<1x1x32xf32>
      %squeeze3A_2606 = vector.shape_cast %slice3A_2605 : vector<1x1x32xf32> to vector<1x32xf32>
      %slice3A_2607 = vector.extract_strided_slice %select_n3A_2340 {offsets = [31, 0, 0], sizes = [1, 1, 32], strides = [1, 1, 1]} : vector<40x1x32xf32> to vector<1x1x32xf32>
      %squeeze3A_2608 = vector.shape_cast %slice3A_2607 : vector<1x1x32xf32> to vector<1x32xf32>
      %concatenate3A_2609 = tpu.concatenate %squeeze3A_2606, %squeeze3A_2608 in 0 : vector<1x32xf32>, vector<1x32xf32> -> vector<2x32xf32>
      %dot_general3A_2610 = arith.constant dense<0.000000e+00> : vector<32x2xf32>
      %dot_general3A_2611 = tpu.matmul %convert_element_type3A_2356, %concatenate3A_2609, %dot_general3A_2610 {dimension_numbers = #tpu.dot_dimension_numbers<[1], [1], [0], [0], [0, 0, 1, 0], [], []>, transpose_lhs_hint = false} : vector<32x32xf32>, vector<2x32xf32>, vector<32x2xf32> -> vector<32x2xf32>
      %broadcast_in_dim3A_2612 = vector.shape_cast %dot_general3A_2611 : vector<32x2xf32> to vector<1x32x2xf32>
      %slice3A_2613 = vector.extract_strided_slice %select_n3A_2337 {offsets = [32, 0, 0], sizes = [1, 1, 32], strides = [1, 1, 1]} : vector<40x1x32xf32> to vector<1x1x32xf32>
      %squeeze3A_2614 = vector.shape_cast %slice3A_2613 : vector<1x1x32xf32> to vector<1x32xf32>
      %slice3A_2615 = vector.extract_strided_slice %select_n3A_2340 {offsets = [32, 0, 0], sizes = [1, 1, 32], strides = [1, 1, 1]} : vector<40x1x32xf32> to vector<1x1x32xf32>
      %squeeze3A_2616 = vector.shape_cast %slice3A_2615 : vector<1x1x32xf32> to vector<1x32xf32>
      %concatenate3A_2617 = tpu.concatenate %squeeze3A_2614, %squeeze3A_2616 in 0 : vector<1x32xf32>, vector<1x32xf32> -> vector<2x32xf32>
      %dot_general3A_2618 = arith.constant dense<0.000000e+00> : vector<32x2xf32>
      %dot_general3A_2619 = tpu.matmul %convert_element_type3A_2356, %concatenate3A_2617, %dot_general3A_2618 {dimension_numbers = #tpu.dot_dimension_numbers<[1], [1], [0], [0], [0, 0, 1, 0], [], []>, transpose_lhs_hint = false} : vector<32x32xf32>, vector<2x32xf32>, vector<32x2xf32> -> vector<32x2xf32>
      %broadcast_in_dim3A_2620 = vector.shape_cast %dot_general3A_2619 : vector<32x2xf32> to vector<1x32x2xf32>
      %slice3A_2621 = vector.extract_strided_slice %select_n3A_2337 {offsets = [33, 0, 0], sizes = [1, 1, 32], strides = [1, 1, 1]} : vector<40x1x32xf32> to vector<1x1x32xf32>
      %squeeze3A_2622 = vector.shape_cast %slice3A_2621 : vector<1x1x32xf32> to vector<1x32xf32>
      %slice3A_2623 = vector.extract_strided_slice %select_n3A_2340 {offsets = [33, 0, 0], sizes = [1, 1, 32], strides = [1, 1, 1]} : vector<40x1x32xf32> to vector<1x1x32xf32>
      %squeeze3A_2624 = vector.shape_cast %slice3A_2623 : vector<1x1x32xf32> to vector<1x32xf32>
      %concatenate3A_2625 = tpu.concatenate %squeeze3A_2622, %squeeze3A_2624 in 0 : vector<1x32xf32>, vector<1x32xf32> -> vector<2x32xf32>
      %dot_general3A_2626 = arith.constant dense<0.000000e+00> : vector<32x2xf32>
      %dot_general3A_2627 = tpu.matmul %convert_element_type3A_2356, %concatenate3A_2625, %dot_general3A_2626 {dimension_numbers = #tpu.dot_dimension_numbers<[1], [1], [0], [0], [0, 0, 1, 0], [], []>, transpose_lhs_hint = false} : vector<32x32xf32>, vector<2x32xf32>, vector<32x2xf32> -> vector<32x2xf32>
      %broadcast_in_dim3A_2628 = vector.shape_cast %dot_general3A_2627 : vector<32x2xf32> to vector<1x32x2xf32>
      %slice3A_2629 = vector.extract_strided_slice %select_n3A_2337 {offsets = [34, 0, 0], sizes = [1, 1, 32], strides = [1, 1, 1]} : vector<40x1x32xf32> to vector<1x1x32xf32>
      %squeeze3A_2630 = vector.shape_cast %slice3A_2629 : vector<1x1x32xf32> to vector<1x32xf32>
      %slice3A_2631 = vector.extract_strided_slice %select_n3A_2340 {offsets = [34, 0, 0], sizes = [1, 1, 32], strides = [1, 1, 1]} : vector<40x1x32xf32> to vector<1x1x32xf32>
      %squeeze3A_2632 = vector.shape_cast %slice3A_2631 : vector<1x1x32xf32> to vector<1x32xf32>
      %concatenate3A_2633 = tpu.concatenate %squeeze3A_2630, %squeeze3A_2632 in 0 : vector<1x32xf32>, vector<1x32xf32> -> vector<2x32xf32>
      %dot_general3A_2634 = arith.constant dense<0.000000e+00> : vector<32x2xf32>
      %dot_general3A_2635 = tpu.matmul %convert_element_type3A_2356, %concatenate3A_2633, %dot_general3A_2634 {dimension_numbers = #tpu.dot_dimension_numbers<[1], [1], [0], [0], [0, 0, 1, 0], [], []>, transpose_lhs_hint = false} : vector<32x32xf32>, vector<2x32xf32>, vector<32x2xf32> -> vector<32x2xf32>
      %broadcast_in_dim3A_2636 = vector.shape_cast %dot_general3A_2635 : vector<32x2xf32> to vector<1x32x2xf32>
      %slice3A_2637 = vector.extract_strided_slice %select_n3A_2337 {offsets = [35, 0, 0], sizes = [1, 1, 32], strides = [1, 1, 1]} : vector<40x1x32xf32> to vector<1x1x32xf32>
      %squeeze3A_2638 = vector.shape_cast %slice3A_2637 : vector<1x1x32xf32> to vector<1x32xf32>
      %slice3A_2639 = vector.extract_strided_slice %select_n3A_2340 {offsets = [35, 0, 0], sizes = [1, 1, 32], strides = [1, 1, 1]} : vector<40x1x32xf32> to vector<1x1x32xf32>
      %squeeze3A_2640 = vector.shape_cast %slice3A_2639 : vector<1x1x32xf32> to vector<1x32xf32>
      %concatenate3A_2641 = tpu.concatenate %squeeze3A_2638, %squeeze3A_2640 in 0 : vector<1x32xf32>, vector<1x32xf32> -> vector<2x32xf32>
      %dot_general3A_2642 = arith.constant dense<0.000000e+00> : vector<32x2xf32>
      %dot_general3A_2643 = tpu.matmul %convert_element_type3A_2356, %concatenate3A_2641, %dot_general3A_2642 {dimension_numbers = #tpu.dot_dimension_numbers<[1], [1], [0], [0], [0, 0, 1, 0], [], []>, transpose_lhs_hint = false} : vector<32x32xf32>, vector<2x32xf32>, vector<32x2xf32> -> vector<32x2xf32>
      %broadcast_in_dim3A_2644 = vector.shape_cast %dot_general3A_2643 : vector<32x2xf32> to vector<1x32x2xf32>
      %slice3A_2645 = vector.extract_strided_slice %select_n3A_2337 {offsets = [36, 0, 0], sizes = [1, 1, 32], strides = [1, 1, 1]} : vector<40x1x32xf32> to vector<1x1x32xf32>
      %squeeze3A_2646 = vector.shape_cast %slice3A_2645 : vector<1x1x32xf32> to vector<1x32xf32>
      %slice3A_2647 = vector.extract_strided_slice %select_n3A_2340 {offsets = [36, 0, 0], sizes = [1, 1, 32], strides = [1, 1, 1]} : vector<40x1x32xf32> to vector<1x1x32xf32>
      %squeeze3A_2648 = vector.shape_cast %slice3A_2647 : vector<1x1x32xf32> to vector<1x32xf32>
      %concatenate3A_2649 = tpu.concatenate %squeeze3A_2646, %squeeze3A_2648 in 0 : vector<1x32xf32>, vector<1x32xf32> -> vector<2x32xf32>
      %dot_general3A_2650 = arith.constant dense<0.000000e+00> : vector<32x2xf32>
      %dot_general3A_2651 = tpu.matmul %convert_element_type3A_2356, %concatenate3A_2649, %dot_general3A_2650 {dimension_numbers = #tpu.dot_dimension_numbers<[1], [1], [0], [0], [0, 0, 1, 0], [], []>, transpose_lhs_hint = false} : vector<32x32xf32>, vector<2x32xf32>, vector<32x2xf32> -> vector<32x2xf32>
      %broadcast_in_dim3A_2652 = vector.shape_cast %dot_general3A_2651 : vector<32x2xf32> to vector<1x32x2xf32>
      %slice3A_2653 = vector.extract_strided_slice %select_n3A_2337 {offsets = [37, 0, 0], sizes = [1, 1, 32], strides = [1, 1, 1]} : vector<40x1x32xf32> to vector<1x1x32xf32>
      %squeeze3A_2654 = vector.shape_cast %slice3A_2653 : vector<1x1x32xf32> to vector<1x32xf32>
      %slice3A_2655 = vector.extract_strided_slice %select_n3A_2340 {offsets = [37, 0, 0], sizes = [1, 1, 32], strides = [1, 1, 1]} : vector<40x1x32xf32> to vector<1x1x32xf32>
      %squeeze3A_2656 = vector.shape_cast %slice3A_2655 : vector<1x1x32xf32> to vector<1x32xf32>
      %concatenate3A_2657 = tpu.concatenate %squeeze3A_2654, %squeeze3A_2656 in 0 : vector<1x32xf32>, vector<1x32xf32> -> vector<2x32xf32>
      %dot_general3A_2658 = arith.constant dense<0.000000e+00> : vector<32x2xf32>
      %dot_general3A_2659 = tpu.matmul %convert_element_type3A_2356, %concatenate3A_2657, %dot_general3A_2658 {dimension_numbers = #tpu.dot_dimension_numbers<[1], [1], [0], [0], [0, 0, 1, 0], [], []>, transpose_lhs_hint = false} : vector<32x32xf32>, vector<2x32xf32>, vector<32x2xf32> -> vector<32x2xf32>
      %broadcast_in_dim3A_2660 = vector.shape_cast %dot_general3A_2659 : vector<32x2xf32> to vector<1x32x2xf32>
      %slice3A_2661 = vector.extract_strided_slice %select_n3A_2337 {offsets = [38, 0, 0], sizes = [1, 1, 32], strides = [1, 1, 1]} : vector<40x1x32xf32> to vector<1x1x32xf32>
      %squeeze3A_2662 = vector.shape_cast %slice3A_2661 : vector<1x1x32xf32> to vector<1x32xf32>
      %slice3A_2663 = vector.extract_strided_slice %select_n3A_2340 {offsets = [38, 0, 0], sizes = [1, 1, 32], strides = [1, 1, 1]} : vector<40x1x32xf32> to vector<1x1x32xf32>
      %squeeze3A_2664 = vector.shape_cast %slice3A_2663 : vector<1x1x32xf32> to vector<1x32xf32>
      %concatenate3A_2665 = tpu.concatenate %squeeze3A_2662, %squeeze3A_2664 in 0 : vector<1x32xf32>, vector<1x32xf32> -> vector<2x32xf32>
      %dot_general3A_2666 = arith.constant dense<0.000000e+00> : vector<32x2xf32>
      %dot_general3A_2667 = tpu.matmul %convert_element_type3A_2356, %concatenate3A_2665, %dot_general3A_2666 {dimension_numbers = #tpu.dot_dimension_numbers<[1], [1], [0], [0], [0, 0, 1, 0], [], []>, transpose_lhs_hint = false} : vector<32x32xf32>, vector<2x32xf32>, vector<32x2xf32> -> vector<32x2xf32>
      %broadcast_in_dim3A_2668 = vector.shape_cast %dot_general3A_2667 : vector<32x2xf32> to vector<1x32x2xf32>
      %slice3A_2669 = vector.extract_strided_slice %select_n3A_2337 {offsets = [39, 0, 0], sizes = [1, 1, 32], strides = [1, 1, 1]} : vector<40x1x32xf32> to vector<1x1x32xf32>
      %squeeze3A_2670 = vector.shape_cast %slice3A_2669 : vector<1x1x32xf32> to vector<1x32xf32>
      %slice3A_2671 = vector.extract_strided_slice %select_n3A_2340 {offsets = [39, 0, 0], sizes = [1, 1, 32], strides = [1, 1, 1]} : vector<40x1x32xf32> to vector<1x1x32xf32>
      %squeeze3A_2672 = vector.shape_cast %slice3A_2671 : vector<1x1x32xf32> to vector<1x32xf32>
      %concatenate3A_2673 = tpu.concatenate %squeeze3A_2670, %squeeze3A_2672 in 0 : vector<1x32xf32>, vector<1x32xf32> -> vector<2x32xf32>
      %dot_general3A_2674 = arith.constant dense<0.000000e+00> : vector<32x2xf32>
      %dot_general3A_2675 = tpu.matmul %convert_element_type3A_2356, %concatenate3A_2673, %dot_general3A_2674 {dimension_numbers = #tpu.dot_dimension_numbers<[1], [1], [0], [0], [0, 0, 1, 0], [], []>, transpose_lhs_hint = false} : vector<32x32xf32>, vector<2x32xf32>, vector<32x2xf32> -> vector<32x2xf32>
      %broadcast_in_dim3A_2676 = vector.shape_cast %dot_general3A_2675 : vector<32x2xf32> to vector<1x32x2xf32>
      %concatenate3A_2677 = tpu.concatenate %broadcast_in_dim3A_2364, %broadcast_in_dim3A_2372, %broadcast_in_dim3A_2380, %broadcast_in_dim3A_2388, %broadcast_in_dim3A_2396, %broadcast_in_dim3A_2404, %broadcast_in_dim3A_2412, %broadcast_in_dim3A_2420, %broadcast_in_dim3A_2428, %broadcast_in_dim3A_2436, %broadcast_in_dim3A_2444, %broadcast_in_dim3A_2452, %broadcast_in_dim3A_2460, %broadcast_in_dim3A_2468, %broadcast_in_dim3A_2476, %broadcast_in_dim3A_2484, %broadcast_in_dim3A_2492, %broadcast_in_dim3A_2500, %broadcast_in_dim3A_2508, %broadcast_in_dim3A_2516, %broadcast_in_dim3A_2524, %broadcast_in_dim3A_2532, %broadcast_in_dim3A_2540, %broadcast_in_dim3A_2548, %broadcast_in_dim3A_2556, %broadcast_in_dim3A_2564, %broadcast_in_dim3A_2572, %broadcast_in_dim3A_2580, %broadcast_in_dim3A_2588, %broadcast_in_dim3A_2596, %broadcast_in_dim3A_2604, %broadcast_in_dim3A_2612, %broadcast_in_dim3A_2620, %broadcast_in_dim3A_2628, %broadcast_in_dim3A_2636, %broadcast_in_dim3A_2644, %broadcast_in_dim3A_2652, %broadcast_in_dim3A_2660, %broadcast_in_dim3A_2668, %broadcast_in_dim3A_2676 in 0 : vector<1x32x2xf32>, vector<1x32x2xf32>, vector<1x32x2xf32>, vector<1x32x2xf32>, vector<1x32x2xf32>, vector<1x32x2xf32>, vector<1x32x2xf32>, vector<1x32x2xf32>, vector<1x32x2xf32>, vector<1x32x2xf32>, vector<1x32x2xf32>, vector<1x32x2xf32>, vector<1x32x2xf32>, vector<1x32x2xf32>, vector<1x32x2xf32>, vector<1x32x2xf32>, vector<1x32x2xf32>, vector<1x32x2xf32>, vector<1x32x2xf32>, vector<1x32x2xf32>, vector<1x32x2xf32>, vector<1x32x2xf32>, vector<1x32x2xf32>, vector<1x32x2xf32>, vector<1x32x2xf32>, vector<1x32x2xf32>, vector<1x32x2xf32>, vector<1x32x2xf32>, vector<1x32x2xf32>, vector<1x32x2xf32>, vector<1x32x2xf32>, vector<1x32x2xf32>, vector<1x32x2xf32>, vector<1x32x2xf32>, vector<1x32x2xf32>, vector<1x32x2xf32>, vector<1x32x2xf32>, vector<1x32x2xf32>, vector<1x32x2xf32>, vector<1x32x2xf32> -> vector<40x32x2xf32>
      %slice3A_2678 = vector.extract_strided_slice %concatenate3A_2677 {offsets = [0, 0, 0], sizes = [40, 32, 1], strides = [1, 1, 1]} : vector<40x32x2xf32> to vector<40x32x1xf32>
      %slice3A_2679 = vector.extract_strided_slice %concatenate3A_2677 {offsets = [0, 0, 1], sizes = [40, 32, 1], strides = [1, 1, 1]} : vector<40x32x2xf32> to vector<40x32x1xf32>
      %slice3A_2680 = vector.extract_strided_slice %scan3A_2282 {offsets = [0, 0, 0], sizes = [40, 32, 64], strides = [1, 1, 1]} : vector<40x64x64xf32> to vector<40x32x64xf32>
      %slice3A_2681 = vector.extract_strided_slice %scan3A_2282 {offsets = [0, 32, 0], sizes = [40, 32, 64], strides = [1, 1, 1]} : vector<40x64x64xf32> to vector<40x32x64xf32>
      %mul3A_2682 = vector.broadcast %slice3A_2678 : vector<40x32x1xf32> to vector<40x32x64xf32>
      %mul3A_2683 = arith.mulf %mul3A_2682, %slice3A_2680 : vector<40x32x64xf32>
      %mul3A_2684 = vector.broadcast %slice3A_2679 : vector<40x32x1xf32> to vector<40x32x64xf32>
      %mul3A_2685 = arith.mulf %mul3A_2684, %slice3A_2681 : vector<40x32x64xf32>
      %sub3A_2686 = arith.subf %mul3A_2683, %mul3A_2685 : vector<40x32x64xf32>
      %mul3A_2687 = vector.broadcast %slice3A_2679 : vector<40x32x1xf32> to vector<40x32x64xf32>
      %mul3A_2688 = arith.mulf %mul3A_2687, %slice3A_2680 : vector<40x32x64xf32>
      %mul3A_2689 = vector.broadcast %slice3A_2678 : vector<40x32x1xf32> to vector<40x32x64xf32>
      %mul3A_2690 = arith.mulf %mul3A_2689, %slice3A_2681 : vector<40x32x64xf32>
      %add3A_2691 = arith.addf %mul3A_2688, %mul3A_2690 : vector<40x32x64xf32>
      %slice3A_2692 = vector.extract_strided_slice %sub3A_2686 {offsets = [0, 0, 0], sizes = [40, 1, 64], strides = [1, 1, 1]} : vector<40x32x64xf32> to vector<40x1x64xf32>
      %slice3A_2693 = vector.extract_strided_slice %add3A_2691 {offsets = [0, 0, 0], sizes = [40, 1, 64], strides = [1, 1, 1]} : vector<40x32x64xf32> to vector<40x1x64xf32>
      %slice3A_2694 = vector.extract_strided_slice %sub3A_2686 {offsets = [0, 1, 0], sizes = [40, 30, 64], strides = [1, 1, 1]} : vector<40x32x64xf32> to vector<40x30x64xf32>
      %slice3A_2695 = vector.extract_strided_slice %add3A_2691 {offsets = [0, 1, 0], sizes = [40, 31, 64], strides = [1, 1, 1]} : vector<40x32x64xf32> to vector<40x31x64xf32>
      %slice3A_2696 = vector.extract_strided_slice %sub3A_2686 {offsets = [0, 31, 0], sizes = [40, 1, 64], strides = [1, 1, 1]} : vector<40x32x64xf32> to vector<40x1x64xf32>
      %concatenate3A_2697 = tpu.concatenate %slice3A_2692, %slice3A_2693, %slice3A_2694, %slice3A_2695, %slice3A_2696 in 1 : vector<40x1x64xf32>, vector<40x1x64xf32>, vector<40x30x64xf32>, vector<40x31x64xf32>, vector<40x1x64xf32> -> vector<40x64x64xf32>
      %slice3A_2698 = vector.extract_strided_slice %concatenate3A_2697 {offsets = [0, 0, 0], sizes = [40, 64, 32], strides = [1, 1, 1]} : vector<40x64x64xf32> to vector<40x64x32xf32>
      %slice3A_2699 = vector.extract_strided_slice %concatenate3A_2697 {offsets = [0, 0, 32], sizes = [40, 64, 32], strides = [1, 1, 1]} : vector<40x64x64xf32> to vector<40x64x32xf32>
      %mul3A_2700 = vector.broadcast %select_n3A_2337 : vector<40x1x32xf32> to vector<40x64x32xf32>
      %mul3A_2701 = arith.mulf %mul3A_2700, %slice3A_2698 : vector<40x64x32xf32>
      %mul3A_2702 = vector.broadcast %select_n3A_2340 : vector<40x1x32xf32> to vector<40x64x32xf32>
      %mul3A_2703 = arith.mulf %mul3A_2702, %slice3A_2699 : vector<40x64x32xf32>
      %sub3A_2704 = arith.subf %mul3A_2701, %mul3A_2703 : vector<40x64x32xf32>
      %mul3A_2705 = vector.broadcast %select_n3A_2340 : vector<40x1x32xf32> to vector<40x64x32xf32>
      %mul3A_2706 = arith.mulf %mul3A_2705, %slice3A_2698 : vector<40x64x32xf32>
      %mul3A_2707 = vector.broadcast %select_n3A_2337 : vector<40x1x32xf32> to vector<40x64x32xf32>
      %mul3A_2708 = arith.mulf %mul3A_2707, %slice3A_2699 : vector<40x64x32xf32>
      %add3A_2709 = arith.addf %mul3A_2706, %mul3A_2708 : vector<40x64x32xf32>
      %slice3A_2710 = vector.extract_strided_slice %sub3A_2704 {offsets = [0, 0, 0], sizes = [40, 64, 1], strides = [1, 1, 1]} : vector<40x64x32xf32> to vector<40x64x1xf32>
      %slice3A_2711 = vector.extract_strided_slice %add3A_2709 {offsets = [0, 0, 0], sizes = [40, 64, 1], strides = [1, 1, 1]} : vector<40x64x32xf32> to vector<40x64x1xf32>
      %slice3A_2712 = vector.extract_strided_slice %sub3A_2704 {offsets = [0, 0, 1], sizes = [40, 64, 30], strides = [1, 1, 1]} : vector<40x64x32xf32> to vector<40x64x30xf32>
      %slice3A_2713 = vector.extract_strided_slice %add3A_2709 {offsets = [0, 0, 1], sizes = [40, 64, 31], strides = [1, 1, 1]} : vector<40x64x32xf32> to vector<40x64x31xf32>
      %slice3A_2714 = vector.extract_strided_slice %sub3A_2704 {offsets = [0, 0, 31], sizes = [40, 64, 1], strides = [1, 1, 1]} : vector<40x64x32xf32> to vector<40x64x1xf32>
      %concatenate3A_2715 = tpu.concatenate %slice3A_2710, %slice3A_2711, %slice3A_2712, %slice3A_2713, %slice3A_2714 in 2 : vector<40x64x1xf32>, vector<40x64x1xf32>, vector<40x64x30xf32>, vector<40x64x31xf32>, vector<40x64x1xf32> -> vector<40x64x64xf32>
      %slice3A_2716 = vector.extract_strided_slice %scan3A_2283 {offsets = [0, 0, 0], sizes = [40, 32, 64], strides = [1, 1, 1]} : vector<40x64x64xf32> to vector<40x32x64xf32>
      %slice3A_2717 = vector.extract_strided_slice %scan3A_2283 {offsets = [0, 32, 0], sizes = [40, 32, 64], strides = [1, 1, 1]} : vector<40x64x64xf32> to vector<40x32x64xf32>
      %mul3A_2718 = vector.broadcast %slice3A_2678 : vector<40x32x1xf32> to vector<40x32x64xf32>
      %mul3A_2719 = arith.mulf %mul3A_2718, %slice3A_2716 : vector<40x32x64xf32>
      %mul3A_2720 = vector.broadcast %slice3A_2679 : vector<40x32x1xf32> to vector<40x32x64xf32>
      %mul3A_2721 = arith.mulf %mul3A_2720, %slice3A_2717 : vector<40x32x64xf32>
      %sub3A_2722 = arith.subf %mul3A_2719, %mul3A_2721 : vector<40x32x64xf32>
      %mul3A_2723 = vector.broadcast %slice3A_2679 : vector<40x32x1xf32> to vector<40x32x64xf32>
      %mul3A_2724 = arith.mulf %mul3A_2723, %slice3A_2716 : vector<40x32x64xf32>
      %mul3A_2725 = vector.broadcast %slice3A_2678 : vector<40x32x1xf32> to vector<40x32x64xf32>
      %mul3A_2726 = arith.mulf %mul3A_2725, %slice3A_2717 : vector<40x32x64xf32>
      %add3A_2727 = arith.addf %mul3A_2724, %mul3A_2726 : vector<40x32x64xf32>
      %slice3A_2728 = vector.extract_strided_slice %sub3A_2722 {offsets = [0, 0, 0], sizes = [40, 1, 64], strides = [1, 1, 1]} : vector<40x32x64xf32> to vector<40x1x64xf32>
      %slice3A_2729 = vector.extract_strided_slice %add3A_2727 {offsets = [0, 0, 0], sizes = [40, 1, 64], strides = [1, 1, 1]} : vector<40x32x64xf32> to vector<40x1x64xf32>
      %slice3A_2730 = vector.extract_strided_slice %sub3A_2722 {offsets = [0, 1, 0], sizes = [40, 30, 64], strides = [1, 1, 1]} : vector<40x32x64xf32> to vector<40x30x64xf32>
      %slice3A_2731 = vector.extract_strided_slice %add3A_2727 {offsets = [0, 1, 0], sizes = [40, 31, 64], strides = [1, 1, 1]} : vector<40x32x64xf32> to vector<40x31x64xf32>
      %slice3A_2732 = vector.extract_strided_slice %sub3A_2722 {offsets = [0, 31, 0], sizes = [40, 1, 64], strides = [1, 1, 1]} : vector<40x32x64xf32> to vector<40x1x64xf32>
      %concatenate3A_2733 = tpu.concatenate %slice3A_2728, %slice3A_2729, %slice3A_2730, %slice3A_2731, %slice3A_2732 in 1 : vector<40x1x64xf32>, vector<40x1x64xf32>, vector<40x30x64xf32>, vector<40x31x64xf32>, vector<40x1x64xf32> -> vector<40x64x64xf32>
      scf.yield %concatenate3A_2715, %concatenate3A_2733, %concatenate3A_2351 : vector<40x64x64xf32>, vector<40x64x64xf32>, vector<40x1x64xf32>
    }
    %broadcast_in_dim3A_1378 = arith.constant 0.000000e+00 : f32
    %broadcast_in_dim3A_1379 = vector.broadcast %broadcast_in_dim3A_1378 : f32 to vector<40x64x64xf32>
    %broadcast_in_dim3A_1380 = vector.shape_cast %eq3A : vector<1x64x64xi1> to vector<1x64x64xi1>
    %broadcast_in_dim3A_1381 = vector.broadcast %broadcast_in_dim3A_1380 : vector<1x64x64xi1> to vector<40x64x64xi1>
    %select_n3A_1382 = arith.select %broadcast_in_dim3A_1381, %scan3A_1377#0, %broadcast_in_dim3A_1379 : vector<40x64x64xi1>, vector<40x64x64xf32>
    %reduce_sum3A_1383 = arith.constant dense<0.000000e+00> : vector<40x64xf32>
    %reduce_sum3A_1384 = vector.multi_reduction <add>, %select_n3A_1382, %reduce_sum3A_1383 [1] : vector<40x64x64xf32> to vector<40x64xf32>
    %broadcast_in_dim3A_1385 = vector.shape_cast %reduce_sum3A_1384 : vector<40x64xf32> to vector<40x1x64xf32>
    %reduce_sum3A_1386 = arith.constant dense<0.000000e+00> : vector<40x64xf32>
    %reduce_sum3A_1387 = vector.multi_reduction <add>, %select_n3A_1382, %reduce_sum3A_1386 [2] : vector<40x64x64xf32> to vector<40x64xf32>
    %broadcast_in_dim3A_1388 = vector.shape_cast %reduce_sum3A_1387 : vector<40x64xf32> to vector<40x64x1xf32>
    %iota3A_1389 = tpu.iota {dimensions = array<i32: 2>} : vector<40x64x64xi32>
    %iota3A_1390 = tpu.iota {dimensions = array<i32: 1>} : vector<40x64x64xi32>
    %lt3A = vector.broadcast %broadcast_in_dim3A_1385 : vector<40x1x64xf32> to vector<40x64x64xf32>
    %lt3A_1391 = vector.broadcast %broadcast_in_dim3A_1388 : vector<40x64x1xf32> to vector<40x64x64xf32>
    %lt3A_1392 = arith.cmpf olt, %lt3A, %lt3A_1391 : vector<40x64x64xf32>
    %jit3A_1393 = arith.constant 1.000000e+00 : f32
    %jit3A_1394 = arith.constant 0.000000e+00 : f32
    %broadcast_in_dim3A_1395 = vector.broadcast %jit3A_1393 : f32 to vector<40x64x64xf32>
    %broadcast_in_dim3A_1396 = vector.broadcast %jit3A_1394 : f32 to vector<40x64x64xf32>
    %select_n3A_1397 = arith.select %lt3A_1392, %broadcast_in_dim3A_1395, %broadcast_in_dim3A_1396 : vector<40x64x64xi1>, vector<40x64x64xf32>
    %eq3A_1398 = vector.broadcast %broadcast_in_dim3A_1385 : vector<40x1x64xf32> to vector<40x64x64xf32>
    %eq3A_1399 = vector.broadcast %broadcast_in_dim3A_1388 : vector<40x64x1xf32> to vector<40x64x64xf32>
    %eq3A_1400 = arith.cmpf oeq, %eq3A_1398, %eq3A_1399 : vector<40x64x64xf32>
    %lt3A_1401 = arith.cmpi slt, %iota3A_1389, %iota3A_1390 : vector<40x64x64xi32>
    %and3A = arith.andi %eq3A_1400, %lt3A_1401 : vector<40x64x64xi1>
    %jit3A_1402 = arith.constant 1.000000e+00 : f32
    %jit3A_1403 = arith.constant 0.000000e+00 : f32
    %broadcast_in_dim3A_1404 = vector.broadcast %jit3A_1402 : f32 to vector<40x64x64xf32>
    %broadcast_in_dim3A_1405 = vector.broadcast %jit3A_1403 : f32 to vector<40x64x64xf32>
    %select_n3A_1406 = arith.select %and3A, %broadcast_in_dim3A_1404, %broadcast_in_dim3A_1405 : vector<40x64x64xi1>, vector<40x64x64xf32>
    %add3A_1407 = arith.addf %select_n3A_1397, %select_n3A_1406 : vector<40x64x64xf32>
    %reduce_sum3A_1408 = arith.constant dense<0.000000e+00> : vector<40x64xf32>
    %reduce_sum3A_1409 = vector.multi_reduction <add>, %add3A_1407, %reduce_sum3A_1408 [2] : vector<40x64x64xf32> to vector<40x64xf32>
    %broadcast_in_dim3A_1410 = vector.shape_cast %reduce_sum3A_1409 : vector<40x64xf32> to vector<40x64x1xf32>
    %convert_element_type3A = arith.sitofp %iota3A_1389 : vector<40x64x64xi32> to vector<40x64x64xf32>
    %eq3A_1411 = vector.broadcast %broadcast_in_dim3A_1410 : vector<40x64x1xf32> to vector<40x64x64xf32>
    %eq3A_1412 = arith.cmpf oeq, %eq3A_1411, %convert_element_type3A : vector<40x64x64xf32>
    %jit3A_1413 = arith.constant 1.000000e+00 : f32
    %jit3A_1414 = arith.constant 0.000000e+00 : f32
    %broadcast_in_dim3A_1415 = vector.broadcast %jit3A_1413 : f32 to vector<40x64x64xf32>
    %broadcast_in_dim3A_1416 = vector.broadcast %jit3A_1414 : f32 to vector<40x64x64xf32>
    %select_n3A_1417 = arith.select %eq3A_1412, %broadcast_in_dim3A_1415, %broadcast_in_dim3A_1416 : vector<40x64x64xi1>, vector<40x64x64xf32>
    %slice3A_1418 = vector.extract_strided_slice %get3A_18 {offsets = [0, 0, 0], sizes = [1, 64, 64], strides = [1, 1, 1]} : vector<40x64x64xf32> to vector<1x64x64xf32>
    %squeeze3A_1419 = vector.shape_cast %slice3A_1418 : vector<1x64x64xf32> to vector<64x64xf32>
    %slice3A_1420 = vector.extract_strided_slice %scan3A_1377#1 {offsets = [0, 0, 0], sizes = [1, 64, 64], strides = [1, 1, 1]} : vector<40x64x64xf32> to vector<1x64x64xf32>
    %squeeze3A_1421 = vector.shape_cast %slice3A_1420 : vector<1x64x64xf32> to vector<64x64xf32>
    %dot_general3A_1422 = arith.constant dense<0.000000e+00> : vector<64x64xf32>
    %dot_general3A_1423 = tpu.matmul %squeeze3A_1419, %squeeze3A_1421, %dot_general3A_1422 {dimension_numbers = #tpu.dot_dimension_numbers<[1], [1], [0], [0], [0, 0, 1, 0], [], []>, transpose_lhs_hint = false} : vector<64x64xf32>, vector<64x64xf32>, vector<64x64xf32> -> vector<64x64xf32>
    %slice3A_1424 = vector.extract_strided_slice %select_n3A_1417 {offsets = [0, 0, 0], sizes = [1, 64, 64], strides = [1, 1, 1]} : vector<40x64x64xf32> to vector<1x64x64xf32>
    %squeeze3A_1425 = vector.shape_cast %slice3A_1424 : vector<1x64x64xf32> to vector<64x64xf32>
    %dot_general3A_1426 = arith.constant dense<0.000000e+00> : vector<64x64xf32>
    %dot_general3A_1427 = tpu.matmul %dot_general3A_1423, %squeeze3A_1425, %dot_general3A_1426 {dimension_numbers = #tpu.dot_dimension_numbers<[1], [0], [0], [1], [0, 0, 1, 1], [], []>, transpose_lhs_hint = false} : vector<64x64xf32>, vector<64x64xf32>, vector<64x64xf32> -> vector<64x64xf32>
    %broadcast_in_dim3A_1428 = vector.shape_cast %dot_general3A_1427 : vector<64x64xf32> to vector<1x64x64xf32>
    %slice3A_1429 = vector.extract_strided_slice %get3A_18 {offsets = [1, 0, 0], sizes = [1, 64, 64], strides = [1, 1, 1]} : vector<40x64x64xf32> to vector<1x64x64xf32>
    %squeeze3A_1430 = vector.shape_cast %slice3A_1429 : vector<1x64x64xf32> to vector<64x64xf32>
    %slice3A_1431 = vector.extract_strided_slice %scan3A_1377#1 {offsets = [1, 0, 0], sizes = [1, 64, 64], strides = [1, 1, 1]} : vector<40x64x64xf32> to vector<1x64x64xf32>
    %squeeze3A_1432 = vector.shape_cast %slice3A_1431 : vector<1x64x64xf32> to vector<64x64xf32>
    %dot_general3A_1433 = arith.constant dense<0.000000e+00> : vector<64x64xf32>
    %dot_general3A_1434 = tpu.matmul %squeeze3A_1430, %squeeze3A_1432, %dot_general3A_1433 {dimension_numbers = #tpu.dot_dimension_numbers<[1], [1], [0], [0], [0, 0, 1, 0], [], []>, transpose_lhs_hint = false} : vector<64x64xf32>, vector<64x64xf32>, vector<64x64xf32> -> vector<64x64xf32>
    %slice3A_1435 = vector.extract_strided_slice %select_n3A_1417 {offsets = [1, 0, 0], sizes = [1, 64, 64], strides = [1, 1, 1]} : vector<40x64x64xf32> to vector<1x64x64xf32>
    %squeeze3A_1436 = vector.shape_cast %slice3A_1435 : vector<1x64x64xf32> to vector<64x64xf32>
    %dot_general3A_1437 = arith.constant dense<0.000000e+00> : vector<64x64xf32>
    %dot_general3A_1438 = tpu.matmul %dot_general3A_1434, %squeeze3A_1436, %dot_general3A_1437 {dimension_numbers = #tpu.dot_dimension_numbers<[1], [0], [0], [1], [0, 0, 1, 1], [], []>, transpose_lhs_hint = false} : vector<64x64xf32>, vector<64x64xf32>, vector<64x64xf32> -> vector<64x64xf32>
    %broadcast_in_dim3A_1439 = vector.shape_cast %dot_general3A_1438 : vector<64x64xf32> to vector<1x64x64xf32>
    %slice3A_1440 = vector.extract_strided_slice %get3A_18 {offsets = [2, 0, 0], sizes = [1, 64, 64], strides = [1, 1, 1]} : vector<40x64x64xf32> to vector<1x64x64xf32>
    %squeeze3A_1441 = vector.shape_cast %slice3A_1440 : vector<1x64x64xf32> to vector<64x64xf32>
    %slice3A_1442 = vector.extract_strided_slice %scan3A_1377#1 {offsets = [2, 0, 0], sizes = [1, 64, 64], strides = [1, 1, 1]} : vector<40x64x64xf32> to vector<1x64x64xf32>
    %squeeze3A_1443 = vector.shape_cast %slice3A_1442 : vector<1x64x64xf32> to vector<64x64xf32>
    %dot_general3A_1444 = arith.constant dense<0.000000e+00> : vector<64x64xf32>
    %dot_general3A_1445 = tpu.matmul %squeeze3A_1441, %squeeze3A_1443, %dot_general3A_1444 {dimension_numbers = #tpu.dot_dimension_numbers<[1], [1], [0], [0], [0, 0, 1, 0], [], []>, transpose_lhs_hint = false} : vector<64x64xf32>, vector<64x64xf32>, vector<64x64xf32> -> vector<64x64xf32>
    %slice3A_1446 = vector.extract_strided_slice %select_n3A_1417 {offsets = [2, 0, 0], sizes = [1, 64, 64], strides = [1, 1, 1]} : vector<40x64x64xf32> to vector<1x64x64xf32>
    %squeeze3A_1447 = vector.shape_cast %slice3A_1446 : vector<1x64x64xf32> to vector<64x64xf32>
    %dot_general3A_1448 = arith.constant dense<0.000000e+00> : vector<64x64xf32>
    %dot_general3A_1449 = tpu.matmul %dot_general3A_1445, %squeeze3A_1447, %dot_general3A_1448 {dimension_numbers = #tpu.dot_dimension_numbers<[1], [0], [0], [1], [0, 0, 1, 1], [], []>, transpose_lhs_hint = false} : vector<64x64xf32>, vector<64x64xf32>, vector<64x64xf32> -> vector<64x64xf32>
    %broadcast_in_dim3A_1450 = vector.shape_cast %dot_general3A_1449 : vector<64x64xf32> to vector<1x64x64xf32>
    %slice3A_1451 = vector.extract_strided_slice %get3A_18 {offsets = [3, 0, 0], sizes = [1, 64, 64], strides = [1, 1, 1]} : vector<40x64x64xf32> to vector<1x64x64xf32>
    %squeeze3A_1452 = vector.shape_cast %slice3A_1451 : vector<1x64x64xf32> to vector<64x64xf32>
    %slice3A_1453 = vector.extract_strided_slice %scan3A_1377#1 {offsets = [3, 0, 0], sizes = [1, 64, 64], strides = [1, 1, 1]} : vector<40x64x64xf32> to vector<1x64x64xf32>
    %squeeze3A_1454 = vector.shape_cast %slice3A_1453 : vector<1x64x64xf32> to vector<64x64xf32>
    %dot_general3A_1455 = arith.constant dense<0.000000e+00> : vector<64x64xf32>
    %dot_general3A_1456 = tpu.matmul %squeeze3A_1452, %squeeze3A_1454, %dot_general3A_1455 {dimension_numbers = #tpu.dot_dimension_numbers<[1], [1], [0], [0], [0, 0, 1, 0], [], []>, transpose_lhs_hint = false} : vector<64x64xf32>, vector<64x64xf32>, vector<64x64xf32> -> vector<64x64xf32>
    %slice3A_1457 = vector.extract_strided_slice %select_n3A_1417 {offsets = [3, 0, 0], sizes = [1, 64, 64], strides = [1, 1, 1]} : vector<40x64x64xf32> to vector<1x64x64xf32>
    %squeeze3A_1458 = vector.shape_cast %slice3A_1457 : vector<1x64x64xf32> to vector<64x64xf32>
    %dot_general3A_1459 = arith.constant dense<0.000000e+00> : vector<64x64xf32>
    %dot_general3A_1460 = tpu.matmul %dot_general3A_1456, %squeeze3A_1458, %dot_general3A_1459 {dimension_numbers = #tpu.dot_dimension_numbers<[1], [0], [0], [1], [0, 0, 1, 1], [], []>, transpose_lhs_hint = false} : vector<64x64xf32>, vector<64x64xf32>, vector<64x64xf32> -> vector<64x64xf32>
    %broadcast_in_dim3A_1461 = vector.shape_cast %dot_general3A_1460 : vector<64x64xf32> to vector<1x64x64xf32>
    %slice3A_1462 = vector.extract_strided_slice %get3A_18 {offsets = [4, 0, 0], sizes = [1, 64, 64], strides = [1, 1, 1]} : vector<40x64x64xf32> to vector<1x64x64xf32>
    %squeeze3A_1463 = vector.shape_cast %slice3A_1462 : vector<1x64x64xf32> to vector<64x64xf32>
    %slice3A_1464 = vector.extract_strided_slice %scan3A_1377#1 {offsets = [4, 0, 0], sizes = [1, 64, 64], strides = [1, 1, 1]} : vector<40x64x64xf32> to vector<1x64x64xf32>
    %squeeze3A_1465 = vector.shape_cast %slice3A_1464 : vector<1x64x64xf32> to vector<64x64xf32>
    %dot_general3A_1466 = arith.constant dense<0.000000e+00> : vector<64x64xf32>
    %dot_general3A_1467 = tpu.matmul %squeeze3A_1463, %squeeze3A_1465, %dot_general3A_1466 {dimension_numbers = #tpu.dot_dimension_numbers<[1], [1], [0], [0], [0, 0, 1, 0], [], []>, transpose_lhs_hint = false} : vector<64x64xf32>, vector<64x64xf32>, vector<64x64xf32> -> vector<64x64xf32>
    %slice3A_1468 = vector.extract_strided_slice %select_n3A_1417 {offsets = [4, 0, 0], sizes = [1, 64, 64], strides = [1, 1, 1]} : vector<40x64x64xf32> to vector<1x64x64xf32>
    %squeeze3A_1469 = vector.shape_cast %slice3A_1468 : vector<1x64x64xf32> to vector<64x64xf32>
    %dot_general3A_1470 = arith.constant dense<0.000000e+00> : vector<64x64xf32>
    %dot_general3A_1471 = tpu.matmul %dot_general3A_1467, %squeeze3A_1469, %dot_general3A_1470 {dimension_numbers = #tpu.dot_dimension_numbers<[1], [0], [0], [1], [0, 0, 1, 1], [], []>, transpose_lhs_hint = false} : vector<64x64xf32>, vector<64x64xf32>, vector<64x64xf32> -> vector<64x64xf32>
    %broadcast_in_dim3A_1472 = vector.shape_cast %dot_general3A_1471 : vector<64x64xf32> to vector<1x64x64xf32>
    %slice3A_1473 = vector.extract_strided_slice %get3A_18 {offsets = [5, 0, 0], sizes = [1, 64, 64], strides = [1, 1, 1]} : vector<40x64x64xf32> to vector<1x64x64xf32>
    %squeeze3A_1474 = vector.shape_cast %slice3A_1473 : vector<1x64x64xf32> to vector<64x64xf32>
    %slice3A_1475 = vector.extract_strided_slice %scan3A_1377#1 {offsets = [5, 0, 0], sizes = [1, 64, 64], strides = [1, 1, 1]} : vector<40x64x64xf32> to vector<1x64x64xf32>
    %squeeze3A_1476 = vector.shape_cast %slice3A_1475 : vector<1x64x64xf32> to vector<64x64xf32>
    %dot_general3A_1477 = arith.constant dense<0.000000e+00> : vector<64x64xf32>
    %dot_general3A_1478 = tpu.matmul %squeeze3A_1474, %squeeze3A_1476, %dot_general3A_1477 {dimension_numbers = #tpu.dot_dimension_numbers<[1], [1], [0], [0], [0, 0, 1, 0], [], []>, transpose_lhs_hint = false} : vector<64x64xf32>, vector<64x64xf32>, vector<64x64xf32> -> vector<64x64xf32>
    %slice3A_1479 = vector.extract_strided_slice %select_n3A_1417 {offsets = [5, 0, 0], sizes = [1, 64, 64], strides = [1, 1, 1]} : vector<40x64x64xf32> to vector<1x64x64xf32>
    %squeeze3A_1480 = vector.shape_cast %slice3A_1479 : vector<1x64x64xf32> to vector<64x64xf32>
    %dot_general3A_1481 = arith.constant dense<0.000000e+00> : vector<64x64xf32>
    %dot_general3A_1482 = tpu.matmul %dot_general3A_1478, %squeeze3A_1480, %dot_general3A_1481 {dimension_numbers = #tpu.dot_dimension_numbers<[1], [0], [0], [1], [0, 0, 1, 1], [], []>, transpose_lhs_hint = false} : vector<64x64xf32>, vector<64x64xf32>, vector<64x64xf32> -> vector<64x64xf32>
    %broadcast_in_dim3A_1483 = vector.shape_cast %dot_general3A_1482 : vector<64x64xf32> to vector<1x64x64xf32>
    %slice3A_1484 = vector.extract_strided_slice %get3A_18 {offsets = [6, 0, 0], sizes = [1, 64, 64], strides = [1, 1, 1]} : vector<40x64x64xf32> to vector<1x64x64xf32>
    %squeeze3A_1485 = vector.shape_cast %slice3A_1484 : vector<1x64x64xf32> to vector<64x64xf32>
    %slice3A_1486 = vector.extract_strided_slice %scan3A_1377#1 {offsets = [6, 0, 0], sizes = [1, 64, 64], strides = [1, 1, 1]} : vector<40x64x64xf32> to vector<1x64x64xf32>
    %squeeze3A_1487 = vector.shape_cast %slice3A_1486 : vector<1x64x64xf32> to vector<64x64xf32>
    %dot_general3A_1488 = arith.constant dense<0.000000e+00> : vector<64x64xf32>
    %dot_general3A_1489 = tpu.matmul %squeeze3A_1485, %squeeze3A_1487, %dot_general3A_1488 {dimension_numbers = #tpu.dot_dimension_numbers<[1], [1], [0], [0], [0, 0, 1, 0], [], []>, transpose_lhs_hint = false} : vector<64x64xf32>, vector<64x64xf32>, vector<64x64xf32> -> vector<64x64xf32>
    %slice3A_1490 = vector.extract_strided_slice %select_n3A_1417 {offsets = [6, 0, 0], sizes = [1, 64, 64], strides = [1, 1, 1]} : vector<40x64x64xf32> to vector<1x64x64xf32>
    %squeeze3A_1491 = vector.shape_cast %slice3A_1490 : vector<1x64x64xf32> to vector<64x64xf32>
    %dot_general3A_1492 = arith.constant dense<0.000000e+00> : vector<64x64xf32>
    %dot_general3A_1493 = tpu.matmul %dot_general3A_1489, %squeeze3A_1491, %dot_general3A_1492 {dimension_numbers = #tpu.dot_dimension_numbers<[1], [0], [0], [1], [0, 0, 1, 1], [], []>, transpose_lhs_hint = false} : vector<64x64xf32>, vector<64x64xf32>, vector<64x64xf32> -> vector<64x64xf32>
    %broadcast_in_dim3A_1494 = vector.shape_cast %dot_general3A_1493 : vector<64x64xf32> to vector<1x64x64xf32>
    %slice3A_1495 = vector.extract_strided_slice %get3A_18 {offsets = [7, 0, 0], sizes = [1, 64, 64], strides = [1, 1, 1]} : vector<40x64x64xf32> to vector<1x64x64xf32>
    %squeeze3A_1496 = vector.shape_cast %slice3A_1495 : vector<1x64x64xf32> to vector<64x64xf32>
    %slice3A_1497 = vector.extract_strided_slice %scan3A_1377#1 {offsets = [7, 0, 0], sizes = [1, 64, 64], strides = [1, 1, 1]} : vector<40x64x64xf32> to vector<1x64x64xf32>
    %squeeze3A_1498 = vector.shape_cast %slice3A_1497 : vector<1x64x64xf32> to vector<64x64xf32>
    %dot_general3A_1499 = arith.constant dense<0.000000e+00> : vector<64x64xf32>
    %dot_general3A_1500 = tpu.matmul %squeeze3A_1496, %squeeze3A_1498, %dot_general3A_1499 {dimension_numbers = #tpu.dot_dimension_numbers<[1], [1], [0], [0], [0, 0, 1, 0], [], []>, transpose_lhs_hint = false} : vector<64x64xf32>, vector<64x64xf32>, vector<64x64xf32> -> vector<64x64xf32>
    %slice3A_1501 = vector.extract_strided_slice %select_n3A_1417 {offsets = [7, 0, 0], sizes = [1, 64, 64], strides = [1, 1, 1]} : vector<40x64x64xf32> to vector<1x64x64xf32>
    %squeeze3A_1502 = vector.shape_cast %slice3A_1501 : vector<1x64x64xf32> to vector<64x64xf32>
    %dot_general3A_1503 = arith.constant dense<0.000000e+00> : vector<64x64xf32>
    %dot_general3A_1504 = tpu.matmul %dot_general3A_1500, %squeeze3A_1502, %dot_general3A_1503 {dimension_numbers = #tpu.dot_dimension_numbers<[1], [0], [0], [1], [0, 0, 1, 1], [], []>, transpose_lhs_hint = false} : vector<64x64xf32>, vector<64x64xf32>, vector<64x64xf32> -> vector<64x64xf32>
    %broadcast_in_dim3A_1505 = vector.shape_cast %dot_general3A_1504 : vector<64x64xf32> to vector<1x64x64xf32>
    %slice3A_1506 = vector.extract_strided_slice %get3A_18 {offsets = [8, 0, 0], sizes = [1, 64, 64], strides = [1, 1, 1]} : vector<40x64x64xf32> to vector<1x64x64xf32>
    %squeeze3A_1507 = vector.shape_cast %slice3A_1506 : vector<1x64x64xf32> to vector<64x64xf32>
    %slice3A_1508 = vector.extract_strided_slice %scan3A_1377#1 {offsets = [8, 0, 0], sizes = [1, 64, 64], strides = [1, 1, 1]} : vector<40x64x64xf32> to vector<1x64x64xf32>
    %squeeze3A_1509 = vector.shape_cast %slice3A_1508 : vector<1x64x64xf32> to vector<64x64xf32>
    %dot_general3A_1510 = arith.constant dense<0.000000e+00> : vector<64x64xf32>
    %dot_general3A_1511 = tpu.matmul %squeeze3A_1507, %squeeze3A_1509, %dot_general3A_1510 {dimension_numbers = #tpu.dot_dimension_numbers<[1], [1], [0], [0], [0, 0, 1, 0], [], []>, transpose_lhs_hint = false} : vector<64x64xf32>, vector<64x64xf32>, vector<64x64xf32> -> vector<64x64xf32>
    %slice3A_1512 = vector.extract_strided_slice %select_n3A_1417 {offsets = [8, 0, 0], sizes = [1, 64, 64], strides = [1, 1, 1]} : vector<40x64x64xf32> to vector<1x64x64xf32>
    %squeeze3A_1513 = vector.shape_cast %slice3A_1512 : vector<1x64x64xf32> to vector<64x64xf32>
    %dot_general3A_1514 = arith.constant dense<0.000000e+00> : vector<64x64xf32>
    %dot_general3A_1515 = tpu.matmul %dot_general3A_1511, %squeeze3A_1513, %dot_general3A_1514 {dimension_numbers = #tpu.dot_dimension_numbers<[1], [0], [0], [1], [0, 0, 1, 1], [], []>, transpose_lhs_hint = false} : vector<64x64xf32>, vector<64x64xf32>, vector<64x64xf32> -> vector<64x64xf32>
    %broadcast_in_dim3A_1516 = vector.shape_cast %dot_general3A_1515 : vector<64x64xf32> to vector<1x64x64xf32>
    %slice3A_1517 = vector.extract_strided_slice %get3A_18 {offsets = [9, 0, 0], sizes = [1, 64, 64], strides = [1, 1, 1]} : vector<40x64x64xf32> to vector<1x64x64xf32>
    %squeeze3A_1518 = vector.shape_cast %slice3A_1517 : vector<1x64x64xf32> to vector<64x64xf32>
    %slice3A_1519 = vector.extract_strided_slice %scan3A_1377#1 {offsets = [9, 0, 0], sizes = [1, 64, 64], strides = [1, 1, 1]} : vector<40x64x64xf32> to vector<1x64x64xf32>
    %squeeze3A_1520 = vector.shape_cast %slice3A_1519 : vector<1x64x64xf32> to vector<64x64xf32>
    %dot_general3A_1521 = arith.constant dense<0.000000e+00> : vector<64x64xf32>
    %dot_general3A_1522 = tpu.matmul %squeeze3A_1518, %squeeze3A_1520, %dot_general3A_1521 {dimension_numbers = #tpu.dot_dimension_numbers<[1], [1], [0], [0], [0, 0, 1, 0], [], []>, transpose_lhs_hint = false} : vector<64x64xf32>, vector<64x64xf32>, vector<64x64xf32> -> vector<64x64xf32>
    %slice3A_1523 = vector.extract_strided_slice %select_n3A_1417 {offsets = [9, 0, 0], sizes = [1, 64, 64], strides = [1, 1, 1]} : vector<40x64x64xf32> to vector<1x64x64xf32>
    %squeeze3A_1524 = vector.shape_cast %slice3A_1523 : vector<1x64x64xf32> to vector<64x64xf32>
    %dot_general3A_1525 = arith.constant dense<0.000000e+00> : vector<64x64xf32>
    %dot_general3A_1526 = tpu.matmul %dot_general3A_1522, %squeeze3A_1524, %dot_general3A_1525 {dimension_numbers = #tpu.dot_dimension_numbers<[1], [0], [0], [1], [0, 0, 1, 1], [], []>, transpose_lhs_hint = false} : vector<64x64xf32>, vector<64x64xf32>, vector<64x64xf32> -> vector<64x64xf32>
    %broadcast_in_dim3A_1527 = vector.shape_cast %dot_general3A_1526 : vector<64x64xf32> to vector<1x64x64xf32>
    %slice3A_1528 = vector.extract_strided_slice %get3A_18 {offsets = [10, 0, 0], sizes = [1, 64, 64], strides = [1, 1, 1]} : vector<40x64x64xf32> to vector<1x64x64xf32>
    %squeeze3A_1529 = vector.shape_cast %slice3A_1528 : vector<1x64x64xf32> to vector<64x64xf32>
    %slice3A_1530 = vector.extract_strided_slice %scan3A_1377#1 {offsets = [10, 0, 0], sizes = [1, 64, 64], strides = [1, 1, 1]} : vector<40x64x64xf32> to vector<1x64x64xf32>
    %squeeze3A_1531 = vector.shape_cast %slice3A_1530 : vector<1x64x64xf32> to vector<64x64xf32>
    %dot_general3A_1532 = arith.constant dense<0.000000e+00> : vector<64x64xf32>
    %dot_general3A_1533 = tpu.matmul %squeeze3A_1529, %squeeze3A_1531, %dot_general3A_1532 {dimension_numbers = #tpu.dot_dimension_numbers<[1], [1], [0], [0], [0, 0, 1, 0], [], []>, transpose_lhs_hint = false} : vector<64x64xf32>, vector<64x64xf32>, vector<64x64xf32> -> vector<64x64xf32>
    %slice3A_1534 = vector.extract_strided_slice %select_n3A_1417 {offsets = [10, 0, 0], sizes = [1, 64, 64], strides = [1, 1, 1]} : vector<40x64x64xf32> to vector<1x64x64xf32>
    %squeeze3A_1535 = vector.shape_cast %slice3A_1534 : vector<1x64x64xf32> to vector<64x64xf32>
    %dot_general3A_1536 = arith.constant dense<0.000000e+00> : vector<64x64xf32>
    %dot_general3A_1537 = tpu.matmul %dot_general3A_1533, %squeeze3A_1535, %dot_general3A_1536 {dimension_numbers = #tpu.dot_dimension_numbers<[1], [0], [0], [1], [0, 0, 1, 1], [], []>, transpose_lhs_hint = false} : vector<64x64xf32>, vector<64x64xf32>, vector<64x64xf32> -> vector<64x64xf32>
    %broadcast_in_dim3A_1538 = vector.shape_cast %dot_general3A_1537 : vector<64x64xf32> to vector<1x64x64xf32>
    %slice3A_1539 = vector.extract_strided_slice %get3A_18 {offsets = [11, 0, 0], sizes = [1, 64, 64], strides = [1, 1, 1]} : vector<40x64x64xf32> to vector<1x64x64xf32>
    %squeeze3A_1540 = vector.shape_cast %slice3A_1539 : vector<1x64x64xf32> to vector<64x64xf32>
    %slice3A_1541 = vector.extract_strided_slice %scan3A_1377#1 {offsets = [11, 0, 0], sizes = [1, 64, 64], strides = [1, 1, 1]} : vector<40x64x64xf32> to vector<1x64x64xf32>
    %squeeze3A_1542 = vector.shape_cast %slice3A_1541 : vector<1x64x64xf32> to vector<64x64xf32>
    %dot_general3A_1543 = arith.constant dense<0.000000e+00> : vector<64x64xf32>
    %dot_general3A_1544 = tpu.matmul %squeeze3A_1540, %squeeze3A_1542, %dot_general3A_1543 {dimension_numbers = #tpu.dot_dimension_numbers<[1], [1], [0], [0], [0, 0, 1, 0], [], []>, transpose_lhs_hint = false} : vector<64x64xf32>, vector<64x64xf32>, vector<64x64xf32> -> vector<64x64xf32>
    %slice3A_1545 = vector.extract_strided_slice %select_n3A_1417 {offsets = [11, 0, 0], sizes = [1, 64, 64], strides = [1, 1, 1]} : vector<40x64x64xf32> to vector<1x64x64xf32>
    %squeeze3A_1546 = vector.shape_cast %slice3A_1545 : vector<1x64x64xf32> to vector<64x64xf32>
    %dot_general3A_1547 = arith.constant dense<0.000000e+00> : vector<64x64xf32>
    %dot_general3A_1548 = tpu.matmul %dot_general3A_1544, %squeeze3A_1546, %dot_general3A_1547 {dimension_numbers = #tpu.dot_dimension_numbers<[1], [0], [0], [1], [0, 0, 1, 1], [], []>, transpose_lhs_hint = false} : vector<64x64xf32>, vector<64x64xf32>, vector<64x64xf32> -> vector<64x64xf32>
    %broadcast_in_dim3A_1549 = vector.shape_cast %dot_general3A_1548 : vector<64x64xf32> to vector<1x64x64xf32>
    %slice3A_1550 = vector.extract_strided_slice %get3A_18 {offsets = [12, 0, 0], sizes = [1, 64, 64], strides = [1, 1, 1]} : vector<40x64x64xf32> to vector<1x64x64xf32>
    %squeeze3A_1551 = vector.shape_cast %slice3A_1550 : vector<1x64x64xf32> to vector<64x64xf32>
    %slice3A_1552 = vector.extract_strided_slice %scan3A_1377#1 {offsets = [12, 0, 0], sizes = [1, 64, 64], strides = [1, 1, 1]} : vector<40x64x64xf32> to vector<1x64x64xf32>
    %squeeze3A_1553 = vector.shape_cast %slice3A_1552 : vector<1x64x64xf32> to vector<64x64xf32>
    %dot_general3A_1554 = arith.constant dense<0.000000e+00> : vector<64x64xf32>
    %dot_general3A_1555 = tpu.matmul %squeeze3A_1551, %squeeze3A_1553, %dot_general3A_1554 {dimension_numbers = #tpu.dot_dimension_numbers<[1], [1], [0], [0], [0, 0, 1, 0], [], []>, transpose_lhs_hint = false} : vector<64x64xf32>, vector<64x64xf32>, vector<64x64xf32> -> vector<64x64xf32>
    %slice3A_1556 = vector.extract_strided_slice %select_n3A_1417 {offsets = [12, 0, 0], sizes = [1, 64, 64], strides = [1, 1, 1]} : vector<40x64x64xf32> to vector<1x64x64xf32>
    %squeeze3A_1557 = vector.shape_cast %slice3A_1556 : vector<1x64x64xf32> to vector<64x64xf32>
    %dot_general3A_1558 = arith.constant dense<0.000000e+00> : vector<64x64xf32>
    %dot_general3A_1559 = tpu.matmul %dot_general3A_1555, %squeeze3A_1557, %dot_general3A_1558 {dimension_numbers = #tpu.dot_dimension_numbers<[1], [0], [0], [1], [0, 0, 1, 1], [], []>, transpose_lhs_hint = false} : vector<64x64xf32>, vector<64x64xf32>, vector<64x64xf32> -> vector<64x64xf32>
    %broadcast_in_dim3A_1560 = vector.shape_cast %dot_general3A_1559 : vector<64x64xf32> to vector<1x64x64xf32>
    %slice3A_1561 = vector.extract_strided_slice %get3A_18 {offsets = [13, 0, 0], sizes = [1, 64, 64], strides = [1, 1, 1]} : vector<40x64x64xf32> to vector<1x64x64xf32>
    %squeeze3A_1562 = vector.shape_cast %slice3A_1561 : vector<1x64x64xf32> to vector<64x64xf32>
    %slice3A_1563 = vector.extract_strided_slice %scan3A_1377#1 {offsets = [13, 0, 0], sizes = [1, 64, 64], strides = [1, 1, 1]} : vector<40x64x64xf32> to vector<1x64x64xf32>
    %squeeze3A_1564 = vector.shape_cast %slice3A_1563 : vector<1x64x64xf32> to vector<64x64xf32>
    %dot_general3A_1565 = arith.constant dense<0.000000e+00> : vector<64x64xf32>
    %dot_general3A_1566 = tpu.matmul %squeeze3A_1562, %squeeze3A_1564, %dot_general3A_1565 {dimension_numbers = #tpu.dot_dimension_numbers<[1], [1], [0], [0], [0, 0, 1, 0], [], []>, transpose_lhs_hint = false} : vector<64x64xf32>, vector<64x64xf32>, vector<64x64xf32> -> vector<64x64xf32>
    %slice3A_1567 = vector.extract_strided_slice %select_n3A_1417 {offsets = [13, 0, 0], sizes = [1, 64, 64], strides = [1, 1, 1]} : vector<40x64x64xf32> to vector<1x64x64xf32>
    %squeeze3A_1568 = vector.shape_cast %slice3A_1567 : vector<1x64x64xf32> to vector<64x64xf32>
    %dot_general3A_1569 = arith.constant dense<0.000000e+00> : vector<64x64xf32>
    %dot_general3A_1570 = tpu.matmul %dot_general3A_1566, %squeeze3A_1568, %dot_general3A_1569 {dimension_numbers = #tpu.dot_dimension_numbers<[1], [0], [0], [1], [0, 0, 1, 1], [], []>, transpose_lhs_hint = false} : vector<64x64xf32>, vector<64x64xf32>, vector<64x64xf32> -> vector<64x64xf32>
    %broadcast_in_dim3A_1571 = vector.shape_cast %dot_general3A_1570 : vector<64x64xf32> to vector<1x64x64xf32>
    %slice3A_1572 = vector.extract_strided_slice %get3A_18 {offsets = [14, 0, 0], sizes = [1, 64, 64], strides = [1, 1, 1]} : vector<40x64x64xf32> to vector<1x64x64xf32>
    %squeeze3A_1573 = vector.shape_cast %slice3A_1572 : vector<1x64x64xf32> to vector<64x64xf32>
    %slice3A_1574 = vector.extract_strided_slice %scan3A_1377#1 {offsets = [14, 0, 0], sizes = [1, 64, 64], strides = [1, 1, 1]} : vector<40x64x64xf32> to vector<1x64x64xf32>
    %squeeze3A_1575 = vector.shape_cast %slice3A_1574 : vector<1x64x64xf32> to vector<64x64xf32>
    %dot_general3A_1576 = arith.constant dense<0.000000e+00> : vector<64x64xf32>
    %dot_general3A_1577 = tpu.matmul %squeeze3A_1573, %squeeze3A_1575, %dot_general3A_1576 {dimension_numbers = #tpu.dot_dimension_numbers<[1], [1], [0], [0], [0, 0, 1, 0], [], []>, transpose_lhs_hint = false} : vector<64x64xf32>, vector<64x64xf32>, vector<64x64xf32> -> vector<64x64xf32>
    %slice3A_1578 = vector.extract_strided_slice %select_n3A_1417 {offsets = [14, 0, 0], sizes = [1, 64, 64], strides = [1, 1, 1]} : vector<40x64x64xf32> to vector<1x64x64xf32>
    %squeeze3A_1579 = vector.shape_cast %slice3A_1578 : vector<1x64x64xf32> to vector<64x64xf32>
    %dot_general3A_1580 = arith.constant dense<0.000000e+00> : vector<64x64xf32>
    %dot_general3A_1581 = tpu.matmul %dot_general3A_1577, %squeeze3A_1579, %dot_general3A_1580 {dimension_numbers = #tpu.dot_dimension_numbers<[1], [0], [0], [1], [0, 0, 1, 1], [], []>, transpose_lhs_hint = false} : vector<64x64xf32>, vector<64x64xf32>, vector<64x64xf32> -> vector<64x64xf32>
    %broadcast_in_dim3A_1582 = vector.shape_cast %dot_general3A_1581 : vector<64x64xf32> to vector<1x64x64xf32>
    %slice3A_1583 = vector.extract_strided_slice %get3A_18 {offsets = [15, 0, 0], sizes = [1, 64, 64], strides = [1, 1, 1]} : vector<40x64x64xf32> to vector<1x64x64xf32>
    %squeeze3A_1584 = vector.shape_cast %slice3A_1583 : vector<1x64x64xf32> to vector<64x64xf32>
    %slice3A_1585 = vector.extract_strided_slice %scan3A_1377#1 {offsets = [15, 0, 0], sizes = [1, 64, 64], strides = [1, 1, 1]} : vector<40x64x64xf32> to vector<1x64x64xf32>
    %squeeze3A_1586 = vector.shape_cast %slice3A_1585 : vector<1x64x64xf32> to vector<64x64xf32>
    %dot_general3A_1587 = arith.constant dense<0.000000e+00> : vector<64x64xf32>
    %dot_general3A_1588 = tpu.matmul %squeeze3A_1584, %squeeze3A_1586, %dot_general3A_1587 {dimension_numbers = #tpu.dot_dimension_numbers<[1], [1], [0], [0], [0, 0, 1, 0], [], []>, transpose_lhs_hint = false} : vector<64x64xf32>, vector<64x64xf32>, vector<64x64xf32> -> vector<64x64xf32>
    %slice3A_1589 = vector.extract_strided_slice %select_n3A_1417 {offsets = [15, 0, 0], sizes = [1, 64, 64], strides = [1, 1, 1]} : vector<40x64x64xf32> to vector<1x64x64xf32>
    %squeeze3A_1590 = vector.shape_cast %slice3A_1589 : vector<1x64x64xf32> to vector<64x64xf32>
    %dot_general3A_1591 = arith.constant dense<0.000000e+00> : vector<64x64xf32>
    %dot_general3A_1592 = tpu.matmul %dot_general3A_1588, %squeeze3A_1590, %dot_general3A_1591 {dimension_numbers = #tpu.dot_dimension_numbers<[1], [0], [0], [1], [0, 0, 1, 1], [], []>, transpose_lhs_hint = false} : vector<64x64xf32>, vector<64x64xf32>, vector<64x64xf32> -> vector<64x64xf32>
    %broadcast_in_dim3A_1593 = vector.shape_cast %dot_general3A_1592 : vector<64x64xf32> to vector<1x64x64xf32>
    %slice3A_1594 = vector.extract_strided_slice %get3A_18 {offsets = [16, 0, 0], sizes = [1, 64, 64], strides = [1, 1, 1]} : vector<40x64x64xf32> to vector<1x64x64xf32>
    %squeeze3A_1595 = vector.shape_cast %slice3A_1594 : vector<1x64x64xf32> to vector<64x64xf32>
    %slice3A_1596 = vector.extract_strided_slice %scan3A_1377#1 {offsets = [16, 0, 0], sizes = [1, 64, 64], strides = [1, 1, 1]} : vector<40x64x64xf32> to vector<1x64x64xf32>
    %squeeze3A_1597 = vector.shape_cast %slice3A_1596 : vector<1x64x64xf32> to vector<64x64xf32>
    %dot_general3A_1598 = arith.constant dense<0.000000e+00> : vector<64x64xf32>
    %dot_general3A_1599 = tpu.matmul %squeeze3A_1595, %squeeze3A_1597, %dot_general3A_1598 {dimension_numbers = #tpu.dot_dimension_numbers<[1], [1], [0], [0], [0, 0, 1, 0], [], []>, transpose_lhs_hint = false} : vector<64x64xf32>, vector<64x64xf32>, vector<64x64xf32> -> vector<64x64xf32>
    %slice3A_1600 = vector.extract_strided_slice %select_n3A_1417 {offsets = [16, 0, 0], sizes = [1, 64, 64], strides = [1, 1, 1]} : vector<40x64x64xf32> to vector<1x64x64xf32>
    %squeeze3A_1601 = vector.shape_cast %slice3A_1600 : vector<1x64x64xf32> to vector<64x64xf32>
    %dot_general3A_1602 = arith.constant dense<0.000000e+00> : vector<64x64xf32>
    %dot_general3A_1603 = tpu.matmul %dot_general3A_1599, %squeeze3A_1601, %dot_general3A_1602 {dimension_numbers = #tpu.dot_dimension_numbers<[1], [0], [0], [1], [0, 0, 1, 1], [], []>, transpose_lhs_hint = false} : vector<64x64xf32>, vector<64x64xf32>, vector<64x64xf32> -> vector<64x64xf32>
    %broadcast_in_dim3A_1604 = vector.shape_cast %dot_general3A_1603 : vector<64x64xf32> to vector<1x64x64xf32>
    %slice3A_1605 = vector.extract_strided_slice %get3A_18 {offsets = [17, 0, 0], sizes = [1, 64, 64], strides = [1, 1, 1]} : vector<40x64x64xf32> to vector<1x64x64xf32>
    %squeeze3A_1606 = vector.shape_cast %slice3A_1605 : vector<1x64x64xf32> to vector<64x64xf32>
    %slice3A_1607 = vector.extract_strided_slice %scan3A_1377#1 {offsets = [17, 0, 0], sizes = [1, 64, 64], strides = [1, 1, 1]} : vector<40x64x64xf32> to vector<1x64x64xf32>
    %squeeze3A_1608 = vector.shape_cast %slice3A_1607 : vector<1x64x64xf32> to vector<64x64xf32>
    %dot_general3A_1609 = arith.constant dense<0.000000e+00> : vector<64x64xf32>
    %dot_general3A_1610 = tpu.matmul %squeeze3A_1606, %squeeze3A_1608, %dot_general3A_1609 {dimension_numbers = #tpu.dot_dimension_numbers<[1], [1], [0], [0], [0, 0, 1, 0], [], []>, transpose_lhs_hint = false} : vector<64x64xf32>, vector<64x64xf32>, vector<64x64xf32> -> vector<64x64xf32>
    %slice3A_1611 = vector.extract_strided_slice %select_n3A_1417 {offsets = [17, 0, 0], sizes = [1, 64, 64], strides = [1, 1, 1]} : vector<40x64x64xf32> to vector<1x64x64xf32>
    %squeeze3A_1612 = vector.shape_cast %slice3A_1611 : vector<1x64x64xf32> to vector<64x64xf32>
    %dot_general3A_1613 = arith.constant dense<0.000000e+00> : vector<64x64xf32>
    %dot_general3A_1614 = tpu.matmul %dot_general3A_1610, %squeeze3A_1612, %dot_general3A_1613 {dimension_numbers = #tpu.dot_dimension_numbers<[1], [0], [0], [1], [0, 0, 1, 1], [], []>, transpose_lhs_hint = false} : vector<64x64xf32>, vector<64x64xf32>, vector<64x64xf32> -> vector<64x64xf32>
    %broadcast_in_dim3A_1615 = vector.shape_cast %dot_general3A_1614 : vector<64x64xf32> to vector<1x64x64xf32>
    %slice3A_1616 = vector.extract_strided_slice %get3A_18 {offsets = [18, 0, 0], sizes = [1, 64, 64], strides = [1, 1, 1]} : vector<40x64x64xf32> to vector<1x64x64xf32>
    %squeeze3A_1617 = vector.shape_cast %slice3A_1616 : vector<1x64x64xf32> to vector<64x64xf32>
    %slice3A_1618 = vector.extract_strided_slice %scan3A_1377#1 {offsets = [18, 0, 0], sizes = [1, 64, 64], strides = [1, 1, 1]} : vector<40x64x64xf32> to vector<1x64x64xf32>
    %squeeze3A_1619 = vector.shape_cast %slice3A_1618 : vector<1x64x64xf32> to vector<64x64xf32>
    %dot_general3A_1620 = arith.constant dense<0.000000e+00> : vector<64x64xf32>
    %dot_general3A_1621 = tpu.matmul %squeeze3A_1617, %squeeze3A_1619, %dot_general3A_1620 {dimension_numbers = #tpu.dot_dimension_numbers<[1], [1], [0], [0], [0, 0, 1, 0], [], []>, transpose_lhs_hint = false} : vector<64x64xf32>, vector<64x64xf32>, vector<64x64xf32> -> vector<64x64xf32>
    %slice3A_1622 = vector.extract_strided_slice %select_n3A_1417 {offsets = [18, 0, 0], sizes = [1, 64, 64], strides = [1, 1, 1]} : vector<40x64x64xf32> to vector<1x64x64xf32>
    %squeeze3A_1623 = vector.shape_cast %slice3A_1622 : vector<1x64x64xf32> to vector<64x64xf32>
    %dot_general3A_1624 = arith.constant dense<0.000000e+00> : vector<64x64xf32>
    %dot_general3A_1625 = tpu.matmul %dot_general3A_1621, %squeeze3A_1623, %dot_general3A_1624 {dimension_numbers = #tpu.dot_dimension_numbers<[1], [0], [0], [1], [0, 0, 1, 1], [], []>, transpose_lhs_hint = false} : vector<64x64xf32>, vector<64x64xf32>, vector<64x64xf32> -> vector<64x64xf32>
    %broadcast_in_dim3A_1626 = vector.shape_cast %dot_general3A_1625 : vector<64x64xf32> to vector<1x64x64xf32>
    %slice3A_1627 = vector.extract_strided_slice %get3A_18 {offsets = [19, 0, 0], sizes = [1, 64, 64], strides = [1, 1, 1]} : vector<40x64x64xf32> to vector<1x64x64xf32>
    %squeeze3A_1628 = vector.shape_cast %slice3A_1627 : vector<1x64x64xf32> to vector<64x64xf32>
    %slice3A_1629 = vector.extract_strided_slice %scan3A_1377#1 {offsets = [19, 0, 0], sizes = [1, 64, 64], strides = [1, 1, 1]} : vector<40x64x64xf32> to vector<1x64x64xf32>
    %squeeze3A_1630 = vector.shape_cast %slice3A_1629 : vector<1x64x64xf32> to vector<64x64xf32>
    %dot_general3A_1631 = arith.constant dense<0.000000e+00> : vector<64x64xf32>
    %dot_general3A_1632 = tpu.matmul %squeeze3A_1628, %squeeze3A_1630, %dot_general3A_1631 {dimension_numbers = #tpu.dot_dimension_numbers<[1], [1], [0], [0], [0, 0, 1, 0], [], []>, transpose_lhs_hint = false} : vector<64x64xf32>, vector<64x64xf32>, vector<64x64xf32> -> vector<64x64xf32>
    %slice3A_1633 = vector.extract_strided_slice %select_n3A_1417 {offsets = [19, 0, 0], sizes = [1, 64, 64], strides = [1, 1, 1]} : vector<40x64x64xf32> to vector<1x64x64xf32>
    %squeeze3A_1634 = vector.shape_cast %slice3A_1633 : vector<1x64x64xf32> to vector<64x64xf32>
    %dot_general3A_1635 = arith.constant dense<0.000000e+00> : vector<64x64xf32>
    %dot_general3A_1636 = tpu.matmul %dot_general3A_1632, %squeeze3A_1634, %dot_general3A_1635 {dimension_numbers = #tpu.dot_dimension_numbers<[1], [0], [0], [1], [0, 0, 1, 1], [], []>, transpose_lhs_hint = false} : vector<64x64xf32>, vector<64x64xf32>, vector<64x64xf32> -> vector<64x64xf32>
    %broadcast_in_dim3A_1637 = vector.shape_cast %dot_general3A_1636 : vector<64x64xf32> to vector<1x64x64xf32>
    %slice3A_1638 = vector.extract_strided_slice %get3A_18 {offsets = [20, 0, 0], sizes = [1, 64, 64], strides = [1, 1, 1]} : vector<40x64x64xf32> to vector<1x64x64xf32>
    %squeeze3A_1639 = vector.shape_cast %slice3A_1638 : vector<1x64x64xf32> to vector<64x64xf32>
    %slice3A_1640 = vector.extract_strided_slice %scan3A_1377#1 {offsets = [20, 0, 0], sizes = [1, 64, 64], strides = [1, 1, 1]} : vector<40x64x64xf32> to vector<1x64x64xf32>
    %squeeze3A_1641 = vector.shape_cast %slice3A_1640 : vector<1x64x64xf32> to vector<64x64xf32>
    %dot_general3A_1642 = arith.constant dense<0.000000e+00> : vector<64x64xf32>
    %dot_general3A_1643 = tpu.matmul %squeeze3A_1639, %squeeze3A_1641, %dot_general3A_1642 {dimension_numbers = #tpu.dot_dimension_numbers<[1], [1], [0], [0], [0, 0, 1, 0], [], []>, transpose_lhs_hint = false} : vector<64x64xf32>, vector<64x64xf32>, vector<64x64xf32> -> vector<64x64xf32>
    %slice3A_1644 = vector.extract_strided_slice %select_n3A_1417 {offsets = [20, 0, 0], sizes = [1, 64, 64], strides = [1, 1, 1]} : vector<40x64x64xf32> to vector<1x64x64xf32>
    %squeeze3A_1645 = vector.shape_cast %slice3A_1644 : vector<1x64x64xf32> to vector<64x64xf32>
    %dot_general3A_1646 = arith.constant dense<0.000000e+00> : vector<64x64xf32>
    %dot_general3A_1647 = tpu.matmul %dot_general3A_1643, %squeeze3A_1645, %dot_general3A_1646 {dimension_numbers = #tpu.dot_dimension_numbers<[1], [0], [0], [1], [0, 0, 1, 1], [], []>, transpose_lhs_hint = false} : vector<64x64xf32>, vector<64x64xf32>, vector<64x64xf32> -> vector<64x64xf32>
    %broadcast_in_dim3A_1648 = vector.shape_cast %dot_general3A_1647 : vector<64x64xf32> to vector<1x64x64xf32>
    %slice3A_1649 = vector.extract_strided_slice %get3A_18 {offsets = [21, 0, 0], sizes = [1, 64, 64], strides = [1, 1, 1]} : vector<40x64x64xf32> to vector<1x64x64xf32>
    %squeeze3A_1650 = vector.shape_cast %slice3A_1649 : vector<1x64x64xf32> to vector<64x64xf32>
    %slice3A_1651 = vector.extract_strided_slice %scan3A_1377#1 {offsets = [21, 0, 0], sizes = [1, 64, 64], strides = [1, 1, 1]} : vector<40x64x64xf32> to vector<1x64x64xf32>
    %squeeze3A_1652 = vector.shape_cast %slice3A_1651 : vector<1x64x64xf32> to vector<64x64xf32>
    %dot_general3A_1653 = arith.constant dense<0.000000e+00> : vector<64x64xf32>
    %dot_general3A_1654 = tpu.matmul %squeeze3A_1650, %squeeze3A_1652, %dot_general3A_1653 {dimension_numbers = #tpu.dot_dimension_numbers<[1], [1], [0], [0], [0, 0, 1, 0], [], []>, transpose_lhs_hint = false} : vector<64x64xf32>, vector<64x64xf32>, vector<64x64xf32> -> vector<64x64xf32>
    %slice3A_1655 = vector.extract_strided_slice %select_n3A_1417 {offsets = [21, 0, 0], sizes = [1, 64, 64], strides = [1, 1, 1]} : vector<40x64x64xf32> to vector<1x64x64xf32>
    %squeeze3A_1656 = vector.shape_cast %slice3A_1655 : vector<1x64x64xf32> to vector<64x64xf32>
    %dot_general3A_1657 = arith.constant dense<0.000000e+00> : vector<64x64xf32>
    %dot_general3A_1658 = tpu.matmul %dot_general3A_1654, %squeeze3A_1656, %dot_general3A_1657 {dimension_numbers = #tpu.dot_dimension_numbers<[1], [0], [0], [1], [0, 0, 1, 1], [], []>, transpose_lhs_hint = false} : vector<64x64xf32>, vector<64x64xf32>, vector<64x64xf32> -> vector<64x64xf32>
    %broadcast_in_dim3A_1659 = vector.shape_cast %dot_general3A_1658 : vector<64x64xf32> to vector<1x64x64xf32>
    %slice3A_1660 = vector.extract_strided_slice %get3A_18 {offsets = [22, 0, 0], sizes = [1, 64, 64], strides = [1, 1, 1]} : vector<40x64x64xf32> to vector<1x64x64xf32>
    %squeeze3A_1661 = vector.shape_cast %slice3A_1660 : vector<1x64x64xf32> to vector<64x64xf32>
    %slice3A_1662 = vector.extract_strided_slice %scan3A_1377#1 {offsets = [22, 0, 0], sizes = [1, 64, 64], strides = [1, 1, 1]} : vector<40x64x64xf32> to vector<1x64x64xf32>
    %squeeze3A_1663 = vector.shape_cast %slice3A_1662 : vector<1x64x64xf32> to vector<64x64xf32>
    %dot_general3A_1664 = arith.constant dense<0.000000e+00> : vector<64x64xf32>
    %dot_general3A_1665 = tpu.matmul %squeeze3A_1661, %squeeze3A_1663, %dot_general3A_1664 {dimension_numbers = #tpu.dot_dimension_numbers<[1], [1], [0], [0], [0, 0, 1, 0], [], []>, transpose_lhs_hint = false} : vector<64x64xf32>, vector<64x64xf32>, vector<64x64xf32> -> vector<64x64xf32>
    %slice3A_1666 = vector.extract_strided_slice %select_n3A_1417 {offsets = [22, 0, 0], sizes = [1, 64, 64], strides = [1, 1, 1]} : vector<40x64x64xf32> to vector<1x64x64xf32>
    %squeeze3A_1667 = vector.shape_cast %slice3A_1666 : vector<1x64x64xf32> to vector<64x64xf32>
    %dot_general3A_1668 = arith.constant dense<0.000000e+00> : vector<64x64xf32>
    %dot_general3A_1669 = tpu.matmul %dot_general3A_1665, %squeeze3A_1667, %dot_general3A_1668 {dimension_numbers = #tpu.dot_dimension_numbers<[1], [0], [0], [1], [0, 0, 1, 1], [], []>, transpose_lhs_hint = false} : vector<64x64xf32>, vector<64x64xf32>, vector<64x64xf32> -> vector<64x64xf32>
    %broadcast_in_dim3A_1670 = vector.shape_cast %dot_general3A_1669 : vector<64x64xf32> to vector<1x64x64xf32>
    %slice3A_1671 = vector.extract_strided_slice %get3A_18 {offsets = [23, 0, 0], sizes = [1, 64, 64], strides = [1, 1, 1]} : vector<40x64x64xf32> to vector<1x64x64xf32>
    %squeeze3A_1672 = vector.shape_cast %slice3A_1671 : vector<1x64x64xf32> to vector<64x64xf32>
    %slice3A_1673 = vector.extract_strided_slice %scan3A_1377#1 {offsets = [23, 0, 0], sizes = [1, 64, 64], strides = [1, 1, 1]} : vector<40x64x64xf32> to vector<1x64x64xf32>
    %squeeze3A_1674 = vector.shape_cast %slice3A_1673 : vector<1x64x64xf32> to vector<64x64xf32>
    %dot_general3A_1675 = arith.constant dense<0.000000e+00> : vector<64x64xf32>
    %dot_general3A_1676 = tpu.matmul %squeeze3A_1672, %squeeze3A_1674, %dot_general3A_1675 {dimension_numbers = #tpu.dot_dimension_numbers<[1], [1], [0], [0], [0, 0, 1, 0], [], []>, transpose_lhs_hint = false} : vector<64x64xf32>, vector<64x64xf32>, vector<64x64xf32> -> vector<64x64xf32>
    %slice3A_1677 = vector.extract_strided_slice %select_n3A_1417 {offsets = [23, 0, 0], sizes = [1, 64, 64], strides = [1, 1, 1]} : vector<40x64x64xf32> to vector<1x64x64xf32>
    %squeeze3A_1678 = vector.shape_cast %slice3A_1677 : vector<1x64x64xf32> to vector<64x64xf32>
    %dot_general3A_1679 = arith.constant dense<0.000000e+00> : vector<64x64xf32>
    %dot_general3A_1680 = tpu.matmul %dot_general3A_1676, %squeeze3A_1678, %dot_general3A_1679 {dimension_numbers = #tpu.dot_dimension_numbers<[1], [0], [0], [1], [0, 0, 1, 1], [], []>, transpose_lhs_hint = false} : vector<64x64xf32>, vector<64x64xf32>, vector<64x64xf32> -> vector<64x64xf32>
    %broadcast_in_dim3A_1681 = vector.shape_cast %dot_general3A_1680 : vector<64x64xf32> to vector<1x64x64xf32>
    %slice3A_1682 = vector.extract_strided_slice %get3A_18 {offsets = [24, 0, 0], sizes = [1, 64, 64], strides = [1, 1, 1]} : vector<40x64x64xf32> to vector<1x64x64xf32>
    %squeeze3A_1683 = vector.shape_cast %slice3A_1682 : vector<1x64x64xf32> to vector<64x64xf32>
    %slice3A_1684 = vector.extract_strided_slice %scan3A_1377#1 {offsets = [24, 0, 0], sizes = [1, 64, 64], strides = [1, 1, 1]} : vector<40x64x64xf32> to vector<1x64x64xf32>
    %squeeze3A_1685 = vector.shape_cast %slice3A_1684 : vector<1x64x64xf32> to vector<64x64xf32>
    %dot_general3A_1686 = arith.constant dense<0.000000e+00> : vector<64x64xf32>
    %dot_general3A_1687 = tpu.matmul %squeeze3A_1683, %squeeze3A_1685, %dot_general3A_1686 {dimension_numbers = #tpu.dot_dimension_numbers<[1], [1], [0], [0], [0, 0, 1, 0], [], []>, transpose_lhs_hint = false} : vector<64x64xf32>, vector<64x64xf32>, vector<64x64xf32> -> vector<64x64xf32>
    %slice3A_1688 = vector.extract_strided_slice %select_n3A_1417 {offsets = [24, 0, 0], sizes = [1, 64, 64], strides = [1, 1, 1]} : vector<40x64x64xf32> to vector<1x64x64xf32>
    %squeeze3A_1689 = vector.shape_cast %slice3A_1688 : vector<1x64x64xf32> to vector<64x64xf32>
    %dot_general3A_1690 = arith.constant dense<0.000000e+00> : vector<64x64xf32>
    %dot_general3A_1691 = tpu.matmul %dot_general3A_1687, %squeeze3A_1689, %dot_general3A_1690 {dimension_numbers = #tpu.dot_dimension_numbers<[1], [0], [0], [1], [0, 0, 1, 1], [], []>, transpose_lhs_hint = false} : vector<64x64xf32>, vector<64x64xf32>, vector<64x64xf32> -> vector<64x64xf32>
    %broadcast_in_dim3A_1692 = vector.shape_cast %dot_general3A_1691 : vector<64x64xf32> to vector<1x64x64xf32>
    %slice3A_1693 = vector.extract_strided_slice %get3A_18 {offsets = [25, 0, 0], sizes = [1, 64, 64], strides = [1, 1, 1]} : vector<40x64x64xf32> to vector<1x64x64xf32>
    %squeeze3A_1694 = vector.shape_cast %slice3A_1693 : vector<1x64x64xf32> to vector<64x64xf32>
    %slice3A_1695 = vector.extract_strided_slice %scan3A_1377#1 {offsets = [25, 0, 0], sizes = [1, 64, 64], strides = [1, 1, 1]} : vector<40x64x64xf32> to vector<1x64x64xf32>
    %squeeze3A_1696 = vector.shape_cast %slice3A_1695 : vector<1x64x64xf32> to vector<64x64xf32>
    %dot_general3A_1697 = arith.constant dense<0.000000e+00> : vector<64x64xf32>
    %dot_general3A_1698 = tpu.matmul %squeeze3A_1694, %squeeze3A_1696, %dot_general3A_1697 {dimension_numbers = #tpu.dot_dimension_numbers<[1], [1], [0], [0], [0, 0, 1, 0], [], []>, transpose_lhs_hint = false} : vector<64x64xf32>, vector<64x64xf32>, vector<64x64xf32> -> vector<64x64xf32>
    %slice3A_1699 = vector.extract_strided_slice %select_n3A_1417 {offsets = [25, 0, 0], sizes = [1, 64, 64], strides = [1, 1, 1]} : vector<40x64x64xf32> to vector<1x64x64xf32>
    %squeeze3A_1700 = vector.shape_cast %slice3A_1699 : vector<1x64x64xf32> to vector<64x64xf32>
    %dot_general3A_1701 = arith.constant dense<0.000000e+00> : vector<64x64xf32>
    %dot_general3A_1702 = tpu.matmul %dot_general3A_1698, %squeeze3A_1700, %dot_general3A_1701 {dimension_numbers = #tpu.dot_dimension_numbers<[1], [0], [0], [1], [0, 0, 1, 1], [], []>, transpose_lhs_hint = false} : vector<64x64xf32>, vector<64x64xf32>, vector<64x64xf32> -> vector<64x64xf32>
    %broadcast_in_dim3A_1703 = vector.shape_cast %dot_general3A_1702 : vector<64x64xf32> to vector<1x64x64xf32>
    %slice3A_1704 = vector.extract_strided_slice %get3A_18 {offsets = [26, 0, 0], sizes = [1, 64, 64], strides = [1, 1, 1]} : vector<40x64x64xf32> to vector<1x64x64xf32>
    %squeeze3A_1705 = vector.shape_cast %slice3A_1704 : vector<1x64x64xf32> to vector<64x64xf32>
    %slice3A_1706 = vector.extract_strided_slice %scan3A_1377#1 {offsets = [26, 0, 0], sizes = [1, 64, 64], strides = [1, 1, 1]} : vector<40x64x64xf32> to vector<1x64x64xf32>
    %squeeze3A_1707 = vector.shape_cast %slice3A_1706 : vector<1x64x64xf32> to vector<64x64xf32>
    %dot_general3A_1708 = arith.constant dense<0.000000e+00> : vector<64x64xf32>
    %dot_general3A_1709 = tpu.matmul %squeeze3A_1705, %squeeze3A_1707, %dot_general3A_1708 {dimension_numbers = #tpu.dot_dimension_numbers<[1], [1], [0], [0], [0, 0, 1, 0], [], []>, transpose_lhs_hint = false} : vector<64x64xf32>, vector<64x64xf32>, vector<64x64xf32> -> vector<64x64xf32>
    %slice3A_1710 = vector.extract_strided_slice %select_n3A_1417 {offsets = [26, 0, 0], sizes = [1, 64, 64], strides = [1, 1, 1]} : vector<40x64x64xf32> to vector<1x64x64xf32>
    %squeeze3A_1711 = vector.shape_cast %slice3A_1710 : vector<1x64x64xf32> to vector<64x64xf32>
    %dot_general3A_1712 = arith.constant dense<0.000000e+00> : vector<64x64xf32>
    %dot_general3A_1713 = tpu.matmul %dot_general3A_1709, %squeeze3A_1711, %dot_general3A_1712 {dimension_numbers = #tpu.dot_dimension_numbers<[1], [0], [0], [1], [0, 0, 1, 1], [], []>, transpose_lhs_hint = false} : vector<64x64xf32>, vector<64x64xf32>, vector<64x64xf32> -> vector<64x64xf32>
    %broadcast_in_dim3A_1714 = vector.shape_cast %dot_general3A_1713 : vector<64x64xf32> to vector<1x64x64xf32>
    %slice3A_1715 = vector.extract_strided_slice %get3A_18 {offsets = [27, 0, 0], sizes = [1, 64, 64], strides = [1, 1, 1]} : vector<40x64x64xf32> to vector<1x64x64xf32>
    %squeeze3A_1716 = vector.shape_cast %slice3A_1715 : vector<1x64x64xf32> to vector<64x64xf32>
    %slice3A_1717 = vector.extract_strided_slice %scan3A_1377#1 {offsets = [27, 0, 0], sizes = [1, 64, 64], strides = [1, 1, 1]} : vector<40x64x64xf32> to vector<1x64x64xf32>
    %squeeze3A_1718 = vector.shape_cast %slice3A_1717 : vector<1x64x64xf32> to vector<64x64xf32>
    %dot_general3A_1719 = arith.constant dense<0.000000e+00> : vector<64x64xf32>
    %dot_general3A_1720 = tpu.matmul %squeeze3A_1716, %squeeze3A_1718, %dot_general3A_1719 {dimension_numbers = #tpu.dot_dimension_numbers<[1], [1], [0], [0], [0, 0, 1, 0], [], []>, transpose_lhs_hint = false} : vector<64x64xf32>, vector<64x64xf32>, vector<64x64xf32> -> vector<64x64xf32>
    %slice3A_1721 = vector.extract_strided_slice %select_n3A_1417 {offsets = [27, 0, 0], sizes = [1, 64, 64], strides = [1, 1, 1]} : vector<40x64x64xf32> to vector<1x64x64xf32>
    %squeeze3A_1722 = vector.shape_cast %slice3A_1721 : vector<1x64x64xf32> to vector<64x64xf32>
    %dot_general3A_1723 = arith.constant dense<0.000000e+00> : vector<64x64xf32>
    %dot_general3A_1724 = tpu.matmul %dot_general3A_1720, %squeeze3A_1722, %dot_general3A_1723 {dimension_numbers = #tpu.dot_dimension_numbers<[1], [0], [0], [1], [0, 0, 1, 1], [], []>, transpose_lhs_hint = false} : vector<64x64xf32>, vector<64x64xf32>, vector<64x64xf32> -> vector<64x64xf32>
    %broadcast_in_dim3A_1725 = vector.shape_cast %dot_general3A_1724 : vector<64x64xf32> to vector<1x64x64xf32>
    %slice3A_1726 = vector.extract_strided_slice %get3A_18 {offsets = [28, 0, 0], sizes = [1, 64, 64], strides = [1, 1, 1]} : vector<40x64x64xf32> to vector<1x64x64xf32>
    %squeeze3A_1727 = vector.shape_cast %slice3A_1726 : vector<1x64x64xf32> to vector<64x64xf32>
    %slice3A_1728 = vector.extract_strided_slice %scan3A_1377#1 {offsets = [28, 0, 0], sizes = [1, 64, 64], strides = [1, 1, 1]} : vector<40x64x64xf32> to vector<1x64x64xf32>
    %squeeze3A_1729 = vector.shape_cast %slice3A_1728 : vector<1x64x64xf32> to vector<64x64xf32>
    %dot_general3A_1730 = arith.constant dense<0.000000e+00> : vector<64x64xf32>
    %dot_general3A_1731 = tpu.matmul %squeeze3A_1727, %squeeze3A_1729, %dot_general3A_1730 {dimension_numbers = #tpu.dot_dimension_numbers<[1], [1], [0], [0], [0, 0, 1, 0], [], []>, transpose_lhs_hint = false} : vector<64x64xf32>, vector<64x64xf32>, vector<64x64xf32> -> vector<64x64xf32>
    %slice3A_1732 = vector.extract_strided_slice %select_n3A_1417 {offsets = [28, 0, 0], sizes = [1, 64, 64], strides = [1, 1, 1]} : vector<40x64x64xf32> to vector<1x64x64xf32>
    %squeeze3A_1733 = vector.shape_cast %slice3A_1732 : vector<1x64x64xf32> to vector<64x64xf32>
    %dot_general3A_1734 = arith.constant dense<0.000000e+00> : vector<64x64xf32>
    %dot_general3A_1735 = tpu.matmul %dot_general3A_1731, %squeeze3A_1733, %dot_general3A_1734 {dimension_numbers = #tpu.dot_dimension_numbers<[1], [0], [0], [1], [0, 0, 1, 1], [], []>, transpose_lhs_hint = false} : vector<64x64xf32>, vector<64x64xf32>, vector<64x64xf32> -> vector<64x64xf32>
    %broadcast_in_dim3A_1736 = vector.shape_cast %dot_general3A_1735 : vector<64x64xf32> to vector<1x64x64xf32>
    %slice3A_1737 = vector.extract_strided_slice %get3A_18 {offsets = [29, 0, 0], sizes = [1, 64, 64], strides = [1, 1, 1]} : vector<40x64x64xf32> to vector<1x64x64xf32>
    %squeeze3A_1738 = vector.shape_cast %slice3A_1737 : vector<1x64x64xf32> to vector<64x64xf32>
    %slice3A_1739 = vector.extract_strided_slice %scan3A_1377#1 {offsets = [29, 0, 0], sizes = [1, 64, 64], strides = [1, 1, 1]} : vector<40x64x64xf32> to vector<1x64x64xf32>
    %squeeze3A_1740 = vector.shape_cast %slice3A_1739 : vector<1x64x64xf32> to vector<64x64xf32>
    %dot_general3A_1741 = arith.constant dense<0.000000e+00> : vector<64x64xf32>
    %dot_general3A_1742 = tpu.matmul %squeeze3A_1738, %squeeze3A_1740, %dot_general3A_1741 {dimension_numbers = #tpu.dot_dimension_numbers<[1], [1], [0], [0], [0, 0, 1, 0], [], []>, transpose_lhs_hint = false} : vector<64x64xf32>, vector<64x64xf32>, vector<64x64xf32> -> vector<64x64xf32>
    %slice3A_1743 = vector.extract_strided_slice %select_n3A_1417 {offsets = [29, 0, 0], sizes = [1, 64, 64], strides = [1, 1, 1]} : vector<40x64x64xf32> to vector<1x64x64xf32>
    %squeeze3A_1744 = vector.shape_cast %slice3A_1743 : vector<1x64x64xf32> to vector<64x64xf32>
    %dot_general3A_1745 = arith.constant dense<0.000000e+00> : vector<64x64xf32>
    %dot_general3A_1746 = tpu.matmul %dot_general3A_1742, %squeeze3A_1744, %dot_general3A_1745 {dimension_numbers = #tpu.dot_dimension_numbers<[1], [0], [0], [1], [0, 0, 1, 1], [], []>, transpose_lhs_hint = false} : vector<64x64xf32>, vector<64x64xf32>, vector<64x64xf32> -> vector<64x64xf32>
    %broadcast_in_dim3A_1747 = vector.shape_cast %dot_general3A_1746 : vector<64x64xf32> to vector<1x64x64xf32>
    %slice3A_1748 = vector.extract_strided_slice %get3A_18 {offsets = [30, 0, 0], sizes = [1, 64, 64], strides = [1, 1, 1]} : vector<40x64x64xf32> to vector<1x64x64xf32>
    %squeeze3A_1749 = vector.shape_cast %slice3A_1748 : vector<1x64x64xf32> to vector<64x64xf32>
    %slice3A_1750 = vector.extract_strided_slice %scan3A_1377#1 {offsets = [30, 0, 0], sizes = [1, 64, 64], strides = [1, 1, 1]} : vector<40x64x64xf32> to vector<1x64x64xf32>
    %squeeze3A_1751 = vector.shape_cast %slice3A_1750 : vector<1x64x64xf32> to vector<64x64xf32>
    %dot_general3A_1752 = arith.constant dense<0.000000e+00> : vector<64x64xf32>
    %dot_general3A_1753 = tpu.matmul %squeeze3A_1749, %squeeze3A_1751, %dot_general3A_1752 {dimension_numbers = #tpu.dot_dimension_numbers<[1], [1], [0], [0], [0, 0, 1, 0], [], []>, transpose_lhs_hint = false} : vector<64x64xf32>, vector<64x64xf32>, vector<64x64xf32> -> vector<64x64xf32>
    %slice3A_1754 = vector.extract_strided_slice %select_n3A_1417 {offsets = [30, 0, 0], sizes = [1, 64, 64], strides = [1, 1, 1]} : vector<40x64x64xf32> to vector<1x64x64xf32>
    %squeeze3A_1755 = vector.shape_cast %slice3A_1754 : vector<1x64x64xf32> to vector<64x64xf32>
    %dot_general3A_1756 = arith.constant dense<0.000000e+00> : vector<64x64xf32>
    %dot_general3A_1757 = tpu.matmul %dot_general3A_1753, %squeeze3A_1755, %dot_general3A_1756 {dimension_numbers = #tpu.dot_dimension_numbers<[1], [0], [0], [1], [0, 0, 1, 1], [], []>, transpose_lhs_hint = false} : vector<64x64xf32>, vector<64x64xf32>, vector<64x64xf32> -> vector<64x64xf32>
    %broadcast_in_dim3A_1758 = vector.shape_cast %dot_general3A_1757 : vector<64x64xf32> to vector<1x64x64xf32>
    %slice3A_1759 = vector.extract_strided_slice %get3A_18 {offsets = [31, 0, 0], sizes = [1, 64, 64], strides = [1, 1, 1]} : vector<40x64x64xf32> to vector<1x64x64xf32>
    %squeeze3A_1760 = vector.shape_cast %slice3A_1759 : vector<1x64x64xf32> to vector<64x64xf32>
    %slice3A_1761 = vector.extract_strided_slice %scan3A_1377#1 {offsets = [31, 0, 0], sizes = [1, 64, 64], strides = [1, 1, 1]} : vector<40x64x64xf32> to vector<1x64x64xf32>
    %squeeze3A_1762 = vector.shape_cast %slice3A_1761 : vector<1x64x64xf32> to vector<64x64xf32>
    %dot_general3A_1763 = arith.constant dense<0.000000e+00> : vector<64x64xf32>
    %dot_general3A_1764 = tpu.matmul %squeeze3A_1760, %squeeze3A_1762, %dot_general3A_1763 {dimension_numbers = #tpu.dot_dimension_numbers<[1], [1], [0], [0], [0, 0, 1, 0], [], []>, transpose_lhs_hint = false} : vector<64x64xf32>, vector<64x64xf32>, vector<64x64xf32> -> vector<64x64xf32>
    %slice3A_1765 = vector.extract_strided_slice %select_n3A_1417 {offsets = [31, 0, 0], sizes = [1, 64, 64], strides = [1, 1, 1]} : vector<40x64x64xf32> to vector<1x64x64xf32>
    %squeeze3A_1766 = vector.shape_cast %slice3A_1765 : vector<1x64x64xf32> to vector<64x64xf32>
    %dot_general3A_1767 = arith.constant dense<0.000000e+00> : vector<64x64xf32>
    %dot_general3A_1768 = tpu.matmul %dot_general3A_1764, %squeeze3A_1766, %dot_general3A_1767 {dimension_numbers = #tpu.dot_dimension_numbers<[1], [0], [0], [1], [0, 0, 1, 1], [], []>, transpose_lhs_hint = false} : vector<64x64xf32>, vector<64x64xf32>, vector<64x64xf32> -> vector<64x64xf32>
    %broadcast_in_dim3A_1769 = vector.shape_cast %dot_general3A_1768 : vector<64x64xf32> to vector<1x64x64xf32>
    %slice3A_1770 = vector.extract_strided_slice %get3A_18 {offsets = [32, 0, 0], sizes = [1, 64, 64], strides = [1, 1, 1]} : vector<40x64x64xf32> to vector<1x64x64xf32>
    %squeeze3A_1771 = vector.shape_cast %slice3A_1770 : vector<1x64x64xf32> to vector<64x64xf32>
    %slice3A_1772 = vector.extract_strided_slice %scan3A_1377#1 {offsets = [32, 0, 0], sizes = [1, 64, 64], strides = [1, 1, 1]} : vector<40x64x64xf32> to vector<1x64x64xf32>
    %squeeze3A_1773 = vector.shape_cast %slice3A_1772 : vector<1x64x64xf32> to vector<64x64xf32>
    %dot_general3A_1774 = arith.constant dense<0.000000e+00> : vector<64x64xf32>
    %dot_general3A_1775 = tpu.matmul %squeeze3A_1771, %squeeze3A_1773, %dot_general3A_1774 {dimension_numbers = #tpu.dot_dimension_numbers<[1], [1], [0], [0], [0, 0, 1, 0], [], []>, transpose_lhs_hint = false} : vector<64x64xf32>, vector<64x64xf32>, vector<64x64xf32> -> vector<64x64xf32>
    %slice3A_1776 = vector.extract_strided_slice %select_n3A_1417 {offsets = [32, 0, 0], sizes = [1, 64, 64], strides = [1, 1, 1]} : vector<40x64x64xf32> to vector<1x64x64xf32>
    %squeeze3A_1777 = vector.shape_cast %slice3A_1776 : vector<1x64x64xf32> to vector<64x64xf32>
    %dot_general3A_1778 = arith.constant dense<0.000000e+00> : vector<64x64xf32>
    %dot_general3A_1779 = tpu.matmul %dot_general3A_1775, %squeeze3A_1777, %dot_general3A_1778 {dimension_numbers = #tpu.dot_dimension_numbers<[1], [0], [0], [1], [0, 0, 1, 1], [], []>, transpose_lhs_hint = false} : vector<64x64xf32>, vector<64x64xf32>, vector<64x64xf32> -> vector<64x64xf32>
    %broadcast_in_dim3A_1780 = vector.shape_cast %dot_general3A_1779 : vector<64x64xf32> to vector<1x64x64xf32>
    %slice3A_1781 = vector.extract_strided_slice %get3A_18 {offsets = [33, 0, 0], sizes = [1, 64, 64], strides = [1, 1, 1]} : vector<40x64x64xf32> to vector<1x64x64xf32>
    %squeeze3A_1782 = vector.shape_cast %slice3A_1781 : vector<1x64x64xf32> to vector<64x64xf32>
    %slice3A_1783 = vector.extract_strided_slice %scan3A_1377#1 {offsets = [33, 0, 0], sizes = [1, 64, 64], strides = [1, 1, 1]} : vector<40x64x64xf32> to vector<1x64x64xf32>
    %squeeze3A_1784 = vector.shape_cast %slice3A_1783 : vector<1x64x64xf32> to vector<64x64xf32>
    %dot_general3A_1785 = arith.constant dense<0.000000e+00> : vector<64x64xf32>
    %dot_general3A_1786 = tpu.matmul %squeeze3A_1782, %squeeze3A_1784, %dot_general3A_1785 {dimension_numbers = #tpu.dot_dimension_numbers<[1], [1], [0], [0], [0, 0, 1, 0], [], []>, transpose_lhs_hint = false} : vector<64x64xf32>, vector<64x64xf32>, vector<64x64xf32> -> vector<64x64xf32>
    %slice3A_1787 = vector.extract_strided_slice %select_n3A_1417 {offsets = [33, 0, 0], sizes = [1, 64, 64], strides = [1, 1, 1]} : vector<40x64x64xf32> to vector<1x64x64xf32>
    %squeeze3A_1788 = vector.shape_cast %slice3A_1787 : vector<1x64x64xf32> to vector<64x64xf32>
    %dot_general3A_1789 = arith.constant dense<0.000000e+00> : vector<64x64xf32>
    %dot_general3A_1790 = tpu.matmul %dot_general3A_1786, %squeeze3A_1788, %dot_general3A_1789 {dimension_numbers = #tpu.dot_dimension_numbers<[1], [0], [0], [1], [0, 0, 1, 1], [], []>, transpose_lhs_hint = false} : vector<64x64xf32>, vector<64x64xf32>, vector<64x64xf32> -> vector<64x64xf32>
    %broadcast_in_dim3A_1791 = vector.shape_cast %dot_general3A_1790 : vector<64x64xf32> to vector<1x64x64xf32>
    %slice3A_1792 = vector.extract_strided_slice %get3A_18 {offsets = [34, 0, 0], sizes = [1, 64, 64], strides = [1, 1, 1]} : vector<40x64x64xf32> to vector<1x64x64xf32>
    %squeeze3A_1793 = vector.shape_cast %slice3A_1792 : vector<1x64x64xf32> to vector<64x64xf32>
    %slice3A_1794 = vector.extract_strided_slice %scan3A_1377#1 {offsets = [34, 0, 0], sizes = [1, 64, 64], strides = [1, 1, 1]} : vector<40x64x64xf32> to vector<1x64x64xf32>
    %squeeze3A_1795 = vector.shape_cast %slice3A_1794 : vector<1x64x64xf32> to vector<64x64xf32>
    %dot_general3A_1796 = arith.constant dense<0.000000e+00> : vector<64x64xf32>
    %dot_general3A_1797 = tpu.matmul %squeeze3A_1793, %squeeze3A_1795, %dot_general3A_1796 {dimension_numbers = #tpu.dot_dimension_numbers<[1], [1], [0], [0], [0, 0, 1, 0], [], []>, transpose_lhs_hint = false} : vector<64x64xf32>, vector<64x64xf32>, vector<64x64xf32> -> vector<64x64xf32>
    %slice3A_1798 = vector.extract_strided_slice %select_n3A_1417 {offsets = [34, 0, 0], sizes = [1, 64, 64], strides = [1, 1, 1]} : vector<40x64x64xf32> to vector<1x64x64xf32>
    %squeeze3A_1799 = vector.shape_cast %slice3A_1798 : vector<1x64x64xf32> to vector<64x64xf32>
    %dot_general3A_1800 = arith.constant dense<0.000000e+00> : vector<64x64xf32>
    %dot_general3A_1801 = tpu.matmul %dot_general3A_1797, %squeeze3A_1799, %dot_general3A_1800 {dimension_numbers = #tpu.dot_dimension_numbers<[1], [0], [0], [1], [0, 0, 1, 1], [], []>, transpose_lhs_hint = false} : vector<64x64xf32>, vector<64x64xf32>, vector<64x64xf32> -> vector<64x64xf32>
    %broadcast_in_dim3A_1802 = vector.shape_cast %dot_general3A_1801 : vector<64x64xf32> to vector<1x64x64xf32>
    %slice3A_1803 = vector.extract_strided_slice %get3A_18 {offsets = [35, 0, 0], sizes = [1, 64, 64], strides = [1, 1, 1]} : vector<40x64x64xf32> to vector<1x64x64xf32>
    %squeeze3A_1804 = vector.shape_cast %slice3A_1803 : vector<1x64x64xf32> to vector<64x64xf32>
    %slice3A_1805 = vector.extract_strided_slice %scan3A_1377#1 {offsets = [35, 0, 0], sizes = [1, 64, 64], strides = [1, 1, 1]} : vector<40x64x64xf32> to vector<1x64x64xf32>
    %squeeze3A_1806 = vector.shape_cast %slice3A_1805 : vector<1x64x64xf32> to vector<64x64xf32>
    %dot_general3A_1807 = arith.constant dense<0.000000e+00> : vector<64x64xf32>
    %dot_general3A_1808 = tpu.matmul %squeeze3A_1804, %squeeze3A_1806, %dot_general3A_1807 {dimension_numbers = #tpu.dot_dimension_numbers<[1], [1], [0], [0], [0, 0, 1, 0], [], []>, transpose_lhs_hint = false} : vector<64x64xf32>, vector<64x64xf32>, vector<64x64xf32> -> vector<64x64xf32>
    %slice3A_1809 = vector.extract_strided_slice %select_n3A_1417 {offsets = [35, 0, 0], sizes = [1, 64, 64], strides = [1, 1, 1]} : vector<40x64x64xf32> to vector<1x64x64xf32>
    %squeeze3A_1810 = vector.shape_cast %slice3A_1809 : vector<1x64x64xf32> to vector<64x64xf32>
    %dot_general3A_1811 = arith.constant dense<0.000000e+00> : vector<64x64xf32>
    %dot_general3A_1812 = tpu.matmul %dot_general3A_1808, %squeeze3A_1810, %dot_general3A_1811 {dimension_numbers = #tpu.dot_dimension_numbers<[1], [0], [0], [1], [0, 0, 1, 1], [], []>, transpose_lhs_hint = false} : vector<64x64xf32>, vector<64x64xf32>, vector<64x64xf32> -> vector<64x64xf32>
    %broadcast_in_dim3A_1813 = vector.shape_cast %dot_general3A_1812 : vector<64x64xf32> to vector<1x64x64xf32>
    %slice3A_1814 = vector.extract_strided_slice %get3A_18 {offsets = [36, 0, 0], sizes = [1, 64, 64], strides = [1, 1, 1]} : vector<40x64x64xf32> to vector<1x64x64xf32>
    %squeeze3A_1815 = vector.shape_cast %slice3A_1814 : vector<1x64x64xf32> to vector<64x64xf32>
    %slice3A_1816 = vector.extract_strided_slice %scan3A_1377#1 {offsets = [36, 0, 0], sizes = [1, 64, 64], strides = [1, 1, 1]} : vector<40x64x64xf32> to vector<1x64x64xf32>
    %squeeze3A_1817 = vector.shape_cast %slice3A_1816 : vector<1x64x64xf32> to vector<64x64xf32>
    %dot_general3A_1818 = arith.constant dense<0.000000e+00> : vector<64x64xf32>
    %dot_general3A_1819 = tpu.matmul %squeeze3A_1815, %squeeze3A_1817, %dot_general3A_1818 {dimension_numbers = #tpu.dot_dimension_numbers<[1], [1], [0], [0], [0, 0, 1, 0], [], []>, transpose_lhs_hint = false} : vector<64x64xf32>, vector<64x64xf32>, vector<64x64xf32> -> vector<64x64xf32>
    %slice3A_1820 = vector.extract_strided_slice %select_n3A_1417 {offsets = [36, 0, 0], sizes = [1, 64, 64], strides = [1, 1, 1]} : vector<40x64x64xf32> to vector<1x64x64xf32>
    %squeeze3A_1821 = vector.shape_cast %slice3A_1820 : vector<1x64x64xf32> to vector<64x64xf32>
    %dot_general3A_1822 = arith.constant dense<0.000000e+00> : vector<64x64xf32>
    %dot_general3A_1823 = tpu.matmul %dot_general3A_1819, %squeeze3A_1821, %dot_general3A_1822 {dimension_numbers = #tpu.dot_dimension_numbers<[1], [0], [0], [1], [0, 0, 1, 1], [], []>, transpose_lhs_hint = false} : vector<64x64xf32>, vector<64x64xf32>, vector<64x64xf32> -> vector<64x64xf32>
    %broadcast_in_dim3A_1824 = vector.shape_cast %dot_general3A_1823 : vector<64x64xf32> to vector<1x64x64xf32>
    %slice3A_1825 = vector.extract_strided_slice %get3A_18 {offsets = [37, 0, 0], sizes = [1, 64, 64], strides = [1, 1, 1]} : vector<40x64x64xf32> to vector<1x64x64xf32>
    %squeeze3A_1826 = vector.shape_cast %slice3A_1825 : vector<1x64x64xf32> to vector<64x64xf32>
    %slice3A_1827 = vector.extract_strided_slice %scan3A_1377#1 {offsets = [37, 0, 0], sizes = [1, 64, 64], strides = [1, 1, 1]} : vector<40x64x64xf32> to vector<1x64x64xf32>
    %squeeze3A_1828 = vector.shape_cast %slice3A_1827 : vector<1x64x64xf32> to vector<64x64xf32>
    %dot_general3A_1829 = arith.constant dense<0.000000e+00> : vector<64x64xf32>
    %dot_general3A_1830 = tpu.matmul %squeeze3A_1826, %squeeze3A_1828, %dot_general3A_1829 {dimension_numbers = #tpu.dot_dimension_numbers<[1], [1], [0], [0], [0, 0, 1, 0], [], []>, transpose_lhs_hint = false} : vector<64x64xf32>, vector<64x64xf32>, vector<64x64xf32> -> vector<64x64xf32>
    %slice3A_1831 = vector.extract_strided_slice %select_n3A_1417 {offsets = [37, 0, 0], sizes = [1, 64, 64], strides = [1, 1, 1]} : vector<40x64x64xf32> to vector<1x64x64xf32>
    %squeeze3A_1832 = vector.shape_cast %slice3A_1831 : vector<1x64x64xf32> to vector<64x64xf32>
    %dot_general3A_1833 = arith.constant dense<0.000000e+00> : vector<64x64xf32>
    %dot_general3A_1834 = tpu.matmul %dot_general3A_1830, %squeeze3A_1832, %dot_general3A_1833 {dimension_numbers = #tpu.dot_dimension_numbers<[1], [0], [0], [1], [0, 0, 1, 1], [], []>, transpose_lhs_hint = false} : vector<64x64xf32>, vector<64x64xf32>, vector<64x64xf32> -> vector<64x64xf32>
    %broadcast_in_dim3A_1835 = vector.shape_cast %dot_general3A_1834 : vector<64x64xf32> to vector<1x64x64xf32>
    %slice3A_1836 = vector.extract_strided_slice %get3A_18 {offsets = [38, 0, 0], sizes = [1, 64, 64], strides = [1, 1, 1]} : vector<40x64x64xf32> to vector<1x64x64xf32>
    %squeeze3A_1837 = vector.shape_cast %slice3A_1836 : vector<1x64x64xf32> to vector<64x64xf32>
    %slice3A_1838 = vector.extract_strided_slice %scan3A_1377#1 {offsets = [38, 0, 0], sizes = [1, 64, 64], strides = [1, 1, 1]} : vector<40x64x64xf32> to vector<1x64x64xf32>
    %squeeze3A_1839 = vector.shape_cast %slice3A_1838 : vector<1x64x64xf32> to vector<64x64xf32>
    %dot_general3A_1840 = arith.constant dense<0.000000e+00> : vector<64x64xf32>
    %dot_general3A_1841 = tpu.matmul %squeeze3A_1837, %squeeze3A_1839, %dot_general3A_1840 {dimension_numbers = #tpu.dot_dimension_numbers<[1], [1], [0], [0], [0, 0, 1, 0], [], []>, transpose_lhs_hint = false} : vector<64x64xf32>, vector<64x64xf32>, vector<64x64xf32> -> vector<64x64xf32>
    %slice3A_1842 = vector.extract_strided_slice %select_n3A_1417 {offsets = [38, 0, 0], sizes = [1, 64, 64], strides = [1, 1, 1]} : vector<40x64x64xf32> to vector<1x64x64xf32>
    %squeeze3A_1843 = vector.shape_cast %slice3A_1842 : vector<1x64x64xf32> to vector<64x64xf32>
    %dot_general3A_1844 = arith.constant dense<0.000000e+00> : vector<64x64xf32>
    %dot_general3A_1845 = tpu.matmul %dot_general3A_1841, %squeeze3A_1843, %dot_general3A_1844 {dimension_numbers = #tpu.dot_dimension_numbers<[1], [0], [0], [1], [0, 0, 1, 1], [], []>, transpose_lhs_hint = false} : vector<64x64xf32>, vector<64x64xf32>, vector<64x64xf32> -> vector<64x64xf32>
    %broadcast_in_dim3A_1846 = vector.shape_cast %dot_general3A_1845 : vector<64x64xf32> to vector<1x64x64xf32>
    %slice3A_1847 = vector.extract_strided_slice %get3A_18 {offsets = [39, 0, 0], sizes = [1, 64, 64], strides = [1, 1, 1]} : vector<40x64x64xf32> to vector<1x64x64xf32>
    %squeeze3A_1848 = vector.shape_cast %slice3A_1847 : vector<1x64x64xf32> to vector<64x64xf32>
    %slice3A_1849 = vector.extract_strided_slice %scan3A_1377#1 {offsets = [39, 0, 0], sizes = [1, 64, 64], strides = [1, 1, 1]} : vector<40x64x64xf32> to vector<1x64x64xf32>
    %squeeze3A_1850 = vector.shape_cast %slice3A_1849 : vector<1x64x64xf32> to vector<64x64xf32>
    %dot_general3A_1851 = arith.constant dense<0.000000e+00> : vector<64x64xf32>
    %dot_general3A_1852 = tpu.matmul %squeeze3A_1848, %squeeze3A_1850, %dot_general3A_1851 {dimension_numbers = #tpu.dot_dimension_numbers<[1], [1], [0], [0], [0, 0, 1, 0], [], []>, transpose_lhs_hint = false} : vector<64x64xf32>, vector<64x64xf32>, vector<64x64xf32> -> vector<64x64xf32>
    %slice3A_1853 = vector.extract_strided_slice %select_n3A_1417 {offsets = [39, 0, 0], sizes = [1, 64, 64], strides = [1, 1, 1]} : vector<40x64x64xf32> to vector<1x64x64xf32>
    %squeeze3A_1854 = vector.shape_cast %slice3A_1853 : vector<1x64x64xf32> to vector<64x64xf32>
    %dot_general3A_1855 = arith.constant dense<0.000000e+00> : vector<64x64xf32>
    %dot_general3A_1856 = tpu.matmul %dot_general3A_1852, %squeeze3A_1854, %dot_general3A_1855 {dimension_numbers = #tpu.dot_dimension_numbers<[1], [0], [0], [1], [0, 0, 1, 1], [], []>, transpose_lhs_hint = false} : vector<64x64xf32>, vector<64x64xf32>, vector<64x64xf32> -> vector<64x64xf32>
    %broadcast_in_dim3A_1857 = vector.shape_cast %dot_general3A_1856 : vector<64x64xf32> to vector<1x64x64xf32>
    %concatenate3A_1858 = tpu.concatenate %broadcast_in_dim3A_1428, %broadcast_in_dim3A_1439, %broadcast_in_dim3A_1450, %broadcast_in_dim3A_1461, %broadcast_in_dim3A_1472, %broadcast_in_dim3A_1483, %broadcast_in_dim3A_1494, %broadcast_in_dim3A_1505, %broadcast_in_dim3A_1516, %broadcast_in_dim3A_1527, %broadcast_in_dim3A_1538, %broadcast_in_dim3A_1549, %broadcast_in_dim3A_1560, %broadcast_in_dim3A_1571, %broadcast_in_dim3A_1582, %broadcast_in_dim3A_1593, %broadcast_in_dim3A_1604, %broadcast_in_dim3A_1615, %broadcast_in_dim3A_1626, %broadcast_in_dim3A_1637, %broadcast_in_dim3A_1648, %broadcast_in_dim3A_1659, %broadcast_in_dim3A_1670, %broadcast_in_dim3A_1681, %broadcast_in_dim3A_1692, %broadcast_in_dim3A_1703, %broadcast_in_dim3A_1714, %broadcast_in_dim3A_1725, %broadcast_in_dim3A_1736, %broadcast_in_dim3A_1747, %broadcast_in_dim3A_1758, %broadcast_in_dim3A_1769, %broadcast_in_dim3A_1780, %broadcast_in_dim3A_1791, %broadcast_in_dim3A_1802, %broadcast_in_dim3A_1813, %broadcast_in_dim3A_1824, %broadcast_in_dim3A_1835, %broadcast_in_dim3A_1846, %broadcast_in_dim3A_1857 in 0 : vector<1x64x64xf32>, vector<1x64x64xf32>, vector<1x64x64xf32>, vector<1x64x64xf32>, vector<1x64x64xf32>, vector<1x64x64xf32>, vector<1x64x64xf32>, vector<1x64x64xf32>, vector<1x64x64xf32>, vector<1x64x64xf32>, vector<1x64x64xf32>, vector<1x64x64xf32>, vector<1x64x64xf32>, vector<1x64x64xf32>, vector<1x64x64xf32>, vector<1x64x64xf32>, vector<1x64x64xf32>, vector<1x64x64xf32>, vector<1x64x64xf32>, vector<1x64x64xf32>, vector<1x64x64xf32>, vector<1x64x64xf32>, vector<1x64x64xf32>, vector<1x64x64xf32>, vector<1x64x64xf32>, vector<1x64x64xf32>, vector<1x64x64xf32>, vector<1x64x64xf32>, vector<1x64x64xf32>, vector<1x64x64xf32>, vector<1x64x64xf32>, vector<1x64x64xf32>, vector<1x64x64xf32>, vector<1x64x64xf32>, vector<1x64x64xf32>, vector<1x64x64xf32>, vector<1x64x64xf32>, vector<1x64x64xf32>, vector<1x64x64xf32>, vector<1x64x64xf32> -> vector<40x64x64xf32>
    %mul3A_1859 = arith.mulf %get3A_22, %concatenate3A_1858 : vector<40x64x64xf32>
    %slice3A_1860 = vector.extract_strided_slice %mul3A_1859 {offsets = [0, 0, 0], sizes = [1, 64, 64], strides = [1, 1, 1]} : vector<40x64x64xf32> to vector<1x64x64xf32>
    %squeeze3A_1861 = vector.shape_cast %slice3A_1860 : vector<1x64x64xf32> to vector<64x64xf32>
    %slice3A_1862 = vector.extract_strided_slice %mul3A_1859 {offsets = [0, 0, 0], sizes = [1, 64, 64], strides = [1, 1, 1]} : vector<40x64x64xf32> to vector<1x64x64xf32>
    %squeeze3A_1863 = vector.shape_cast %slice3A_1862 : vector<1x64x64xf32> to vector<64x64xf32>
    %dot_general3A_1864 = arith.constant dense<0.000000e+00> : vector<64x64xf32>
    %dot_general3A_1865 = tpu.matmul %squeeze3A_1861, %squeeze3A_1863, %dot_general3A_1864 {dimension_numbers = #tpu.dot_dimension_numbers<[1], [1], [0], [0], [0, 0, 1, 0], [], []>, transpose_lhs_hint = false} : vector<64x64xf32>, vector<64x64xf32>, vector<64x64xf32> -> vector<64x64xf32>
    %mul3A_1866 = arith.constant 2.000000e+00 : f32
    %mul3A_1867 = vector.broadcast %mul3A_1866 : f32 to vector<64x64xf32>
    %mul3A_1868 = arith.mulf %mul3A_1867, %dot_general3A_1865 : vector<64x64xf32>
    %broadcast_in_dim3A_1869 = vector.shape_cast %mul3A_1868 : vector<64x64xf32> to vector<1x64x64xf32>
    %slice3A_1870 = vector.extract_strided_slice %mul3A_1859 {offsets = [1, 0, 0], sizes = [1, 64, 64], strides = [1, 1, 1]} : vector<40x64x64xf32> to vector<1x64x64xf32>
    %squeeze3A_1871 = vector.shape_cast %slice3A_1870 : vector<1x64x64xf32> to vector<64x64xf32>
    %slice3A_1872 = vector.extract_strided_slice %mul3A_1859 {offsets = [1, 0, 0], sizes = [1, 64, 64], strides = [1, 1, 1]} : vector<40x64x64xf32> to vector<1x64x64xf32>
    %squeeze3A_1873 = vector.shape_cast %slice3A_1872 : vector<1x64x64xf32> to vector<64x64xf32>
    %dot_general3A_1874 = arith.constant dense<0.000000e+00> : vector<64x64xf32>
    %dot_general3A_1875 = tpu.matmul %squeeze3A_1871, %squeeze3A_1873, %dot_general3A_1874 {dimension_numbers = #tpu.dot_dimension_numbers<[1], [1], [0], [0], [0, 0, 1, 0], [], []>, transpose_lhs_hint = false} : vector<64x64xf32>, vector<64x64xf32>, vector<64x64xf32> -> vector<64x64xf32>
    %mul3A_1876 = arith.constant 2.000000e+00 : f32
    %mul3A_1877 = vector.broadcast %mul3A_1876 : f32 to vector<64x64xf32>
    %mul3A_1878 = arith.mulf %mul3A_1877, %dot_general3A_1875 : vector<64x64xf32>
    %broadcast_in_dim3A_1879 = vector.shape_cast %mul3A_1878 : vector<64x64xf32> to vector<1x64x64xf32>
    %slice3A_1880 = vector.extract_strided_slice %mul3A_1859 {offsets = [2, 0, 0], sizes = [1, 64, 64], strides = [1, 1, 1]} : vector<40x64x64xf32> to vector<1x64x64xf32>
    %squeeze3A_1881 = vector.shape_cast %slice3A_1880 : vector<1x64x64xf32> to vector<64x64xf32>
    %slice3A_1882 = vector.extract_strided_slice %mul3A_1859 {offsets = [2, 0, 0], sizes = [1, 64, 64], strides = [1, 1, 1]} : vector<40x64x64xf32> to vector<1x64x64xf32>
    %squeeze3A_1883 = vector.shape_cast %slice3A_1882 : vector<1x64x64xf32> to vector<64x64xf32>
    %dot_general3A_1884 = arith.constant dense<0.000000e+00> : vector<64x64xf32>
    %dot_general3A_1885 = tpu.matmul %squeeze3A_1881, %squeeze3A_1883, %dot_general3A_1884 {dimension_numbers = #tpu.dot_dimension_numbers<[1], [1], [0], [0], [0, 0, 1, 0], [], []>, transpose_lhs_hint = false} : vector<64x64xf32>, vector<64x64xf32>, vector<64x64xf32> -> vector<64x64xf32>
    %mul3A_1886 = arith.constant 2.000000e+00 : f32
    %mul3A_1887 = vector.broadcast %mul3A_1886 : f32 to vector<64x64xf32>
    %mul3A_1888 = arith.mulf %mul3A_1887, %dot_general3A_1885 : vector<64x64xf32>
    %broadcast_in_dim3A_1889 = vector.shape_cast %mul3A_1888 : vector<64x64xf32> to vector<1x64x64xf32>
    %slice3A_1890 = vector.extract_strided_slice %mul3A_1859 {offsets = [3, 0, 0], sizes = [1, 64, 64], strides = [1, 1, 1]} : vector<40x64x64xf32> to vector<1x64x64xf32>
    %squeeze3A_1891 = vector.shape_cast %slice3A_1890 : vector<1x64x64xf32> to vector<64x64xf32>
    %slice3A_1892 = vector.extract_strided_slice %mul3A_1859 {offsets = [3, 0, 0], sizes = [1, 64, 64], strides = [1, 1, 1]} : vector<40x64x64xf32> to vector<1x64x64xf32>
    %squeeze3A_1893 = vector.shape_cast %slice3A_1892 : vector<1x64x64xf32> to vector<64x64xf32>
    %dot_general3A_1894 = arith.constant dense<0.000000e+00> : vector<64x64xf32>
    %dot_general3A_1895 = tpu.matmul %squeeze3A_1891, %squeeze3A_1893, %dot_general3A_1894 {dimension_numbers = #tpu.dot_dimension_numbers<[1], [1], [0], [0], [0, 0, 1, 0], [], []>, transpose_lhs_hint = false} : vector<64x64xf32>, vector<64x64xf32>, vector<64x64xf32> -> vector<64x64xf32>
    %mul3A_1896 = arith.constant 2.000000e+00 : f32
    %mul3A_1897 = vector.broadcast %mul3A_1896 : f32 to vector<64x64xf32>
    %mul3A_1898 = arith.mulf %mul3A_1897, %dot_general3A_1895 : vector<64x64xf32>
    %broadcast_in_dim3A_1899 = vector.shape_cast %mul3A_1898 : vector<64x64xf32> to vector<1x64x64xf32>
    %slice3A_1900 = vector.extract_strided_slice %mul3A_1859 {offsets = [4, 0, 0], sizes = [1, 64, 64], strides = [1, 1, 1]} : vector<40x64x64xf32> to vector<1x64x64xf32>
    %squeeze3A_1901 = vector.shape_cast %slice3A_1900 : vector<1x64x64xf32> to vector<64x64xf32>
    %slice3A_1902 = vector.extract_strided_slice %mul3A_1859 {offsets = [4, 0, 0], sizes = [1, 64, 64], strides = [1, 1, 1]} : vector<40x64x64xf32> to vector<1x64x64xf32>
    %squeeze3A_1903 = vector.shape_cast %slice3A_1902 : vector<1x64x64xf32> to vector<64x64xf32>
    %dot_general3A_1904 = arith.constant dense<0.000000e+00> : vector<64x64xf32>
    %dot_general3A_1905 = tpu.matmul %squeeze3A_1901, %squeeze3A_1903, %dot_general3A_1904 {dimension_numbers = #tpu.dot_dimension_numbers<[1], [1], [0], [0], [0, 0, 1, 0], [], []>, transpose_lhs_hint = false} : vector<64x64xf32>, vector<64x64xf32>, vector<64x64xf32> -> vector<64x64xf32>
    %mul3A_1906 = arith.constant 2.000000e+00 : f32
    %mul3A_1907 = vector.broadcast %mul3A_1906 : f32 to vector<64x64xf32>
    %mul3A_1908 = arith.mulf %mul3A_1907, %dot_general3A_1905 : vector<64x64xf32>
    %broadcast_in_dim3A_1909 = vector.shape_cast %mul3A_1908 : vector<64x64xf32> to vector<1x64x64xf32>
    %slice3A_1910 = vector.extract_strided_slice %mul3A_1859 {offsets = [5, 0, 0], sizes = [1, 64, 64], strides = [1, 1, 1]} : vector<40x64x64xf32> to vector<1x64x64xf32>
    %squeeze3A_1911 = vector.shape_cast %slice3A_1910 : vector<1x64x64xf32> to vector<64x64xf32>
    %slice3A_1912 = vector.extract_strided_slice %mul3A_1859 {offsets = [5, 0, 0], sizes = [1, 64, 64], strides = [1, 1, 1]} : vector<40x64x64xf32> to vector<1x64x64xf32>
    %squeeze3A_1913 = vector.shape_cast %slice3A_1912 : vector<1x64x64xf32> to vector<64x64xf32>
    %dot_general3A_1914 = arith.constant dense<0.000000e+00> : vector<64x64xf32>
    %dot_general3A_1915 = tpu.matmul %squeeze3A_1911, %squeeze3A_1913, %dot_general3A_1914 {dimension_numbers = #tpu.dot_dimension_numbers<[1], [1], [0], [0], [0, 0, 1, 0], [], []>, transpose_lhs_hint = false} : vector<64x64xf32>, vector<64x64xf32>, vector<64x64xf32> -> vector<64x64xf32>
    %mul3A_1916 = arith.constant 2.000000e+00 : f32
    %mul3A_1917 = vector.broadcast %mul3A_1916 : f32 to vector<64x64xf32>
    %mul3A_1918 = arith.mulf %mul3A_1917, %dot_general3A_1915 : vector<64x64xf32>
    %broadcast_in_dim3A_1919 = vector.shape_cast %mul3A_1918 : vector<64x64xf32> to vector<1x64x64xf32>
    %slice3A_1920 = vector.extract_strided_slice %mul3A_1859 {offsets = [6, 0, 0], sizes = [1, 64, 64], strides = [1, 1, 1]} : vector<40x64x64xf32> to vector<1x64x64xf32>
    %squeeze3A_1921 = vector.shape_cast %slice3A_1920 : vector<1x64x64xf32> to vector<64x64xf32>
    %slice3A_1922 = vector.extract_strided_slice %mul3A_1859 {offsets = [6, 0, 0], sizes = [1, 64, 64], strides = [1, 1, 1]} : vector<40x64x64xf32> to vector<1x64x64xf32>
    %squeeze3A_1923 = vector.shape_cast %slice3A_1922 : vector<1x64x64xf32> to vector<64x64xf32>
    %dot_general3A_1924 = arith.constant dense<0.000000e+00> : vector<64x64xf32>
    %dot_general3A_1925 = tpu.matmul %squeeze3A_1921, %squeeze3A_1923, %dot_general3A_1924 {dimension_numbers = #tpu.dot_dimension_numbers<[1], [1], [0], [0], [0, 0, 1, 0], [], []>, transpose_lhs_hint = false} : vector<64x64xf32>, vector<64x64xf32>, vector<64x64xf32> -> vector<64x64xf32>
    %mul3A_1926 = arith.constant 2.000000e+00 : f32
    %mul3A_1927 = vector.broadcast %mul3A_1926 : f32 to vector<64x64xf32>
    %mul3A_1928 = arith.mulf %mul3A_1927, %dot_general3A_1925 : vector<64x64xf32>
    %broadcast_in_dim3A_1929 = vector.shape_cast %mul3A_1928 : vector<64x64xf32> to vector<1x64x64xf32>
    %slice3A_1930 = vector.extract_strided_slice %mul3A_1859 {offsets = [7, 0, 0], sizes = [1, 64, 64], strides = [1, 1, 1]} : vector<40x64x64xf32> to vector<1x64x64xf32>
    %squeeze3A_1931 = vector.shape_cast %slice3A_1930 : vector<1x64x64xf32> to vector<64x64xf32>
    %slice3A_1932 = vector.extract_strided_slice %mul3A_1859 {offsets = [7, 0, 0], sizes = [1, 64, 64], strides = [1, 1, 1]} : vector<40x64x64xf32> to vector<1x64x64xf32>
    %squeeze3A_1933 = vector.shape_cast %slice3A_1932 : vector<1x64x64xf32> to vector<64x64xf32>
    %dot_general3A_1934 = arith.constant dense<0.000000e+00> : vector<64x64xf32>
    %dot_general3A_1935 = tpu.matmul %squeeze3A_1931, %squeeze3A_1933, %dot_general3A_1934 {dimension_numbers = #tpu.dot_dimension_numbers<[1], [1], [0], [0], [0, 0, 1, 0], [], []>, transpose_lhs_hint = false} : vector<64x64xf32>, vector<64x64xf32>, vector<64x64xf32> -> vector<64x64xf32>
    %mul3A_1936 = arith.constant 2.000000e+00 : f32
    %mul3A_1937 = vector.broadcast %mul3A_1936 : f32 to vector<64x64xf32>
    %mul3A_1938 = arith.mulf %mul3A_1937, %dot_general3A_1935 : vector<64x64xf32>
    %broadcast_in_dim3A_1939 = vector.shape_cast %mul3A_1938 : vector<64x64xf32> to vector<1x64x64xf32>
    %slice3A_1940 = vector.extract_strided_slice %mul3A_1859 {offsets = [8, 0, 0], sizes = [1, 64, 64], strides = [1, 1, 1]} : vector<40x64x64xf32> to vector<1x64x64xf32>
    %squeeze3A_1941 = vector.shape_cast %slice3A_1940 : vector<1x64x64xf32> to vector<64x64xf32>
    %slice3A_1942 = vector.extract_strided_slice %mul3A_1859 {offsets = [8, 0, 0], sizes = [1, 64, 64], strides = [1, 1, 1]} : vector<40x64x64xf32> to vector<1x64x64xf32>
    %squeeze3A_1943 = vector.shape_cast %slice3A_1942 : vector<1x64x64xf32> to vector<64x64xf32>
    %dot_general3A_1944 = arith.constant dense<0.000000e+00> : vector<64x64xf32>
    %dot_general3A_1945 = tpu.matmul %squeeze3A_1941, %squeeze3A_1943, %dot_general3A_1944 {dimension_numbers = #tpu.dot_dimension_numbers<[1], [1], [0], [0], [0, 0, 1, 0], [], []>, transpose_lhs_hint = false} : vector<64x64xf32>, vector<64x64xf32>, vector<64x64xf32> -> vector<64x64xf32>
    %mul3A_1946 = arith.constant 2.000000e+00 : f32
    %mul3A_1947 = vector.broadcast %mul3A_1946 : f32 to vector<64x64xf32>
    %mul3A_1948 = arith.mulf %mul3A_1947, %dot_general3A_1945 : vector<64x64xf32>
    %broadcast_in_dim3A_1949 = vector.shape_cast %mul3A_1948 : vector<64x64xf32> to vector<1x64x64xf32>
    %slice3A_1950 = vector.extract_strided_slice %mul3A_1859 {offsets = [9, 0, 0], sizes = [1, 64, 64], strides = [1, 1, 1]} : vector<40x64x64xf32> to vector<1x64x64xf32>
    %squeeze3A_1951 = vector.shape_cast %slice3A_1950 : vector<1x64x64xf32> to vector<64x64xf32>
    %slice3A_1952 = vector.extract_strided_slice %mul3A_1859 {offsets = [9, 0, 0], sizes = [1, 64, 64], strides = [1, 1, 1]} : vector<40x64x64xf32> to vector<1x64x64xf32>
    %squeeze3A_1953 = vector.shape_cast %slice3A_1952 : vector<1x64x64xf32> to vector<64x64xf32>
    %dot_general3A_1954 = arith.constant dense<0.000000e+00> : vector<64x64xf32>
    %dot_general3A_1955 = tpu.matmul %squeeze3A_1951, %squeeze3A_1953, %dot_general3A_1954 {dimension_numbers = #tpu.dot_dimension_numbers<[1], [1], [0], [0], [0, 0, 1, 0], [], []>, transpose_lhs_hint = false} : vector<64x64xf32>, vector<64x64xf32>, vector<64x64xf32> -> vector<64x64xf32>
    %mul3A_1956 = arith.constant 2.000000e+00 : f32
    %mul3A_1957 = vector.broadcast %mul3A_1956 : f32 to vector<64x64xf32>
    %mul3A_1958 = arith.mulf %mul3A_1957, %dot_general3A_1955 : vector<64x64xf32>
    %broadcast_in_dim3A_1959 = vector.shape_cast %mul3A_1958 : vector<64x64xf32> to vector<1x64x64xf32>
    %slice3A_1960 = vector.extract_strided_slice %mul3A_1859 {offsets = [10, 0, 0], sizes = [1, 64, 64], strides = [1, 1, 1]} : vector<40x64x64xf32> to vector<1x64x64xf32>
    %squeeze3A_1961 = vector.shape_cast %slice3A_1960 : vector<1x64x64xf32> to vector<64x64xf32>
    %slice3A_1962 = vector.extract_strided_slice %mul3A_1859 {offsets = [10, 0, 0], sizes = [1, 64, 64], strides = [1, 1, 1]} : vector<40x64x64xf32> to vector<1x64x64xf32>
    %squeeze3A_1963 = vector.shape_cast %slice3A_1962 : vector<1x64x64xf32> to vector<64x64xf32>
    %dot_general3A_1964 = arith.constant dense<0.000000e+00> : vector<64x64xf32>
    %dot_general3A_1965 = tpu.matmul %squeeze3A_1961, %squeeze3A_1963, %dot_general3A_1964 {dimension_numbers = #tpu.dot_dimension_numbers<[1], [1], [0], [0], [0, 0, 1, 0], [], []>, transpose_lhs_hint = false} : vector<64x64xf32>, vector<64x64xf32>, vector<64x64xf32> -> vector<64x64xf32>
    %mul3A_1966 = arith.constant 2.000000e+00 : f32
    %mul3A_1967 = vector.broadcast %mul3A_1966 : f32 to vector<64x64xf32>
    %mul3A_1968 = arith.mulf %mul3A_1967, %dot_general3A_1965 : vector<64x64xf32>
    %broadcast_in_dim3A_1969 = vector.shape_cast %mul3A_1968 : vector<64x64xf32> to vector<1x64x64xf32>
    %slice3A_1970 = vector.extract_strided_slice %mul3A_1859 {offsets = [11, 0, 0], sizes = [1, 64, 64], strides = [1, 1, 1]} : vector<40x64x64xf32> to vector<1x64x64xf32>
    %squeeze3A_1971 = vector.shape_cast %slice3A_1970 : vector<1x64x64xf32> to vector<64x64xf32>
    %slice3A_1972 = vector.extract_strided_slice %mul3A_1859 {offsets = [11, 0, 0], sizes = [1, 64, 64], strides = [1, 1, 1]} : vector<40x64x64xf32> to vector<1x64x64xf32>
    %squeeze3A_1973 = vector.shape_cast %slice3A_1972 : vector<1x64x64xf32> to vector<64x64xf32>
    %dot_general3A_1974 = arith.constant dense<0.000000e+00> : vector<64x64xf32>
    %dot_general3A_1975 = tpu.matmul %squeeze3A_1971, %squeeze3A_1973, %dot_general3A_1974 {dimension_numbers = #tpu.dot_dimension_numbers<[1], [1], [0], [0], [0, 0, 1, 0], [], []>, transpose_lhs_hint = false} : vector<64x64xf32>, vector<64x64xf32>, vector<64x64xf32> -> vector<64x64xf32>
    %mul3A_1976 = arith.constant 2.000000e+00 : f32
    %mul3A_1977 = vector.broadcast %mul3A_1976 : f32 to vector<64x64xf32>
    %mul3A_1978 = arith.mulf %mul3A_1977, %dot_general3A_1975 : vector<64x64xf32>
    %broadcast_in_dim3A_1979 = vector.shape_cast %mul3A_1978 : vector<64x64xf32> to vector<1x64x64xf32>
    %slice3A_1980 = vector.extract_strided_slice %mul3A_1859 {offsets = [12, 0, 0], sizes = [1, 64, 64], strides = [1, 1, 1]} : vector<40x64x64xf32> to vector<1x64x64xf32>
    %squeeze3A_1981 = vector.shape_cast %slice3A_1980 : vector<1x64x64xf32> to vector<64x64xf32>
    %slice3A_1982 = vector.extract_strided_slice %mul3A_1859 {offsets = [12, 0, 0], sizes = [1, 64, 64], strides = [1, 1, 1]} : vector<40x64x64xf32> to vector<1x64x64xf32>
    %squeeze3A_1983 = vector.shape_cast %slice3A_1982 : vector<1x64x64xf32> to vector<64x64xf32>
    %dot_general3A_1984 = arith.constant dense<0.000000e+00> : vector<64x64xf32>
    %dot_general3A_1985 = tpu.matmul %squeeze3A_1981, %squeeze3A_1983, %dot_general3A_1984 {dimension_numbers = #tpu.dot_dimension_numbers<[1], [1], [0], [0], [0, 0, 1, 0], [], []>, transpose_lhs_hint = false} : vector<64x64xf32>, vector<64x64xf32>, vector<64x64xf32> -> vector<64x64xf32>
    %mul3A_1986 = arith.constant 2.000000e+00 : f32
    %mul3A_1987 = vector.broadcast %mul3A_1986 : f32 to vector<64x64xf32>
    %mul3A_1988 = arith.mulf %mul3A_1987, %dot_general3A_1985 : vector<64x64xf32>
    %broadcast_in_dim3A_1989 = vector.shape_cast %mul3A_1988 : vector<64x64xf32> to vector<1x64x64xf32>
    %slice3A_1990 = vector.extract_strided_slice %mul3A_1859 {offsets = [13, 0, 0], sizes = [1, 64, 64], strides = [1, 1, 1]} : vector<40x64x64xf32> to vector<1x64x64xf32>
    %squeeze3A_1991 = vector.shape_cast %slice3A_1990 : vector<1x64x64xf32> to vector<64x64xf32>
    %slice3A_1992 = vector.extract_strided_slice %mul3A_1859 {offsets = [13, 0, 0], sizes = [1, 64, 64], strides = [1, 1, 1]} : vector<40x64x64xf32> to vector<1x64x64xf32>
    %squeeze3A_1993 = vector.shape_cast %slice3A_1992 : vector<1x64x64xf32> to vector<64x64xf32>
    %dot_general3A_1994 = arith.constant dense<0.000000e+00> : vector<64x64xf32>
    %dot_general3A_1995 = tpu.matmul %squeeze3A_1991, %squeeze3A_1993, %dot_general3A_1994 {dimension_numbers = #tpu.dot_dimension_numbers<[1], [1], [0], [0], [0, 0, 1, 0], [], []>, transpose_lhs_hint = false} : vector<64x64xf32>, vector<64x64xf32>, vector<64x64xf32> -> vector<64x64xf32>
    %mul3A_1996 = arith.constant 2.000000e+00 : f32
    %mul3A_1997 = vector.broadcast %mul3A_1996 : f32 to vector<64x64xf32>
    %mul3A_1998 = arith.mulf %mul3A_1997, %dot_general3A_1995 : vector<64x64xf32>
    %broadcast_in_dim3A_1999 = vector.shape_cast %mul3A_1998 : vector<64x64xf32> to vector<1x64x64xf32>
    %slice3A_2000 = vector.extract_strided_slice %mul3A_1859 {offsets = [14, 0, 0], sizes = [1, 64, 64], strides = [1, 1, 1]} : vector<40x64x64xf32> to vector<1x64x64xf32>
    %squeeze3A_2001 = vector.shape_cast %slice3A_2000 : vector<1x64x64xf32> to vector<64x64xf32>
    %slice3A_2002 = vector.extract_strided_slice %mul3A_1859 {offsets = [14, 0, 0], sizes = [1, 64, 64], strides = [1, 1, 1]} : vector<40x64x64xf32> to vector<1x64x64xf32>
    %squeeze3A_2003 = vector.shape_cast %slice3A_2002 : vector<1x64x64xf32> to vector<64x64xf32>
    %dot_general3A_2004 = arith.constant dense<0.000000e+00> : vector<64x64xf32>
    %dot_general3A_2005 = tpu.matmul %squeeze3A_2001, %squeeze3A_2003, %dot_general3A_2004 {dimension_numbers = #tpu.dot_dimension_numbers<[1], [1], [0], [0], [0, 0, 1, 0], [], []>, transpose_lhs_hint = false} : vector<64x64xf32>, vector<64x64xf32>, vector<64x64xf32> -> vector<64x64xf32>
    %mul3A_2006 = arith.constant 2.000000e+00 : f32
    %mul3A_2007 = vector.broadcast %mul3A_2006 : f32 to vector<64x64xf32>
    %mul3A_2008 = arith.mulf %mul3A_2007, %dot_general3A_2005 : vector<64x64xf32>
    %broadcast_in_dim3A_2009 = vector.shape_cast %mul3A_2008 : vector<64x64xf32> to vector<1x64x64xf32>
    %slice3A_2010 = vector.extract_strided_slice %mul3A_1859 {offsets = [15, 0, 0], sizes = [1, 64, 64], strides = [1, 1, 1]} : vector<40x64x64xf32> to vector<1x64x64xf32>
    %squeeze3A_2011 = vector.shape_cast %slice3A_2010 : vector<1x64x64xf32> to vector<64x64xf32>
    %slice3A_2012 = vector.extract_strided_slice %mul3A_1859 {offsets = [15, 0, 0], sizes = [1, 64, 64], strides = [1, 1, 1]} : vector<40x64x64xf32> to vector<1x64x64xf32>
    %squeeze3A_2013 = vector.shape_cast %slice3A_2012 : vector<1x64x64xf32> to vector<64x64xf32>
    %dot_general3A_2014 = arith.constant dense<0.000000e+00> : vector<64x64xf32>
    %dot_general3A_2015 = tpu.matmul %squeeze3A_2011, %squeeze3A_2013, %dot_general3A_2014 {dimension_numbers = #tpu.dot_dimension_numbers<[1], [1], [0], [0], [0, 0, 1, 0], [], []>, transpose_lhs_hint = false} : vector<64x64xf32>, vector<64x64xf32>, vector<64x64xf32> -> vector<64x64xf32>
    %mul3A_2016 = arith.constant 2.000000e+00 : f32
    %mul3A_2017 = vector.broadcast %mul3A_2016 : f32 to vector<64x64xf32>
    %mul3A_2018 = arith.mulf %mul3A_2017, %dot_general3A_2015 : vector<64x64xf32>
    %broadcast_in_dim3A_2019 = vector.shape_cast %mul3A_2018 : vector<64x64xf32> to vector<1x64x64xf32>
    %slice3A_2020 = vector.extract_strided_slice %mul3A_1859 {offsets = [16, 0, 0], sizes = [1, 64, 64], strides = [1, 1, 1]} : vector<40x64x64xf32> to vector<1x64x64xf32>
    %squeeze3A_2021 = vector.shape_cast %slice3A_2020 : vector<1x64x64xf32> to vector<64x64xf32>
    %slice3A_2022 = vector.extract_strided_slice %mul3A_1859 {offsets = [16, 0, 0], sizes = [1, 64, 64], strides = [1, 1, 1]} : vector<40x64x64xf32> to vector<1x64x64xf32>
    %squeeze3A_2023 = vector.shape_cast %slice3A_2022 : vector<1x64x64xf32> to vector<64x64xf32>
    %dot_general3A_2024 = arith.constant dense<0.000000e+00> : vector<64x64xf32>
    %dot_general3A_2025 = tpu.matmul %squeeze3A_2021, %squeeze3A_2023, %dot_general3A_2024 {dimension_numbers = #tpu.dot_dimension_numbers<[1], [1], [0], [0], [0, 0, 1, 0], [], []>, transpose_lhs_hint = false} : vector<64x64xf32>, vector<64x64xf32>, vector<64x64xf32> -> vector<64x64xf32>
    %mul3A_2026 = arith.constant 2.000000e+00 : f32
    %mul3A_2027 = vector.broadcast %mul3A_2026 : f32 to vector<64x64xf32>
    %mul3A_2028 = arith.mulf %mul3A_2027, %dot_general3A_2025 : vector<64x64xf32>
    %broadcast_in_dim3A_2029 = vector.shape_cast %mul3A_2028 : vector<64x64xf32> to vector<1x64x64xf32>
    %slice3A_2030 = vector.extract_strided_slice %mul3A_1859 {offsets = [17, 0, 0], sizes = [1, 64, 64], strides = [1, 1, 1]} : vector<40x64x64xf32> to vector<1x64x64xf32>
    %squeeze3A_2031 = vector.shape_cast %slice3A_2030 : vector<1x64x64xf32> to vector<64x64xf32>
    %slice3A_2032 = vector.extract_strided_slice %mul3A_1859 {offsets = [17, 0, 0], sizes = [1, 64, 64], strides = [1, 1, 1]} : vector<40x64x64xf32> to vector<1x64x64xf32>
    %squeeze3A_2033 = vector.shape_cast %slice3A_2032 : vector<1x64x64xf32> to vector<64x64xf32>
    %dot_general3A_2034 = arith.constant dense<0.000000e+00> : vector<64x64xf32>
    %dot_general3A_2035 = tpu.matmul %squeeze3A_2031, %squeeze3A_2033, %dot_general3A_2034 {dimension_numbers = #tpu.dot_dimension_numbers<[1], [1], [0], [0], [0, 0, 1, 0], [], []>, transpose_lhs_hint = false} : vector<64x64xf32>, vector<64x64xf32>, vector<64x64xf32> -> vector<64x64xf32>
    %mul3A_2036 = arith.constant 2.000000e+00 : f32
    %mul3A_2037 = vector.broadcast %mul3A_2036 : f32 to vector<64x64xf32>
    %mul3A_2038 = arith.mulf %mul3A_2037, %dot_general3A_2035 : vector<64x64xf32>
    %broadcast_in_dim3A_2039 = vector.shape_cast %mul3A_2038 : vector<64x64xf32> to vector<1x64x64xf32>
    %slice3A_2040 = vector.extract_strided_slice %mul3A_1859 {offsets = [18, 0, 0], sizes = [1, 64, 64], strides = [1, 1, 1]} : vector<40x64x64xf32> to vector<1x64x64xf32>
    %squeeze3A_2041 = vector.shape_cast %slice3A_2040 : vector<1x64x64xf32> to vector<64x64xf32>
    %slice3A_2042 = vector.extract_strided_slice %mul3A_1859 {offsets = [18, 0, 0], sizes = [1, 64, 64], strides = [1, 1, 1]} : vector<40x64x64xf32> to vector<1x64x64xf32>
    %squeeze3A_2043 = vector.shape_cast %slice3A_2042 : vector<1x64x64xf32> to vector<64x64xf32>
    %dot_general3A_2044 = arith.constant dense<0.000000e+00> : vector<64x64xf32>
    %dot_general3A_2045 = tpu.matmul %squeeze3A_2041, %squeeze3A_2043, %dot_general3A_2044 {dimension_numbers = #tpu.dot_dimension_numbers<[1], [1], [0], [0], [0, 0, 1, 0], [], []>, transpose_lhs_hint = false} : vector<64x64xf32>, vector<64x64xf32>, vector<64x64xf32> -> vector<64x64xf32>
    %mul3A_2046 = arith.constant 2.000000e+00 : f32
    %mul3A_2047 = vector.broadcast %mul3A_2046 : f32 to vector<64x64xf32>
    %mul3A_2048 = arith.mulf %mul3A_2047, %dot_general3A_2045 : vector<64x64xf32>
    %broadcast_in_dim3A_2049 = vector.shape_cast %mul3A_2048 : vector<64x64xf32> to vector<1x64x64xf32>
    %slice3A_2050 = vector.extract_strided_slice %mul3A_1859 {offsets = [19, 0, 0], sizes = [1, 64, 64], strides = [1, 1, 1]} : vector<40x64x64xf32> to vector<1x64x64xf32>
    %squeeze3A_2051 = vector.shape_cast %slice3A_2050 : vector<1x64x64xf32> to vector<64x64xf32>
    %slice3A_2052 = vector.extract_strided_slice %mul3A_1859 {offsets = [19, 0, 0], sizes = [1, 64, 64], strides = [1, 1, 1]} : vector<40x64x64xf32> to vector<1x64x64xf32>
    %squeeze3A_2053 = vector.shape_cast %slice3A_2052 : vector<1x64x64xf32> to vector<64x64xf32>
    %dot_general3A_2054 = arith.constant dense<0.000000e+00> : vector<64x64xf32>
    %dot_general3A_2055 = tpu.matmul %squeeze3A_2051, %squeeze3A_2053, %dot_general3A_2054 {dimension_numbers = #tpu.dot_dimension_numbers<[1], [1], [0], [0], [0, 0, 1, 0], [], []>, transpose_lhs_hint = false} : vector<64x64xf32>, vector<64x64xf32>, vector<64x64xf32> -> vector<64x64xf32>
    %mul3A_2056 = arith.constant 2.000000e+00 : f32
    %mul3A_2057 = vector.broadcast %mul3A_2056 : f32 to vector<64x64xf32>
    %mul3A_2058 = arith.mulf %mul3A_2057, %dot_general3A_2055 : vector<64x64xf32>
    %broadcast_in_dim3A_2059 = vector.shape_cast %mul3A_2058 : vector<64x64xf32> to vector<1x64x64xf32>
    %slice3A_2060 = vector.extract_strided_slice %mul3A_1859 {offsets = [20, 0, 0], sizes = [1, 64, 64], strides = [1, 1, 1]} : vector<40x64x64xf32> to vector<1x64x64xf32>
    %squeeze3A_2061 = vector.shape_cast %slice3A_2060 : vector<1x64x64xf32> to vector<64x64xf32>
    %slice3A_2062 = vector.extract_strided_slice %mul3A_1859 {offsets = [20, 0, 0], sizes = [1, 64, 64], strides = [1, 1, 1]} : vector<40x64x64xf32> to vector<1x64x64xf32>
    %squeeze3A_2063 = vector.shape_cast %slice3A_2062 : vector<1x64x64xf32> to vector<64x64xf32>
    %dot_general3A_2064 = arith.constant dense<0.000000e+00> : vector<64x64xf32>
    %dot_general3A_2065 = tpu.matmul %squeeze3A_2061, %squeeze3A_2063, %dot_general3A_2064 {dimension_numbers = #tpu.dot_dimension_numbers<[1], [1], [0], [0], [0, 0, 1, 0], [], []>, transpose_lhs_hint = false} : vector<64x64xf32>, vector<64x64xf32>, vector<64x64xf32> -> vector<64x64xf32>
    %mul3A_2066 = arith.constant 2.000000e+00 : f32
    %mul3A_2067 = vector.broadcast %mul3A_2066 : f32 to vector<64x64xf32>
    %mul3A_2068 = arith.mulf %mul3A_2067, %dot_general3A_2065 : vector<64x64xf32>
    %broadcast_in_dim3A_2069 = vector.shape_cast %mul3A_2068 : vector<64x64xf32> to vector<1x64x64xf32>
    %slice3A_2070 = vector.extract_strided_slice %mul3A_1859 {offsets = [21, 0, 0], sizes = [1, 64, 64], strides = [1, 1, 1]} : vector<40x64x64xf32> to vector<1x64x64xf32>
    %squeeze3A_2071 = vector.shape_cast %slice3A_2070 : vector<1x64x64xf32> to vector<64x64xf32>
    %slice3A_2072 = vector.extract_strided_slice %mul3A_1859 {offsets = [21, 0, 0], sizes = [1, 64, 64], strides = [1, 1, 1]} : vector<40x64x64xf32> to vector<1x64x64xf32>
    %squeeze3A_2073 = vector.shape_cast %slice3A_2072 : vector<1x64x64xf32> to vector<64x64xf32>
    %dot_general3A_2074 = arith.constant dense<0.000000e+00> : vector<64x64xf32>
    %dot_general3A_2075 = tpu.matmul %squeeze3A_2071, %squeeze3A_2073, %dot_general3A_2074 {dimension_numbers = #tpu.dot_dimension_numbers<[1], [1], [0], [0], [0, 0, 1, 0], [], []>, transpose_lhs_hint = false} : vector<64x64xf32>, vector<64x64xf32>, vector<64x64xf32> -> vector<64x64xf32>
    %mul3A_2076 = arith.constant 2.000000e+00 : f32
    %mul3A_2077 = vector.broadcast %mul3A_2076 : f32 to vector<64x64xf32>
    %mul3A_2078 = arith.mulf %mul3A_2077, %dot_general3A_2075 : vector<64x64xf32>
    %broadcast_in_dim3A_2079 = vector.shape_cast %mul3A_2078 : vector<64x64xf32> to vector<1x64x64xf32>
    %slice3A_2080 = vector.extract_strided_slice %mul3A_1859 {offsets = [22, 0, 0], sizes = [1, 64, 64], strides = [1, 1, 1]} : vector<40x64x64xf32> to vector<1x64x64xf32>
    %squeeze3A_2081 = vector.shape_cast %slice3A_2080 : vector<1x64x64xf32> to vector<64x64xf32>
    %slice3A_2082 = vector.extract_strided_slice %mul3A_1859 {offsets = [22, 0, 0], sizes = [1, 64, 64], strides = [1, 1, 1]} : vector<40x64x64xf32> to vector<1x64x64xf32>
    %squeeze3A_2083 = vector.shape_cast %slice3A_2082 : vector<1x64x64xf32> to vector<64x64xf32>
    %dot_general3A_2084 = arith.constant dense<0.000000e+00> : vector<64x64xf32>
    %dot_general3A_2085 = tpu.matmul %squeeze3A_2081, %squeeze3A_2083, %dot_general3A_2084 {dimension_numbers = #tpu.dot_dimension_numbers<[1], [1], [0], [0], [0, 0, 1, 0], [], []>, transpose_lhs_hint = false} : vector<64x64xf32>, vector<64x64xf32>, vector<64x64xf32> -> vector<64x64xf32>
    %mul3A_2086 = arith.constant 2.000000e+00 : f32
    %mul3A_2087 = vector.broadcast %mul3A_2086 : f32 to vector<64x64xf32>
    %mul3A_2088 = arith.mulf %mul3A_2087, %dot_general3A_2085 : vector<64x64xf32>
    %broadcast_in_dim3A_2089 = vector.shape_cast %mul3A_2088 : vector<64x64xf32> to vector<1x64x64xf32>
    %slice3A_2090 = vector.extract_strided_slice %mul3A_1859 {offsets = [23, 0, 0], sizes = [1, 64, 64], strides = [1, 1, 1]} : vector<40x64x64xf32> to vector<1x64x64xf32>
    %squeeze3A_2091 = vector.shape_cast %slice3A_2090 : vector<1x64x64xf32> to vector<64x64xf32>
    %slice3A_2092 = vector.extract_strided_slice %mul3A_1859 {offsets = [23, 0, 0], sizes = [1, 64, 64], strides = [1, 1, 1]} : vector<40x64x64xf32> to vector<1x64x64xf32>
    %squeeze3A_2093 = vector.shape_cast %slice3A_2092 : vector<1x64x64xf32> to vector<64x64xf32>
    %dot_general3A_2094 = arith.constant dense<0.000000e+00> : vector<64x64xf32>
    %dot_general3A_2095 = tpu.matmul %squeeze3A_2091, %squeeze3A_2093, %dot_general3A_2094 {dimension_numbers = #tpu.dot_dimension_numbers<[1], [1], [0], [0], [0, 0, 1, 0], [], []>, transpose_lhs_hint = false} : vector<64x64xf32>, vector<64x64xf32>, vector<64x64xf32> -> vector<64x64xf32>
    %mul3A_2096 = arith.constant 2.000000e+00 : f32
    %mul3A_2097 = vector.broadcast %mul3A_2096 : f32 to vector<64x64xf32>
    %mul3A_2098 = arith.mulf %mul3A_2097, %dot_general3A_2095 : vector<64x64xf32>
    %broadcast_in_dim3A_2099 = vector.shape_cast %mul3A_2098 : vector<64x64xf32> to vector<1x64x64xf32>
    %slice3A_2100 = vector.extract_strided_slice %mul3A_1859 {offsets = [24, 0, 0], sizes = [1, 64, 64], strides = [1, 1, 1]} : vector<40x64x64xf32> to vector<1x64x64xf32>
    %squeeze3A_2101 = vector.shape_cast %slice3A_2100 : vector<1x64x64xf32> to vector<64x64xf32>
    %slice3A_2102 = vector.extract_strided_slice %mul3A_1859 {offsets = [24, 0, 0], sizes = [1, 64, 64], strides = [1, 1, 1]} : vector<40x64x64xf32> to vector<1x64x64xf32>
    %squeeze3A_2103 = vector.shape_cast %slice3A_2102 : vector<1x64x64xf32> to vector<64x64xf32>
    %dot_general3A_2104 = arith.constant dense<0.000000e+00> : vector<64x64xf32>
    %dot_general3A_2105 = tpu.matmul %squeeze3A_2101, %squeeze3A_2103, %dot_general3A_2104 {dimension_numbers = #tpu.dot_dimension_numbers<[1], [1], [0], [0], [0, 0, 1, 0], [], []>, transpose_lhs_hint = false} : vector<64x64xf32>, vector<64x64xf32>, vector<64x64xf32> -> vector<64x64xf32>
    %mul3A_2106 = arith.constant 2.000000e+00 : f32
    %mul3A_2107 = vector.broadcast %mul3A_2106 : f32 to vector<64x64xf32>
    %mul3A_2108 = arith.mulf %mul3A_2107, %dot_general3A_2105 : vector<64x64xf32>
    %broadcast_in_dim3A_2109 = vector.shape_cast %mul3A_2108 : vector<64x64xf32> to vector<1x64x64xf32>
    %slice3A_2110 = vector.extract_strided_slice %mul3A_1859 {offsets = [25, 0, 0], sizes = [1, 64, 64], strides = [1, 1, 1]} : vector<40x64x64xf32> to vector<1x64x64xf32>
    %squeeze3A_2111 = vector.shape_cast %slice3A_2110 : vector<1x64x64xf32> to vector<64x64xf32>
    %slice3A_2112 = vector.extract_strided_slice %mul3A_1859 {offsets = [25, 0, 0], sizes = [1, 64, 64], strides = [1, 1, 1]} : vector<40x64x64xf32> to vector<1x64x64xf32>
    %squeeze3A_2113 = vector.shape_cast %slice3A_2112 : vector<1x64x64xf32> to vector<64x64xf32>
    %dot_general3A_2114 = arith.constant dense<0.000000e+00> : vector<64x64xf32>
    %dot_general3A_2115 = tpu.matmul %squeeze3A_2111, %squeeze3A_2113, %dot_general3A_2114 {dimension_numbers = #tpu.dot_dimension_numbers<[1], [1], [0], [0], [0, 0, 1, 0], [], []>, transpose_lhs_hint = false} : vector<64x64xf32>, vector<64x64xf32>, vector<64x64xf32> -> vector<64x64xf32>
    %mul3A_2116 = arith.constant 2.000000e+00 : f32
    %mul3A_2117 = vector.broadcast %mul3A_2116 : f32 to vector<64x64xf32>
    %mul3A_2118 = arith.mulf %mul3A_2117, %dot_general3A_2115 : vector<64x64xf32>
    %broadcast_in_dim3A_2119 = vector.shape_cast %mul3A_2118 : vector<64x64xf32> to vector<1x64x64xf32>
    %slice3A_2120 = vector.extract_strided_slice %mul3A_1859 {offsets = [26, 0, 0], sizes = [1, 64, 64], strides = [1, 1, 1]} : vector<40x64x64xf32> to vector<1x64x64xf32>
    %squeeze3A_2121 = vector.shape_cast %slice3A_2120 : vector<1x64x64xf32> to vector<64x64xf32>
    %slice3A_2122 = vector.extract_strided_slice %mul3A_1859 {offsets = [26, 0, 0], sizes = [1, 64, 64], strides = [1, 1, 1]} : vector<40x64x64xf32> to vector<1x64x64xf32>
    %squeeze3A_2123 = vector.shape_cast %slice3A_2122 : vector<1x64x64xf32> to vector<64x64xf32>
    %dot_general3A_2124 = arith.constant dense<0.000000e+00> : vector<64x64xf32>
    %dot_general3A_2125 = tpu.matmul %squeeze3A_2121, %squeeze3A_2123, %dot_general3A_2124 {dimension_numbers = #tpu.dot_dimension_numbers<[1], [1], [0], [0], [0, 0, 1, 0], [], []>, transpose_lhs_hint = false} : vector<64x64xf32>, vector<64x64xf32>, vector<64x64xf32> -> vector<64x64xf32>
    %mul3A_2126 = arith.constant 2.000000e+00 : f32
    %mul3A_2127 = vector.broadcast %mul3A_2126 : f32 to vector<64x64xf32>
    %mul3A_2128 = arith.mulf %mul3A_2127, %dot_general3A_2125 : vector<64x64xf32>
    %broadcast_in_dim3A_2129 = vector.shape_cast %mul3A_2128 : vector<64x64xf32> to vector<1x64x64xf32>
    %slice3A_2130 = vector.extract_strided_slice %mul3A_1859 {offsets = [27, 0, 0], sizes = [1, 64, 64], strides = [1, 1, 1]} : vector<40x64x64xf32> to vector<1x64x64xf32>
    %squeeze3A_2131 = vector.shape_cast %slice3A_2130 : vector<1x64x64xf32> to vector<64x64xf32>
    %slice3A_2132 = vector.extract_strided_slice %mul3A_1859 {offsets = [27, 0, 0], sizes = [1, 64, 64], strides = [1, 1, 1]} : vector<40x64x64xf32> to vector<1x64x64xf32>
    %squeeze3A_2133 = vector.shape_cast %slice3A_2132 : vector<1x64x64xf32> to vector<64x64xf32>
    %dot_general3A_2134 = arith.constant dense<0.000000e+00> : vector<64x64xf32>
    %dot_general3A_2135 = tpu.matmul %squeeze3A_2131, %squeeze3A_2133, %dot_general3A_2134 {dimension_numbers = #tpu.dot_dimension_numbers<[1], [1], [0], [0], [0, 0, 1, 0], [], []>, transpose_lhs_hint = false} : vector<64x64xf32>, vector<64x64xf32>, vector<64x64xf32> -> vector<64x64xf32>
    %mul3A_2136 = arith.constant 2.000000e+00 : f32
    %mul3A_2137 = vector.broadcast %mul3A_2136 : f32 to vector<64x64xf32>
    %mul3A_2138 = arith.mulf %mul3A_2137, %dot_general3A_2135 : vector<64x64xf32>
    %broadcast_in_dim3A_2139 = vector.shape_cast %mul3A_2138 : vector<64x64xf32> to vector<1x64x64xf32>
    %slice3A_2140 = vector.extract_strided_slice %mul3A_1859 {offsets = [28, 0, 0], sizes = [1, 64, 64], strides = [1, 1, 1]} : vector<40x64x64xf32> to vector<1x64x64xf32>
    %squeeze3A_2141 = vector.shape_cast %slice3A_2140 : vector<1x64x64xf32> to vector<64x64xf32>
    %slice3A_2142 = vector.extract_strided_slice %mul3A_1859 {offsets = [28, 0, 0], sizes = [1, 64, 64], strides = [1, 1, 1]} : vector<40x64x64xf32> to vector<1x64x64xf32>
    %squeeze3A_2143 = vector.shape_cast %slice3A_2142 : vector<1x64x64xf32> to vector<64x64xf32>
    %dot_general3A_2144 = arith.constant dense<0.000000e+00> : vector<64x64xf32>
    %dot_general3A_2145 = tpu.matmul %squeeze3A_2141, %squeeze3A_2143, %dot_general3A_2144 {dimension_numbers = #tpu.dot_dimension_numbers<[1], [1], [0], [0], [0, 0, 1, 0], [], []>, transpose_lhs_hint = false} : vector<64x64xf32>, vector<64x64xf32>, vector<64x64xf32> -> vector<64x64xf32>
    %mul3A_2146 = arith.constant 2.000000e+00 : f32
    %mul3A_2147 = vector.broadcast %mul3A_2146 : f32 to vector<64x64xf32>
    %mul3A_2148 = arith.mulf %mul3A_2147, %dot_general3A_2145 : vector<64x64xf32>
    %broadcast_in_dim3A_2149 = vector.shape_cast %mul3A_2148 : vector<64x64xf32> to vector<1x64x64xf32>
    %slice3A_2150 = vector.extract_strided_slice %mul3A_1859 {offsets = [29, 0, 0], sizes = [1, 64, 64], strides = [1, 1, 1]} : vector<40x64x64xf32> to vector<1x64x64xf32>
    %squeeze3A_2151 = vector.shape_cast %slice3A_2150 : vector<1x64x64xf32> to vector<64x64xf32>
    %slice3A_2152 = vector.extract_strided_slice %mul3A_1859 {offsets = [29, 0, 0], sizes = [1, 64, 64], strides = [1, 1, 1]} : vector<40x64x64xf32> to vector<1x64x64xf32>
    %squeeze3A_2153 = vector.shape_cast %slice3A_2152 : vector<1x64x64xf32> to vector<64x64xf32>
    %dot_general3A_2154 = arith.constant dense<0.000000e+00> : vector<64x64xf32>
    %dot_general3A_2155 = tpu.matmul %squeeze3A_2151, %squeeze3A_2153, %dot_general3A_2154 {dimension_numbers = #tpu.dot_dimension_numbers<[1], [1], [0], [0], [0, 0, 1, 0], [], []>, transpose_lhs_hint = false} : vector<64x64xf32>, vector<64x64xf32>, vector<64x64xf32> -> vector<64x64xf32>
    %mul3A_2156 = arith.constant 2.000000e+00 : f32
    %mul3A_2157 = vector.broadcast %mul3A_2156 : f32 to vector<64x64xf32>
    %mul3A_2158 = arith.mulf %mul3A_2157, %dot_general3A_2155 : vector<64x64xf32>
    %broadcast_in_dim3A_2159 = vector.shape_cast %mul3A_2158 : vector<64x64xf32> to vector<1x64x64xf32>
    %slice3A_2160 = vector.extract_strided_slice %mul3A_1859 {offsets = [30, 0, 0], sizes = [1, 64, 64], strides = [1, 1, 1]} : vector<40x64x64xf32> to vector<1x64x64xf32>
    %squeeze3A_2161 = vector.shape_cast %slice3A_2160 : vector<1x64x64xf32> to vector<64x64xf32>
    %slice3A_2162 = vector.extract_strided_slice %mul3A_1859 {offsets = [30, 0, 0], sizes = [1, 64, 64], strides = [1, 1, 1]} : vector<40x64x64xf32> to vector<1x64x64xf32>
    %squeeze3A_2163 = vector.shape_cast %slice3A_2162 : vector<1x64x64xf32> to vector<64x64xf32>
    %dot_general3A_2164 = arith.constant dense<0.000000e+00> : vector<64x64xf32>
    %dot_general3A_2165 = tpu.matmul %squeeze3A_2161, %squeeze3A_2163, %dot_general3A_2164 {dimension_numbers = #tpu.dot_dimension_numbers<[1], [1], [0], [0], [0, 0, 1, 0], [], []>, transpose_lhs_hint = false} : vector<64x64xf32>, vector<64x64xf32>, vector<64x64xf32> -> vector<64x64xf32>
    %mul3A_2166 = arith.constant 2.000000e+00 : f32
    %mul3A_2167 = vector.broadcast %mul3A_2166 : f32 to vector<64x64xf32>
    %mul3A_2168 = arith.mulf %mul3A_2167, %dot_general3A_2165 : vector<64x64xf32>
    %broadcast_in_dim3A_2169 = vector.shape_cast %mul3A_2168 : vector<64x64xf32> to vector<1x64x64xf32>
    %slice3A_2170 = vector.extract_strided_slice %mul3A_1859 {offsets = [31, 0, 0], sizes = [1, 64, 64], strides = [1, 1, 1]} : vector<40x64x64xf32> to vector<1x64x64xf32>
    %squeeze3A_2171 = vector.shape_cast %slice3A_2170 : vector<1x64x64xf32> to vector<64x64xf32>
    %slice3A_2172 = vector.extract_strided_slice %mul3A_1859 {offsets = [31, 0, 0], sizes = [1, 64, 64], strides = [1, 1, 1]} : vector<40x64x64xf32> to vector<1x64x64xf32>
    %squeeze3A_2173 = vector.shape_cast %slice3A_2172 : vector<1x64x64xf32> to vector<64x64xf32>
    %dot_general3A_2174 = arith.constant dense<0.000000e+00> : vector<64x64xf32>
    %dot_general3A_2175 = tpu.matmul %squeeze3A_2171, %squeeze3A_2173, %dot_general3A_2174 {dimension_numbers = #tpu.dot_dimension_numbers<[1], [1], [0], [0], [0, 0, 1, 0], [], []>, transpose_lhs_hint = false} : vector<64x64xf32>, vector<64x64xf32>, vector<64x64xf32> -> vector<64x64xf32>
    %mul3A_2176 = arith.constant 2.000000e+00 : f32
    %mul3A_2177 = vector.broadcast %mul3A_2176 : f32 to vector<64x64xf32>
    %mul3A_2178 = arith.mulf %mul3A_2177, %dot_general3A_2175 : vector<64x64xf32>
    %broadcast_in_dim3A_2179 = vector.shape_cast %mul3A_2178 : vector<64x64xf32> to vector<1x64x64xf32>
    %slice3A_2180 = vector.extract_strided_slice %mul3A_1859 {offsets = [32, 0, 0], sizes = [1, 64, 64], strides = [1, 1, 1]} : vector<40x64x64xf32> to vector<1x64x64xf32>
    %squeeze3A_2181 = vector.shape_cast %slice3A_2180 : vector<1x64x64xf32> to vector<64x64xf32>
    %slice3A_2182 = vector.extract_strided_slice %mul3A_1859 {offsets = [32, 0, 0], sizes = [1, 64, 64], strides = [1, 1, 1]} : vector<40x64x64xf32> to vector<1x64x64xf32>
    %squeeze3A_2183 = vector.shape_cast %slice3A_2182 : vector<1x64x64xf32> to vector<64x64xf32>
    %dot_general3A_2184 = arith.constant dense<0.000000e+00> : vector<64x64xf32>
    %dot_general3A_2185 = tpu.matmul %squeeze3A_2181, %squeeze3A_2183, %dot_general3A_2184 {dimension_numbers = #tpu.dot_dimension_numbers<[1], [1], [0], [0], [0, 0, 1, 0], [], []>, transpose_lhs_hint = false} : vector<64x64xf32>, vector<64x64xf32>, vector<64x64xf32> -> vector<64x64xf32>
    %mul3A_2186 = arith.constant 2.000000e+00 : f32
    %mul3A_2187 = vector.broadcast %mul3A_2186 : f32 to vector<64x64xf32>
    %mul3A_2188 = arith.mulf %mul3A_2187, %dot_general3A_2185 : vector<64x64xf32>
    %broadcast_in_dim3A_2189 = vector.shape_cast %mul3A_2188 : vector<64x64xf32> to vector<1x64x64xf32>
    %slice3A_2190 = vector.extract_strided_slice %mul3A_1859 {offsets = [33, 0, 0], sizes = [1, 64, 64], strides = [1, 1, 1]} : vector<40x64x64xf32> to vector<1x64x64xf32>
    %squeeze3A_2191 = vector.shape_cast %slice3A_2190 : vector<1x64x64xf32> to vector<64x64xf32>
    %slice3A_2192 = vector.extract_strided_slice %mul3A_1859 {offsets = [33, 0, 0], sizes = [1, 64, 64], strides = [1, 1, 1]} : vector<40x64x64xf32> to vector<1x64x64xf32>
    %squeeze3A_2193 = vector.shape_cast %slice3A_2192 : vector<1x64x64xf32> to vector<64x64xf32>
    %dot_general3A_2194 = arith.constant dense<0.000000e+00> : vector<64x64xf32>
    %dot_general3A_2195 = tpu.matmul %squeeze3A_2191, %squeeze3A_2193, %dot_general3A_2194 {dimension_numbers = #tpu.dot_dimension_numbers<[1], [1], [0], [0], [0, 0, 1, 0], [], []>, transpose_lhs_hint = false} : vector<64x64xf32>, vector<64x64xf32>, vector<64x64xf32> -> vector<64x64xf32>
    %mul3A_2196 = arith.constant 2.000000e+00 : f32
    %mul3A_2197 = vector.broadcast %mul3A_2196 : f32 to vector<64x64xf32>
    %mul3A_2198 = arith.mulf %mul3A_2197, %dot_general3A_2195 : vector<64x64xf32>
    %broadcast_in_dim3A_2199 = vector.shape_cast %mul3A_2198 : vector<64x64xf32> to vector<1x64x64xf32>
    %slice3A_2200 = vector.extract_strided_slice %mul3A_1859 {offsets = [34, 0, 0], sizes = [1, 64, 64], strides = [1, 1, 1]} : vector<40x64x64xf32> to vector<1x64x64xf32>
    %squeeze3A_2201 = vector.shape_cast %slice3A_2200 : vector<1x64x64xf32> to vector<64x64xf32>
    %slice3A_2202 = vector.extract_strided_slice %mul3A_1859 {offsets = [34, 0, 0], sizes = [1, 64, 64], strides = [1, 1, 1]} : vector<40x64x64xf32> to vector<1x64x64xf32>
    %squeeze3A_2203 = vector.shape_cast %slice3A_2202 : vector<1x64x64xf32> to vector<64x64xf32>
    %dot_general3A_2204 = arith.constant dense<0.000000e+00> : vector<64x64xf32>
    %dot_general3A_2205 = tpu.matmul %squeeze3A_2201, %squeeze3A_2203, %dot_general3A_2204 {dimension_numbers = #tpu.dot_dimension_numbers<[1], [1], [0], [0], [0, 0, 1, 0], [], []>, transpose_lhs_hint = false} : vector<64x64xf32>, vector<64x64xf32>, vector<64x64xf32> -> vector<64x64xf32>
    %mul3A_2206 = arith.constant 2.000000e+00 : f32
    %mul3A_2207 = vector.broadcast %mul3A_2206 : f32 to vector<64x64xf32>
    %mul3A_2208 = arith.mulf %mul3A_2207, %dot_general3A_2205 : vector<64x64xf32>
    %broadcast_in_dim3A_2209 = vector.shape_cast %mul3A_2208 : vector<64x64xf32> to vector<1x64x64xf32>
    %slice3A_2210 = vector.extract_strided_slice %mul3A_1859 {offsets = [35, 0, 0], sizes = [1, 64, 64], strides = [1, 1, 1]} : vector<40x64x64xf32> to vector<1x64x64xf32>
    %squeeze3A_2211 = vector.shape_cast %slice3A_2210 : vector<1x64x64xf32> to vector<64x64xf32>
    %slice3A_2212 = vector.extract_strided_slice %mul3A_1859 {offsets = [35, 0, 0], sizes = [1, 64, 64], strides = [1, 1, 1]} : vector<40x64x64xf32> to vector<1x64x64xf32>
    %squeeze3A_2213 = vector.shape_cast %slice3A_2212 : vector<1x64x64xf32> to vector<64x64xf32>
    %dot_general3A_2214 = arith.constant dense<0.000000e+00> : vector<64x64xf32>
    %dot_general3A_2215 = tpu.matmul %squeeze3A_2211, %squeeze3A_2213, %dot_general3A_2214 {dimension_numbers = #tpu.dot_dimension_numbers<[1], [1], [0], [0], [0, 0, 1, 0], [], []>, transpose_lhs_hint = false} : vector<64x64xf32>, vector<64x64xf32>, vector<64x64xf32> -> vector<64x64xf32>
    %mul3A_2216 = arith.constant 2.000000e+00 : f32
    %mul3A_2217 = vector.broadcast %mul3A_2216 : f32 to vector<64x64xf32>
    %mul3A_2218 = arith.mulf %mul3A_2217, %dot_general3A_2215 : vector<64x64xf32>
    %broadcast_in_dim3A_2219 = vector.shape_cast %mul3A_2218 : vector<64x64xf32> to vector<1x64x64xf32>
    %slice3A_2220 = vector.extract_strided_slice %mul3A_1859 {offsets = [36, 0, 0], sizes = [1, 64, 64], strides = [1, 1, 1]} : vector<40x64x64xf32> to vector<1x64x64xf32>
    %squeeze3A_2221 = vector.shape_cast %slice3A_2220 : vector<1x64x64xf32> to vector<64x64xf32>
    %slice3A_2222 = vector.extract_strided_slice %mul3A_1859 {offsets = [36, 0, 0], sizes = [1, 64, 64], strides = [1, 1, 1]} : vector<40x64x64xf32> to vector<1x64x64xf32>
    %squeeze3A_2223 = vector.shape_cast %slice3A_2222 : vector<1x64x64xf32> to vector<64x64xf32>
    %dot_general3A_2224 = arith.constant dense<0.000000e+00> : vector<64x64xf32>
    %dot_general3A_2225 = tpu.matmul %squeeze3A_2221, %squeeze3A_2223, %dot_general3A_2224 {dimension_numbers = #tpu.dot_dimension_numbers<[1], [1], [0], [0], [0, 0, 1, 0], [], []>, transpose_lhs_hint = false} : vector<64x64xf32>, vector<64x64xf32>, vector<64x64xf32> -> vector<64x64xf32>
    %mul3A_2226 = arith.constant 2.000000e+00 : f32
    %mul3A_2227 = vector.broadcast %mul3A_2226 : f32 to vector<64x64xf32>
    %mul3A_2228 = arith.mulf %mul3A_2227, %dot_general3A_2225 : vector<64x64xf32>
    %broadcast_in_dim3A_2229 = vector.shape_cast %mul3A_2228 : vector<64x64xf32> to vector<1x64x64xf32>
    %slice3A_2230 = vector.extract_strided_slice %mul3A_1859 {offsets = [37, 0, 0], sizes = [1, 64, 64], strides = [1, 1, 1]} : vector<40x64x64xf32> to vector<1x64x64xf32>
    %squeeze3A_2231 = vector.shape_cast %slice3A_2230 : vector<1x64x64xf32> to vector<64x64xf32>
    %slice3A_2232 = vector.extract_strided_slice %mul3A_1859 {offsets = [37, 0, 0], sizes = [1, 64, 64], strides = [1, 1, 1]} : vector<40x64x64xf32> to vector<1x64x64xf32>
    %squeeze3A_2233 = vector.shape_cast %slice3A_2232 : vector<1x64x64xf32> to vector<64x64xf32>
    %dot_general3A_2234 = arith.constant dense<0.000000e+00> : vector<64x64xf32>
    %dot_general3A_2235 = tpu.matmul %squeeze3A_2231, %squeeze3A_2233, %dot_general3A_2234 {dimension_numbers = #tpu.dot_dimension_numbers<[1], [1], [0], [0], [0, 0, 1, 0], [], []>, transpose_lhs_hint = false} : vector<64x64xf32>, vector<64x64xf32>, vector<64x64xf32> -> vector<64x64xf32>
    %mul3A_2236 = arith.constant 2.000000e+00 : f32
    %mul3A_2237 = vector.broadcast %mul3A_2236 : f32 to vector<64x64xf32>
    %mul3A_2238 = arith.mulf %mul3A_2237, %dot_general3A_2235 : vector<64x64xf32>
    %broadcast_in_dim3A_2239 = vector.shape_cast %mul3A_2238 : vector<64x64xf32> to vector<1x64x64xf32>
    %slice3A_2240 = vector.extract_strided_slice %mul3A_1859 {offsets = [38, 0, 0], sizes = [1, 64, 64], strides = [1, 1, 1]} : vector<40x64x64xf32> to vector<1x64x64xf32>
    %squeeze3A_2241 = vector.shape_cast %slice3A_2240 : vector<1x64x64xf32> to vector<64x64xf32>
    %slice3A_2242 = vector.extract_strided_slice %mul3A_1859 {offsets = [38, 0, 0], sizes = [1, 64, 64], strides = [1, 1, 1]} : vector<40x64x64xf32> to vector<1x64x64xf32>
    %squeeze3A_2243 = vector.shape_cast %slice3A_2242 : vector<1x64x64xf32> to vector<64x64xf32>
    %dot_general3A_2244 = arith.constant dense<0.000000e+00> : vector<64x64xf32>
    %dot_general3A_2245 = tpu.matmul %squeeze3A_2241, %squeeze3A_2243, %dot_general3A_2244 {dimension_numbers = #tpu.dot_dimension_numbers<[1], [1], [0], [0], [0, 0, 1, 0], [], []>, transpose_lhs_hint = false} : vector<64x64xf32>, vector<64x64xf32>, vector<64x64xf32> -> vector<64x64xf32>
    %mul3A_2246 = arith.constant 2.000000e+00 : f32
    %mul3A_2247 = vector.broadcast %mul3A_2246 : f32 to vector<64x64xf32>
    %mul3A_2248 = arith.mulf %mul3A_2247, %dot_general3A_2245 : vector<64x64xf32>
    %broadcast_in_dim3A_2249 = vector.shape_cast %mul3A_2248 : vector<64x64xf32> to vector<1x64x64xf32>
    %slice3A_2250 = vector.extract_strided_slice %mul3A_1859 {offsets = [39, 0, 0], sizes = [1, 64, 64], strides = [1, 1, 1]} : vector<40x64x64xf32> to vector<1x64x64xf32>
    %squeeze3A_2251 = vector.shape_cast %slice3A_2250 : vector<1x64x64xf32> to vector<64x64xf32>
    %slice3A_2252 = vector.extract_strided_slice %mul3A_1859 {offsets = [39, 0, 0], sizes = [1, 64, 64], strides = [1, 1, 1]} : vector<40x64x64xf32> to vector<1x64x64xf32>
    %squeeze3A_2253 = vector.shape_cast %slice3A_2252 : vector<1x64x64xf32> to vector<64x64xf32>
    %dot_general3A_2254 = arith.constant dense<0.000000e+00> : vector<64x64xf32>
    %dot_general3A_2255 = tpu.matmul %squeeze3A_2251, %squeeze3A_2253, %dot_general3A_2254 {dimension_numbers = #tpu.dot_dimension_numbers<[1], [1], [0], [0], [0, 0, 1, 0], [], []>, transpose_lhs_hint = false} : vector<64x64xf32>, vector<64x64xf32>, vector<64x64xf32> -> vector<64x64xf32>
    %mul3A_2256 = arith.constant 2.000000e+00 : f32
    %mul3A_2257 = vector.broadcast %mul3A_2256 : f32 to vector<64x64xf32>
    %mul3A_2258 = arith.mulf %mul3A_2257, %dot_general3A_2255 : vector<64x64xf32>
    %broadcast_in_dim3A_2259 = vector.shape_cast %mul3A_2258 : vector<64x64xf32> to vector<1x64x64xf32>
    %concatenate3A_2260 = tpu.concatenate %broadcast_in_dim3A_1869, %broadcast_in_dim3A_1879, %broadcast_in_dim3A_1889, %broadcast_in_dim3A_1899, %broadcast_in_dim3A_1909, %broadcast_in_dim3A_1919, %broadcast_in_dim3A_1929, %broadcast_in_dim3A_1939, %broadcast_in_dim3A_1949, %broadcast_in_dim3A_1959, %broadcast_in_dim3A_1969, %broadcast_in_dim3A_1979, %broadcast_in_dim3A_1989, %broadcast_in_dim3A_1999, %broadcast_in_dim3A_2009, %broadcast_in_dim3A_2019, %broadcast_in_dim3A_2029, %broadcast_in_dim3A_2039, %broadcast_in_dim3A_2049, %broadcast_in_dim3A_2059, %broadcast_in_dim3A_2069, %broadcast_in_dim3A_2079, %broadcast_in_dim3A_2089, %broadcast_in_dim3A_2099, %broadcast_in_dim3A_2109, %broadcast_in_dim3A_2119, %broadcast_in_dim3A_2129, %broadcast_in_dim3A_2139, %broadcast_in_dim3A_2149, %broadcast_in_dim3A_2159, %broadcast_in_dim3A_2169, %broadcast_in_dim3A_2179, %broadcast_in_dim3A_2189, %broadcast_in_dim3A_2199, %broadcast_in_dim3A_2209, %broadcast_in_dim3A_2219, %broadcast_in_dim3A_2229, %broadcast_in_dim3A_2239, %broadcast_in_dim3A_2249, %broadcast_in_dim3A_2259 in 0 : vector<1x64x64xf32>, vector<1x64x64xf32>, vector<1x64x64xf32>, vector<1x64x64xf32>, vector<1x64x64xf32>, vector<1x64x64xf32>, vector<1x64x64xf32>, vector<1x64x64xf32>, vector<1x64x64xf32>, vector<1x64x64xf32>, vector<1x64x64xf32>, vector<1x64x64xf32>, vector<1x64x64xf32>, vector<1x64x64xf32>, vector<1x64x64xf32>, vector<1x64x64xf32>, vector<1x64x64xf32>, vector<1x64x64xf32>, vector<1x64x64xf32>, vector<1x64x64xf32>, vector<1x64x64xf32>, vector<1x64x64xf32>, vector<1x64x64xf32>, vector<1x64x64xf32>, vector<1x64x64xf32>, vector<1x64x64xf32>, vector<1x64x64xf32>, vector<1x64x64xf32>, vector<1x64x64xf32>, vector<1x64x64xf32>, vector<1x64x64xf32>, vector<1x64x64xf32>, vector<1x64x64xf32>, vector<1x64x64xf32>, vector<1x64x64xf32>, vector<1x64x64xf32>, vector<1x64x64xf32>, vector<1x64x64xf32>, vector<1x64x64xf32>, vector<1x64x64xf32> -> vector<40x64x64xf32>
    %mul3A_2261 = arith.mulf %concatenate3A_2260, %get3A_26 : vector<40x64x64xf32>
    %reduce_sum3A_2262 = arith.constant dense<0.000000e+00> : vector<40x64xf32>
    %reduce_sum3A_2263 = vector.multi_reduction <add>, %mul3A_2261, %reduce_sum3A_2262 [2] : vector<40x64x64xf32> to vector<40x64xf32>
    %broadcast_in_dim3A_2264 = vector.shape_cast %reduce_sum3A_2263 : vector<40x64xf32> to vector<40x64x1xf32>
    %reduce_sum3A_2265 = arith.constant dense<0.000000e+00> : vector<40x1xf32>
    %reduce_sum3A_2266 = vector.multi_reduction <add>, %broadcast_in_dim3A_2264, %reduce_sum3A_2265 [1] : vector<40x64x1xf32> to vector<40x1xf32>
    %broadcast_in_dim3A_2267 = vector.shape_cast %reduce_sum3A_2266 : vector<40x1xf32> to vector<40x1x1xf32>
    %mul3A_2268 = arith.mulf %sub3A, %concatenate3A : vector<40x64x1xf32>
    %reduce_sum3A_2269 = arith.constant dense<0.000000e+00> : vector<40x1xf32>
    %reduce_sum3A_2270 = vector.multi_reduction <add>, %mul3A_2268, %reduce_sum3A_2269 [1] : vector<40x64x1xf32> to vector<40x1xf32>
    %broadcast_in_dim3A_2271 = vector.shape_cast %reduce_sum3A_2270 : vector<40x1xf32> to vector<40x1x1xf32>
    %mul3A_2272 = arith.constant 5.000000e-01 : f32
    %mul3A_2273 = vector.broadcast %mul3A_2272 : f32 to vector<40x1x1xf32>
    %mul3A_2274 = arith.mulf %mul3A_2273, %broadcast_in_dim3A_2271 : vector<40x1x1xf32>
    %add3A_2275 = arith.addf %broadcast_in_dim3A_2267, %mul3A_2274 : vector<40x1x1xf32>
    %broadcast_in_dim3A_2276 = vector.shape_cast %add3A_2275 : vector<40x1x1xf32> to vector<40x1x1xf32>
    %broadcast_in_dim3A_2277 = vector.broadcast %broadcast_in_dim3A_2276 : vector<40x1x1xf32> to vector<40x1x128xf32>
    %swap3A = arith.constant 0 : index
    %swap3A_2278 = arith.constant 0 : index
    %swap3A_2279 = arith.constant 0 : index
    %swap3A_2280 = vector.load %arg8[%swap3A, %swap3A_2278, %swap3A_2279] : memref<40x1x128xf32, #tpu.memory_space<vmem>>, vector<40x1x128xf32>
    tpu.vector_store %arg8[%swap3A, %swap3A_2278, %swap3A_2279], %broadcast_in_dim3A_2277 {strides = array<i32>} : memref<40x1x128xf32, #tpu.memory_space<vmem>>, vector<40x1x128xf32>,
    return
  }
  func.func @transform_0(%arg0: i32) -> (i32, i32, i32) {
    %c0_i32 = arith.constant 0 : i32
    %c0_i32_0 = arith.constant 0 : i32
    %c0_i32_1 = arith.constant 0 : i32
    return %arg0, %c0_i32, %c0_i32_0 : i32, i32, i32
  }
  func.func @transform_1(%arg0: i32) -> (i32, i32, i32) {
    %c0_i32 = arith.constant 0 : i32
    %c0_i32_0 = arith.constant 0 : i32
    %c0_i32_1 = arith.constant 0 : i32
    return %arg0, %c0_i32, %c0_i32_0 : i32, i32, i32
  }
  func.func @transform_2(%arg0: i32) -> (i32, i32, i32) {
    %c0_i32 = arith.constant 0 : i32
    %c0_i32_0 = arith.constant 0 : i32
    %c0_i32_1 = arith.constant 0 : i32
    return %arg0, %c0_i32, %c0_i32_0 : i32, i32, i32
  }
  func.func @transform_3(%arg0: i32) -> (i32, i32, i32) {
    %c0_i32 = arith.constant 0 : i32
    %c0_i32_0 = arith.constant 0 : i32
    %c0_i32_1 = arith.constant 0 : i32
    return %arg0, %c0_i32, %c0_i32_0 : i32, i32, i32
  }
  func.func @transform_4(%arg0: i32) -> (i32, i32, i32) {
    %c0_i32 = arith.constant 0 : i32
    %c0_i32_0 = arith.constant 0 : i32
    %c0_i32_1 = arith.constant 0 : i32
    return %arg0, %c0_i32, %c0_i32_0 : i32, i32, i32
  }
  func.func @transform_5(%arg0: i32) -> (i32, i32, i32) {
    %c0_i32 = arith.constant 0 : i32
    %c0_i32_0 = arith.constant 0 : i32
    %c0_i32_1 = arith.constant 0 : i32
    return %arg0, %c0_i32, %c0_i32_0 : i32, i32, i32
  }
  func.func @transform_6(%arg0: i32) -> (i32, i32, i32) {
    %c0_i32 = arith.constant 0 : i32
    %c0_i32_0 = arith.constant 0 : i32
    %c0_i32_1 = arith.constant 0 : i32
    return %arg0, %c0_i32, %c0_i32_0 : i32, i32, i32
  }
  func.func @transform_7(%arg0: i32) -> (i32, i32, i32) {
    %c0_i32 = arith.constant 0 : i32
    %c0_i32_0 = arith.constant 0 : i32
    %c0_i32_1 = arith.constant 0 : i32
    return %arg0, %c0_i32, %c0_i32_0 : i32, i32, i32
  }
}

</mosaic_0001>

<sc_bundles>
// kernel: gather_offload_async_start.1
scs
__scs_entry_jumppad:
0x0: {  	(pc) =	sbr.rel $0x88, $3  }
0x1: {  	(tag) =	ssettag $0x0;
	lr =	simm.s32 $0x1  }
0x2: {  	[smem:$0x3F93] =	sst lr;
	_ =	strace $0xD0000000  }
0x3: {  	_ = 	snop  }
0x4: {  	_ = 	snop  }
0x5: {  	_ = 	snop  }
0x6: {  	_ = 	snop  }
0x7: {  	_ = 	snop  }
__scs_overlays_trampoline_lowered:
0x8: {  	[smem:$0x3FA2] =	sst s0  }
0x9: {  	[smem:$0x3FA3] =	sst s1  }
0xa: {  	[smem:$0x3FA4] =	sst s2  }
0xb: {  	[smem:$0x3FA5] =	sst s3  }
0xc: {  	[smem:$0x3FA6] =	sst s4  }
0xd: {  	[smem:$0x3FA7] =	sst s5  }
0xe: {  	[smem:$0x3FA8] =	sst s6  }
0xf: {  	[smem:$0x3FA9] =	sst s7  }
0x10: {  	[smem:$0x3FAA] =	sst s8  }
0x11: {  	[smem:$0x3FAB] =	sst s9;
	s0 =	simm.s32 @!p0 $0x0  }
0x12: {  	s1 =	sld [smem:$0x3F91];
	s0 =	simm.s32 @p0 $0x1  }
0x13: {  	[smem:$0x3FAC] =	sst s0;
	s0 =	simm.s32 @!p1 $0x0  }
0x14: {  	s2 =	sld [smem:$0x3F90];
	s0 =	simm.s32 @p1 $0x1  }
0x15: {  	[smem:$0x3FAD] =	sst s0;
	s0 =	simm.s32 @!p2 $0x0  }
0x16: {  	s3 =	sld [smem:$0x3FDB];
	s0 =	simm.s32 @p2 $0x1  }
0x17: {  	s4 =	simm.s32 $0x1BF5;
	[smem:$0x3FAF] =	sst s0  }
0x18: {  	s0 =	sld [smem:$0x3F92];
	_ =	swait.ge [sflag:s4], $0x0  }
0x19: {  	s7 =	sld [smem:$0x3F93]  }
0x1a: {  	s8 =	sadd.s32 $0xFFFFE003, lr  }
0x1b: {  	s9 =	sadd.s32 $0xFFFFFEF7, lr;
	s5 =	simm.s32 $0xFFFFFFFF;
	p2 =	slt.u32 s8, $0xFFFFF086  }
0x1c: {  	p1 =	slt.u32 s9, $0xF7A;
	s5 =	simm.s32 @!p2 $0x0  }
0x1d: {  	s5 =	simm.s32 @p1 $0x1;
	p0 =	seq.s32 s7, s2  }
0x1e: {  	s7 =	smul.u32 @!p0 $0xF7A, s2;
	p2 =	seq.s32 @!p0 s5, $0x0  }
0x1f: {  	s9 =	smul.u32 $0xF7A, s1;
	s8 =	simm.s32 @!p0 $0x1BF5;
	p2 =	por !p2, p0  }
0x20: {  	[sflag:s8] =	ssyncset.s32 @!p0 $0xFFFFF086;
	s6 =	sadd.s32 @!p0 s3, s7;
	s7 =	simm.s32 @!p0 $0x108  }
0x21: {  	s3 =	sadd.s32 s3, s9;
	s6 =	sadd.s32 @!p0 $0x88, s6;
	s7 =	simm.s32 @p2 $0x1082  }
0x22: {  	[simem:s7], [sflag:s8] =	dma.local @!p0 [hbm:s6], $0xF7A  }
0x23: {  	s9 =	sor.u32 $0xD0000000, s2;
	s6 =	simm.s32 $0x108;
	_ =	swait.ge @!p0 [sflag:s8], $0x0  }
0x24: {  	s3 =	sadd.s32 $0x88, s3;
	s6 =	simm.s32 @!p1 $0x1082;
	[sflag:s4] =	ssyncset.s32 $0xFFFFF086  }
0x25: {  	[simem:s6], [sflag:s4] =	dma.local [hbm:s3], $0xF7A  }
0x26: {  	[smem:$0x3F93] =	sst s1;
	(tag) =	ssettag s2;
	_ =	strace s9  }
0x27: {  	s1 =	sld [smem:$0x3FA3]  }
0x28: {  	s2 =	sld [smem:$0x3FA4]  }
0x29: {  	s4 =	sld [smem:$0x3FA6]  }
0x2a: {  	p0 =	seq.s32 s5, $0x0;
	s5 =	sld [smem:$0x3FA7]  }
0x2b: {  	s6 =	sld [smem:$0x3FA8]  }
0x2c: {  	s7 =	sld [smem:$0x3FA9]  }
0x2d: {  	s3 =	simm.s32 $0x108;
	s8 =	sld [smem:$0x3FAA]  }
0x2e: {  	s3 =	simm.s32 @!p0 $0x1082;
	s9 =	sld [smem:$0x3FAB]  }
0x2f: {  	lr =	sadd.s32 s0, s3;
	s0 =	sld [smem:$0x3FA2]  }
0x30: {  	s3 =	sld [smem:$0x3FA5]  }
0x31: {  	[smem:$0x3FAE] =	sst s10  }
0x32: {  	s10 =	sld [smem:$0x3FAC];
	_ =	sdelay $0x3  }
0x33: {  	p0 =	seq.s32 s10, $0x1;
	s10 =	sld [smem:$0x3FAE];
	_ =	sdelay $0x3  }
0x34: {  	[smem:$0x3FAE] =	sst s10  }
0x35: {  	s10 =	sld [smem:$0x3FAD];
	_ =	sdelay $0x3  }
0x36: {  	p1 =	seq.s32 s10, $0x1;
	s10 =	sld [smem:$0x3FAE];
	_ =	sdelay $0x3  }
0x37: {  	[smem:$0x3FAE] =	sst s10  }
0x38: {  	s10 =	sld [smem:$0x3FAF]  }
0x39: {  	_ = 	snop;
	(pc) =	sbr.ind lr, $3  }
0x3a: {  	_ = 	snop  }
0x3b: {  	_ = 	snop  }
0x3c: {  	p2 =	seq.s32 s10, $0x1;
	s10 =	sld [smem:$0x3FAE]  }
0x3d: {  	_ =	shalt  }
0x3e: {  	_ =	shalt  }
0x3f: {  	_ =	shalt  }
0x40: {  	_ =	shalt  }
0x41: {  	_ =	shalt  }
0x42: {  	_ =	shalt  }
0x43: {  	_ =	shalt  }
0x44: {  	_ =	shalt  }
0x45: {  	_ =	shalt  }
0x46: {  	_ =	shalt  }
0x47: {  	_ =	shalt  }
0x48: {  	_ =	shalt  }
0x49: {  	_ =	shalt  }
0x4a: {  	_ =	shalt  }
0x4b: {  	_ =	shalt  }
0x4c: {  	_ =	shalt  }
0x4d: {  	_ =	shalt  }
0x4e: {  	_ =	shalt  }
0x4f: {  	_ =	shalt  }
0x50: {  	_ =	shalt  }
0x51: {  	_ =	shalt  }
0x52: {  	_ =	shalt  }
0x53: {  	_ =	shalt  }
0x54: {  	_ =	shalt  }
0x55: {  	_ =	shalt  }
0x56: {  	_ =	shalt  }
0x57: {  	_ =	shalt  }
0x58: {  	_ =	shalt  }
0x59: {  	_ =	shalt  }
0x5a: {  	_ =	shalt  }
0x5b: {  	_ =	shalt  }
0x5c: {  	_ =	shalt  }
0x5d: {  	_ =	shalt  }
0x5e: {  	_ =	shalt  }
0x5f: {  	_ =	shalt  }
0x60: {  	_ =	shalt  }
0x61: {  	_ =	shalt  }
0x62: {  	_ =	shalt  }
0x63: {  	_ =	shalt  }
0x64: {  	_ =	shalt  }
0x65: {  	_ =	shalt  }
0x66: {  	_ =	shalt  }
0x67: {  	_ =	shalt  }
0x68: {  	_ =	shalt  }
0x69: {  	_ =	shalt  }
0x6a: {  	_ =	shalt  }
0x6b: {  	_ =	shalt  }
0x6c: {  	_ =	shalt  }
0x6d: {  	_ =	shalt  }
0x6e: {  	_ =	shalt  }
0x6f: {  	_ =	shalt  }
0x70: {  	_ =	shalt  }
0x71: {  	_ =	shalt  }
0x72: {  	_ =	shalt  }
0x73: {  	_ =	shalt  }
0x74: {  	_ =	shalt  }
0x75: {  	_ =	shalt  }
0x76: {  	_ =	shalt  }
0x77: {  	_ =	shalt  }
0x78: {  	_ =	shalt  }
0x79: {  	_ =	shalt  }
0x7a: {  	_ =	shalt  }
0x7b: {  	_ =	shalt  }
0x7c: {  	_ =	shalt  }
0x7d: {  	_ =	shalt  }
0x7e: {  	_ =	shalt  }
0x7f: {  	_ =	shalt  }
0x80: {  	_ =	shalt  }
0x81: {  	_ =	shalt  }
0x82: {  	_ =	shalt  }
0x83: {  	_ =	shalt  }
0x84: {  	_ =	shalt  }
0x85: {  	_ =	shalt  }
0x86: {  	_ =	shalt  }
0x87: {  	_ =	shalt  }
.Lfunc_end0:
.L_simem_size_0:
called_computation.2_lowered:
.L_overlay_start_0:
0x88: {  	s2 =	sld [smem:$0x3FD9]  }
0x89: {  	s3 =	sld [smem:$0x3FFE];
	_ =	sdelay $0x1  }
0x8a: {  	s1 =	srdreg.scid  }
0x8b: {  	s0 =	sand.u32 $0x1, s1  }
0x8c: {  	s16 =	sshll.u32 s0, $0xA;
	s2 =	sadd.s32 s3, s2  }
0x8d: {  	s2 =	sadd.s32 s2, s16  }
0x8e: {  	[smem:$0x3FBA] =	sst s2  }
0x8f: {  	_ = 	snop  }
0x90: {  	(tm) =	ssettm $0x1  }
0x91: {  	s17 =	sld [smem:$0x3FFB];
	_ =	sdelay $0x3  }
0x92: {  	_ =	strace s17  }
0x93: {  	s2 =	sld [smem:$0x3FFC];
	_ =	sdelay $0x3  }
0x94: {  	_ =	strace s2  }
0x95: {  	s2 =	sld [smem:$0x3FFD];
	_ =	sdelay $0x3  }
0x96: {  	_ =	strace s2  }
0x97: {  	_ =	strace $0x8FFFFFFF  }
0x98: {  	s18 =	sld [smem:$0x3FDB];
	_ =	sdelay $0x1  }
0x99: {  	s19 =	simm.s32 $_scs_section_size  }
0x9a: {  	s4 =	simm.s32 $_size__tile_overlayer_lowered;
	s5 =	simm.s32 $_tile_overlayer_lowered  }
0x9b: {  	s22 =	simm.s32 $0x1BFF;
	s21 =	sshll.u32 s5, $0x1;
	s2 =	sadd.s32 s19, s18  }
0x9c: {  	s6 =	simm.s32 $0x0;
	s20 =	sshll.u32 s4, $0x1;
	s4 =	sadd.s32 s21, s2  }
0x9d: {  	[timem:s6], [sflag:s22] =	dma.local [hbm:s4], s20  }
0x9e: {  	_ =	swait.ge [sflag:s22], s20  }
0x9f: {  	s3 =	ssub.s32 $0x0, s20;
	[sflag:s22] =	ssyncset.done $0x0  }
0xa0: {  	[sflag:s22] =	ssyncadd.s32 s3;
	_ =	sdelay $0x1  }
0xa1: {  	s23 =	simm.s32 $0x1B8B  }
0xa2: {  	_ =	swait.ge [sflag:s23], $0x1  }
0xa3: {  	[sflag:s23] =	ssyncset.done $0x0  }
0xa4: {  	s25 =	simm.s32 $0x1B8E;
	s24 =	sld [smem:$0x3FFE];
	[sflag:s23] =	ssyncadd.s32 $0xFFFFFFFF  }
0xa5: {  	s26 =	simm.s32 $execute0_lowered;
	[smem:$0x3FD2] =	sst s25  }
0xa6: {  	s4 =	sshll.u32 s26, $0x1;
	_ =	strace $0x80000049;
	[dreg:$0x1] =	wrdreg $0xFFFFFFFF  }
0xa7: {  	s28 =	simm.s32 $_size_execute0_lowered;
	s2 =	sadd.s32 s2, s4;
	[dreg:$0x0] =	wrdreg $0x0  }
0xa8: {  	s4 =	sshll.u32 s28, $0x1;
	[dreg:$0x2] =	wrdreg s2  }
0xa9: {  	[dreg:$0x3] =	wrdreg s4  }
0xaa: {  	[dreg:$0x4] =	wrdreg $0xC0  }
0xab: {  	_ =	task [dreg:s6], $0x5FFFF  }
0xac: {  	[dreg:$0x1] =	wrdreg $0xFFFFFFFF  }
0xad: {  	[dreg:$0x0] =	wrdreg $0x60  }
0xae: {  	[dreg:$0x2] =	wrdreg s24  }
0xaf: {  	[dreg:$0x3] =	wrdreg $0x9  }
0xb0: {  	_ =	task.clear_ibuf [dreg:s6], $0x4FFFF;
	_ =	strace $0x90000049  }
0xb1: {  	s29 =	simm.s32 $0x9;
	_ =	strace $0x8000004B  }
0xb2: {  	_ =	swait.ge [sflag:s29], $0x1  }
0xb3: {  	[sflag:s29] =	ssyncadd.s32 $0xFFFFFFFF  }
0xb4: {  	_ =	strace $0x9000004B  }
0xb5: {  	_ =	sfence  }
0xb6: {  	s30 =	sld [smem:$0x0];
	_ =	sdelay $0x2  }
0xb7: {  	s31 =	sshll.u32 s1, $0xD;
	s1 =	sshrl.u32 s1, $0x2  }
0xb8: {  	s3 =	sand.u32 $0x4000, s31;
	s1 =	sadd.s32 s1, s30  }
0xb9: {  	s0 =	sor.u32 s3, s0;
	s1 =	sshll.u32 s1, $0x11  }
0xba: {  	s0 =	sor.u32 s1, s0  }
0xbb: {  	s0 =	sadd.s32 $0x8F2B, s0  }
0xbc: {  	[sflag:s0] =	ssyncadd.remote.s32 $0x1  }
0xbd: {  	_ =	sfence.sel $0xFFFF  }
0xbe: {  	[dreg:$0x0] =	wrdreg $0xFFFFFFFF;
	(pc) =	sbr.abs _section_cstart, $3  }
0xbf: {  	[dreg:$0x1] =	wrdreg $0xFFFFFFFF  }
0xc0: {  	_ =	task.clear_ibuf [dreg:s6], $0x2FFFF;
	_ =	strace $0x9FFFFFFF  }
0xc1: {  	(tm) =	ssettm $0x7FFFFFFF  }
tec
execute0_lowered:
.L_overlay_start_1:
0x0: {  	(tag) =	ssettag $0x1  }
0x1: {  	s8 =	rddreg [dreg:$0x0];
	s1 =	stileid.u32  }
0x2: {  	s2 =	srdreg.scid;
	s0 =	rddreg [dreg:$0x1]  }
0x3: {  	_ =	strace $0x8000004A;
	s5 =	simm.s32 $0x1;
	s9 =	simm.s32 $0x1  }
0x4: {  	s10 =	simm.s32 $0x3;
	s2 =	sand.u32 $0x1, s2;
	s3 =	sshll.u32 s1, $0x1  }
0x5: {  	s13 =	simm.s32 $0x0;
	s12 =	simm.s32 $0x0;
	s6 =	sor.u32 s3, s2  }
0x6: {  	[sflag:s5] =	ssyncpa.u1 $0x0;
	s2 =	sadd.s32 $0x670E00, s8;
	s4 =	smul.u32 $0x2710, s6  }
0x7: {  	s3 =	sadd.s32 $0x2A00, s8;
	p0 =	slt.u32 s6, $0x13;
	s6 =	simm.s32 $0x4E200  }
.Ltmp0:
0x8: {  	s6 =	simm.s32 @!p0 $0x0;
	s7 =	ssub.s32 $0x7A120, s4;
	(pc) =	sbr.rel .LBB2_1-.Ltmp0, $4  }
0x9: {  	s9 =	simm.s32 @!p0 $0x0;
	p0 =	sne.s32 s7, s6;
	s7 =	simm.s32 $0x1  }
0xa: {  	s8 =	sadd.s32 $0x12000, s8;
	s6 =	simm.s32 $0x2;
	s7 =	simm.s32 @!p0 $0x0  }
0xb: {  	s11 =	smov.u32 s4;
	[sflag:s6] =	ssyncpa.u1 $0x0;
	s7 =	sadd.s32 s9, s7  }
0xc: {  	vm0 =	vmmov $0xffff;
	[sflag:s10] =	ssyncpa.u1 $0x0;
	s10 =	simm.s32 $0x0;
	s9 =	sadd.s32 $0x1, s7  }
.LBB2_4:
0xd: {  	v2 =	vnsel vm1, $0x0, v2  }
0xe: {  	vm1 =	vgt.s32 v0, $0x0;
	v2 =	vmin.u32 v2, $0x1E847F  }
0xf: {  	v0 =	vnsel vm1, $0x0, v0  }
0x10: {  	v0 =	vmin.u32 v0, $0x1E847F  }
0x11: {  	[tilespmem:s18], [sflag:$0x1] =	stream.indirect_vreg.gather [hbm4b:s2+s10], $0x1, v1, vm0, $0x4038;
	[tilespmem:$0x9C40] =	vst v63  }
0x12: {  	(ifvalue) =	ssetifvalue $0x7FFFFFFF  }
0x13: {  	[tilespmem:s15], [sflag:$0x1] =	stream.indirect_vreg.gather [hbm4b:s2+s10], $0x1, v2, vm0, $0x4038;
	[tilespmem:$0x9C40] =	vst v63  }
0x14: {  	s29 =	sadd.s32 $0x10, s15;
	(ifvalue) =	ssetifvalue $0x7FFFFFFF  }
0x15: {  	[tilespmem:s29], [sflag:$0x1] =	stream.indirect_vreg.gather [hbm4b:s2+s10], $0x1, v0, vm0, $0x4038;
	[tilespmem:$0x9C40] =	vst v63  }
0x16: {  	_ =	swait.ge [sflag:s5], $0x2710  }
0x17: {  	s30 =	sshrl.u32 s13, $0x3;
	[sflag:s5] =	ssyncset.done $0x0  }
0x18: {  	s31 =	sand.u32 $0x7, s13;
	s15 =	sadd.s32 s8, s30;
	[sflag:s5] =	ssyncadd.s32 $0xFFFFD8F0  }
0x19: {  	[hbm4b:s15+s31] =	stream.linear.scatter [tilespmem:s14], [sflag:$0x3], $0x2710, $0x38;
	[tilespmem:$0x9C40] =	vst v63  }
.LBB2_5:
0x1a: {  	s15 =	sadd.s32 $0x4E200, s11  }
0x1b: {  	p1 =	sgt.s32 s15, $0x7A11F  }
0x1c: {  	s15 =	smov.u32 @p1 s4;
	p1 =	sne.s32 s12, s9  }
.Ltmp1:
0x1d: {  	p0 =	slt.u32 s12, $0x2;
	(pc) =	sbr.rel @!p1 .LBB2_6-.Ltmp1, $4  }
0x1e: {  	s14 =	simm.s32 @!p0 $0x3  }
0x1f: {  	_ =	swait.ge @!p0 [sflag:s14], $0x2710  }
0x20: {  	s16 =	sadd.s32 $0x1, s12;
	s13 =	smov.u32 s11;
	[sflag:s14] =	ssyncset.done @!p0 $0x0  }
0x21: {  	s12 =	smov.u32 s16;
	s11 =	smov.u32 s15;
	[sflag:s14] =	ssyncadd.s32 @!p0 $0xFFFFD8F0  }
.LBB2_1:
0x22: {  	p0 =	sge.u32 s12, s7  }
0x23: {  	s14 =	sxor.u32 @!p0 $0x1, s12  }
0x24: {  	s14 =	smul.u32 @!p0 $0x9C40, s14  }
0x25: {  	s31 =	sadd.s32 $0xFFFFFFFF, s12;
	s15 =	sshrl.u32 @!p0 s11, $0x3  }
0x26: {  	s16 =	sand.u32 @!p0 $0x7, s11;
	s15 =	sadd.s32 @!p0 s3, s15;
	s14 =	sshra.s32 @!p0 s14, $0x2  }
0x27: {  	[tilespmem:s14], [sflag:$0x2] =	stream.linear.gather @!p0 [hbm4b:s15+s16], $0x2710, $0x38;
	[tilespmem:$0x9C40] =	vst v63  }
0x28: {  	p0 =	sge.u32 s31, s7  }
.Ltmp2:
0x29: {  	_ = 	snop;
	(pc) =	sbr.rel @p0 .LBB2_5-.Ltmp2, $1  }
0x2a: {  	_ =	sdelay $0x3  }
0x2b: {  	s14 =	sand.u32 $0x1, s12  }
0x2c: {  	_ =	swait.ge [sflag:s6], $0x2710;
	p0 =	seq.s32 s14, $0x1;
	s14 =	simm.s32 $0x2710  }
0x2d: {  	[sflag:s6] =	ssyncset.done $0x0;
	s14 =	simm.s32 @!p0 $0x0  }
0x2e: {  	[sflag:s6] =	ssyncadd.s32 $0xFFFFD8F0;
	(ifvalue) =	ssetifvalue $0x7FFFFFFF;
	v0 =	vld.msk [tilespmem:s14+$0x0 ss:$0x1], $0xffff;
	_ =	sdelay $0x4  }
0x2f: {  	s15 =	sadd.s32 $0x10, s14;
	vm1 =	vgt.s32 v0, $0x0  }
0x30: {  	v2 =	vld.msk [tilespmem:s15+$0x0 ss:$0x1], $0xffff;
	v1 =	vnsel vm1, $0x0, v0  }
0x31: {  	v1 =	vmin.u32 v1, $0x1E847F;
	_ =	sdelay $0x2  }
0x32: {  	s17 =	simm.s32 $0x20;
	s14 =	sadd.s32 $0x4E20, s14;
	s16 =	sadd.s32 $0x10, s15  }
0x33: {  	s15 =	sadd.s32 $0x10, s14;
	s18 =	smov.u32 s14;
	v0 =	vld.msk [tilespmem:s16+$0x0 ss:$0x1], $0xffff;
	vm1 =	vgt.s32 v2, $0x0;
	(ifvalue) =	ssetifvalue $0x7FFFFFFF  }
.LBB2_3:
0x34: {  	[tilespmem:s18], [sflag:$0x1] =	stream.indirect_vreg.gather [hbm4b:s2+s10], $0x1, v1, vm0, $0x4038;
	[tilespmem:$0x9C40] =	vst v63  }
0x35: {  	s17 =	sadd.s32 $0x10, s17  }
0x36: {  	v2 =	vnsel vm1, $0x0, v2;
	p0 =	slt.u32 s17, $0x2700  }
.Ltmp3:
0x37: {  	s18 =	smov.u32 s15;
	v1 =	vmin.u32 v2, $0x1E847F;
	(pc) =	sbr.rel @p0 .LBB2_3-.Ltmp3, $3  }
0x38: {  	_ =	sdelay $0x1  }
0x39: {  	s16 =	sadd.s32 $0x10, s16  }
0x3a: {  	vm1 =	vgt.s32 v0, $0x0;
	s15 =	sadd.s32 $0x10, s15;
	v2 =	vmov v0;
	(ifvalue) =	ssetifvalue $0x7FFFFFFF;
	v0 =	vld.msk [tilespmem:s16+$0x0 ss:$0x1], $0xffff  }
.Ltmp4:
0x3b: {  	_ = 	snop;
	(pc) =	sbr.rel .LBB2_4-.Ltmp4, $1  }
0x3c: {  	_ =	sdelay $0x3  }
.LBB2_6:
0x3d: {  	_ =	sfence.sel $0x180000  }
0x3e: {  	s2 =	simm.s32 $0x2;
	[bflag:$0x0] =	sbarrier.arrive $0xFFFF  }
0x3f: {  	s30 =	simm.s32 $0x3;
	[sflag:s2] =	ssyncpa.u1 $0x1  }
0x40: {  	s31 =	simm.s32 $0x1;
	[sflag:s30] =	ssyncpa.u1 $0x1  }
0x41: {  	[sflag:s31] =	ssyncpa.u1 $0x1  }
0x42: {  	p0 =	sne.s32 s1, $0x0;
	_ =	strace $0x9000004A  }
0x43: {  	s0 =	sadd.s32 @!p0 $0x100000, s0;
	[bflag:$0x2] =	sbarrier.arrive $0xFFFF  }
0x44: {  	[sflag:s0] =	ssyncadd.tile.s32 @!p0 $0x1;
	_ =	shalt  }
.Lfunc_end2:
_tile_overlayer_lowered:
.L_overlay_start_2:
0x45: {  	(tag) =	ssettag $0x2  }
0x46: {  	s0 =	rddreg [dreg:$0x0];
	s2 =	stileid.u32  }
0x47: {  	s1 =	rddreg [dreg:$0x1];
	p0 =	sne.s32 s2, $0x0  }
0x48: {  	s3 =	rddreg [dreg:$0x2];
	[bflag:$0x3] =	sbarrier.arrive $0xFFFF;
	s2 =	simm.s32 @!p0 $0x1C01  }
0x49: {  	[timem:s3], [sflag:s2] =	dma.local @!p0 [hbm:s0], s1  }
0x4a: {  	s0 =	simm.s32 @!p0 $0x1  }
0x4b: {  	_ =	swait.ge @!p0 [sflag:s0], s1  }
0x4c: {  	s1 =	ssub.s32 @!p0 $0x0, s1;
	[sflag:s0] =	ssyncset.done @!p0 $0x0  }
0x4d: {  	[sflag:s0] =	ssyncadd.s32 @!p0 s1  }
0x4e: {  	[bflag:$0x3] =	sbarrier.arrive $0xFFFF  }
0x4f: {  	_ =	shalt  }

// kernel: gather_offload_async_start
scs
__scs_entry_jumppad:
0x0: {  	(pc) =	sbr.rel $0x88, $3  }
0x1: {  	(tag) =	ssettag $0x0;
	lr =	simm.s32 $0x1  }
0x2: {  	[smem:$0x3F93] =	sst lr;
	_ =	strace $0xD0000000  }
0x3: {  	_ = 	snop  }
0x4: {  	_ = 	snop  }
0x5: {  	_ = 	snop  }
0x6: {  	_ = 	snop  }
0x7: {  	_ = 	snop  }
__scs_overlays_trampoline_lowered:
0x8: {  	[smem:$0x3FA2] =	sst s0  }
0x9: {  	[smem:$0x3FA3] =	sst s1  }
0xa: {  	[smem:$0x3FA4] =	sst s2  }
0xb: {  	[smem:$0x3FA5] =	sst s3  }
0xc: {  	[smem:$0x3FA6] =	sst s4  }
0xd: {  	[smem:$0x3FA7] =	sst s5  }
0xe: {  	[smem:$0x3FA8] =	sst s6  }
0xf: {  	[smem:$0x3FA9] =	sst s7  }
0x10: {  	[smem:$0x3FAA] =	sst s8  }
0x11: {  	[smem:$0x3FAB] =	sst s9;
	s0 =	simm.s32 @!p0 $0x0  }
0x12: {  	s1 =	sld [smem:$0x3F91];
	s0 =	simm.s32 @p0 $0x1  }
0x13: {  	[smem:$0x3FAC] =	sst s0;
	s0 =	simm.s32 @!p1 $0x0  }
0x14: {  	s2 =	sld [smem:$0x3F90];
	s0 =	simm.s32 @p1 $0x1  }
0x15: {  	[smem:$0x3FAD] =	sst s0;
	s0 =	simm.s32 @!p2 $0x0  }
0x16: {  	s3 =	sld [smem:$0x3FDB];
	s0 =	simm.s32 @p2 $0x1  }
0x17: {  	s4 =	simm.s32 $0x1BF5;
	[smem:$0x3FAF] =	sst s0  }
0x18: {  	s0 =	sld [smem:$0x3F92];
	_ =	swait.ge [sflag:s4], $0x0  }
0x19: {  	s7 =	sld [smem:$0x3F93]  }
0x1a: {  	s8 =	sadd.s32 $0xFFFFE003, lr  }
0x1b: {  	s9 =	sadd.s32 $0xFFFFFEF7, lr;
	s5 =	simm.s32 $0xFFFFFFFF;
	p2 =	slt.u32 s8, $0xFFFFF086  }
0x1c: {  	p1 =	slt.u32 s9, $0xF7A;
	s5 =	simm.s32 @!p2 $0x0  }
0x1d: {  	s5 =	simm.s32 @p1 $0x1;
	p0 =	seq.s32 s7, s2  }
0x1e: {  	s7 =	smul.u32 @!p0 $0xF7A, s2;
	p2 =	seq.s32 @!p0 s5, $0x0  }
0x1f: {  	s9 =	smul.u32 $0xF7A, s1;
	s8 =	simm.s32 @!p0 $0x1BF5;
	p2 =	por !p2, p0  }
0x20: {  	[sflag:s8] =	ssyncset.s32 @!p0 $0xFFFFF086;
	s6 =	sadd.s32 @!p0 s3, s7;
	s7 =	simm.s32 @!p0 $0x108  }
0x21: {  	s3 =	sadd.s32 s3, s9;
	s6 =	sadd.s32 @!p0 $0x88, s6;
	s7 =	simm.s32 @p2 $0x1082  }
0x22: {  	[simem:s7], [sflag:s8] =	dma.local @!p0 [hbm:s6], $0xF7A  }
0x23: {  	s9 =	sor.u32 $0xD0000000, s2;
	s6 =	simm.s32 $0x108;
	_ =	swait.ge @!p0 [sflag:s8], $0x0  }
0x24: {  	s3 =	sadd.s32 $0x88, s3;
	s6 =	simm.s32 @!p1 $0x1082;
	[sflag:s4] =	ssyncset.s32 $0xFFFFF086  }
0x25: {  	[simem:s6], [sflag:s4] =	dma.local [hbm:s3], $0xF7A  }
0x26: {  	[smem:$0x3F93] =	sst s1;
	(tag) =	ssettag s2;
	_ =	strace s9  }
0x27: {  	s1 =	sld [smem:$0x3FA3]  }
0x28: {  	s2 =	sld [smem:$0x3FA4]  }
0x29: {  	s4 =	sld [smem:$0x3FA6]  }
0x2a: {  	p0 =	seq.s32 s5, $0x0;
	s5 =	sld [smem:$0x3FA7]  }
0x2b: {  	s6 =	sld [smem:$0x3FA8]  }
0x2c: {  	s7 =	sld [smem:$0x3FA9]  }
0x2d: {  	s3 =	simm.s32 $0x108;
	s8 =	sld [smem:$0x3FAA]  }
0x2e: {  	s3 =	simm.s32 @!p0 $0x1082;
	s9 =	sld [smem:$0x3FAB]  }
0x2f: {  	lr =	sadd.s32 s0, s3;
	s0 =	sld [smem:$0x3FA2]  }
0x30: {  	s3 =	sld [smem:$0x3FA5]  }
0x31: {  	[smem:$0x3FAE] =	sst s10  }
0x32: {  	s10 =	sld [smem:$0x3FAC];
	_ =	sdelay $0x3  }
0x33: {  	p0 =	seq.s32 s10, $0x1;
	s10 =	sld [smem:$0x3FAE];
	_ =	sdelay $0x3  }
0x34: {  	[smem:$0x3FAE] =	sst s10  }
0x35: {  	s10 =	sld [smem:$0x3FAD];
	_ =	sdelay $0x3  }
0x36: {  	p1 =	seq.s32 s10, $0x1;
	s10 =	sld [smem:$0x3FAE];
	_ =	sdelay $0x3  }
0x37: {  	[smem:$0x3FAE] =	sst s10  }
0x38: {  	s10 =	sld [smem:$0x3FAF]  }
0x39: {  	_ = 	snop;
	(pc) =	sbr.ind lr, $3  }
0x3a: {  	_ = 	snop  }
0x3b: {  	_ = 	snop  }
0x3c: {  	p2 =	seq.s32 s10, $0x1;
	s10 =	sld [smem:$0x3FAE]  }
0x3d: {  	_ =	shalt  }
0x3e: {  	_ =	shalt  }
0x3f: {  	_ =	shalt  }
0x40: {  	_ =	shalt  }
0x41: {  	_ =	shalt  }
0x42: {  	_ =	shalt  }
0x43: {  	_ =	shalt  }
0x44: {  	_ =	shalt  }
0x45: {  	_ =	shalt  }
0x46: {  	_ =	shalt  }
0x47: {  	_ =	shalt  }
0x48: {  	_ =	shalt  }
0x49: {  	_ =	shalt  }
0x4a: {  	_ =	shalt  }
0x4b: {  	_ =	shalt  }
0x4c: {  	_ =	shalt  }
0x4d: {  	_ =	shalt  }
0x4e: {  	_ =	shalt  }
0x4f: {  	_ =	shalt  }
0x50: {  	_ =	shalt  }
0x51: {  	_ =	shalt  }
0x52: {  	_ =	shalt  }
0x53: {  	_ =	shalt  }
0x54: {  	_ =	shalt  }
0x55: {  	_ =	shalt  }
0x56: {  	_ =	shalt  }
0x57: {  	_ =	shalt  }
0x58: {  	_ =	shalt  }
0x59: {  	_ =	shalt  }
0x5a: {  	_ =	shalt  }
0x5b: {  	_ =	shalt  }
0x5c: {  	_ =	shalt  }
0x5d: {  	_ =	shalt  }
0x5e: {  	_ =	shalt  }
0x5f: {  	_ =	shalt  }
0x60: {  	_ =	shalt  }
0x61: {  	_ =	shalt  }
0x62: {  	_ =	shalt  }
0x63: {  	_ =	shalt  }
0x64: {  	_ =	shalt  }
0x65: {  	_ =	shalt  }
0x66: {  	_ =	shalt  }
0x67: {  	_ =	shalt  }
0x68: {  	_ =	shalt  }
0x69: {  	_ =	shalt  }
0x6a: {  	_ =	shalt  }
0x6b: {  	_ =	shalt  }
0x6c: {  	_ =	shalt  }
0x6d: {  	_ =	shalt  }
0x6e: {  	_ =	shalt  }
0x6f: {  	_ =	shalt  }
0x70: {  	_ =	shalt  }
0x71: {  	_ =	shalt  }
0x72: {  	_ =	shalt  }
0x73: {  	_ =	shalt  }
0x74: {  	_ =	shalt  }
0x75: {  	_ =	shalt  }
0x76: {  	_ =	shalt  }
0x77: {  	_ =	shalt  }
0x78: {  	_ =	shalt  }
0x79: {  	_ =	shalt  }
0x7a: {  	_ =	shalt  }
0x7b: {  	_ =	shalt  }
0x7c: {  	_ =	shalt  }
0x7d: {  	_ =	shalt  }
0x7e: {  	_ =	shalt  }
0x7f: {  	_ =	shalt  }
0x80: {  	_ =	shalt  }
0x81: {  	_ =	shalt  }
0x82: {  	_ =	shalt  }
0x83: {  	_ =	shalt  }
0x84: {  	_ =	shalt  }
0x85: {  	_ =	shalt  }
0x86: {  	_ =	shalt  }
0x87: {  	_ =	shalt  }
.Lfunc_end0:
.L_simem_size_0:
called_computation.1_lowered:
.L_overlay_start_0:
0x88: {  	s2 =	sld [smem:$0x3FD9]  }
0x89: {  	s3 =	sld [smem:$0x3FFE];
	_ =	sdelay $0x1  }
0x8a: {  	s1 =	srdreg.scid  }
0x8b: {  	s0 =	sand.u32 $0x1, s1  }
0x8c: {  	s16 =	sshll.u32 s0, $0xA;
	s2 =	sadd.s32 s3, s2  }
0x8d: {  	s2 =	sadd.s32 s2, s16  }
0x8e: {  	[smem:$0x3FBA] =	sst s2  }
0x8f: {  	_ = 	snop  }
0x90: {  	(tm) =	ssettm $0x1  }
0x91: {  	s17 =	sld [smem:$0x3FFB];
	_ =	sdelay $0x3  }
0x92: {  	_ =	strace s17  }
0x93: {  	s2 =	sld [smem:$0x3FFC];
	_ =	sdelay $0x3  }
0x94: {  	_ =	strace s2  }
0x95: {  	s2 =	sld [smem:$0x3FFD];
	_ =	sdelay $0x3  }
0x96: {  	_ =	strace s2  }
0x97: {  	_ =	strace $0x8FFFFFFF  }
0x98: {  	s18 =	sld [smem:$0x3FDB];
	_ =	sdelay $0x1  }
0x99: {  	s19 =	simm.s32 $_scs_section_size  }
0x9a: {  	s4 =	simm.s32 $_size__tile_overlayer_lowered;
	s5 =	simm.s32 $_tile_overlayer_lowered  }
0x9b: {  	s22 =	simm.s32 $0x1BFF;
	s21 =	sshll.u32 s5, $0x1;
	s2 =	sadd.s32 s19, s18  }
0x9c: {  	s6 =	simm.s32 $0x0;
	s20 =	sshll.u32 s4, $0x1;
	s4 =	sadd.s32 s21, s2  }
0x9d: {  	[timem:s6], [sflag:s22] =	dma.local [hbm:s4], s20  }
0x9e: {  	_ =	swait.ge [sflag:s22], s20  }
0x9f: {  	s3 =	ssub.s32 $0x0, s20;
	[sflag:s22] =	ssyncset.done $0x0  }
0xa0: {  	[sflag:s22] =	ssyncadd.s32 s3;
	_ =	sdelay $0x1  }
0xa1: {  	s23 =	simm.s32 $0x1B8B  }
0xa2: {  	_ =	swait.ge [sflag:s23], $0x1  }
0xa3: {  	[sflag:s23] =	ssyncset.done $0x0  }
0xa4: {  	s25 =	simm.s32 $0x1B8E;
	s24 =	sld [smem:$0x3FFE];
	[sflag:s23] =	ssyncadd.s32 $0xFFFFFFFF  }
0xa5: {  	s26 =	simm.s32 $execute0_lowered;
	[smem:$0x3FD2] =	sst s25  }
0xa6: {  	s4 =	sshll.u32 s26, $0x1;
	_ =	strace $0x80000046;
	[dreg:$0x1] =	wrdreg $0xFFFFFFFF  }
0xa7: {  	s28 =	simm.s32 $_size_execute0_lowered;
	s2 =	sadd.s32 s2, s4;
	[dreg:$0x0] =	wrdreg $0x0  }
0xa8: {  	s4 =	sshll.u32 s28, $0x1;
	[dreg:$0x2] =	wrdreg s2  }
0xa9: {  	[dreg:$0x3] =	wrdreg s4  }
0xaa: {  	[dreg:$0x4] =	wrdreg $0xC0  }
0xab: {  	_ =	task [dreg:s6], $0x5FFFF  }
0xac: {  	[dreg:$0x1] =	wrdreg $0xFFFFFFFF  }
0xad: {  	[dreg:$0x0] =	wrdreg $0x60  }
0xae: {  	[dreg:$0x2] =	wrdreg s24  }
0xaf: {  	[dreg:$0x3] =	wrdreg $0x9  }
0xb0: {  	_ =	task.clear_ibuf [dreg:s6], $0x4FFFF;
	_ =	strace $0x90000046  }
0xb1: {  	s29 =	simm.s32 $0x9;
	_ =	strace $0x80000048  }
0xb2: {  	_ =	swait.ge [sflag:s29], $0x1  }
0xb3: {  	[sflag:s29] =	ssyncadd.s32 $0xFFFFFFFF  }
0xb4: {  	_ =	strace $0x90000048  }
0xb5: {  	_ =	sfence  }
0xb6: {  	s30 =	sld [smem:$0x0];
	_ =	sdelay $0x2  }
0xb7: {  	s31 =	sshll.u32 s1, $0xD;
	s1 =	sshrl.u32 s1, $0x2  }
0xb8: {  	s3 =	sand.u32 $0x4000, s31;
	s1 =	sadd.s32 s1, s30  }
0xb9: {  	s0 =	sor.u32 s3, s0;
	s1 =	sshll.u32 s1, $0x11  }
0xba: {  	s0 =	sor.u32 s1, s0  }
0xbb: {  	s0 =	sadd.s32 $0x8F2B, s0  }
0xbc: {  	[sflag:s0] =	ssyncadd.remote.s32 $0x1  }
0xbd: {  	_ =	sfence.sel $0xFFFF  }
0xbe: {  	[dreg:$0x0] =	wrdreg $0xFFFFFFFF;
	(pc) =	sbr.abs _section_cstart, $3  }
0xbf: {  	[dreg:$0x1] =	wrdreg $0xFFFFFFFF  }
0xc0: {  	_ =	task.clear_ibuf [dreg:s6], $0x2FFFF;
	_ =	strace $0x9FFFFFFF  }
0xc1: {  	(tm) =	ssettm $0x7FFFFFFF  }
tec
execute0_lowered:
.L_overlay_start_1:
0x0: {  	(tag) =	ssettag $0x1  }
0x1: {  	s8 =	rddreg [dreg:$0x0]  }
0x2: {  	s0 =	rddreg [dreg:$0x1];
	_ =	strace $0x80000047;
	s1 =	stileid.u32  }
0x3: {  	s3 =	srdreg.scid;
	s4 =	simm.s32 $0x1;
	s7 =	simm.s32 $0x1  }
0x4: {  	s9 =	simm.s32 $0x1;
	s10 =	simm.s32 $0x3;
	s13 =	simm.s32 $0x0  }
0x5: {  	s12 =	simm.s32 $0x0;
	s5 =	sand.u32 $0x1, s3;
	s6 =	sshll.u32 s1, $0x1  }
0x6: {  	s2 =	sadd.s32 $0x670E00, s8;
	s3 =	sadd.s32 $0x12000, s8;
	s5 =	sor.u32 s6, s5  }
.Ltmp0:
0x7: {  	[sflag:s4] =	ssyncpa.u1 $0x0;
	p0 =	slt.u32 s5, $0x13;
	(pc) =	sbr.rel .LBB2_1-.Ltmp0, $4  }
0x8: {  	s6 =	simm.s32 $0x2;
	s7 =	simm.s32 @!p0 $0x0;
	p0 =	sne.s32 s5, $0x12  }
0x9: {  	[sflag:s6] =	ssyncpa.u1 $0x0;
	s5 =	smul.u32 $0x2EE0, s5;
	s9 =	simm.s32 @!p0 $0x0  }
0xa: {  	s8 =	sadd.s32 $0x6AE000, s8;
	[sflag:s10] =	ssyncpa.u1 $0x0;
	s7 =	sadd.s32 s9, s7  }
0xb: {  	vm0 =	vmmov $0xffff;
	s10 =	simm.s32 $0x0;
	s11 =	smov.u32 s5;
	s9 =	sadd.s32 $0x1, s7  }
.LBB2_4:
0xc: {  	v2 =	vnsel vm1, $0x0, v2  }
0xd: {  	vm1 =	vgt.s32 v0, $0x0;
	v2 =	vmin.u32 v2, $0x1E847F  }
0xe: {  	v0 =	vnsel vm1, $0x0, v0  }
0xf: {  	v0 =	vmin.u32 v0, $0x1E847F  }
0x10: {  	[tilespmem:s18], [sflag:$0x1] =	stream.indirect_vreg.gather [hbm4b:s2+s10], $0x1, v1, vm0, $0x4038;
	[tilespmem:$0xBB80] =	vst v63  }
0x11: {  	(ifvalue) =	ssetifvalue $0x7FFFFFFF  }
0x12: {  	[tilespmem:s15], [sflag:$0x1] =	stream.indirect_vreg.gather [hbm4b:s2+s10], $0x1, v2, vm0, $0x4038;
	[tilespmem:$0xBB80] =	vst v63  }
0x13: {  	s29 =	sadd.s32 $0x10, s15;
	(ifvalue) =	ssetifvalue $0x7FFFFFFF  }
0x14: {  	[tilespmem:s29], [sflag:$0x1] =	stream.indirect_vreg.gather [hbm4b:s2+s10], $0x1, v0, vm0, $0x4038;
	[tilespmem:$0xBB80] =	vst v63  }
0x15: {  	_ =	swait.ge [sflag:s4], $0x2EE0  }
0x16: {  	s30 =	sshrl.u32 s13, $0x3;
	[sflag:s4] =	ssyncset.done $0x0  }
0x17: {  	s31 =	sand.u32 $0x7, s13;
	s15 =	sadd.s32 s8, s30;
	[sflag:s4] =	ssyncadd.s32 $0xFFFFD120  }
0x18: {  	[hbm4b:s15+s31] =	stream.linear.scatter [tilespmem:s14], [sflag:$0x3], $0x2EE0, $0x38;
	[tilespmem:$0xBB80] =	vst v63  }
.LBB2_5:
0x19: {  	s15 =	sadd.s32 $0x5DC00, s11  }
0x1a: {  	p1 =	sgt.s32 s15, $0x927BF  }
0x1b: {  	s15 =	smov.u32 @p1 s5;
	p1 =	sne.s32 s12, s9  }
.Ltmp1:
0x1c: {  	p0 =	slt.u32 s12, $0x2;
	(pc) =	sbr.rel @!p1 .LBB2_6-.Ltmp1, $4  }
0x1d: {  	s14 =	simm.s32 @!p0 $0x3  }
0x1e: {  	_ =	swait.ge @!p0 [sflag:s14], $0x2EE0  }
0x1f: {  	s16 =	sadd.s32 $0x1, s12;
	s13 =	smov.u32 s11;
	[sflag:s14] =	ssyncset.done @!p0 $0x0  }
0x20: {  	s12 =	smov.u32 s16;
	s11 =	smov.u32 s15;
	[sflag:s14] =	ssyncadd.s32 @!p0 $0xFFFFD120  }
.LBB2_1:
0x21: {  	p0 =	sge.u32 s12, s7  }
0x22: {  	s14 =	sxor.u32 @!p0 $0x1, s12  }
0x23: {  	s14 =	smul.u32 @!p0 $0xBB80, s14  }
0x24: {  	s31 =	sadd.s32 $0xFFFFFFFF, s12;
	s15 =	sshrl.u32 @!p0 s11, $0x3  }
0x25: {  	s16 =	sand.u32 @!p0 $0x7, s11;
	s15 =	sadd.s32 @!p0 s3, s15;
	s14 =	sshra.s32 @!p0 s14, $0x2  }
0x26: {  	[tilespmem:s14], [sflag:$0x2] =	stream.linear.gather @!p0 [hbm4b:s15+s16], $0x2EE0, $0x38;
	[tilespmem:$0xBB80] =	vst v63  }
0x27: {  	p0 =	sge.u32 s31, s7  }
.Ltmp2:
0x28: {  	_ = 	snop;
	(pc) =	sbr.rel @p0 .LBB2_5-.Ltmp2, $1  }
0x29: {  	_ =	sdelay $0x3  }
0x2a: {  	s14 =	sand.u32 $0x1, s12  }
0x2b: {  	_ =	swait.ge [sflag:s6], $0x2EE0;
	p0 =	seq.s32 s14, $0x1;
	s14 =	simm.s32 $0x2EE0  }
0x2c: {  	[sflag:s6] =	ssyncset.done $0x0;
	s14 =	simm.s32 @!p0 $0x0  }
0x2d: {  	[sflag:s6] =	ssyncadd.s32 $0xFFFFD120;
	(ifvalue) =	ssetifvalue $0x7FFFFFFF;
	v0 =	vld.msk [tilespmem:s14+$0x0 ss:$0x1], $0xffff;
	_ =	sdelay $0x4  }
0x2e: {  	s15 =	sadd.s32 $0x10, s14;
	vm1 =	vgt.s32 v0, $0x0  }
0x2f: {  	v2 =	vld.msk [tilespmem:s15+$0x0 ss:$0x1], $0xffff;
	v1 =	vnsel vm1, $0x0, v0  }
0x30: {  	v1 =	vmin.u32 v1, $0x1E847F;
	_ =	sdelay $0x2  }
0x31: {  	s17 =	simm.s32 $0x20;
	s14 =	sadd.s32 $0x5DC0, s14;
	s16 =	sadd.s32 $0x10, s15  }
0x32: {  	s15 =	sadd.s32 $0x10, s14;
	s18 =	smov.u32 s14;
	v0 =	vld.msk [tilespmem:s16+$0x0 ss:$0x1], $0xffff;
	vm1 =	vgt.s32 v2, $0x0;
	(ifvalue) =	ssetifvalue $0x7FFFFFFF  }
.LBB2_3:
0x33: {  	[tilespmem:s18], [sflag:$0x1] =	stream.indirect_vreg.gather [hbm4b:s2+s10], $0x1, v1, vm0, $0x4038;
	[tilespmem:$0xBB80] =	vst v63  }
0x34: {  	s17 =	sadd.s32 $0x10, s17  }
0x35: {  	v2 =	vnsel vm1, $0x0, v2;
	p0 =	slt.u32 s17, $0x2ED0  }
.Ltmp3:
0x36: {  	s18 =	smov.u32 s15;
	v1 =	vmin.u32 v2, $0x1E847F;
	(pc) =	sbr.rel @p0 .LBB2_3-.Ltmp3, $3  }
0x37: {  	_ =	sdelay $0x1  }
0x38: {  	s16 =	sadd.s32 $0x10, s16  }
0x39: {  	vm1 =	vgt.s32 v0, $0x0;
	s15 =	sadd.s32 $0x10, s15;
	v2 =	vmov v0;
	(ifvalue) =	ssetifvalue $0x7FFFFFFF;
	v0 =	vld.msk [tilespmem:s16+$0x0 ss:$0x1], $0xffff  }
.Ltmp4:
0x3a: {  	_ = 	snop;
	(pc) =	sbr.rel .LBB2_4-.Ltmp4, $1  }
0x3b: {  	_ =	sdelay $0x3  }
.LBB2_6:
0x3c: {  	_ =	sfence.sel $0x180000  }
0x3d: {  	s2 =	simm.s32 $0x2;
	[bflag:$0x0] =	sbarrier.arrive $0xFFFF  }
0x3e: {  	s30 =	simm.s32 $0x3;
	[sflag:s2] =	ssyncpa.u1 $0x1  }
0x3f: {  	s31 =	simm.s32 $0x1;
	[sflag:s30] =	ssyncpa.u1 $0x1  }
0x40: {  	[sflag:s31] =	ssyncpa.u1 $0x1  }
0x41: {  	p0 =	sne.s32 s1, $0x0;
	_ =	strace $0x90000047  }
0x42: {  	s0 =	sadd.s32 @!p0 $0x100000, s0;
	[bflag:$0x2] =	sbarrier.arrive $0xFFFF  }
0x43: {  	[sflag:s0] =	ssyncadd.tile.s32 @!p0 $0x1;
	_ =	shalt  }
.Lfunc_end2:
_tile_overlayer_lowered:
.L_overlay_start_2:
0x44: {  	(tag) =	ssettag $0x2  }
0x45: {  	s0 =	rddreg [dreg:$0x0];
	s2 =	stileid.u32  }
0x46: {  	s1 =	rddreg [dreg:$0x1];
	p0 =	sne.s32 s2, $0x0  }
0x47: {  	s3 =	rddreg [dreg:$0x2];
	[bflag:$0x3] =	sbarrier.arrive $0xFFFF;
	s2 =	simm.s32 @!p0 $0x1C01  }
0x48: {  	[timem:s3], [sflag:s2] =	dma.local @!p0 [hbm:s0], s1  }
0x49: {  	s0 =	simm.s32 @!p0 $0x1  }
0x4a: {  	_ =	swait.ge @!p0 [sflag:s0], s1  }
0x4b: {  	s1 =	ssub.s32 @!p0 $0x0, s1;
	[sflag:s0] =	ssyncset.done @!p0 $0x0  }
0x4c: {  	[sflag:s0] =	ssyncadd.s32 @!p0 s1  }
0x4d: {  	[bflag:$0x3] =	sbarrier.arrive $0xFFFF  }
0x4e: {  	_ =	shalt  }

// kernel: kernel.4.cloned.1.call-start
scs
__scs_entry_jumppad:
0x0: {  	(pc) =	sbr.rel $0x88, $3  }
0x1: {  	(tag) =	ssettag $0x0;
	lr =	simm.s32 $0x1  }
0x2: {  	[smem:$0x3F93] =	sst lr;
	_ =	strace $0xD0000000  }
0x3: {  	_ = 	snop  }
0x4: {  	_ = 	snop  }
0x5: {  	_ = 	snop  }
0x6: {  	_ = 	snop  }
0x7: {  	_ = 	snop  }
__scs_overlays_trampoline_lowered:
0x8: {  	[smem:$0x3FA2] =	sst s0  }
0x9: {  	[smem:$0x3FA3] =	sst s1  }
0xa: {  	[smem:$0x3FA4] =	sst s2  }
0xb: {  	[smem:$0x3FA5] =	sst s3  }
0xc: {  	[smem:$0x3FA6] =	sst s4  }
0xd: {  	[smem:$0x3FA7] =	sst s5  }
0xe: {  	[smem:$0x3FA8] =	sst s6  }
0xf: {  	[smem:$0x3FA9] =	sst s7  }
0x10: {  	[smem:$0x3FAA] =	sst s8  }
0x11: {  	[smem:$0x3FAB] =	sst s9;
	s0 =	simm.s32 @!p0 $0x0  }
0x12: {  	s1 =	sld [smem:$0x3F91];
	s0 =	simm.s32 @p0 $0x1  }
0x13: {  	[smem:$0x3FAC] =	sst s0;
	s0 =	simm.s32 @!p1 $0x0  }
0x14: {  	s2 =	sld [smem:$0x3F90];
	s0 =	simm.s32 @p1 $0x1  }
0x15: {  	[smem:$0x3FAD] =	sst s0;
	s0 =	simm.s32 @!p2 $0x0  }
0x16: {  	s3 =	sld [smem:$0x3FDB];
	s0 =	simm.s32 @p2 $0x1  }
0x17: {  	s4 =	simm.s32 $0x1BF5;
	[smem:$0x3FAF] =	sst s0  }
0x18: {  	s0 =	sld [smem:$0x3F92];
	_ =	swait.ge [sflag:s4], $0x0  }
0x19: {  	s7 =	sld [smem:$0x3F93]  }
0x1a: {  	s8 =	sadd.s32 $0xFFFFE003, lr  }
0x1b: {  	s9 =	sadd.s32 $0xFFFFFEF7, lr;
	s5 =	simm.s32 $0xFFFFFFFF;
	p2 =	slt.u32 s8, $0xFFFFF086  }
0x1c: {  	p1 =	slt.u32 s9, $0xF7A;
	s5 =	simm.s32 @!p2 $0x0  }
0x1d: {  	s5 =	simm.s32 @p1 $0x1;
	p0 =	seq.s32 s7, s2  }
0x1e: {  	s7 =	smul.u32 @!p0 $0xF7A, s2;
	p2 =	seq.s32 @!p0 s5, $0x0  }
0x1f: {  	s9 =	smul.u32 $0xF7A, s1;
	s8 =	simm.s32 @!p0 $0x1BF5;
	p2 =	por !p2, p0  }
0x20: {  	[sflag:s8] =	ssyncset.s32 @!p0 $0xFFFFF086;
	s6 =	sadd.s32 @!p0 s3, s7;
	s7 =	simm.s32 @!p0 $0x108  }
0x21: {  	s3 =	sadd.s32 s3, s9;
	s6 =	sadd.s32 @!p0 $0x88, s6;
	s7 =	simm.s32 @p2 $0x1082  }
0x22: {  	[simem:s7], [sflag:s8] =	dma.local @!p0 [hbm:s6], $0xF7A  }
0x23: {  	s9 =	sor.u32 $0xD0000000, s2;
	s6 =	simm.s32 $0x108;
	_ =	swait.ge @!p0 [sflag:s8], $0x0  }
0x24: {  	s3 =	sadd.s32 $0x88, s3;
	s6 =	simm.s32 @!p1 $0x1082;
	[sflag:s4] =	ssyncset.s32 $0xFFFFF086  }
0x25: {  	[simem:s6], [sflag:s4] =	dma.local [hbm:s3], $0xF7A  }
0x26: {  	[smem:$0x3F93] =	sst s1;
	(tag) =	ssettag s2;
	_ =	strace s9  }
0x27: {  	s1 =	sld [smem:$0x3FA3]  }
0x28: {  	s2 =	sld [smem:$0x3FA4]  }
0x29: {  	s4 =	sld [smem:$0x3FA6]  }
0x2a: {  	p0 =	seq.s32 s5, $0x0;
	s5 =	sld [smem:$0x3FA7]  }
0x2b: {  	s6 =	sld [smem:$0x3FA8]  }
0x2c: {  	s7 =	sld [smem:$0x3FA9]  }
0x2d: {  	s3 =	simm.s32 $0x108;
	s8 =	sld [smem:$0x3FAA]  }
0x2e: {  	s3 =	simm.s32 @!p0 $0x1082;
	s9 =	sld [smem:$0x3FAB]  }
0x2f: {  	lr =	sadd.s32 s0, s3;
	s0 =	sld [smem:$0x3FA2]  }
0x30: {  	s3 =	sld [smem:$0x3FA5]  }
0x31: {  	[smem:$0x3FAE] =	sst s10  }
0x32: {  	s10 =	sld [smem:$0x3FAC];
	_ =	sdelay $0x3  }
0x33: {  	p0 =	seq.s32 s10, $0x1;
	s10 =	sld [smem:$0x3FAE];
	_ =	sdelay $0x3  }
0x34: {  	[smem:$0x3FAE] =	sst s10  }
0x35: {  	s10 =	sld [smem:$0x3FAD];
	_ =	sdelay $0x3  }
0x36: {  	p1 =	seq.s32 s10, $0x1;
	s10 =	sld [smem:$0x3FAE];
	_ =	sdelay $0x3  }
0x37: {  	[smem:$0x3FAE] =	sst s10  }
0x38: {  	s10 =	sld [smem:$0x3FAF]  }
0x39: {  	_ = 	snop;
	(pc) =	sbr.ind lr, $3  }
0x3a: {  	_ = 	snop  }
0x3b: {  	_ = 	snop  }
0x3c: {  	p2 =	seq.s32 s10, $0x1;
	s10 =	sld [smem:$0x3FAE]  }
0x3d: {  	_ =	shalt  }
0x3e: {  	_ =	shalt  }
0x3f: {  	_ =	shalt  }
0x40: {  	_ =	shalt  }
0x41: {  	_ =	shalt  }
0x42: {  	_ =	shalt  }
0x43: {  	_ =	shalt  }
0x44: {  	_ =	shalt  }
0x45: {  	_ =	shalt  }
0x46: {  	_ =	shalt  }
0x47: {  	_ =	shalt  }
0x48: {  	_ =	shalt  }
0x49: {  	_ =	shalt  }
0x4a: {  	_ =	shalt  }
0x4b: {  	_ =	shalt  }
0x4c: {  	_ =	shalt  }
0x4d: {  	_ =	shalt  }
0x4e: {  	_ =	shalt  }
0x4f: {  	_ =	shalt  }
0x50: {  	_ =	shalt  }
0x51: {  	_ =	shalt  }
0x52: {  	_ =	shalt  }
0x53: {  	_ =	shalt  }
0x54: {  	_ =	shalt  }
0x55: {  	_ =	shalt  }
0x56: {  	_ =	shalt  }
0x57: {  	_ =	shalt  }
0x58: {  	_ =	shalt  }
0x59: {  	_ =	shalt  }
0x5a: {  	_ =	shalt  }
0x5b: {  	_ =	shalt  }
0x5c: {  	_ =	shalt  }
0x5d: {  	_ =	shalt  }
0x5e: {  	_ =	shalt  }
0x5f: {  	_ =	shalt  }
0x60: {  	_ =	shalt  }
0x61: {  	_ =	shalt  }
0x62: {  	_ =	shalt  }
0x63: {  	_ =	shalt  }
0x64: {  	_ =	shalt  }
0x65: {  	_ =	shalt  }
0x66: {  	_ =	shalt  }
0x67: {  	_ =	shalt  }
0x68: {  	_ =	shalt  }
0x69: {  	_ =	shalt  }
0x6a: {  	_ =	shalt  }
0x6b: {  	_ =	shalt  }
0x6c: {  	_ =	shalt  }
0x6d: {  	_ =	shalt  }
0x6e: {  	_ =	shalt  }
0x6f: {  	_ =	shalt  }
0x70: {  	_ =	shalt  }
0x71: {  	_ =	shalt  }
0x72: {  	_ =	shalt  }
0x73: {  	_ =	shalt  }
0x74: {  	_ =	shalt  }
0x75: {  	_ =	shalt  }
0x76: {  	_ =	shalt  }
0x77: {  	_ =	shalt  }
0x78: {  	_ =	shalt  }
0x79: {  	_ =	shalt  }
0x7a: {  	_ =	shalt  }
0x7b: {  	_ =	shalt  }
0x7c: {  	_ =	shalt  }
0x7d: {  	_ =	shalt  }
0x7e: {  	_ =	shalt  }
0x7f: {  	_ =	shalt  }
0x80: {  	_ =	shalt  }
0x81: {  	_ =	shalt  }
0x82: {  	_ =	shalt  }
0x83: {  	_ =	shalt  }
0x84: {  	_ =	shalt  }
0x85: {  	_ =	shalt  }
0x86: {  	_ =	shalt  }
0x87: {  	_ =	shalt  }
.Lfunc_end0:
.L_simem_size_0:
called_computation.3_lowered:
.L_overlay_start_0:
0x88: {  	s2 =	sld [smem:$0x3FD9]  }
0x89: {  	s3 =	sld [smem:$0x3FFE];
	_ =	sdelay $0x1  }
0x8a: {  	s1 =	srdreg.scid  }
0x8b: {  	s0 =	sand.u32 $0x1, s1  }
0x8c: {  	s17 =	sshll.u32 s0, $0xA;
	s2 =	sadd.s32 s3, s2  }
0x8d: {  	s2 =	sadd.s32 s2, s17  }
0x8e: {  	[smem:$0x3FBA] =	sst s2  }
0x8f: {  	_ = 	snop  }
0x90: {  	(tm) =	ssettm $0x1  }
0x91: {  	s18 =	sld [smem:$0x3FFB];
	_ =	sdelay $0x3  }
0x92: {  	_ =	strace s18  }
0x93: {  	s2 =	sld [smem:$0x3FFC];
	_ =	sdelay $0x3  }
0x94: {  	_ =	strace s2  }
0x95: {  	s2 =	sld [smem:$0x3FFD];
	_ =	sdelay $0x3  }
0x96: {  	_ =	strace s2  }
0x97: {  	_ =	strace $0x8FFFFFFF  }
0x98: {  	s19 =	sld [smem:$0x3FDB];
	_ =	sdelay $0x1  }
0x99: {  	s20 =	simm.s32 $_scs_section_size  }
0x9a: {  	s4 =	simm.s32 $_size__tile_overlayer_lowered;
	s5 =	simm.s32 $_tile_overlayer_lowered  }
0x9b: {  	s6 =	simm.s32 $0x1BFF;
	s21 =	sshll.u32 s5, $0x1;
	s3 =	sadd.s32 s20, s19  }
0x9c: {  	s22 =	simm.s32 $0x0;
	s4 =	sshll.u32 s4, $0x1;
	s5 =	sadd.s32 s21, s3  }
0x9d: {  	[timem:s22], [sflag:s6] =	dma.local [hbm:s5], s4  }
0x9e: {  	_ =	swait.ge [sflag:s6], s4  }
0x9f: {  	s4 =	ssub.s32 $0x0, s4;
	[sflag:s6] =	ssyncset.done $0x0  }
0xa0: {  	[sflag:s6] =	ssyncadd.s32 s4;
	_ =	sdelay $0x1  }
0xa1: {  	s23 =	simm.s32 $0x1B8B  }
0xa2: {  	_ =	swait.ge [sflag:s23], $0x1  }
0xa3: {  	[sflag:s23] =	ssyncset.done $0x0  }
0xa4: {  	[sflag:s23] =	ssyncadd.s32 $0xFFFFFFFF  }
0xa5: {  	s4 =	sld [smem:$0x0]  }
0xa6: {  	s5 =	sand.u32 $0xFFFFFFFE, s1  }
0xa7: {  	p0 =	sne.s32 s1, s5  }
0xa8: {  	s5 =	sshll.u32 @p0 s5, $0xE  }
0xa9: {  	s5 =	sadd.s32 @p0 $0x11B8D, s5;
	s6 =	sshll.u32 @p0 s4, $0x11  }
0xaa: {  	s5 =	sor.u32 @p0 s6, s5  }
0xab: {  	[sflag:s5] =	ssyncadd.remote.s32 @p0 $0x1;
	_ =	sdelay $0x1  }
0xac: {  	s5 =	simm.s32 @p0 $0x1B8D  }
0xad: {  	_ =	swait.eq @p0 [sflag:s5], $0x1  }
0xae: {  	[sflag:s5] =	ssyncadd.s32 @p0 $0xFFFFFFFF  }
0xaf: {  	s6 =	sshll.u32 @!p0 s1, $0xE  }
0xb0: {  	s6 =	sor.u32 @!p0 $0x4000, s6;
	s5 =	simm.s32 @!p0 $0x1B8D  }
0xb1: {  	s4 =	sshll.u32 @!p0 s4, $0x11;
	s6 =	sadd.s32 @!p0 $0x11B8D, s6;
	_ =	swait.eq @!p0 [sflag:s5], $0x1  }
0xb2: {  	s4 =	sor.u32 @!p0 s4, s6;
	[sflag:s5] =	ssyncadd.s32 @!p0 $0xFFFFFFFF  }
0xb3: {  	s25 =	simm.s32 $0x1B8E;
	s24 =	sld [smem:$0x3FFE];
	[sflag:s4] =	ssyncadd.remote.s32 @!p0 $0x1  }
0xb4: {  	s26 =	simm.s32 $execute0_lowered;
	[smem:$0x3FD2] =	sst s25  }
0xb5: {  	s5 =	sshll.u32 s26, $0x1;
	_ =	strace $0x8000004C;
	[dreg:$0x1] =	wrdreg $0xFFFFFFFF  }
0xb6: {  	s28 =	simm.s32 $_size_execute0_lowered;
	s3 =	sadd.s32 s3, s5;
	[dreg:$0x0] =	wrdreg $0x0  }
0xb7: {  	s5 =	sshll.u32 s28, $0x1;
	[dreg:$0x2] =	wrdreg s3  }
0xb8: {  	[dreg:$0x3] =	wrdreg s5  }
0xb9: {  	[dreg:$0x4] =	wrdreg $0xC0  }
0xba: {  	_ =	task [dreg:s22], $0x5FFFF  }
0xbb: {  	[dreg:$0x1] =	wrdreg $0xFFFFFFFF  }
0xbc: {  	[dreg:$0x0] =	wrdreg $0x60  }
0xbd: {  	[dreg:$0x2] =	wrdreg s24  }
0xbe: {  	[dreg:$0x3] =	wrdreg $0xA  }
0xbf: {  	_ =	task.clear_ibuf [dreg:s22], $0x4FFFF;
	_ =	strace $0x9000004C  }
0xc0: {  	s29 =	simm.s32 $0xA;
	_ =	strace $0x8000004E  }
0xc1: {  	_ =	swait.ge [sflag:s29], $0x1  }
0xc2: {  	[sflag:s29] =	ssyncadd.s32 $0xFFFFFFFF  }
0xc3: {  	_ =	strace $0x9000004E  }
0xc4: {  	_ =	sfence  }
0xc5: {  	s30 =	sld [smem:$0x0];
	_ =	sdelay $0x2  }
0xc6: {  	s31 =	sshll.u32 s1, $0xD;
	s1 =	sshrl.u32 s1, $0x2  }
0xc7: {  	s4 =	sand.u32 $0x4000, s31;
	s1 =	sadd.s32 s1, s30  }
0xc8: {  	s0 =	sor.u32 s4, s0;
	s1 =	sshll.u32 s1, $0x11  }
0xc9: {  	s0 =	sor.u32 s1, s0  }
0xca: {  	s0 =	sadd.s32 $0x8F2B, s0  }
0xcb: {  	[sflag:s0] =	ssyncadd.remote.s32 $0x1  }
0xcc: {  	_ =	sfence.sel $0xFFFF  }
0xcd: {  	[dreg:$0x0] =	wrdreg $0xFFFFFFFF;
	(pc) =	sbr.abs _section_cstart, $3  }
0xce: {  	[dreg:$0x1] =	wrdreg $0xFFFFFFFF  }
0xcf: {  	_ =	task.clear_ibuf [dreg:s22], $0x2FFFF;
	_ =	strace $0x9FFFFFFF  }
0xd0: {  	(tm) =	ssettm $0x7FFFFFFF  }
0xd1: {  	_ =	shalt  }
tec
execute0_lowered:
.L_overlay_start_1:
0x0: {  	(tag) =	ssettag $0x1  }
0x1: {  	s1 =	srdreg.scid  }
0x2: {  	s0 =	stileid.u32;
	s4 =	rddreg [dreg:$0x0]  }
0x3: {  	s2 =	simm.s32 $0x0;
	s7 =	simm.s32 $0x2;
	s8 =	simm.s32 $0x80  }
0x4: {  	s9 =	simm.s32 $0x1;
	s3 =	sand.u32 $0x1, s1;
	s5 =	sshll.u32 s0, $0x1  }
0x5: {  	s10 =	simm.s32 $0x6400;
	s11 =	simm.s32 $0x0;
	s5 =	sor.u32 s3, s5  }
0x6: {  	[smem:$0x7FF] =	sst s2;
	s6 =	ssub.s32 $0x2, s3;
	s5 =	smul.u32 $0xC80, s5  }
0x7: {  	s1 =	rddreg [dreg:$0x1];
	_ =	strace $0x8000004D;
	s31 =	sshrl.u32 s6, $0x1  }
0x8: {  	s3 =	sadd.s32 $0x6AE000, s4;
	s6 =	ssub.s32 s6, s31;
	s5 =	sadd.s32 s5, s4  }
0x9: {  	s6 =	smax.u32 s6, $0x1;
	s4 =	sadd.s32 $0x6C0600, s5;
	s5 =	sadd.s32 $0x21600, s5  }
.LBB2_1:
0xa: {  	[tilespmem:s2], [sflag:$0x2] =	stream.linear.gather [hbm4b:s4+s2], $0x6400, $0x38;
	[tilespmem:$0xC800] =	vst v63  }
0xb: {  	_ =	swait.ge [sflag:s7], $0x6400  }
0xc: {  	[sflag:s7] =	ssyncset.done $0x0  }
0xd: {  	s12 =	simm.s32 $0x0;
	s13 =	simm.s32 $0x6400;
	[sflag:s7] =	ssyncadd.s32 $0xFFFF9C00  }
0xe: {  	[tilespmem:s13], [sflag:$0x1] =	stream.indirect.gather [hbm4b:s3+s8], $0x1, s12, s8, $0xb8;
	[tilespmem:$0xC800] =	vst v63  }
0xf: {  	s17 =	simm.s32 $0x6480;
	s18 =	simm.s32 $0x80  }
0x10: {  	[tilespmem:s17], [sflag:$0x1] =	stream.indirect.gather [hbm4b:s3+s8], $0x1, s18, s8, $0xb8;
	[tilespmem:$0xC800] =	vst v63  }
0x11: {  	s19 =	simm.s32 $0x6500;
	s20 =	simm.s32 $0x100  }
0x12: {  	[tilespmem:s19], [sflag:$0x1] =	stream.indirect.gather [hbm4b:s3+s8], $0x1, s20, s8, $0xb8;
	[tilespmem:$0xC800] =	vst v63  }
0x13: {  	s21 =	simm.s32 $0x6580;
	s22 =	simm.s32 $0x180  }
0x14: {  	[tilespmem:s21], [sflag:$0x1] =	stream.indirect.gather [hbm4b:s3+s8], $0x1, s22, s8, $0xb8;
	[tilespmem:$0xC800] =	vst v63  }
0x15: {  	s23 =	simm.s32 $0x6600;
	s24 =	simm.s32 $0x200  }
0x16: {  	[tilespmem:s23], [sflag:$0x1] =	stream.indirect.gather [hbm4b:s3+s8], $0x1, s24, s8, $0xb8;
	[tilespmem:$0xC800] =	vst v63  }
0x17: {  	s25 =	simm.s32 $0x6680;
	s26 =	simm.s32 $0x280  }
0x18: {  	[tilespmem:s25], [sflag:$0x1] =	stream.indirect.gather [hbm4b:s3+s8], $0x1, s26, s8, $0xb8;
	[tilespmem:$0xC800] =	vst v63  }
0x19: {  	s28 =	simm.s32 $0x6700;
	s29 =	simm.s32 $0x300  }
0x1a: {  	[tilespmem:s28], [sflag:$0x1] =	stream.indirect.gather [hbm4b:s3+s8], $0x1, s29, s8, $0xb8;
	[tilespmem:$0xC800] =	vst v63  }
0x1b: {  	s30 =	simm.s32 $0x6780;
	s31 =	simm.s32 $0x380  }
0x1c: {  	[tilespmem:s30], [sflag:$0x1] =	stream.indirect.gather [hbm4b:s3+s8], $0x1, s31, s8, $0xb8;
	[tilespmem:$0xC800] =	vst v63  }
0x1d: {  	_ =	swait.ge [sflag:s9], $0x80  }
0x1e: {  	[sflag:s9] =	ssyncset.done $0x0  }
0x1f: {  	[sflag:s9] =	ssyncadd.s32 $0xFFFFFF80  }
0x20: {  	_ =	swait.ge [sflag:s9], $0x80  }
0x21: {  	[sflag:s9] =	ssyncset.done $0x0  }
0x22: {  	[sflag:s9] =	ssyncadd.s32 $0xFFFFFF80  }
0x23: {  	_ =	swait.ge [sflag:s9], $0x80  }
0x24: {  	[sflag:s9] =	ssyncset.done $0x0  }
0x25: {  	[sflag:s9] =	ssyncadd.s32 $0xFFFFFF80  }
0x26: {  	_ =	swait.ge [sflag:s9], $0x80  }
0x27: {  	[sflag:s9] =	ssyncset.done $0x0  }
0x28: {  	[sflag:s9] =	ssyncadd.s32 $0xFFFFFF80  }
0x29: {  	_ =	swait.ge [sflag:s9], $0x80  }
0x2a: {  	[sflag:s9] =	ssyncset.done $0x0  }
0x2b: {  	[sflag:s9] =	ssyncadd.s32 $0xFFFFFF80  }
0x2c: {  	_ =	swait.ge [sflag:s9], $0x80  }
0x2d: {  	[sflag:s9] =	ssyncset.done $0x0  }
0x2e: {  	[sflag:s9] =	ssyncadd.s32 $0xFFFFFF80  }
0x2f: {  	_ =	swait.ge [sflag:s9], $0x80  }
0x30: {  	[sflag:s9] =	ssyncset.done $0x0  }
0x31: {  	[sflag:s9] =	ssyncadd.s32 $0xFFFFFF80  }
0x32: {  	_ =	swait.ge [sflag:s9], $0x80  }
0x33: {  	s15 =	simm.s32 $0x2000;
	s14 =	simm.s32 $0x400;
	[sflag:s9] =	ssyncset.done $0x0  }
.LBB2_2:
0x34: {  	s16 =	sadd.s32 $0x6400, s14  }
0x35: {  	[sflag:s9] =	ssyncadd.s32 $0xFFFFFF80;
	s13 =	smov.u32 s15;
	s12 =	sadd.s32 $0x1000, s15  }
0x36: {  	[tilespmem:s16], [sflag:$0x1] =	stream.indirect.gather [hbm4b:s3+s8], $0x1, s14, s8, $0xb8;
	[tilespmem:$0xC800] =	vst v63  }
0x37: {  	p0 =	sne.s32 s15, $0x18000;
	s15 =	sadd.s32 $0x6480, s14;
	s16 =	sadd.s32 $0x80, s14  }
0x38: {  	[tilespmem:s15], [sflag:$0x1] =	stream.indirect.gather [hbm4b:s3+s8], $0x1, s16, s8, $0xb8;
	[tilespmem:$0xC800] =	vst v63  }
0x39: {  	s15 =	sadd.s32 $0x6500, s14;
	s16 =	sadd.s32 $0x100, s14  }
0x3a: {  	[tilespmem:s15], [sflag:$0x1] =	stream.indirect.gather [hbm4b:s3+s8], $0x1, s16, s8, $0xb8;
	[tilespmem:$0xC800] =	vst v63  }
0x3b: {  	s15 =	sadd.s32 $0x6580, s14;
	s16 =	sadd.s32 $0x180, s14  }
0x3c: {  	[tilespmem:s15], [sflag:$0x1] =	stream.indirect.gather [hbm4b:s3+s8], $0x1, s16, s8, $0xb8;
	[tilespmem:$0xC800] =	vst v63  }
0x3d: {  	s15 =	sadd.s32 $0x6600, s14;
	s16 =	sadd.s32 $0x200, s14  }
0x3e: {  	[tilespmem:s15], [sflag:$0x1] =	stream.indirect.gather [hbm4b:s3+s8], $0x1, s16, s8, $0xb8;
	[tilespmem:$0xC800] =	vst v63  }
0x3f: {  	s15 =	sadd.s32 $0x6680, s14;
	s16 =	sadd.s32 $0x280, s14  }
0x40: {  	[tilespmem:s15], [sflag:$0x1] =	stream.indirect.gather [hbm4b:s3+s8], $0x1, s16, s8, $0xb8;
	[tilespmem:$0xC800] =	vst v63  }
0x41: {  	s15 =	sadd.s32 $0x6700, s14;
	s16 =	sadd.s32 $0x300, s14  }
0x42: {  	[tilespmem:s15], [sflag:$0x1] =	stream.indirect.gather [hbm4b:s3+s8], $0x1, s16, s8, $0xb8;
	[tilespmem:$0xC800] =	vst v63  }
0x43: {  	s15 =	sadd.s32 $0x6780, s14;
	s14 =	sadd.s32 $0x380, s14  }
0x44: {  	[tilespmem:s15], [sflag:$0x1] =	stream.indirect.gather [hbm4b:s3+s8], $0x1, s14, s8, $0xb8;
	[tilespmem:$0xC800] =	vst v63  }
0x45: {  	_ =	swait.ge [sflag:s9], $0x80  }
0x46: {  	[sflag:s9] =	ssyncset.done $0x0  }
0x47: {  	[sflag:s9] =	ssyncadd.s32 $0xFFFFFF80  }
0x48: {  	_ =	swait.ge [sflag:s9], $0x80  }
0x49: {  	[sflag:s9] =	ssyncset.done $0x0  }
0x4a: {  	[sflag:s9] =	ssyncadd.s32 $0xFFFFFF80  }
0x4b: {  	_ =	swait.ge [sflag:s9], $0x80  }
0x4c: {  	[sflag:s9] =	ssyncset.done $0x0  }
0x4d: {  	[sflag:s9] =	ssyncadd.s32 $0xFFFFFF80  }
0x4e: {  	_ =	swait.ge [sflag:s9], $0x80  }
0x4f: {  	[sflag:s9] =	ssyncset.done $0x0  }
0x50: {  	[sflag:s9] =	ssyncadd.s32 $0xFFFFFF80  }
0x51: {  	_ =	swait.ge [sflag:s9], $0x80  }
0x52: {  	[sflag:s9] =	ssyncset.done $0x0  }
0x53: {  	[sflag:s9] =	ssyncadd.s32 $0xFFFFFF80  }
0x54: {  	_ =	swait.ge [sflag:s9], $0x80  }
0x55: {  	[sflag:s9] =	ssyncset.done $0x0  }
0x56: {  	[sflag:s9] =	ssyncadd.s32 $0xFFFFFF80  }
.Ltmp0:
0x57: {  	_ =	swait.ge [sflag:s9], $0x80;
	(pc) =	sbr.rel @p0 .LBB2_2-.Ltmp0, $4  }
0x58: {  	[sflag:s9] =	ssyncset.done $0x0  }
0x59: {  	[sflag:s9] =	ssyncadd.s32 $0xFFFFFF80  }
0x5a: {  	_ =	swait.ge [sflag:s9], $0x80  }
0x5b: {  	s14 =	sshra.s32 s13, $0x2;
	s15 =	smov.u32 s12;
	[sflag:s9] =	ssyncset.done $0x0  }
0x5c: {  	s12 =	sadd.s32 $0x6400, s14;
	[sflag:s9] =	ssyncadd.s32 $0xFFFFFF80  }
0x5d: {  	[tilespmem:s12], [sflag:$0x1] =	stream.indirect.gather [hbm4b:s3+s8], $0x1, s14, s8, $0xb8;
	[tilespmem:$0xC800] =	vst v63  }
0x5e: {  	s18 =	sadd.s32 $0x6480, s14;
	s13 =	sadd.s32 $0x80, s14  }
0x5f: {  	[tilespmem:s18], [sflag:$0x1] =	stream.indirect.gather [hbm4b:s3+s8], $0x1, s13, s8, $0xb8;
	[tilespmem:$0xC800] =	vst v63  }
0x60: {  	s19 =	sadd.s32 $0x6500, s14;
	s20 =	sadd.s32 $0x100, s14  }
0x61: {  	[tilespmem:s19], [sflag:$0x1] =	stream.indirect.gather [hbm4b:s3+s8], $0x1, s20, s8, $0xb8;
	[tilespmem:$0xC800] =	vst v63  }
0x62: {  	s21 =	sadd.s32 $0x6580, s14;
	s22 =	sadd.s32 $0x180, s14  }
0x63: {  	[tilespmem:s21], [sflag:$0x1] =	stream.indirect.gather [hbm4b:s3+s8], $0x1, s22, s8, $0xb8;
	[tilespmem:$0xC800] =	vst v63  }
0x64: {  	s23 =	sadd.s32 $0x6600, s14;
	s24 =	sadd.s32 $0x200, s14  }
0x65: {  	[tilespmem:s23], [sflag:$0x1] =	stream.indirect.gather [hbm4b:s3+s8], $0x1, s24, s8, $0xb8;
	[tilespmem:$0xC800] =	vst v63  }
0x66: {  	s25 =	sadd.s32 $0x6680, s14;
	s26 =	sadd.s32 $0x280, s14  }
0x67: {  	[tilespmem:s25], [sflag:$0x1] =	stream.indirect.gather [hbm4b:s3+s8], $0x1, s26, s8, $0xb8;
	[tilespmem:$0xC800] =	vst v63  }
0x68: {  	s28 =	sadd.s32 $0x6700, s14;
	s29 =	sadd.s32 $0x300, s14  }
0x69: {  	[tilespmem:s28], [sflag:$0x1] =	stream.indirect.gather [hbm4b:s3+s8], $0x1, s29, s8, $0xb8;
	[tilespmem:$0xC800] =	vst v63  }
0x6a: {  	s30 =	sadd.s32 $0x6780, s14;
	s31 =	sadd.s32 $0x380, s14  }
0x6b: {  	[tilespmem:s30], [sflag:$0x1] =	stream.indirect.gather [hbm4b:s3+s8], $0x1, s31, s8, $0xb8;
	[tilespmem:$0xC800] =	vst v63  }
0x6c: {  	_ =	swait.ge [sflag:s9], $0x80  }
0x6d: {  	[sflag:s9] =	ssyncset.done $0x0  }
0x6e: {  	[sflag:s9] =	ssyncadd.s32 $0xFFFFFF80  }
0x6f: {  	_ =	swait.ge [sflag:s9], $0x80  }
0x70: {  	[sflag:s9] =	ssyncset.done $0x0  }
0x71: {  	[sflag:s9] =	ssyncadd.s32 $0xFFFFFF80  }
0x72: {  	_ =	swait.ge [sflag:s9], $0x80  }
0x73: {  	[sflag:s9] =	ssyncset.done $0x0  }
0x74: {  	[sflag:s9] =	ssyncadd.s32 $0xFFFFFF80  }
0x75: {  	_ =	swait.ge [sflag:s9], $0x80  }
0x76: {  	[sflag:s9] =	ssyncset.done $0x0  }
0x77: {  	[sflag:s9] =	ssyncadd.s32 $0xFFFFFF80  }
0x78: {  	_ =	swait.ge [sflag:s9], $0x80  }
0x79: {  	[sflag:s9] =	ssyncset.done $0x0  }
0x7a: {  	[sflag:s9] =	ssyncadd.s32 $0xFFFFFF80  }
0x7b: {  	_ =	swait.ge [sflag:s9], $0x80  }
0x7c: {  	[sflag:s9] =	ssyncset.done $0x0  }
0x7d: {  	[sflag:s9] =	ssyncadd.s32 $0xFFFFFF80  }
0x7e: {  	_ =	swait.ge [sflag:s9], $0x80  }
0x7f: {  	[sflag:s9] =	ssyncset.done $0x0  }
0x80: {  	[sflag:s9] =	ssyncadd.s32 $0xFFFFFF80  }
0x81: {  	s11 =	sadd.s32 $0x1, s11;
	_ =	swait.ge [sflag:s9], $0x80  }
0x82: {  	p0 =	sne.s32 s11, s6;
	[sflag:s9] =	ssyncset.done $0x0  }
.Ltmp1:
0x83: {  	[sflag:s9] =	ssyncadd.s32 $0xFFFFFF80;
	(pc) =	sbr.rel @p0 .LBB2_1-.Ltmp1, $4  }
0x84: {  	[hbm4b:s5+s2] =	stream.linear.scatter [tilespmem:s10], [sflag:$0x2], $0x6400, $0x38;
	[tilespmem:$0xC800] =	vst v63  }
0x85: {  	_ =	swait.ge [sflag:s7], $0x6400  }
0x86: {  	[sflag:s7] =	ssyncset.done $0x0  }
0x87: {  	[sflag:s7] =	ssyncadd.s32 $0xFFFF9C00  }
0x88: {  	_ =	sfence.sel $0x180000  }
0x89: {  	[bflag:$0x0] =	sbarrier.arrive $0xFFFF  }
0x8a: {  	p0 =	sne.s32 s0, $0x0;
	_ =	strace $0x9000004D  }
0x8b: {  	s0 =	sadd.s32 @!p0 $0x100000, s1;
	[bflag:$0x2] =	sbarrier.arrive $0xFFFF  }
0x8c: {  	[sflag:s0] =	ssyncadd.tile.s32 @!p0 $0x1;
	_ =	shalt  }
.Lfunc_end2:
_tile_overlayer_lowered:
.L_overlay_start_2:
0x8d: {  	(tag) =	ssettag $0x2  }
0x8e: {  	s0 =	rddreg [dreg:$0x0];
	s2 =	stileid.u32  }
0x8f: {  	s1 =	rddreg [dreg:$0x1];
	p0 =	sne.s32 s2, $0x0  }
0x90: {  	s3 =	rddreg [dreg:$0x2];
	[bflag:$0x3] =	sbarrier.arrive $0xFFFF;
	s2 =	simm.s32 @!p0 $0x1C02  }
0x91: {  	[timem:s3], [sflag:s2] =	dma.local @!p0 [hbm:s0], s1  }
0x92: {  	s0 =	simm.s32 @!p0 $0x2  }
0x93: {  	_ =	swait.ge @!p0 [sflag:s0], s1  }
0x94: {  	s1 =	ssub.s32 @!p0 $0x0, s1;
	[sflag:s0] =	ssyncset.done @!p0 $0x0  }
0x95: {  	[sflag:s0] =	ssyncadd.s32 @!p0 s1  }
0x96: {  	[bflag:$0x3] =	sbarrier.arrive $0xFFFF  }
0x97: {  	_ =	shalt  }

// kernel: scatter_offload_async_start
scs
__scs_entry_jumppad:
0x0: {  	(pc) =	sbr.rel $0x88, $3  }
0x1: {  	(tag) =	ssettag $0x0;
	lr =	simm.s32 $0x1  }
0x2: {  	[smem:$0x3F93] =	sst lr;
	_ =	strace $0xD0000000  }
0x3: {  	_ = 	snop  }
0x4: {  	_ = 	snop  }
0x5: {  	_ = 	snop  }
0x6: {  	_ = 	snop  }
0x7: {  	_ = 	snop  }
__scs_overlays_trampoline_lowered:
0x8: {  	[smem:$0x3FA2] =	sst s0  }
0x9: {  	[smem:$0x3FA3] =	sst s1  }
0xa: {  	[smem:$0x3FA4] =	sst s2  }
0xb: {  	[smem:$0x3FA5] =	sst s3  }
0xc: {  	[smem:$0x3FA6] =	sst s4  }
0xd: {  	[smem:$0x3FA7] =	sst s5  }
0xe: {  	[smem:$0x3FA8] =	sst s6  }
0xf: {  	[smem:$0x3FA9] =	sst s7  }
0x10: {  	[smem:$0x3FAA] =	sst s8  }
0x11: {  	[smem:$0x3FAB] =	sst s9;
	s0 =	simm.s32 @!p0 $0x0  }
0x12: {  	s1 =	sld [smem:$0x3F91];
	s0 =	simm.s32 @p0 $0x1  }
0x13: {  	[smem:$0x3FAC] =	sst s0;
	s0 =	simm.s32 @!p1 $0x0  }
0x14: {  	s2 =	sld [smem:$0x3F90];
	s0 =	simm.s32 @p1 $0x1  }
0x15: {  	[smem:$0x3FAD] =	sst s0;
	s0 =	simm.s32 @!p2 $0x0  }
0x16: {  	s3 =	sld [smem:$0x3FDB];
	s0 =	simm.s32 @p2 $0x1  }
0x17: {  	s4 =	simm.s32 $0x1BF5;
	[smem:$0x3FAF] =	sst s0  }
0x18: {  	s0 =	sld [smem:$0x3F92];
	_ =	swait.ge [sflag:s4], $0x0  }
0x19: {  	s7 =	sld [smem:$0x3F93]  }
0x1a: {  	s8 =	sadd.s32 $0xFFFFE003, lr  }
0x1b: {  	s9 =	sadd.s32 $0xFFFFFEF7, lr;
	s5 =	simm.s32 $0xFFFFFFFF;
	p2 =	slt.u32 s8, $0xFFFFF086  }
0x1c: {  	p1 =	slt.u32 s9, $0xF7A;
	s5 =	simm.s32 @!p2 $0x0  }
0x1d: {  	s5 =	simm.s32 @p1 $0x1;
	p0 =	seq.s32 s7, s2  }
0x1e: {  	s7 =	smul.u32 @!p0 $0xF7A, s2;
	p2 =	seq.s32 @!p0 s5, $0x0  }
0x1f: {  	s9 =	smul.u32 $0xF7A, s1;
	s8 =	simm.s32 @!p0 $0x1BF5;
	p2 =	por !p2, p0  }
0x20: {  	[sflag:s8] =	ssyncset.s32 @!p0 $0xFFFFF086;
	s6 =	sadd.s32 @!p0 s3, s7;
	s7 =	simm.s32 @!p0 $0x108  }
0x21: {  	s3 =	sadd.s32 s3, s9;
	s6 =	sadd.s32 @!p0 $0x88, s6;
	s7 =	simm.s32 @p2 $0x1082  }
0x22: {  	[simem:s7], [sflag:s8] =	dma.local @!p0 [hbm:s6], $0xF7A  }
0x23: {  	s9 =	sor.u32 $0xD0000000, s2;
	s6 =	simm.s32 $0x108;
	_ =	swait.ge @!p0 [sflag:s8], $0x0  }
0x24: {  	s3 =	sadd.s32 $0x88, s3;
	s6 =	simm.s32 @!p1 $0x1082;
	[sflag:s4] =	ssyncset.s32 $0xFFFFF086  }
0x25: {  	[simem:s6], [sflag:s4] =	dma.local [hbm:s3], $0xF7A  }
0x26: {  	[smem:$0x3F93] =	sst s1;
	(tag) =	ssettag s2;
	_ =	strace s9  }
0x27: {  	s1 =	sld [smem:$0x3FA3]  }
0x28: {  	s2 =	sld [smem:$0x3FA4]  }
0x29: {  	s4 =	sld [smem:$0x3FA6]  }
0x2a: {  	p0 =	seq.s32 s5, $0x0;
	s5 =	sld [smem:$0x3FA7]  }
0x2b: {  	s6 =	sld [smem:$0x3FA8]  }
0x2c: {  	s7 =	sld [smem:$0x3FA9]  }
0x2d: {  	s3 =	simm.s32 $0x108;
	s8 =	sld [smem:$0x3FAA]  }
0x2e: {  	s3 =	simm.s32 @!p0 $0x1082;
	s9 =	sld [smem:$0x3FAB]  }
0x2f: {  	lr =	sadd.s32 s0, s3;
	s0 =	sld [smem:$0x3FA2]  }
0x30: {  	s3 =	sld [smem:$0x3FA5]  }
0x31: {  	[smem:$0x3FAE] =	sst s10  }
0x32: {  	s10 =	sld [smem:$0x3FAC];
	_ =	sdelay $0x3  }
0x33: {  	p0 =	seq.s32 s10, $0x1;
	s10 =	sld [smem:$0x3FAE];
	_ =	sdelay $0x3  }
0x34: {  	[smem:$0x3FAE] =	sst s10  }
0x35: {  	s10 =	sld [smem:$0x3FAD];
	_ =	sdelay $0x3  }
0x36: {  	p1 =	seq.s32 s10, $0x1;
	s10 =	sld [smem:$0x3FAE];
	_ =	sdelay $0x3  }
0x37: {  	[smem:$0x3FAE] =	sst s10  }
0x38: {  	s10 =	sld [smem:$0x3FAF]  }
0x39: {  	_ = 	snop;
	(pc) =	sbr.ind lr, $3  }
0x3a: {  	_ = 	snop  }
0x3b: {  	_ = 	snop  }
0x3c: {  	p2 =	seq.s32 s10, $0x1;
	s10 =	sld [smem:$0x3FAE]  }
0x3d: {  	_ =	shalt  }
0x3e: {  	_ =	shalt  }
0x3f: {  	_ =	shalt  }
0x40: {  	_ =	shalt  }
0x41: {  	_ =	shalt  }
0x42: {  	_ =	shalt  }
0x43: {  	_ =	shalt  }
0x44: {  	_ =	shalt  }
0x45: {  	_ =	shalt  }
0x46: {  	_ =	shalt  }
0x47: {  	_ =	shalt  }
0x48: {  	_ =	shalt  }
0x49: {  	_ =	shalt  }
0x4a: {  	_ =	shalt  }
0x4b: {  	_ =	shalt  }
0x4c: {  	_ =	shalt  }
0x4d: {  	_ =	shalt  }
0x4e: {  	_ =	shalt  }
0x4f: {  	_ =	shalt  }
0x50: {  	_ =	shalt  }
0x51: {  	_ =	shalt  }
0x52: {  	_ =	shalt  }
0x53: {  	_ =	shalt  }
0x54: {  	_ =	shalt  }
0x55: {  	_ =	shalt  }
0x56: {  	_ =	shalt  }
0x57: {  	_ =	shalt  }
0x58: {  	_ =	shalt  }
0x59: {  	_ =	shalt  }
0x5a: {  	_ =	shalt  }
0x5b: {  	_ =	shalt  }
0x5c: {  	_ =	shalt  }
0x5d: {  	_ =	shalt  }
0x5e: {  	_ =	shalt  }
0x5f: {  	_ =	shalt  }
0x60: {  	_ =	shalt  }
0x61: {  	_ =	shalt  }
0x62: {  	_ =	shalt  }
0x63: {  	_ =	shalt  }
0x64: {  	_ =	shalt  }
0x65: {  	_ =	shalt  }
0x66: {  	_ =	shalt  }
0x67: {  	_ =	shalt  }
0x68: {  	_ =	shalt  }
0x69: {  	_ =	shalt  }
0x6a: {  	_ =	shalt  }
0x6b: {  	_ =	shalt  }
0x6c: {  	_ =	shalt  }
0x6d: {  	_ =	shalt  }
0x6e: {  	_ =	shalt  }
0x6f: {  	_ =	shalt  }
0x70: {  	_ =	shalt  }
0x71: {  	_ =	shalt  }
0x72: {  	_ =	shalt  }
0x73: {  	_ =	shalt  }
0x74: {  	_ =	shalt  }
0x75: {  	_ =	shalt  }
0x76: {  	_ =	shalt  }
0x77: {  	_ =	shalt  }
0x78: {  	_ =	shalt  }
0x79: {  	_ =	shalt  }
0x7a: {  	_ =	shalt  }
0x7b: {  	_ =	shalt  }
0x7c: {  	_ =	shalt  }
0x7d: {  	_ =	shalt  }
0x7e: {  	_ =	shalt  }
0x7f: {  	_ =	shalt  }
0x80: {  	_ =	shalt  }
0x81: {  	_ =	shalt  }
0x82: {  	_ =	shalt  }
0x83: {  	_ =	shalt  }
0x84: {  	_ =	shalt  }
0x85: {  	_ =	shalt  }
0x86: {  	_ =	shalt  }
0x87: {  	_ =	shalt  }
.Lfunc_end0:
.L_simem_size_0:
called_computation_lowered:
.L_overlay_start_0:
0x88: {  	s0 =	sld [smem:$0x3FD9]  }
0x89: {  	s1 =	sld [smem:$0x3FFE];
	_ =	sdelay $0x3  }
0x8a: {  	s0 =	sadd.s32 s1, s0  }
0x8b: {  	[smem:$0x3FBA] =	sst s0  }
0x8c: {  	_ = 	snop  }
0x8d: {  	s0 =	sld [smem:$0x3FD0];
	(tm) =	ssettm $0x1  }
0x8e: {  	s16 =	sld [smem:$0x3FFB];
	_ =	sdelay $0x3  }
0x8f: {  	_ =	strace s16  }
0x90: {  	s1 =	sld [smem:$0x3FFC];
	_ =	sdelay $0x3  }
0x91: {  	_ =	strace s1  }
0x92: {  	s1 =	sld [smem:$0x3FFD];
	_ =	sdelay $0x3  }
0x93: {  	_ =	strace s1  }
0x94: {  	_ =	strace $0x8FFFFFFF  }
0x95: {  	s17 =	sld [smem:$0x3FDB];
	_ =	sdelay $0x1  }
0x96: {  	s2 =	simm.s32 $_scs_section_size  }
0x97: {  	s3 =	simm.s32 $_size__tile_overlayer_lowered;
	s4 =	simm.s32 $_tile_overlayer_lowered  }
0x98: {  	s20 =	simm.s32 $0x1BFF;
	s19 =	sshll.u32 s4, $0x1;
	s1 =	sadd.s32 s2, s17  }
0x99: {  	s5 =	simm.s32 $0x0;
	s18 =	sshll.u32 s3, $0x1;
	s3 =	sadd.s32 s19, s1  }
0x9a: {  	[timem:s5], [sflag:s20] =	dma.local [hbm:s3], s18  }
0x9b: {  	_ =	swait.ge [sflag:s20], s18  }
0x9c: {  	s2 =	ssub.s32 $0x0, s18;
	[sflag:s20] =	ssyncset.done $0x0  }
0x9d: {  	[sflag:s20] =	ssyncadd.s32 s2;
	_ =	sdelay $0x1  }
0x9e: {  	s21 =	simm.s32 $0x1B8B  }
0x9f: {  	_ =	swait.ge [sflag:s21], $0x1  }
0xa0: {  	[sflag:s21] =	ssyncset.done $0x0  }
0xa1: {  	s23 =	simm.s32 $0x1B8E;
	s22 =	sld [smem:$0x3FFE];
	[sflag:s21] =	ssyncadd.s32 $0xFFFFFFFF  }
0xa2: {  	s24 =	simm.s32 $execute0_lowered;
	[smem:$0x3FD2] =	sst s23  }
0xa3: {  	s3 =	sshll.u32 s24, $0x1;
	_ =	strace $0x8000004F;
	[dreg:$0x1] =	wrdreg $0xFFFFFFFF  }
0xa4: {  	s25 =	simm.s32 $_size_execute0_lowered;
	s1 =	sadd.s32 s1, s3;
	[dreg:$0x0] =	wrdreg $0x0  }
0xa5: {  	s3 =	sshll.u32 s25, $0x1;
	[dreg:$0x2] =	wrdreg s1  }
0xa6: {  	[dreg:$0x3] =	wrdreg s3  }
0xa7: {  	[dreg:$0x4] =	wrdreg $0xC0  }
0xa8: {  	_ =	task [dreg:s5], $0x5FFFF  }
0xa9: {  	[dreg:$0x1] =	wrdreg $0xFFFFFFFF  }
0xaa: {  	[dreg:$0x0] =	wrdreg $0x60  }
0xab: {  	[dreg:$0x2] =	wrdreg s0  }
0xac: {  	[dreg:$0x3] =	wrdreg s22  }
0xad: {  	[dreg:$0x4] =	wrdreg $0x9  }
0xae: {  	_ =	task.clear_ibuf [dreg:s5], $0x5FFFF;
	_ =	strace $0x9000004F  }
0xaf: {  	s26 =	simm.s32 $0x9;
	_ =	strace $0x80000051  }
0xb0: {  	_ =	swait.ge [sflag:s26], $0x1  }
0xb1: {  	[sflag:s26] =	ssyncadd.s32 $0xFFFFFFFF  }
0xb2: {  	_ =	strace $0x90000051  }
0xb3: {  	_ =	sfence  }
0xb4: {  	s28 =	sld [smem:$0x0];
	_ =	sdelay $0x1  }
0xb5: {  	s29 =	srdreg.scid  }
0xb6: {  	s30 =	sshll.u32 s29, $0xD;
	s31 =	sshrl.u32 s29, $0x2  }
0xb7: {  	s2 =	sand.u32 $0x4000, s30;
	s1 =	sand.u32 $0x1, s29;
	s0 =	sadd.s32 s31, s28  }
0xb8: {  	s1 =	sor.u32 s2, s1;
	s0 =	sshll.u32 s0, $0x11  }
0xb9: {  	s0 =	sor.u32 s0, s1  }
0xba: {  	s0 =	sadd.s32 $0x8F2B, s0  }
0xbb: {  	[sflag:s0] =	ssyncadd.remote.s32 $0x1  }
0xbc: {  	_ =	sfence.sel $0xFFFF  }
0xbd: {  	[dreg:$0x0] =	wrdreg $0xFFFFFFFF;
	(pc) =	sbr.abs _section_cstart, $3  }
0xbe: {  	[dreg:$0x1] =	wrdreg $0xFFFFFFFF  }
0xbf: {  	_ =	task.clear_ibuf [dreg:s5], $0x2FFFF;
	_ =	strace $0x9FFFFFFF  }
0xc0: {  	(tm) =	ssettm $0x7FFFFFFF  }
0xc1: {  	_ =	shalt  }
tec
execute0_lowered:
.L_overlay_start_1:
0x0: {  	(tag) =	ssettag $0x1  }
0x1: {  	s1 =	rddreg [dreg:$0x0];
	s14 =	stileid.u32  }
0x2: {  	s0 =	rddreg [dreg:$0x1];
	s2 =	smul.u32 $0x7, s14  }
0x3: {  	_ =	strace $0x80000050;
	s9 =	simm.s32 $0x1;
	s3 =	smin.u32 s14, $0xD  }
0x4: {  	v1 =	vimm.s32 $0xFFFFFFFF;
	[sflag:s9] =	ssyncpa.u1 $0x0;
	s2 =	sadd.s32 s3, s2  }
0x5: {  	p0 =	slt.u32 s14, $0xD;
	[tilespmem:$0x10] =	vst v1;
	s3 =	smul.u32 $0xFA0, s2;
	s2 =	simm.s32 $0x7D00  }
0x6: {  	v0 =	vimm.f32 $0.0e+00;
	[tilespmem:$0x20] =	vst v1;
	s2 =	simm.s32 @!p0 $0x6D60  }
0x7: {  	[tilespmem:$0x30] =	vst v0;
	s2 =	sadd.s32 s2, s3  }
0x8: {  	[tilespmem:$0x40] =	vst v0;
	s4 =	smin.u32 s2, $0x7A120  }
0x9: {  	[tilespmem:$0x50] =	vst v0;
	s2 =	ssub.s32 s4, s3  }
0xa: {  	s7 =	simm.s32 $0x2;
	[tilespmem:$0x60] =	vst v1;
	p0 =	sgt.s32 s2, $0x0  }
0xb: {  	s8 =	simm.s32 $0x8;
	s31 =	simm.s32 $0x9;
	[tilespmem:$0x70] =	vst v1;
	s2 =	simm.s32 @!p0 $0x0  }
0xc: {  	s16 =	simm.s32 $0x0;
	s17 =	simm.s32 $0xF0;
	[tilespmem:$0x80] =	vst v1;
	s5 =	smulhi.u32 $0x10624DD3, s2  }
0xd: {  	s18 =	simm.s32 $0xFFFFFFFF;
	s19 =	simm.s32 $0xFFFFE1C0;
	s20 =	simm.s32 $0xFFFFFFFE;
	v1 =	vimm.s32 $0x0;
	[tilespmem:$0xB0] =	vst v0  }
0xe: {  	s21 =	simm.s32 $0xF;
	s25 =	simm.s32 $0x0;
	[tilespmem:$0x90] =	vst v1;
	s10 =	sshrl.u32 s5, $0x8  }
0xf: {  	[tilespmem:$0xA0] =	vst v1;
	[sflag:s7] =	ssyncpa.u1 $0x0;
	s7 =	simm.s32 $0x7;
	s11 =	smul.u32 $0xFA0, s10  }
0x10: {  	s24 =	simm.s32 $0x0;
	s6 =	sadd.s32 $0xD0600, s0;
	[sflag:s7] =	ssyncpa.u1 $0x0  }
.Ltmp0:
0x11: {  	[sflag:s8] =	ssyncpa.u1 $0x0;
	p0 =	sne.s32 s2, s11;
	(pc) =	sbr.rel .LBB2_1-.Ltmp0, $4  }
0x12: {  	[sflag:s31] =	ssyncpa.u1 $0x0;
	s23 =	smov.u32 s3;
	s9 =	simm.s32 @!p0 $0x0  }
0x13: {  	s5 =	sadd.s32 $0x2A00, s0;
	p0 =	por $0x0, $0x0;
	s9 =	sadd.s32 s9, s10  }
0x14: {  	vm0 =	vmmov $0xffff;
	v2 =	vlaneseq.u32;
	s10 =	sshll.u32 s14, $0x1;
	s14 =	sshllo.u32 s14, $0x1;
	s11 =	sadd.s32 $0x1, s9  }
0x15: {  	vm1 =	vmxor vm1, vm1;
	vm2 =	vmmov $0x1;
	vm3 =	vcmask $0x3F3C;
	s12 =	sadd.s32 $0x2, s9;
	s13 =	sor.u32 $0x81, s10;
	s15 =	sor.u32 $0x80, s10  }
.LBB2_9:
0x16: {  	p1 =	slt.u32 s24, $0x3  }
0x17: {  	s0 =	simm.s32 @!p1 $0x2  }
0x18: {  	_ =	swait.ge @!p1 [sflag:s0], $0xFA0  }
0x19: {  	[sflag:s0] =	ssyncset.done @!p1 $0x0  }
0x1a: {  	[sflag:s0] =	ssyncadd.s32 @!p1 $0xFFFFF060;
	s0 =	simm.s32 @!p1 $0x9  }
0x1b: {  	_ =	swait.ge @!p1 [sflag:s0], $0x10  }
0x1c: {  	[sflag:s0] =	ssyncset.done @!p1 $0x0  }
0x1d: {  	[sflag:s0] =	ssyncadd.s32 @!p1 $0xFFFFFFF0;
	p1 =	sne.s32 s24, s12  }
.Ltmp1:
0x1e: {  	s2 =	sadd.s32 $0xFA0, s23;
	(pc) =	sbr.rel @!p1 .LBB2_10-.Ltmp1, $4  }
0x1f: {  	s22 =	smov.u32 s3;
	s31 =	sadd.s32 $0x1, s24;
	s17 =	sadd.s32 $0xFA0, s17  }
0x20: {  	s18 =	sadd.s32 $0x1, s18;
	s25 =	smov.u32 s23;
	p2 =	slt.s32 s2, s4  }
0x21: {  	p0 =	por !p0, !p0;
	s19 =	sadd.s32 $0xFA0, s19;
	s22 =	smov.u32 @p2 s2  }
0x22: {  	s20 =	sadd.s32 $0x1, s20;
	s23 =	smov.u32 s22;
	s24 =	smov.u32 s31  }
.LBB2_1:
0x23: {  	p1 =	sge.u32 s24, s9  }
0x24: {  	s0 =	smulhi.u32 @!p1 $0xAAAAAAAB, s24;
	_ =	sdelay $0x1  }
0x25: {  	s0 =	sshrl.u32 @!p1 s0, $0x1  }
0x26: {  	s0 =	smul.u32 @!p1 $0x3, s0;
	_ =	sdelay $0x1  }
0x27: {  	s0 =	ssub.s32 @!p1 s24, s0  }
0x28: {  	s0 =	smul.u32 @!p1 $0x3E80, s0;
	_ =	sdelay $0x1  }
0x29: {  	s2 =	sshrl.u32 @!p1 s23, $0x3;
	s0 =	sshrl.u32 @!p1 s0, $0x2  }
0x2a: {  	s22 =	sand.u32 @!p1 $0x7, s23;
	s2 =	sadd.s32 @!p1 s5, s2;
	s0 =	sadd.s32 @!p1 $0x100, s0  }
0x2b: {  	[tilespmem:s0], [sflag:$0x7] =	stream.linear.gather @!p1 [hbm4b:s2+s22], $0xFA0, $0x38;
	[tilespmem:$0x8DC0] =	vst v63  }
0x2c: {  	s0 =	sadd.s32 $0xFFFFFFFF, s24  }
0x2d: {  	p1 =	sge.u32 s0, s9  }
.Ltmp2:
0x2e: {  	_ = 	snop;
	(pc) =	sbr.rel @p1 .LBB2_5-.Ltmp2, $1  }
0x2f: {  	_ =	sdelay $0x3  }
0x30: {  	s2 =	smulhi.u32 $0xAAAAAAAB, s0;
	_ =	sdelay $0x1  }
0x31: {  	s2 =	sshrl.u32 s2, $0x1  }
0x32: {  	s2 =	smul.u32 $0x3, s2;
	_ =	sdelay $0x1  }
0x33: {  	s2 =	ssub.s32 s0, s2  }
0x34: {  	s2 =	smul.u32 $0x3E80, s2  }
0x35: {  	_ =	swait.ge [sflag:s7], $0xFA0  }
0x36: {  	[sflag:s7] =	ssyncset.done $0x0;
	s2 =	sshrl.u32 s2, $0x2  }
0x37: {  	[sflag:s7] =	ssyncadd.s32 $0xFFFFF060;
	(ifvalue) =	ssetifvalue $0xFFFFFFFF;
	v3 =	vld.msk [tilespmem:s2+$0x100 ss:$0x1], $0xffff;
	_ =	sdelay $0x2  }
0x38: {  	s30 =	smulhi.u32 $0xAAAAAAAB, s18;
	p1 =	sne.s32 s24, $0x1  }
0x39: {  	v4 =	vimm.s32 @!p1 $0x0  }
0x3a: {  	s2 =	sshrl.u32 s30, $0x1;
	v4 =	vperm.xlane @!p1 v3, v4  }
0x3b: {  	s22 =	sshll.u32 s24, $0x4;
	s2 =	smul.u32 $0xFFFF4480, s2;
	vm4 =	vlt.u32 v3, $0x100  }
0x3c: {  	s22 =	sand.u32 $0x10, s22;
	v3 =	vnsel vm4, $0xFFFFFFFE, v3;
	vm4 =	vlt.u32 @!p1 v4, $0x100  }
0x3d: {  	s2 =	sshra.s32 s2, $0x2;
	[tilespmem:s22+$0x60] =	vst v3;
	v3 =	vnsel @!p1 vm4, $0xFFFFFFFE, v4  }
0x3e: {  	s28 =	sadd.s32 s2, s17;
	[tilespmem:$0x80] =	vst @!p1 v3  }
0x3f: {  	v3 =	vld.msk [tilespmem:s28+$0x0 ss:$0x1], $0xffff;
	_ =	sdelay $0x4  }
0x40: {  	(xrf1) =	vunique.msk.u32 $0xffff, v3;
	_ =	sdelay $0xd  }
0x41: {  	v4 =	vimm.s32 $0xFFFFFFFF;
	v5, _, _ =	vpop (xrf1)  }
0x42: {  	vm5 =	vne.s32 v3, v4;
	vm4 =	veq.s32 v5, v2  }
0x43: {  	vm6 =	vlt.u32 v3, $0x100;
	vm4 =	vmand vm5, vm4  }
0x44: {  	vm4 =	vmand vm6, vm4  }
0x45: {  	v4 =	vnsel vm4, $0xFFFFFFFF, v3  }
0x46: {  	s31 =	sand.u32 $0x1, s0  }
0x47: {  	s0 =	simm.s32 $0xFA0;
	p1 =	seq.s32 s31, $0x1  }
0x48: {  	s0 =	simm.s32 @!p1 $0x0  }
0x49: {  	s26 =	sadd.s32 $0x3F70, s0;
	(ifvalue) =	ssetifvalue $0xFFFFFFFF  }
0x4a: {  	v3 =	vperm.xlane v3, v1;
	[tilespmem:s26], [sflag:$0x8] =	stream.indirect_vreg.gather [hbm4b:s1+s16], $0x1, v4, vm0, $0x4038;
	v4 =	vnsel vm6, $0xFFFFFFFE, v4;
	[tilespmem:$0x8DC0] =	vst v63  }
0x4b: {  	s2 =	simm.s32 $0x0;
	s22 =	sadd.s32 $0xFFFFFFF0, s28;
	[tilespmem:s28+$0x0] =	vst v4  }
.LBB2_3:
0x4c: {  	v4 =	vld.msk [tilespmem:s22+$0x0 ss:$0x1], $0xffff;
	s2 =	sadd.s32 $0x10, s2;
	v5 =	vmov v3;
	s28 =	smov.u32 s22  }
0x4d: {  	p1 =	slt.u32 s2, $0xF90;
	_ =	sdelay $0x4  }
0x4e: {  	v3 =	vperm.xlane v4, v1;
	(xrf1) =	vunique.msk.u32 $0xffff, v4;
	_ =	sdelay $0xd  }
0x4f: {  	v6, _, _ =	vpop (xrf1)  }
0x50: {  	vm5 =	vne.s32 v4, v5;
	vm4 =	veq.s32 v6, v2  }
0x51: {  	vm6 =	vlt.u32 v4, $0x100;
	vm4 =	vmand vm5, vm4  }
0x52: {  	vm4 =	vmand vm6, vm4  }
0x53: {  	v4 =	vnsel vm4, $0xFFFFFFFF, v4  }
.Ltmp3:
0x54: {  	v5 =	vnsel vm6, $0xFFFFFFFE, v4;
	(pc) =	sbr.rel @p1 .LBB2_3-.Ltmp3, $3  }
0x55: {  	_ =	sdelay $0x1  }
0x56: {  	s22 =	sadd.s32 $0xFFFFFFF0, s22;
	s26 =	sadd.s32 $0xFFFFFFF0, s26;
	(ifvalue) =	ssetifvalue $0xFFFFFFFF  }
0x57: {  	[tilespmem:s26], [sflag:$0x8] =	stream.indirect_vreg.gather [hbm4b:s1+s16], $0x1, v4, vm0, $0x4038;
	[tilespmem:s28+$0x0] =	vst v5  }
0x58: {  	s2 =	sshrl.u32 s25, $0x3  }
0x59: {  	s0 =	sadd.s32 $0x4F20, s0;
	s2 =	sadd.s32 s6, s2  }
0x5a: {  	[tilespmem:s0], [sflag:$0x8] =	stream.linear.gather [hbm:s2], $0xFA0, $0x38;
	[tilespmem:$0x8DC0] =	vst v63  }
.LBB2_5:
0x5b: {  	p1 =	slt.u32 s24, $0x2  }
0x5c: {  	p2 =	sge.u32 @!p1 s24, s12  }
0x5d: {  	p1 =	por p1, p2  }
.Ltmp4:
0x5e: {  	_ = 	snop;
	(pc) =	sbr.rel @p1 .LBB2_9-.Ltmp4, $1  }
0x5f: {  	_ =	sdelay $0x3  }
0x60: {  	s0 =	sadd.s32 $0xFFFFFFFE, s24  }
0x61: {  	s2 =	smulhi.u32 $0xAAAAAAAB, s0;
	_ =	sdelay $0x1  }
0x62: {  	s2 =	sshrl.u32 s2, $0x1  }
0x63: {  	s2 =	smul.u32 $0x3, s2;
	_ =	sdelay $0x1  }
0x64: {  	s0 =	ssub.s32 s0, s2  }
0x65: {  	_ =	swait.ge [sflag:s8], $0x1F40;
	s0 =	smul.u32 $0xFA0, s0  }
0x66: {  	p1 =	sne.s32 s24, s11;
	[sflag:s8] =	ssyncset.done $0x0  }
0x67: {  	[sflag:s8] =	ssyncadd.s32 $0xFFFFE0C0;
	s2 =	sadd.s32 @!p1 $0x109F, s0  }
0x68: {  	[spmem:s13] =	stream.linear.scatter @!p1 [tilespmem:s2], [sflag:$0x1], $0x1, $0x38;
	[tilespmem:$0x8DC0] =	vst v63  }
0x69: {  	s2 =	simm.s32 @!p1 $0x1  }
0x6a: {  	_ =	swait.ge @!p1 [sflag:s2], $0x1  }
0x6b: {  	s22 =	sshll.u32 s24, $0x4;
	[sflag:s2] =	ssyncset.done @!p1 $0x0  }
0x6c: {  	s25 =	sand.u32 $0x10, s22;
	[sflag:s2] =	ssyncadd.s32 @!p1 $0xFFFFFFFF  }
0x6d: {  	s2 =	sxor.u32 $0x10, s25;
	v4 =	vld [tilespmem:s25+$0x10]  }
0x6e: {  	v5 =	vld [tilespmem:s2+$0x60]  }
0x6f: {  	v3 =	vld [tilespmem:$0x80];
	_ =	sdelay $0x2  }
0x70: {  	(v2sf) =	vpush v4, $0x0  }
0x71: {  	(v2sf) =	vpush v5, $0x0  }
0x72: {  	(v2sf) =	vpush v3, $0x0;
	_ =	sdelay $0xc  }
0x73: {  	s22 =	spop (v2sf)  }
0x74: {  	s26 =	spop (v2sf)  }
0x75: {  	s28 =	spop (v2sf)  }
0x76: {  	p2 =	seq.s32 s22, s26;
	p3 =	seq.s32 s28, s22  }
0x77: {  	p3 =	por p2, p3  }
0x78: {  	s26 =	sand.u32 $0x1, s24;
	v4 =	vpsel p3, $0xFFFFFFFF, v4  }
0x79: {  	s29 =	smul.u32 $0xFA0, s26;
	[tilespmem:s25+$0x10] =	vst.msk $0x1, v4  }
0x7a: {  	v4 =	vld [tilespmem:$0x30]  }
0x7b: {  	v5 =	vld [tilespmem:s29+$0x4F20]  }
0x7c: {  	v6 =	vld [tilespmem:s25+$0x40];
	_ =	sdelay $0x3  }
0x7d: {  	vm4 =	vmmov vm1;
	v5 =	vadd.f32 v5, v4  }
0x7e: {  	vm5 =	vmmov vm2;
	vm4 =	vmmov @p2 vm2;
	s22 =	sshll.u32 s26, $0x4;
	v4 =	vadd.f32 v6, v4  }
0x7f: {  	s26 =	sor.u32 $0x8DA0, s22;
	vm5 =	vmmov @p3 vm1;
	[tilespmem:s29+$0x4F20] =	vst.msk vm4, v5  }
0x80: {  	[tilespmem:s26+$0x0] =	vst.msk vm5, v4  }
0x81: {  	v4 =	vld [tilespmem:s29+$0x3F70];
	_ =	sdelay $0x3  }
0x82: {  	v5 =	vimm.f32 $0.0e+00  }
0x83: {  	v4 =	vshift.insert v4, v5, s21  }
0x84: {  	s22 =	sor.u32 $0x40, s2  }
0x85: {  	[tilespmem:s22+$0x0] =	vst.msk $0x1, v4  }
0x86: {  	[tilespmem:s29+$0x3F7F] =	vst.msk $0x1, v5  }
0x87: {  	v4 =	vld [tilespmem:s0+$0x1090];
	_ =	sdelay $0x1  }
0x88: {  	s22 =	smulhi.u32 $0xAAAAAAAB, s20;
	s0 =	simm.s32 $0x1  }
0x89: {  	s0 =	simm.s32 @!p0 $0x0  }
0x8a: {  	s22 =	sshrl.u32 s22, $0x1;
	s0 =	smul.u32 $0x3E80, s0  }
0x8b: {  	s22 =	smul.u32 $0xFFFF4480, s22;
	v4 =	vshift.insert v4, v1, s21  }
0x8c: {  	s0 =	sshrl.u32 s0, $0x2  }
0x8d: {  	s22 =	sshra.s32 s22, $0x2;
	s30 =	sadd.s32 $0x4F20, s0;
	[tilespmem:s2+$0x10] =	vst.msk $0x1, v4  }
0x8e: {  	s22 =	sadd.s32 s22, s19;
	v6 =	vld [tilespmem:s30+$0x0]  }
0x8f: {  	v7 =	vld [tilespmem:s22+$0x0];
	_ =	sdelay $0x3  }
0x90: {  	v5 =	vadd.f32 v6, v5  }
0x91: {  	vm4 =	vne.s32 v7, $0xFFFFFFFF  }
0x92: {  	(xrf2) =	vadd.seg.scan.f32 vm4, v5;
	_ =	sdelay $0x3  }
0x93: {  	s31 =	sadd.s32 $0x2FE0, s0;
	v5 =	vperm.xlane v4, v1  }
0x94: {  	v6 =	vld [tilespmem:s31+$0x0]  }
0x95: {  	vm5 =	veq.s32 v7, v3;
	vm6 =	veq.s32 v7, v5  }
0x96: {  	vm7 =	vgt.u32 v7, $0xFFFFFFFD;
	vm6 =	vmor vm6, vm5  }
0x97: {  	vm6 =	vmor vm6, vm7  }
0x98: {  	v9 =	vld [tilespmem:$0xA0];
	v7 =	vsel vm6, $0xFFFFFFFF, v7  }
0x99: {  	v10 =	vld [tilespmem:$0x90];
	v6 =	vsel vm5, $0x0, v6;
	v8, _, _ =	vpop (xrf2)  }
0x9a: {  	v6 =	vadd.f32 v8, v6  }
0x9b: {  	s0 =	sadd.s32 $0x6E60, s0  }
0x9c: {  	vm4 =	vmand vm4, vm3;
	[tilespmem:s0+$0x0] =	vst v6;
	(ifvalue) =	ssetifvalue $0xFFFFFFFF  }
0x9d: {  	vm6 =	veq.s32 v9, $0x1;
	[hbm4b:s1+s16] =	stream.indirect_vreg.scatter [tilespmem:s0], [sflag:$0x2], $0x1, v7, vm0, $0x4038;
	v7 =	vsel vm4, $0x0, v8;
	[tilespmem:$0x8DC0] =	vst v63  }
0x9e: {  	s2 =	simm.s32 $0x0;
	s22 =	sadd.s32 $0x10, s22;
	vm4 =	vmor vm6, vm5;
	v6 =	vsel vm5, v8, v10;
	v7 =	vshift.insert v7, v0, s21  }
.LBB2_7:
0x9f: {  	v8 =	vld [tilespmem:s22+$0x0];
	s30 =	sadd.s32 $0x10, s30  }
0xa0: {  	s31 =	sadd.s32 $0x10, s31;
	v9 =	vld [tilespmem:s30+$0x0]  }
0xa1: {  	s2 =	sadd.s32 $0x10, s2;
	v10 =	vld [tilespmem:s31+$0x0]  }
0xa2: {  	p2 =	slt.u32 s2, $0xF90;
	_ =	sdelay $0x2  }
0xa3: {  	v7 =	vadd.f32 v9, v7  }
0xa4: {  	vm5 =	vne.s32 v8, $0xFFFFFFFF  }
0xa5: {  	vm6 =	vmand vm5, vm3;
	(xrf2) =	vadd.seg.scan.f32 vm5, v7;
	_ =	sdelay $0x5  }
0xa6: {  	vm7 =	veq.s32 v8, v5;
	vm5 =	veq.s32 v8, v3  }
0xa7: {  	vm8 =	vgt.u32 v8, $0xFFFFFFFD;
	vm4 =	vmor vm4, vm5;
	vm7 =	vmor vm7, vm5  }
0xa8: {  	vm7 =	vmor vm7, vm8  }
0xa9: {  	v8 =	vsel vm7, $0xFFFFFFFF, v8  }
.Ltmp5:
0xaa: {  	v7 =	vsel vm5, $0x0, v10;
	v9, _, _ =	vpop (xrf2);
	(pc) =	sbr.rel @p2 .LBB2_7-.Ltmp5, $4  }
0xab: {  	v6 =	vsel vm5, v9, v6;
	v10 =	vadd.f32 v9, v7;
	v7 =	vsel vm6, $0x0, v9  }
0xac: {  	s0 =	sadd.s32 $0x10, s0;
	v7 =	vshift.insert v7, v0, s21  }
0xad: {  	s22 =	sadd.s32 $0x10, s22;
	[tilespmem:s0+$0x0] =	vst v10;
	(ifvalue) =	ssetifvalue $0xFFFFFFFF  }
0xae: {  	[hbm4b:s1+s16] =	stream.indirect_vreg.scatter [tilespmem:s0], [sflag:$0x2], $0x1, v8, vm0, $0x4038;
	[tilespmem:$0x8DC0] =	vst v63  }
0xaf: {  	v3 =	vld [tilespmem:s29+$0x7DF0];
	_ =	sdelay $0x4  }
0xb0: {  	v3 =	vshift.insert v3, v0, s21  }
0xb1: {  	s0 =	simm.s32 $0x30  }
0xb2: {  	[tilespmem:s0+$0x0] =	vst.msk $0x1, v3  }
0xb3: {  	v3 =	vsel vm4, $0x1, v1;
	[tilespmem:$0x90] =	vst v6  }
0xb4: {  	s0 =	sadd.s32 @!p1 $0x7DFF, s29;
	[tilespmem:$0xA0] =	vst v3  }
0xb5: {  	[spmem:s14] =	stream.linear.scatter @!p1 [tilespmem:s0], [sflag:$0x1], $0x1, $0x38;
	[tilespmem:$0x8DC0] =	vst v63  }
0xb6: {  	s0 =	simm.s32 @!p1 $0x1  }
0xb7: {  	v3 =	vmctz.xlane @!p1 vm4;
	_ =	swait.ge @!p1 [sflag:s0], $0x1  }
0xb8: {  	(v2sf) =	vpush @!p1 v4, $0x0  }
0xb9: {  	(v2sf) =	vpush @!p1 v3, $0x0;
	_ =	sdelay $0xd  }
0xba: {  	s2 =	spop @!p1 (v2sf)  }
0xbb: {  	s22 =	spop @!p1 (v2sf)  }
0xbc: {  	p2 =	sne.s32 @!p1 s28, s2;
	p3 =	slt.s32 @!p1 s22, $0xF  }
0xbd: {  	[sflag:s0] =	ssyncset.done @!p1 $0x0;
	p2 =	por p2, p1;
	p3 =	por !p3, p1  }
0xbe: {  	[sflag:s0] =	ssyncadd.s32 @!p1 $0xFFFFFFFF;
	v3 =	vimm.s32 @!p2 $0xFFFFFFFF;
	s22 =	simm.s32 @p3 $0xF  }
0xbf: {  	[tilespmem:$0x80] =	vst @!p2 v3;
	s2 =	sadd.s32 @!p1 $0x90, s22  }
0xc0: {  	[spmem:s10] =	stream.linear.scatter @!p1 [tilespmem:s2], [sflag:$0x1], $0x1, $0x38;
	[tilespmem:$0x8DC0] =	vst v63  }
0xc1: {  	_ =	swait.ge @!p1 [sflag:s0], $0x1  }
0xc2: {  	[sflag:s0] =	ssyncset.done @!p1 $0x0  }
0xc3: {  	s2 =	simm.s32 @!p1 $0x80;
	[sflag:s0] =	ssyncadd.s32 @!p1 $0xFFFFFFFF  }
0xc4: {  	[spmem:s15] =	stream.linear.scatter @!p1 [tilespmem:s2], [sflag:$0x1], $0x1, $0x38;
	[tilespmem:$0x8DC0] =	vst v63  }
0xc5: {  	_ =	swait.ge @!p1 [sflag:s0], $0x1  }
0xc6: {  	[sflag:s0] =	ssyncset.done @!p1 $0x0  }
0xc7: {  	[sflag:s0] =	ssyncadd.s32 @!p1 $0xFFFFFFFF;
	(ifvalue) =	ssetifvalue $0xFFFFFFFF;
	v3 =	vld [tilespmem:s25+$0x10];
	_ =	sdelay $0x3  }
.Ltmp6:
0xc8: {  	_ = 	snop;
	(pc) =	sbr.rel .LBB2_9-.Ltmp6, $3  }
0xc9: {  	_ =	sdelay $0x1  }
0xca: {  	(ifvalue) =	ssetifvalue $0xFFFFFFFF  }
0xcb: {  	[hbm4b:s1+s16] =	stream.indirect_vreg.scatter [tilespmem:s26], [sflag:$0x9], $0x1, v3, vm0, $0x4038;
	[tilespmem:$0x8DC0] =	vst v63  }
.LBB2_10:
0xcc: {  	_ =	sfence.sel $0x180000  }
0xcd: {  	s0 =	simm.s32 $0x7;
	[bflag:$0x0] =	sbarrier.arrive $0xFFFF  }
0xce: {  	s26 =	simm.s32 $0x8;
	[sflag:s0] =	ssyncpa.u1 $0x1  }
0xcf: {  	s28 =	simm.s32 $0x9;
	[sflag:s26] =	ssyncpa.u1 $0x1  }
0xd0: {  	[sflag:s28] =	ssyncpa.u1 $0x1  }
0xd1: {  	_ =	sfence.stream.spmem  }
0xd2: {  	s29 =	simm.s32 $0x3;
	[bflag:$0x0] =	sbarrier.arrive $0xFFFF  }
0xd3: {  	s30 =	simm.s32 $0x4;
	[sflag:s29] =	ssyncpa.u1 $0x1  }
0xd4: {  	s31 =	simm.s32 $0x3C;
	s2 =	stileid.u32;
	[sflag:s30] =	ssyncpa.u1 $0x1  }
0xd5: {  	p0 =	sne.s32 s2, $0x0;
	[sflag:s31] =	ssyncpa.u1 $0x1  }
0xd6: {  	s0 =	simm.s32 @p0 $0x1;
	_ =	sfence @p0  }
0xd7: {  	[sflag:s0] =	ssyncpa.u1 @p0 $0x1;
	s0 =	simm.s32 @p0 $0x2  }
0xd8: {  	[sflag:s0] =	ssyncpa.u1 @p0 $0x1  }
0xd9: {  	_ =	strace @p0 $0x90000050  }
0xda: {  	[bflag:$0x2] =	sbarrier.arrive @p0 $0xFFFF  }
0xdb: {  	_ =	shalt @p0  }
.LBB2_11:
0xdc: {  	_ =	sfence.stream.spmem;
	s0 =	simm.s32 $0x5  }
0xdd: {  	s2 =	simm.s32 $0x80;
	s3 =	simm.s32 $0xC0;
	[sflag:s0] =	ssyncpa.u1 $0x0  }
0xde: {  	[tilespmem:s3], [sflag:$0x5] =	stream.linear.gather [spmem:s2], $0x20, $0x38;
	[tilespmem:$0x8DC0] =	vst v63  }
0xdf: {  	s2 =	simm.s32 $0x0;
	s3 =	simm.s32 $0xE0  }
0xe0: {  	[tilespmem:s3], [sflag:$0x5] =	stream.linear.gather [spmem:s2], $0x20, $0x38;
	[tilespmem:$0x8DC0] =	vst v63  }
.Ltmp7:
0xe1: {  	_ = 	snop;
	(pc) =	sbr.rel .LBB2_12-.Ltmp7, $4  }
0xe2: {  	_ =	swait.ge [sflag:s0], $0x40  }
0xe3: {  	[sflag:s0] =	ssyncset.done $0x0  }
0xe4: {  	s31 =	simm.s32 $0x6;
	[sflag:s0] =	ssyncadd.s32 $0xFFFFFFC0  }
0xe5: {  	s4 =	simm.s32 $0x0;
	[sflag:s31] =	ssyncpa.u1 $0x0  }
.LBB2_17:
0xe6: {  	p0 =	sgt.u32 s5, $0xFF  }
0xe7: {  	s0 =	sshrl.u32 @!p0 s5, $0x3  }
0xe8: {  	s5 =	sand.u32 @!p0 $0x7, s5;
	s6 =	simm.s32 @!p0 $0xB0;
	s0 =	sadd.s32 @!p0 s1, s0  }
0xe9: {  	[tilespmem:s6], [sflag:$0x6] =	stream.linear.gather @!p0 [hbm4b:s0+s5], $0x1, $0x38;
	[tilespmem:$0x8DC0] =	vst v63  }
0xea: {  	s0 =	simm.s32 @!p0 $0x6  }
0xeb: {  	_ =	swait.ge @!p0 [sflag:s0], $0x1  }
0xec: {  	[sflag:s0] =	ssyncset.done @!p0 $0x0  }
0xed: {  	[sflag:s0] =	ssyncadd.s32 @!p0 $0xFFFFFFFF  }
0xee: {  	v2 =	vmov @!p0 s4;
	v1 =	vld.msk @!p0 [tilespmem:$0xB0], $0x1;
	_ =	sdelay $0x3  }
0xef: {  	s0 =	simm.s32 @!p0 $0xE0  }
0xf0: {  	[tilespmem:v2+s0+$0x0], v1 =	vst.idx.ret.add.f32.msk @!p0 $0x1, v1  }
0xf1: {  	[tilespmem:s2+$0xC0] =	vst.msk $0x1, v0  }
0xf2: {  	v0 =	vld.msk [tilespmem:s4+$0xE0], $0x1;
	_ =	sdelay $0x4  }
0xf3: {  	[tilespmem:s2+$0xE0] =	vst.msk $0x1, v0;
	s2 =	sadd.s32 $0x1, s2  }
.LBB2_19:
0xf4: {  	s4 =	sadd.s32 $0x1, s4  }
0xf5: {  	p0 =	sne.s32 s4, $0x20  }
.Ltmp8:
0xf6: {  	_ = 	snop;
	(pc) =	sbr.rel @!p0 .LBB2_20-.Ltmp8, $1  }
0xf7: {  	_ =	sdelay $0x3  }
.LBB2_12:
0xf8: {  	v0 =	vld.msk [tilespmem:s4+$0xC0], $0x1;
	_ =	sdelay $0x4  }
0xf9: {  	(v2sf) =	vpush v0, $0x0;
	_ =	sdelay $0xe  }
0xfa: {  	s5 =	spop (v2sf)  }
0xfb: {  	p0 =	seq.s32 s5, $0xFFFFFFFF  }
.Ltmp9:
0xfc: {  	_ = 	snop;
	(pc) =	sbr.rel @p0 .LBB2_19-.Ltmp9, $1  }
0xfd: {  	_ =	sdelay $0x3  }
0xfe: {  	p0 =	slt.s32 s2, $0x1  }
.Ltmp10:
0xff: {  	_ = 	snop;
	(pc) =	sbr.rel @p0 .LBB2_17-.Ltmp10, $1  }
0x100: {  	_ =	sdelay $0x3  }
0x101: {  	s0 =	simm.s32 $0xC0;
	p0 =	por $0x0, $0x0  }
0x102: {  	v1 =	vld.msk @!p0 [tilespmem:s0+$0x0], $0x1;
	_ =	sdelay $0x4  }
0x103: {  	(v2sf) =	vpush @!p0 v1, $0x0;
	_ =	sdelay $0xd  }
0x104: {  	p2 =	sne.s32 s2, $0x1  }
.Ltmp11:
0x105: {  	s6 =	spop @!p0 (v2sf);
	(pc) =	sbr.rel @!p2 .LBB2_16-.Ltmp11, $4  }
0x106: {  	p1 =	seq.s32 @!p0 s5, s6  }
0x107: {  	s6 =	simm.s32 $0x0;
	p1 =	por !p1, p0  }
0x108: {  	s8 =	simm.s32 $0xFFFFFFFF;
	s6 =	simm.s32 @p1 $0xFFFFFFFF  }
0x109: {  	s7 =	simm.s32 $0x1;
	s6 =	smov.u32 @p0 s8  }
.LBB2_15:
0x10a: {  	s8 =	smov.u32 s6;
	p0 =	sne.s32 s6, $0xFFFFFFFF  }
0x10b: {  	s0 =	sadd.s32 $0x1, s0;
	s6 =	smov.u32 s7;
	s7 =	sadd.s32 $0x1, s7  }
0x10c: {  	p1 =	sne.s32 s2, s7;
	v1 =	vld.msk @!p0 [tilespmem:s0+$0x0], $0x1;
	_ =	sdelay $0x4  }
0x10d: {  	(v2sf) =	vpush @!p0 v1, $0x0;
	_ =	sdelay $0xe  }
.Ltmp12:
0x10e: {  	s9 =	spop @!p0 (v2sf);
	(pc) =	sbr.rel @p1 .LBB2_15-.Ltmp12, $4  }
0x10f: {  	p2 =	seq.s32 @!p0 s5, s9  }
0x110: {  	p2 =	por !p2, p0  }
0x111: {  	s6 =	simm.s32 @p2 $0xFFFFFFFF  }
0x112: {  	s6 =	smov.u32 @p0 s8  }
.LBB2_16:
0x113: {  	p0 =	sne.s32 s6, $0xFFFFFFFF  }
.Ltmp13:
0x114: {  	_ = 	snop;
	(pc) =	sbr.rel @!p0 .LBB2_17-.Ltmp13, $1  }
0x115: {  	_ =	sdelay $0x3  }
0x116: {  	v0 =	vld.msk [tilespmem:s4+$0xE0], $0x1;
	v1 =	vmov s6  }
.Ltmp14:
0x117: {  	_ = 	snop;
	(pc) =	sbr.rel .LBB2_19-.Ltmp14, $2  }
0x118: {  	_ =	sdelay $0x2  }
0x119: {  	[tilespmem:v1+s3+$0x0], v0 =	vst.idx.ret.add.f32.msk $0x1, v0  }
.LBB2_20:
0x11a: {  	p0 =	slt.s32 s2, $0x1  }
.Ltmp15:
0x11b: {  	_ = 	snop;
	(pc) =	sbr.rel @p0 .LBB2_24-.Ltmp15, $3  }
0x11c: {  	_ =	sdelay $0x1  }
0x11d: {  	s0 =	simm.s32 $0x6  }
0x11e: {  	s3 =	simm.s32 $0x0;
	[sflag:s0] =	ssyncpa.u1 $0x1  }
0x11f: {  	s0 =	simm.s32 $0xC0  }
0x120: {  	v0 =	vld.msk [tilespmem:s0+$0x0], $0x1;
	_ =	sdelay $0x4  }
0x121: {  	(v2sf) =	vpush v0, $0x0;
	_ =	sdelay $0xe  }
0x122: {  	s2 =	sadd.s32 $0xFFFFFFFF, s2;
	s4 =	spop (v2sf)  }
0x123: {  	p1 =	sne.s32 s2, $0x0;
	p0 =	sgt.u32 s4, $0xFF  }
.Ltmp16:
0x124: {  	s5 =	sshrl.u32 @!p0 s4, $0x3;
	(pc) =	sbr.rel @!p1 .LBB2_23-.Ltmp16, $4  }
0x125: {  	s0 =	simm.s32 $0xE0;
	s4 =	sand.u32 @!p0 $0x7, s4;
	s5 =	sadd.s32 @!p0 s1, s5  }
0x126: {  	[hbm4b:s5+s4] =	stream.linear.scatter @!p0 [tilespmem:s0], [sflag:$0x5], $0x1, $0x38;
	[tilespmem:$0x8DC0] =	vst v63  }
0x127: {  	s5 =	simm.s32 $0x0  }
0x128: {  	s4 =	simm.s32 $0xC1;
	s5 =	simm.s32 @!p0 $0x4  }
.LBB2_22:
0x129: {  	v0 =	vld.msk [tilespmem:s4+$0x0], $0x1;
	s2 =	sadd.s32 $0xFFFFFFFF, s2;
	s3 =	sadd.s32 s3, s5  }
0x12a: {  	p0 =	sne.s32 s2, $0x0;
	_ =	sdelay $0x3  }
0x12b: {  	(v2sf) =	vpush v0, $0x0;
	_ =	sdelay $0xe  }
.Ltmp17:
0x12c: {  	s6 =	spop (v2sf);
	(pc) =	sbr.rel @p0 .LBB2_22-.Ltmp17, $4  }
0x12d: {  	s5 =	simm.s32 $0x0;
	p1 =	sgt.u32 s6, $0xFF  }
0x12e: {  	s0 =	sadd.s32 $0x1, s0;
	s5 =	simm.s32 @!p1 $0x4;
	s7 =	sshrl.u32 @!p1 s6, $0x3  }
0x12f: {  	s4 =	sadd.s32 $0x1, s4;
	s6 =	sand.u32 @!p1 $0x7, s6;
	s7 =	sadd.s32 @!p1 s1, s7  }
0x130: {  	[hbm4b:s7+s6] =	stream.linear.scatter @!p1 [tilespmem:s0], [sflag:$0x5], $0x1, $0x38;
	[tilespmem:$0x8DC0] =	vst v63  }
.LBB2_23:
0x131: {  	s0 =	sadd.s32 s3, s5  }
0x132: {  	s3 =	sshrl.u32 s0, $0x2  }
.LBB2_24:
0x133: {  	s0 =	simm.s32 $0x5  }
0x134: {  	_ =	swait.ge [sflag:s0], s3  }
0x135: {  	s1 =	ssub.s32 $0x0, s3;
	[sflag:s0] =	ssyncset.done $0x0  }
0x136: {  	[sflag:s0] =	ssyncadd.s32 s1  }
0x137: {  	[sflag:s0] =	ssyncpa.u1 $0x1  }
0x138: {  	s29 =	simm.s32 $0x1;
	_ =	sfence  }
0x139: {  	s30 =	simm.s32 $0x2;
	[sflag:s29] =	ssyncpa.u1 $0x1  }
0x13a: {  	[sflag:s30] =	ssyncpa.u1 $0x1  }
0x13b: {  	_ =	strace $0x90000050  }
0x13c: {  	[bflag:$0x2] =	sbarrier.arrive $0xFFFF  }
0x13d: {  	s31 =	rddreg [dreg:$0x2]  }
0x13e: {  	s0 =	sadd.s32 $0x100000, s31  }
0x13f: {  	[sflag:s0] =	ssyncadd.tile.s32 $0x1;
	_ =	shalt  }
.Lfunc_end2:
_tile_overlayer_lowered:
.L_overlay_start_2:
0x140: {  	(tag) =	ssettag $0x2  }
0x141: {  	s0 =	rddreg [dreg:$0x0];
	s2 =	stileid.u32  }
0x142: {  	s1 =	rddreg [dreg:$0x1];
	p0 =	sne.s32 s2, $0x0  }
0x143: {  	s3 =	rddreg [dreg:$0x2];
	[bflag:$0x3] =	sbarrier.arrive $0xFFFF;
	s2 =	simm.s32 @!p0 $0x1C01  }
0x144: {  	[timem:s3], [sflag:s2] =	dma.local @!p0 [hbm:s0], s1  }
0x145: {  	s0 =	simm.s32 @!p0 $0x1  }
0x146: {  	_ =	swait.ge @!p0 [sflag:s0], s1  }
0x147: {  	s1 =	ssub.s32 @!p0 $0x0, s1;
	[sflag:s0] =	ssyncset.done @!p0 $0x0  }
0x148: {  	[sflag:s0] =	ssyncadd.s32 @!p0 s1  }
0x149: {  	[bflag:$0x3] =	sbarrier.arrive $0xFFFF  }
0x14a: {  	_ =	shalt  }

</sc_bundles>
